<compile_context>
chip_gen: v7x
topology: tpu7x:2x2x1
jax: 0.10.2.dev20260603
libtpu: 0.0.44.dev20260713+nightly
codegen_flags: <defaults>
</compile_context>

<pallas_src>
import jax
import jax.numpy as jnp
from jax import lax
from jax.experimental import pallas as pl
from jax.experimental.pallas import tpu as pltpu
from jax.experimental.pallas import tpu_sc as plsc

N_CLS = 100000
N_CO_CLS = 20
N_CO_GRAPH = 9
CTX_DIM = 512
B = 1024
NC, NS = 2, 16
NW = NC * NS
BPW = B // NW
CHUNK = 8
NCH = BPW // CHUNK
ALLR = 2


def _sc_body(ci_hbm, gi_hbm, hi_hbm, sgl_hbm, all_hbm, cls_hbm, gph_hbm,
             out_hbm, all_sh, clstab_sh, ci_v, gi_v, hi_v, gphtab_v, sgl_v,
             sem_g, sem_o, sem_a):
    sid = lax.axis_index("s")
    wid = sid * NC + lax.axis_index("c")
    base = wid * BPW

    @pl.when(sid == 0)
    def _stage_shared():
        for e in range(ALLR):
            pltpu.sync_copy(all_hbm.at[0], all_sh.at[e])
        pltpu.sync_copy(cls_hbm, clstab_sh)
    pltpu.sync_copy(gph_hbm, gphtab_v)
    pltpu.sync_copy(ci_hbm.at[pl.ds(base, BPW)], ci_v)
    pltpu.sync_copy(gi_hbm.at[pl.ds(base, BPW)], gi_v)
    pltpu.sync_copy(hi_hbm.at[pl.ds(base, BPW)], hi_v)
    plsc.subcore_barrier()

    lanes = lax.iota(jnp.int32, 16)

    def scalar_at(vref, k):
        vec = vref[pl.ds((k // 16) * 16, 16)]
        return jnp.sum(jnp.where(lanes == (k % 16), vec, 0))

    for j in range(NCH):
        sl = pl.ds(j * CHUNK, CHUNK)
        r0 = base + j * CHUNK
        g1 = pltpu.async_copy(sgl_hbm.at[ci_v.at[sl]], sgl_v, sem_g)
        outs = [pltpu.async_copy(
            all_sh, out_hbm.at[pl.ds(r0 + k * ALLR, ALLR), pl.ds(0, 16), :],
            sem_a) for k in range(CHUNK // ALLR)]
        for e in range(CHUNK):
            c = scalar_at(gi_v, j * CHUNK + e)
            outs.append(pltpu.async_copy(
                clstab_sh.at[c],
                out_hbm.at[r0 + e, pl.ds(16, 8), :], sem_o))
            g = scalar_at(hi_v, j * CHUNK + e)
            outs.append(pltpu.async_copy(
                gphtab_v.at[g],
                out_hbm.at[r0 + e, pl.ds(24, 4), :], sem_a))
        g1.wait()
        outs.append(pltpu.async_copy(
            sgl_v, out_hbm.at[pl.ds(r0, CHUNK), pl.ds(28, 4), :], sem_o))
        for d in outs:
            d.wait()


def kernel(cls_idx, cls_group_idx, graph_group_idx, ctx_single, ctx_all,
           ctx_cls, ctx_graph):
    mesh = plsc.VectorSubcoreMesh(core_axis_name="c", subcore_axis_name="s",
                                  num_cores=NC, num_subcores=NS)
    run = pl.kernel(
        _sc_body,
        out_type=jax.ShapeDtypeStruct((B, 32, CTX_DIM), jnp.float32),
        mesh=mesh,
        compiler_params=pltpu.CompilerParams(use_tc_tiling_on_sc=True,
                                             needs_layout_passes=False),
        scratch_types=[
            pltpu.VMEM_SHARED((ALLR, 16, CTX_DIM), jnp.float32),
            pltpu.VMEM_SHARED((N_CO_CLS, 8, CTX_DIM), jnp.float32),
            pltpu.VMEM((BPW,), jnp.int32),
            pltpu.VMEM((BPW,), jnp.int32),
            pltpu.VMEM((BPW,), jnp.int32),
            pltpu.VMEM((N_CO_GRAPH, 4, CTX_DIM), jnp.float32),
            pltpu.VMEM((CHUNK, 4, CTX_DIM), jnp.float32),
            pltpu.SemaphoreType.DMA,
            pltpu.SemaphoreType.DMA,
            pltpu.SemaphoreType.DMA,
        ],
    )
    return run(cls_idx, cls_group_idx, graph_group_idx, ctx_single, ctx_all,
               ctx_cls, ctx_graph)

# --- scband reference (transcript-rebuilt; emitter-appended) ---
"""Pipeline reference for scband-prompt-learner-38603166057193 (READ-ONLY COPY).

The authoritative reference and input builder live on the scoring server;
editing this copy changes nothing except your own understanding.
"""

import jax, jax.numpy as jnp
import numpy as np

N_CLS = 100000
N_CO_CLS = 20
N_CO_GRAPH = 9
CTX_DIM = 512
N_CTX_SINGLE = 4
N_CTX_ALL = 16
N_CTX_CLS = 8
N_CTX_GRAPH = 4
B = 1024


def setup_inputs(seed: int = 0) -> dict:
    key = jax.random.key(seed)
    k1, k2, k3, k4, k5, k6, k7 = jax.random.split(key, 7)
    return {
        "cls_idx": jax.random.randint(k1, (B,), 0, N_CLS),
        "cls_group_idx": jax.random.randint(k2, (B,), 0, N_CO_CLS),
        "graph_group_idx": jax.random.randint(k3, (B,), 0, N_CO_GRAPH),
        "ctx_single": jax.random.normal(k4, (N_CLS, N_CTX_SINGLE, CTX_DIM), dtype=jnp.float32) * 0.02,
        "ctx_all": jax.random.normal(k5, (1, N_CTX_ALL, CTX_DIM), dtype=jnp.float32) * 0.02,
        "ctx_cls": jax.random.normal(k6, (N_CO_CLS, N_CTX_CLS, CTX_DIM), dtype=jnp.float32) * 0.02,
        "ctx_graph": jax.random.normal(k7, (N_CO_GRAPH, N_CTX_GRAPH, CTX_DIM), dtype=jnp.float32) * 0.02,
    }


def reference(cls_idx, cls_group_idx, graph_group_idx, ctx_single, ctx_all, ctx_cls, ctx_graph):
    # Graph-prompt assembly from PromptLearner (GRAPH_PROMPT branch):
    # each class's context = [shared ctx_all | co-occurrence-cluster ctx_cls |
    #                          graph-cluster ctx_graph | class-specific ctx_single]
    b = cls_idx.shape[0]
    single = jnp.take(ctx_single, cls_idx, axis=0)          # [B, 4, 512]  (large-table gather)
    clsc = jnp.take(ctx_cls, cls_group_idx, axis=0)         # [B, 8, 512]
    graphc = jnp.take(ctx_graph, graph_group_idx, axis=0)   # [B, 4, 512]
    allc = jnp.broadcast_to(ctx_all, (b, ctx_all.shape[1], ctx_all.shape[2]))  # [B, 16, 512]
    prompts = jnp.concatenate([allc, clsc, graphc, single], axis=1)  # [B, 32, 512]
    return prompts

if __name__ == "__main__":
    import jax
    _d = setup_inputs()
    print(jax.jit(kernel)(*tuple(_d.values())))

</pallas_src>

<mosaic_0001>
#map = affine_map<(d0, d1) -> (0)>
#map1 = affine_map<(d0, d1) -> (0, 0, 0)>
module attributes {stable_mosaic.version = 14 : i64} {
  func.func @_sc_body(%arg0: i32, %arg1: i32, %arg2: memref<1024xi32, #tpu.memory_space<hbm>>, %arg3: memref<1024xi32, #tpu.memory_space<hbm>>, %arg4: memref<1024xi32, #tpu.memory_space<hbm>>, %arg5: memref<100000x4x512xf32, #tpu.memory_space<hbm>>, %arg6: memref<1x16x512xf32, #tpu.memory_space<hbm>>, %arg7: memref<20x8x512xf32, #tpu.memory_space<hbm>>, %arg8: memref<9x4x512xf32, #tpu.memory_space<hbm>>, %arg9: memref<1024x32x512xf32, #tpu.memory_space<hbm>>, %arg10: memref<2x16x512xf32, #tpu.memory_space<vmem_shared>>, %arg11: memref<20x8x512xf32, #tpu.memory_space<vmem_shared>>, %arg12: memref<32xi32, #tpu.memory_space<vmem>>, %arg13: memref<32xi32, #tpu.memory_space<vmem>>, %arg14: memref<32xi32, #tpu.memory_space<vmem>>, %arg15: memref<9x4x512xf32, #tpu.memory_space<vmem>>, %arg16: memref<8x4x512xf32, #tpu.memory_space<vmem>>, %arg17: memref<!tpu.dma_semaphore, #tpu.memory_space<semaphore_mem>>, %arg18: memref<!tpu.dma_semaphore, #tpu.memory_space<semaphore_mem>>, %arg19: memref<!tpu.dma_semaphore, #tpu.memory_space<semaphore_mem>>) attributes {dimension_semantics = [#tpu.dimension_semantics<core_parallel>, #tpu.dimension_semantics<subcore_parallel>], iteration_bounds = array<i64: 2, 16>, scalar_prefetch = 0 : i64, scratch_operands = 10 : i64, tpu.core_type = #tpu.core_type<sc_vector_subcore>, window_params = [{transform_indices = #map}, {transform_indices = #map}, {transform_indices = #map}, {transform_indices = #map1}, {transform_indices = #map1}, {transform_indices = #map1}, {transform_indices = #map1}, {transform_indices = #map1}]} {
    %mul3A = arith.constant 2 : i32
    %mul3A_0 = arith.muli %arg1, %mul3A : i32
    %add3A = arith.addi %mul3A_0, %arg0 : i32
    %mul3A_1 = arith.constant 32 : i32
    %mul3A_2 = arith.muli %add3A, %mul3A_1 : i32
    %eq3A = arith.constant 0 : i32
    %eq3A_3 = arith.cmpi eq, %arg1, %eq3A : i32
    %convert_element_type3A = arith.extui %eq3A_3 : i1 to i32
    %cond3A = arith.constant 0 : i32
    %cond3A_4 = arith.cmpi ne, %convert_element_type3A, %cond3A : i32
    scf.if %cond3A_4 {
      %run_scoped3A = arith.constant 0 : i32
      %run_scoped3A_2662 = arith.constant 0 : i32
      "tpu.region"() ({
        %run_scoped3A_2665 = tpu.sem_alloc : memref<!tpu.dma_semaphore, #tpu.memory_space<semaphore_mem>>
        %dma_start3A_2666 = arith.constant 0 : i32
        %dma_start3A_2667 = arith.constant 0 : i32
        %dma_start3A_2668 = tpu.memref_slice %arg10[%run_scoped3A_2662, %dma_start3A_2666, %dma_start3A_2667] : memref<2x16x512xf32, #tpu.memory_space<vmem_shared>> -> memref<1x16x512xf32, #tpu.memory_space<vmem_shared>>
        %dma_start3A_2669 = tpu.memref_squeeze %dma_start3A_2668 : memref<1x16x512xf32, #tpu.memory_space<vmem_shared>> -> memref<16x512xf32, #tpu.memory_space<vmem_shared>>
        %dma_start3A_2670 = arith.constant 0 : i32
        %dma_start3A_2671 = arith.constant 0 : i32
        %dma_start3A_2672 = tpu.memref_slice %arg6[%run_scoped3A, %dma_start3A_2670, %dma_start3A_2671] : memref<1x16x512xf32, #tpu.memory_space<hbm>> -> memref<1x16x512xf32, #tpu.memory_space<hbm>>
        %dma_start3A_2673 = tpu.memref_squeeze %dma_start3A_2672 : memref<1x16x512xf32, #tpu.memory_space<hbm>> -> memref<16x512xf32, #tpu.memory_space<hbm>>
        tpu.enqueue_dma source(%dma_start3A_2673 : memref<16x512xf32, #tpu.memory_space<hbm>>) target(%dma_start3A_2669 : memref<16x512xf32, #tpu.memory_space<vmem_shared>>) target_semaphore(%run_scoped3A_2665 : memref<!tpu.dma_semaphore, #tpu.memory_space<semaphore_mem>>)
        %dma_wait3A_2674 = arith.constant 0 : i32
        %dma_wait3A_2675 = arith.constant 0 : i32
        %dma_wait3A_2676 = tpu.memref_slice %arg10[%run_scoped3A_2662, %dma_wait3A_2674, %dma_wait3A_2675] : memref<2x16x512xf32, #tpu.memory_space<vmem_shared>> -> memref<1x16x512xf32, #tpu.memory_space<vmem_shared>>
        %dma_wait3A_2677 = tpu.memref_squeeze %dma_wait3A_2676 : memref<1x16x512xf32, #tpu.memory_space<vmem_shared>> -> memref<16x512xf32, #tpu.memory_space<vmem_shared>>
        %dma_wait3A_2678 = arith.constant 0 : i32
        %dma_wait3A_2679 = arith.constant 0 : i32
        %dma_wait3A_2680 = tpu.memref_slice %arg6[%run_scoped3A, %dma_wait3A_2678, %dma_wait3A_2679] : memref<1x16x512xf32, #tpu.memory_space<hbm>> -> memref<1x16x512xf32, #tpu.memory_space<hbm>>
        %dma_wait3A_2681 = tpu.memref_squeeze %dma_wait3A_2680 : memref<1x16x512xf32, #tpu.memory_space<hbm>> -> memref<16x512xf32, #tpu.memory_space<hbm>>
        tpu.wait_dma2 semaphore(%run_scoped3A_2665 : memref<!tpu.dma_semaphore, #tpu.memory_space<semaphore_mem>>) src(%dma_wait3A_2681 : memref<16x512xf32, #tpu.memory_space<hbm>>) dst(%dma_wait3A_2677 : memref<16x512xf32, #tpu.memory_space<vmem_shared>>)
        tpu.yield
      }) : () -> ()
      %run_scoped3A_2663 = arith.constant 0 : i32
      %run_scoped3A_2664 = arith.constant 1 : i32
      "tpu.region"() ({
        %run_scoped3A_2665 = tpu.sem_alloc : memref<!tpu.dma_semaphore, #tpu.memory_space<semaphore_mem>>
        %dma_start3A_2666 = arith.constant 0 : i32
        %dma_start3A_2667 = arith.constant 0 : i32
        %dma_start3A_2668 = tpu.memref_slice %arg10[%run_scoped3A_2664, %dma_start3A_2666, %dma_start3A_2667] : memref<2x16x512xf32, #tpu.memory_space<vmem_shared>> -> memref<1x16x512xf32, #tpu.memory_space<vmem_shared>>
        %dma_start3A_2669 = tpu.memref_squeeze %dma_start3A_2668 : memref<1x16x512xf32, #tpu.memory_space<vmem_shared>> -> memref<16x512xf32, #tpu.memory_space<vmem_shared>>
        %dma_start3A_2670 = arith.constant 0 : i32
        %dma_start3A_2671 = arith.constant 0 : i32
        %dma_start3A_2672 = tpu.memref_slice %arg6[%run_scoped3A_2663, %dma_start3A_2670, %dma_start3A_2671] : memref<1x16x512xf32, #tpu.memory_space<hbm>> -> memref<1x16x512xf32, #tpu.memory_space<hbm>>
        %dma_start3A_2673 = tpu.memref_squeeze %dma_start3A_2672 : memref<1x16x512xf32, #tpu.memory_space<hbm>> -> memref<16x512xf32, #tpu.memory_space<hbm>>
        tpu.enqueue_dma source(%dma_start3A_2673 : memref<16x512xf32, #tpu.memory_space<hbm>>) target(%dma_start3A_2669 : memref<16x512xf32, #tpu.memory_space<vmem_shared>>) target_semaphore(%run_scoped3A_2665 : memref<!tpu.dma_semaphore, #tpu.memory_space<semaphore_mem>>)
        %dma_wait3A_2674 = arith.constant 0 : i32
        %dma_wait3A_2675 = arith.constant 0 : i32
        %dma_wait3A_2676 = tpu.memref_slice %arg10[%run_scoped3A_2664, %dma_wait3A_2674, %dma_wait3A_2675] : memref<2x16x512xf32, #tpu.memory_space<vmem_shared>> -> memref<1x16x512xf32, #tpu.memory_space<vmem_shared>>
        %dma_wait3A_2677 = tpu.memref_squeeze %dma_wait3A_2676 : memref<1x16x512xf32, #tpu.memory_space<vmem_shared>> -> memref<16x512xf32, #tpu.memory_space<vmem_shared>>
        %dma_wait3A_2678 = arith.constant 0 : i32
        %dma_wait3A_2679 = arith.constant 0 : i32
        %dma_wait3A_2680 = tpu.memref_slice %arg6[%run_scoped3A_2663, %dma_wait3A_2678, %dma_wait3A_2679] : memref<1x16x512xf32, #tpu.memory_space<hbm>> -> memref<1x16x512xf32, #tpu.memory_space<hbm>>
        %dma_wait3A_2681 = tpu.memref_squeeze %dma_wait3A_2680 : memref<1x16x512xf32, #tpu.memory_space<hbm>> -> memref<16x512xf32, #tpu.memory_space<hbm>>
        tpu.wait_dma2 semaphore(%run_scoped3A_2665 : memref<!tpu.dma_semaphore, #tpu.memory_space<semaphore_mem>>) src(%dma_wait3A_2681 : memref<16x512xf32, #tpu.memory_space<hbm>>) dst(%dma_wait3A_2677 : memref<16x512xf32, #tpu.memory_space<vmem_shared>>)
        tpu.yield
      }) : () -> ()
      "tpu.region"() ({
        %run_scoped3A_2665 = tpu.sem_alloc : memref<!tpu.dma_semaphore, #tpu.memory_space<semaphore_mem>>
        tpu.enqueue_dma source(%arg7 : memref<20x8x512xf32, #tpu.memory_space<hbm>>) target(%arg11 : memref<20x8x512xf32, #tpu.memory_space<vmem_shared>>) target_semaphore(%run_scoped3A_2665 : memref<!tpu.dma_semaphore, #tpu.memory_space<semaphore_mem>>)
        tpu.wait_dma2 semaphore(%run_scoped3A_2665 : memref<!tpu.dma_semaphore, #tpu.memory_space<semaphore_mem>>) src(%arg7 : memref<20x8x512xf32, #tpu.memory_space<hbm>>) dst(%arg11 : memref<20x8x512xf32, #tpu.memory_space<vmem_shared>>)
        tpu.yield
      }) : () -> ()
    } else {
    }
    "tpu.region"() ({
      %run_scoped3A = tpu.sem_alloc : memref<!tpu.dma_semaphore, #tpu.memory_space<semaphore_mem>>
      tpu.enqueue_dma source(%arg8 : memref<9x4x512xf32, #tpu.memory_space<hbm>>) target(%arg15 : memref<9x4x512xf32, #tpu.memory_space<vmem>>) target_semaphore(%run_scoped3A : memref<!tpu.dma_semaphore, #tpu.memory_space<semaphore_mem>>)
      tpu.wait_dma2 semaphore(%run_scoped3A : memref<!tpu.dma_semaphore, #tpu.memory_space<semaphore_mem>>) src(%arg8 : memref<9x4x512xf32, #tpu.memory_space<hbm>>) dst(%arg15 : memref<9x4x512xf32, #tpu.memory_space<vmem>>)
      tpu.yield
    }) : () -> ()
    "tpu.region"() ({
      %run_scoped3A = tpu.sem_alloc : memref<!tpu.dma_semaphore, #tpu.memory_space<semaphore_mem>>
      %dma_start3A_2662 = tpu.memref_slice %arg2[%mul3A_2] : memref<1024xi32, #tpu.memory_space<hbm>> -> memref<32xi32, #tpu.memory_space<hbm>>
      %dma_start3A_2663 = tpu.memref_slice %arg2[%mul3A_2] : memref<1024xi32, #tpu.memory_space<hbm>> -> memref<32xi32, #tpu.memory_space<hbm>>
      tpu.enqueue_dma source(%dma_start3A_2663 : memref<32xi32, #tpu.memory_space<hbm>>) target(%arg12 : memref<32xi32, #tpu.memory_space<vmem>>) target_semaphore(%run_scoped3A : memref<!tpu.dma_semaphore, #tpu.memory_space<semaphore_mem>>)
      %dma_wait3A_2664 = tpu.memref_slice %arg2[%mul3A_2] : memref<1024xi32, #tpu.memory_space<hbm>> -> memref<32xi32, #tpu.memory_space<hbm>>
      %dma_wait3A_2665 = tpu.memref_slice %arg2[%mul3A_2] : memref<1024xi32, #tpu.memory_space<hbm>> -> memref<32xi32, #tpu.memory_space<hbm>>
      tpu.wait_dma2 semaphore(%run_scoped3A : memref<!tpu.dma_semaphore, #tpu.memory_space<semaphore_mem>>) src(%dma_wait3A_2665 : memref<32xi32, #tpu.memory_space<hbm>>) dst(%arg12 : memref<32xi32, #tpu.memory_space<vmem>>)
      tpu.yield
    }) : () -> ()
    "tpu.region"() ({
      %run_scoped3A = tpu.sem_alloc : memref<!tpu.dma_semaphore, #tpu.memory_space<semaphore_mem>>
      %dma_start3A_2662 = tpu.memref_slice %arg3[%mul3A_2] : memref<1024xi32, #tpu.memory_space<hbm>> -> memref<32xi32, #tpu.memory_space<hbm>>
      %dma_start3A_2663 = tpu.memref_slice %arg3[%mul3A_2] : memref<1024xi32, #tpu.memory_space<hbm>> -> memref<32xi32, #tpu.memory_space<hbm>>
      tpu.enqueue_dma source(%dma_start3A_2663 : memref<32xi32, #tpu.memory_space<hbm>>) target(%arg13 : memref<32xi32, #tpu.memory_space<vmem>>) target_semaphore(%run_scoped3A : memref<!tpu.dma_semaphore, #tpu.memory_space<semaphore_mem>>)
      %dma_wait3A_2664 = tpu.memref_slice %arg3[%mul3A_2] : memref<1024xi32, #tpu.memory_space<hbm>> -> memref<32xi32, #tpu.memory_space<hbm>>
      %dma_wait3A_2665 = tpu.memref_slice %arg3[%mul3A_2] : memref<1024xi32, #tpu.memory_space<hbm>> -> memref<32xi32, #tpu.memory_space<hbm>>
      tpu.wait_dma2 semaphore(%run_scoped3A : memref<!tpu.dma_semaphore, #tpu.memory_space<semaphore_mem>>) src(%dma_wait3A_2665 : memref<32xi32, #tpu.memory_space<hbm>>) dst(%arg13 : memref<32xi32, #tpu.memory_space<vmem>>)
      tpu.yield
    }) : () -> ()
    "tpu.region"() ({
      %run_scoped3A = tpu.sem_alloc : memref<!tpu.dma_semaphore, #tpu.memory_space<semaphore_mem>>
      %dma_start3A_2662 = tpu.memref_slice %arg4[%mul3A_2] : memref<1024xi32, #tpu.memory_space<hbm>> -> memref<32xi32, #tpu.memory_space<hbm>>
      %dma_start3A_2663 = tpu.memref_slice %arg4[%mul3A_2] : memref<1024xi32, #tpu.memory_space<hbm>> -> memref<32xi32, #tpu.memory_space<hbm>>
      tpu.enqueue_dma source(%dma_start3A_2663 : memref<32xi32, #tpu.memory_space<hbm>>) target(%arg14 : memref<32xi32, #tpu.memory_space<vmem>>) target_semaphore(%run_scoped3A : memref<!tpu.dma_semaphore, #tpu.memory_space<semaphore_mem>>)
      %dma_wait3A_2664 = tpu.memref_slice %arg4[%mul3A_2] : memref<1024xi32, #tpu.memory_space<hbm>> -> memref<32xi32, #tpu.memory_space<hbm>>
      %dma_wait3A_2665 = tpu.memref_slice %arg4[%mul3A_2] : memref<1024xi32, #tpu.memory_space<hbm>> -> memref<32xi32, #tpu.memory_space<hbm>>
      tpu.wait_dma2 semaphore(%run_scoped3A : memref<!tpu.dma_semaphore, #tpu.memory_space<semaphore_mem>>) src(%dma_wait3A_2665 : memref<32xi32, #tpu.memory_space<hbm>>) dst(%arg14 : memref<32xi32, #tpu.memory_space<vmem>>)
      tpu.yield
    }) : () -> ()
    %barrier3A = arith.constant 0 : index
    tpu.barrier barrier_id(%barrier3A)
    %iota3A = tpu.iota {dimensions = array<i32: 0>} : vector<16xi32>
    %add3A_5 = arith.constant 0 : i32
    %add3A_6 = arith.addi %mul3A_2, %add3A_5 : i32
    %dma_start3A = arith.constant 0 : i32
    %dma_start3A_7 = tpu.memref_slice %arg12[%dma_start3A] : memref<32xi32, #tpu.memory_space<vmem>> -> memref<8xi32, #tpu.memory_space<vmem>>
    %dma_start3A_8 = arith.constant 0 : i32
    %dma_start3A_9 = arith.constant 0 : i32
    %dma_start3A_10 = arith.constant 0 : i32
    %dma_start3A_11 = tpu.memref_slice %arg5[%dma_start3A_8, %dma_start3A_9, %dma_start3A_10] : memref<100000x4x512xf32, #tpu.memory_space<hbm>> -> memref<100000x4x512xf32, #tpu.memory_space<hbm>>
    tpu.enqueue_indirect_dma source(%dma_start3A_11 : memref<100000x4x512xf32, #tpu.memory_space<hbm>>) target(%arg16 : memref<8x4x512xf32, #tpu.memory_space<vmem>>) offsets(%dma_start3A_7 : memref<8xi32, #tpu.memory_space<vmem>>) semaphore(%arg17 : memref<!tpu.dma_semaphore, #tpu.memory_space<semaphore_mem>>)
    %add3A_12 = arith.constant 0 : i32
    %add3A_13 = arith.addi %add3A_6, %add3A_12 : i32
    %dma_start3A_14 = arith.constant 0 : i32
    %dma_start3A_15 = arith.constant 0 : i32
    %dma_start3A_16 = tpu.memref_slice %arg9[%add3A_13, %dma_start3A_14, %dma_start3A_15] : memref<1024x32x512xf32, #tpu.memory_space<hbm>> -> memref<2x16x512xf32, #tpu.memory_space<hbm>>
    tpu.enqueue_dma source(%arg10 : memref<2x16x512xf32, #tpu.memory_space<vmem_shared>>) target(%dma_start3A_16 : memref<2x16x512xf32, #tpu.memory_space<hbm>>) target_semaphore(%arg19 : memref<!tpu.dma_semaphore, #tpu.memory_space<semaphore_mem>>)
    %add3A_17 = arith.constant 2 : i32
    %add3A_18 = arith.addi %add3A_6, %add3A_17 : i32
    %dma_start3A_19 = arith.constant 0 : i32
    %dma_start3A_20 = arith.constant 0 : i32
    %dma_start3A_21 = tpu.memref_slice %arg9[%add3A_18, %dma_start3A_19, %dma_start3A_20] : memref<1024x32x512xf32, #tpu.memory_space<hbm>> -> memref<2x16x512xf32, #tpu.memory_space<hbm>>
    tpu.enqueue_dma source(%arg10 : memref<2x16x512xf32, #tpu.memory_space<vmem_shared>>) target(%dma_start3A_21 : memref<2x16x512xf32, #tpu.memory_space<hbm>>) target_semaphore(%arg19 : memref<!tpu.dma_semaphore, #tpu.memory_space<semaphore_mem>>)
    %add3A_22 = arith.constant 4 : i32
    %add3A_23 = arith.addi %add3A_6, %add3A_22 : i32
    %dma_start3A_24 = arith.constant 0 : i32
    %dma_start3A_25 = arith.constant 0 : i32
    %dma_start3A_26 = tpu.memref_slice %arg9[%add3A_23, %dma_start3A_24, %dma_start3A_25] : memref<1024x32x512xf32, #tpu.memory_space<hbm>> -> memref<2x16x512xf32, #tpu.memory_space<hbm>>
    tpu.enqueue_dma source(%arg10 : memref<2x16x512xf32, #tpu.memory_space<vmem_shared>>) target(%dma_start3A_26 : memref<2x16x512xf32, #tpu.memory_space<hbm>>) target_semaphore(%arg19 : memref<!tpu.dma_semaphore, #tpu.memory_space<semaphore_mem>>)
    %add3A_27 = arith.constant 6 : i32
    %add3A_28 = arith.addi %add3A_6, %add3A_27 : i32
    %dma_start3A_29 = arith.constant 0 : i32
    %dma_start3A_30 = arith.constant 0 : i32
    %dma_start3A_31 = tpu.memref_slice %arg9[%add3A_28, %dma_start3A_29, %dma_start3A_30] : memref<1024x32x512xf32, #tpu.memory_space<hbm>> -> memref<2x16x512xf32, #tpu.memory_space<hbm>>
    tpu.enqueue_dma source(%arg10 : memref<2x16x512xf32, #tpu.memory_space<vmem_shared>>) target(%dma_start3A_31 : memref<2x16x512xf32, #tpu.memory_space<hbm>>) target_semaphore(%arg19 : memref<!tpu.dma_semaphore, #tpu.memory_space<semaphore_mem>>)
    %get3A = arith.constant 0 : index
    %get3A_32 = tpu.vector_load %arg13[%get3A] {strides = array<i32>} : memref<32xi32, #tpu.memory_space<vmem>>, vector<16xi32>,
    %eq3A_33 = arith.constant 0 : i32
    %eq3A_34 = vector.broadcast %eq3A_33 : i32 to vector<16xi32>
    %eq3A_35 = arith.cmpi eq, %iota3A, %eq3A_34 : vector<16xi32>
    %jit3A = arith.constant 0 : i32
    %broadcast_in_dim3A = vector.broadcast %jit3A : i32 to vector<16xi32>
    %select_n3A = arith.select %eq3A_35, %get3A_32, %broadcast_in_dim3A : vector<16xi1>, vector<16xi32>
    %reduce_sum3A = arith.constant true
    %reduce_sum3A_36 = vector.broadcast %reduce_sum3A : i1 to vector<16xi1>
    %reduce_sum3A_37 = tpu.scan <sum>, %select_n3A masked %reduce_sum3A_36 : vector<16xi32>, vector<16xi1> -> vector<16xi32>
    %reduce_sum3A_38 = vector.extract %reduce_sum3A_37[15] : i32 from vector<16xi32>
    %add3A_39 = arith.constant 0 : i32
    %add3A_40 = arith.addi %add3A_6, %add3A_39 : i32
    %dma_start3A_41 = arith.constant 16 : i32
    %dma_start3A_42 = arith.constant 0 : i32
    %dma_start3A_43 = tpu.memref_slice %arg9[%add3A_40, %dma_start3A_41, %dma_start3A_42] : memref<1024x32x512xf32, #tpu.memory_space<hbm>> -> memref<1x8x512xf32, #tpu.memory_space<hbm>>
    %dma_start3A_44 = tpu.memref_squeeze %dma_start3A_43 : memref<1x8x512xf32, #tpu.memory_space<hbm>> -> memref<8x512xf32, #tpu.memory_space<hbm>>
    %dma_start3A_45 = arith.constant 0 : i32
    %dma_start3A_46 = arith.constant 0 : i32
    %dma_start3A_47 = tpu.memref_slice %arg11[%reduce_sum3A_38, %dma_start3A_45, %dma_start3A_46] : memref<20x8x512xf32, #tpu.memory_space<vmem_shared>> -> memref<1x8x512xf32, #tpu.memory_space<vmem_shared>>
    %dma_start3A_48 = tpu.memref_squeeze %dma_start3A_47 : memref<1x8x512xf32, #tpu.memory_space<vmem_shared>> -> memref<8x512xf32, #tpu.memory_space<vmem_shared>>
    tpu.enqueue_dma source(%dma_start3A_48 : memref<8x512xf32, #tpu.memory_space<vmem_shared>>) target(%dma_start3A_44 : memref<8x512xf32, #tpu.memory_space<hbm>>) target_semaphore(%arg18 : memref<!tpu.dma_semaphore, #tpu.memory_space<semaphore_mem>>)
    %get3A_49 = arith.constant 0 : index
    %get3A_50 = tpu.vector_load %arg14[%get3A_49] {strides = array<i32>} : memref<32xi32, #tpu.memory_space<vmem>>, vector<16xi32>,
    %eq3A_51 = arith.constant 0 : i32
    %eq3A_52 = vector.broadcast %eq3A_51 : i32 to vector<16xi32>
    %eq3A_53 = arith.cmpi eq, %iota3A, %eq3A_52 : vector<16xi32>
    %jit3A_54 = arith.constant 0 : i32
    %broadcast_in_dim3A_55 = vector.broadcast %jit3A_54 : i32 to vector<16xi32>
    %select_n3A_56 = arith.select %eq3A_53, %get3A_50, %broadcast_in_dim3A_55 : vector<16xi1>, vector<16xi32>
    %reduce_sum3A_57 = arith.constant true
    %reduce_sum3A_58 = vector.broadcast %reduce_sum3A_57 : i1 to vector<16xi1>
    %reduce_sum3A_59 = tpu.scan <sum>, %select_n3A_56 masked %reduce_sum3A_58 : vector<16xi32>, vector<16xi1> -> vector<16xi32>
    %reduce_sum3A_60 = vector.extract %reduce_sum3A_59[15] : i32 from vector<16xi32>
    %add3A_61 = arith.constant 0 : i32
    %add3A_62 = arith.addi %add3A_6, %add3A_61 : i32
    %dma_start3A_63 = arith.constant 0 : i32
    %dma_start3A_64 = arith.constant 0 : i32
    %dma_start3A_65 = tpu.memref_slice %arg15[%reduce_sum3A_60, %dma_start3A_63, %dma_start3A_64] : memref<9x4x512xf32, #tpu.memory_space<vmem>> -> memref<1x4x512xf32, #tpu.memory_space<vmem>>
    %dma_start3A_66 = tpu.memref_squeeze %dma_start3A_65 : memref<1x4x512xf32, #tpu.memory_space<vmem>> -> memref<4x512xf32, #tpu.memory_space<vmem>>
    %dma_start3A_67 = arith.constant 24 : i32
    %dma_start3A_68 = arith.constant 0 : i32
    %dma_start3A_69 = tpu.memref_slice %arg9[%add3A_62, %dma_start3A_67, %dma_start3A_68] : memref<1024x32x512xf32, #tpu.memory_space<hbm>> -> memref<1x4x512xf32, #tpu.memory_space<hbm>>
    %dma_start3A_70 = tpu.memref_squeeze %dma_start3A_69 : memref<1x4x512xf32, #tpu.memory_space<hbm>> -> memref<4x512xf32, #tpu.memory_space<hbm>>
    %dma_start3A_71 = arith.constant 24 : i32
    %dma_start3A_72 = arith.constant 0 : i32
    %dma_start3A_73 = tpu.memref_slice %arg9[%add3A_62, %dma_start3A_71, %dma_start3A_72] : memref<1024x32x512xf32, #tpu.memory_space<hbm>> -> memref<1x4x512xf32, #tpu.memory_space<hbm>>
    %dma_start3A_74 = tpu.memref_squeeze %dma_start3A_73 : memref<1x4x512xf32, #tpu.memory_space<hbm>> -> memref<4x512xf32, #tpu.memory_space<hbm>>
    %dma_start3A_75 = arith.constant 0 : i32
    %dma_start3A_76 = arith.constant 0 : i32
    %dma_start3A_77 = tpu.memref_slice %arg15[%reduce_sum3A_60, %dma_start3A_75, %dma_start3A_76] : memref<9x4x512xf32, #tpu.memory_space<vmem>> -> memref<1x4x512xf32, #tpu.memory_space<vmem>>
    %dma_start3A_78 = tpu.memref_squeeze %dma_start3A_77 : memref<1x4x512xf32, #tpu.memory_space<vmem>> -> memref<4x512xf32, #tpu.memory_space<vmem>>
    tpu.enqueue_dma source(%dma_start3A_78 : memref<4x512xf32, #tpu.memory_space<vmem>>) target(%dma_start3A_74 : memref<4x512xf32, #tpu.memory_space<hbm>>) target_semaphore(%arg19 : memref<!tpu.dma_semaphore, #tpu.memory_space<semaphore_mem>>)
    %get3A_79 = arith.constant 0 : index
    %get3A_80 = tpu.vector_load %arg13[%get3A_79] {strides = array<i32>} : memref<32xi32, #tpu.memory_space<vmem>>, vector<16xi32>,
    %eq3A_81 = arith.constant 1 : i32
    %eq3A_82 = vector.broadcast %eq3A_81 : i32 to vector<16xi32>
    %eq3A_83 = arith.cmpi eq, %iota3A, %eq3A_82 : vector<16xi32>
    %jit3A_84 = arith.constant 0 : i32
    %broadcast_in_dim3A_85 = vector.broadcast %jit3A_84 : i32 to vector<16xi32>
    %select_n3A_86 = arith.select %eq3A_83, %get3A_80, %broadcast_in_dim3A_85 : vector<16xi1>, vector<16xi32>
    %reduce_sum3A_87 = arith.constant true
    %reduce_sum3A_88 = vector.broadcast %reduce_sum3A_87 : i1 to vector<16xi1>
    %reduce_sum3A_89 = tpu.scan <sum>, %select_n3A_86 masked %reduce_sum3A_88 : vector<16xi32>, vector<16xi1> -> vector<16xi32>
    %reduce_sum3A_90 = vector.extract %reduce_sum3A_89[15] : i32 from vector<16xi32>
    %add3A_91 = arith.constant 1 : i32
    %add3A_92 = arith.addi %add3A_6, %add3A_91 : i32
    %dma_start3A_93 = arith.constant 16 : i32
    %dma_start3A_94 = arith.constant 0 : i32
    %dma_start3A_95 = tpu.memref_slice %arg9[%add3A_92, %dma_start3A_93, %dma_start3A_94] : memref<1024x32x512xf32, #tpu.memory_space<hbm>> -> memref<1x8x512xf32, #tpu.memory_space<hbm>>
    %dma_start3A_96 = tpu.memref_squeeze %dma_start3A_95 : memref<1x8x512xf32, #tpu.memory_space<hbm>> -> memref<8x512xf32, #tpu.memory_space<hbm>>
    %dma_start3A_97 = arith.constant 0 : i32
    %dma_start3A_98 = arith.constant 0 : i32
    %dma_start3A_99 = tpu.memref_slice %arg11[%reduce_sum3A_90, %dma_start3A_97, %dma_start3A_98] : memref<20x8x512xf32, #tpu.memory_space<vmem_shared>> -> memref<1x8x512xf32, #tpu.memory_space<vmem_shared>>
    %dma_start3A_100 = tpu.memref_squeeze %dma_start3A_99 : memref<1x8x512xf32, #tpu.memory_space<vmem_shared>> -> memref<8x512xf32, #tpu.memory_space<vmem_shared>>
    tpu.enqueue_dma source(%dma_start3A_100 : memref<8x512xf32, #tpu.memory_space<vmem_shared>>) target(%dma_start3A_96 : memref<8x512xf32, #tpu.memory_space<hbm>>) target_semaphore(%arg18 : memref<!tpu.dma_semaphore, #tpu.memory_space<semaphore_mem>>)
    %get3A_101 = arith.constant 0 : index
    %get3A_102 = tpu.vector_load %arg14[%get3A_101] {strides = array<i32>} : memref<32xi32, #tpu.memory_space<vmem>>, vector<16xi32>,
    %eq3A_103 = arith.constant 1 : i32
    %eq3A_104 = vector.broadcast %eq3A_103 : i32 to vector<16xi32>
    %eq3A_105 = arith.cmpi eq, %iota3A, %eq3A_104 : vector<16xi32>
    %jit3A_106 = arith.constant 0 : i32
    %broadcast_in_dim3A_107 = vector.broadcast %jit3A_106 : i32 to vector<16xi32>
    %select_n3A_108 = arith.select %eq3A_105, %get3A_102, %broadcast_in_dim3A_107 : vector<16xi1>, vector<16xi32>
    %reduce_sum3A_109 = arith.constant true
    %reduce_sum3A_110 = vector.broadcast %reduce_sum3A_109 : i1 to vector<16xi1>
    %reduce_sum3A_111 = tpu.scan <sum>, %select_n3A_108 masked %reduce_sum3A_110 : vector<16xi32>, vector<16xi1> -> vector<16xi32>
    %reduce_sum3A_112 = vector.extract %reduce_sum3A_111[15] : i32 from vector<16xi32>
    %add3A_113 = arith.constant 1 : i32
    %add3A_114 = arith.addi %add3A_6, %add3A_113 : i32
    %dma_start3A_115 = arith.constant 0 : i32
    %dma_start3A_116 = arith.constant 0 : i32
    %dma_start3A_117 = tpu.memref_slice %arg15[%reduce_sum3A_112, %dma_start3A_115, %dma_start3A_116] : memref<9x4x512xf32, #tpu.memory_space<vmem>> -> memref<1x4x512xf32, #tpu.memory_space<vmem>>
    %dma_start3A_118 = tpu.memref_squeeze %dma_start3A_117 : memref<1x4x512xf32, #tpu.memory_space<vmem>> -> memref<4x512xf32, #tpu.memory_space<vmem>>
    %dma_start3A_119 = arith.constant 24 : i32
    %dma_start3A_120 = arith.constant 0 : i32
    %dma_start3A_121 = tpu.memref_slice %arg9[%add3A_114, %dma_start3A_119, %dma_start3A_120] : memref<1024x32x512xf32, #tpu.memory_space<hbm>> -> memref<1x4x512xf32, #tpu.memory_space<hbm>>
    %dma_start3A_122 = tpu.memref_squeeze %dma_start3A_121 : memref<1x4x512xf32, #tpu.memory_space<hbm>> -> memref<4x512xf32, #tpu.memory_space<hbm>>
    %dma_start3A_123 = arith.constant 24 : i32
    %dma_start3A_124 = arith.constant 0 : i32
    %dma_start3A_125 = tpu.memref_slice %arg9[%add3A_114, %dma_start3A_123, %dma_start3A_124] : memref<1024x32x512xf32, #tpu.memory_space<hbm>> -> memref<1x4x512xf32, #tpu.memory_space<hbm>>
    %dma_start3A_126 = tpu.memref_squeeze %dma_start3A_125 : memref<1x4x512xf32, #tpu.memory_space<hbm>> -> memref<4x512xf32, #tpu.memory_space<hbm>>
    %dma_start3A_127 = arith.constant 0 : i32
    %dma_start3A_128 = arith.constant 0 : i32
    %dma_start3A_129 = tpu.memref_slice %arg15[%reduce_sum3A_112, %dma_start3A_127, %dma_start3A_128] : memref<9x4x512xf32, #tpu.memory_space<vmem>> -> memref<1x4x512xf32, #tpu.memory_space<vmem>>
    %dma_start3A_130 = tpu.memref_squeeze %dma_start3A_129 : memref<1x4x512xf32, #tpu.memory_space<vmem>> -> memref<4x512xf32, #tpu.memory_space<vmem>>
    tpu.enqueue_dma source(%dma_start3A_130 : memref<4x512xf32, #tpu.memory_space<vmem>>) target(%dma_start3A_126 : memref<4x512xf32, #tpu.memory_space<hbm>>) target_semaphore(%arg19 : memref<!tpu.dma_semaphore, #tpu.memory_space<semaphore_mem>>)
    %get3A_131 = arith.constant 0 : index
    %get3A_132 = tpu.vector_load %arg13[%get3A_131] {strides = array<i32>} : memref<32xi32, #tpu.memory_space<vmem>>, vector<16xi32>,
    %eq3A_133 = arith.constant 2 : i32
    %eq3A_134 = vector.broadcast %eq3A_133 : i32 to vector<16xi32>
    %eq3A_135 = arith.cmpi eq, %iota3A, %eq3A_134 : vector<16xi32>
    %jit3A_136 = arith.constant 0 : i32
    %broadcast_in_dim3A_137 = vector.broadcast %jit3A_136 : i32 to vector<16xi32>
    %select_n3A_138 = arith.select %eq3A_135, %get3A_132, %broadcast_in_dim3A_137 : vector<16xi1>, vector<16xi32>
    %reduce_sum3A_139 = arith.constant true
    %reduce_sum3A_140 = vector.broadcast %reduce_sum3A_139 : i1 to vector<16xi1>
    %reduce_sum3A_141 = tpu.scan <sum>, %select_n3A_138 masked %reduce_sum3A_140 : vector<16xi32>, vector<16xi1> -> vector<16xi32>
    %reduce_sum3A_142 = vector.extract %reduce_sum3A_141[15] : i32 from vector<16xi32>
    %add3A_143 = arith.constant 2 : i32
    %add3A_144 = arith.addi %add3A_6, %add3A_143 : i32
    %dma_start3A_145 = arith.constant 16 : i32
    %dma_start3A_146 = arith.constant 0 : i32
    %dma_start3A_147 = tpu.memref_slice %arg9[%add3A_144, %dma_start3A_145, %dma_start3A_146] : memref<1024x32x512xf32, #tpu.memory_space<hbm>> -> memref<1x8x512xf32, #tpu.memory_space<hbm>>
    %dma_start3A_148 = tpu.memref_squeeze %dma_start3A_147 : memref<1x8x512xf32, #tpu.memory_space<hbm>> -> memref<8x512xf32, #tpu.memory_space<hbm>>
    %dma_start3A_149 = arith.constant 0 : i32
    %dma_start3A_150 = arith.constant 0 : i32
    %dma_start3A_151 = tpu.memref_slice %arg11[%reduce_sum3A_142, %dma_start3A_149, %dma_start3A_150] : memref<20x8x512xf32, #tpu.memory_space<vmem_shared>> -> memref<1x8x512xf32, #tpu.memory_space<vmem_shared>>
    %dma_start3A_152 = tpu.memref_squeeze %dma_start3A_151 : memref<1x8x512xf32, #tpu.memory_space<vmem_shared>> -> memref<8x512xf32, #tpu.memory_space<vmem_shared>>
    tpu.enqueue_dma source(%dma_start3A_152 : memref<8x512xf32, #tpu.memory_space<vmem_shared>>) target(%dma_start3A_148 : memref<8x512xf32, #tpu.memory_space<hbm>>) target_semaphore(%arg18 : memref<!tpu.dma_semaphore, #tpu.memory_space<semaphore_mem>>)
    %get3A_153 = arith.constant 0 : index
    %get3A_154 = tpu.vector_load %arg14[%get3A_153] {strides = array<i32>} : memref<32xi32, #tpu.memory_space<vmem>>, vector<16xi32>,
    %eq3A_155 = arith.constant 2 : i32
    %eq3A_156 = vector.broadcast %eq3A_155 : i32 to vector<16xi32>
    %eq3A_157 = arith.cmpi eq, %iota3A, %eq3A_156 : vector<16xi32>
    %jit3A_158 = arith.constant 0 : i32
    %broadcast_in_dim3A_159 = vector.broadcast %jit3A_158 : i32 to vector<16xi32>
    %select_n3A_160 = arith.select %eq3A_157, %get3A_154, %broadcast_in_dim3A_159 : vector<16xi1>, vector<16xi32>
    %reduce_sum3A_161 = arith.constant true
    %reduce_sum3A_162 = vector.broadcast %reduce_sum3A_161 : i1 to vector<16xi1>
    %reduce_sum3A_163 = tpu.scan <sum>, %select_n3A_160 masked %reduce_sum3A_162 : vector<16xi32>, vector<16xi1> -> vector<16xi32>
    %reduce_sum3A_164 = vector.extract %reduce_sum3A_163[15] : i32 from vector<16xi32>
    %add3A_165 = arith.constant 2 : i32
    %add3A_166 = arith.addi %add3A_6, %add3A_165 : i32
    %dma_start3A_167 = arith.constant 0 : i32
    %dma_start3A_168 = arith.constant 0 : i32
    %dma_start3A_169 = tpu.memref_slice %arg15[%reduce_sum3A_164, %dma_start3A_167, %dma_start3A_168] : memref<9x4x512xf32, #tpu.memory_space<vmem>> -> memref<1x4x512xf32, #tpu.memory_space<vmem>>
    %dma_start3A_170 = tpu.memref_squeeze %dma_start3A_169 : memref<1x4x512xf32, #tpu.memory_space<vmem>> -> memref<4x512xf32, #tpu.memory_space<vmem>>
    %dma_start3A_171 = arith.constant 24 : i32
    %dma_start3A_172 = arith.constant 0 : i32
    %dma_start3A_173 = tpu.memref_slice %arg9[%add3A_166, %dma_start3A_171, %dma_start3A_172] : memref<1024x32x512xf32, #tpu.memory_space<hbm>> -> memref<1x4x512xf32, #tpu.memory_space<hbm>>
    %dma_start3A_174 = tpu.memref_squeeze %dma_start3A_173 : memref<1x4x512xf32, #tpu.memory_space<hbm>> -> memref<4x512xf32, #tpu.memory_space<hbm>>
    %dma_start3A_175 = arith.constant 24 : i32
    %dma_start3A_176 = arith.constant 0 : i32
    %dma_start3A_177 = tpu.memref_slice %arg9[%add3A_166, %dma_start3A_175, %dma_start3A_176] : memref<1024x32x512xf32, #tpu.memory_space<hbm>> -> memref<1x4x512xf32, #tpu.memory_space<hbm>>
    %dma_start3A_178 = tpu.memref_squeeze %dma_start3A_177 : memref<1x4x512xf32, #tpu.memory_space<hbm>> -> memref<4x512xf32, #tpu.memory_space<hbm>>
    %dma_start3A_179 = arith.constant 0 : i32
    %dma_start3A_180 = arith.constant 0 : i32
    %dma_start3A_181 = tpu.memref_slice %arg15[%reduce_sum3A_164, %dma_start3A_179, %dma_start3A_180] : memref<9x4x512xf32, #tpu.memory_space<vmem>> -> memref<1x4x512xf32, #tpu.memory_space<vmem>>
    %dma_start3A_182 = tpu.memref_squeeze %dma_start3A_181 : memref<1x4x512xf32, #tpu.memory_space<vmem>> -> memref<4x512xf32, #tpu.memory_space<vmem>>
    tpu.enqueue_dma source(%dma_start3A_182 : memref<4x512xf32, #tpu.memory_space<vmem>>) target(%dma_start3A_178 : memref<4x512xf32, #tpu.memory_space<hbm>>) target_semaphore(%arg19 : memref<!tpu.dma_semaphore, #tpu.memory_space<semaphore_mem>>)
    %get3A_183 = arith.constant 0 : index
    %get3A_184 = tpu.vector_load %arg13[%get3A_183] {strides = array<i32>} : memref<32xi32, #tpu.memory_space<vmem>>, vector<16xi32>,
    %eq3A_185 = arith.constant 3 : i32
    %eq3A_186 = vector.broadcast %eq3A_185 : i32 to vector<16xi32>
    %eq3A_187 = arith.cmpi eq, %iota3A, %eq3A_186 : vector<16xi32>
    %jit3A_188 = arith.constant 0 : i32
    %broadcast_in_dim3A_189 = vector.broadcast %jit3A_188 : i32 to vector<16xi32>
    %select_n3A_190 = arith.select %eq3A_187, %get3A_184, %broadcast_in_dim3A_189 : vector<16xi1>, vector<16xi32>
    %reduce_sum3A_191 = arith.constant true
    %reduce_sum3A_192 = vector.broadcast %reduce_sum3A_191 : i1 to vector<16xi1>
    %reduce_sum3A_193 = tpu.scan <sum>, %select_n3A_190 masked %reduce_sum3A_192 : vector<16xi32>, vector<16xi1> -> vector<16xi32>
    %reduce_sum3A_194 = vector.extract %reduce_sum3A_193[15] : i32 from vector<16xi32>
    %add3A_195 = arith.constant 3 : i32
    %add3A_196 = arith.addi %add3A_6, %add3A_195 : i32
    %dma_start3A_197 = arith.constant 16 : i32
    %dma_start3A_198 = arith.constant 0 : i32
    %dma_start3A_199 = tpu.memref_slice %arg9[%add3A_196, %dma_start3A_197, %dma_start3A_198] : memref<1024x32x512xf32, #tpu.memory_space<hbm>> -> memref<1x8x512xf32, #tpu.memory_space<hbm>>
    %dma_start3A_200 = tpu.memref_squeeze %dma_start3A_199 : memref<1x8x512xf32, #tpu.memory_space<hbm>> -> memref<8x512xf32, #tpu.memory_space<hbm>>
    %dma_start3A_201 = arith.constant 0 : i32
    %dma_start3A_202 = arith.constant 0 : i32
    %dma_start3A_203 = tpu.memref_slice %arg11[%reduce_sum3A_194, %dma_start3A_201, %dma_start3A_202] : memref<20x8x512xf32, #tpu.memory_space<vmem_shared>> -> memref<1x8x512xf32, #tpu.memory_space<vmem_shared>>
    %dma_start3A_204 = tpu.memref_squeeze %dma_start3A_203 : memref<1x8x512xf32, #tpu.memory_space<vmem_shared>> -> memref<8x512xf32, #tpu.memory_space<vmem_shared>>
    tpu.enqueue_dma source(%dma_start3A_204 : memref<8x512xf32, #tpu.memory_space<vmem_shared>>) target(%dma_start3A_200 : memref<8x512xf32, #tpu.memory_space<hbm>>) target_semaphore(%arg18 : memref<!tpu.dma_semaphore, #tpu.memory_space<semaphore_mem>>)
    %get3A_205 = arith.constant 0 : index
    %get3A_206 = tpu.vector_load %arg14[%get3A_205] {strides = array<i32>} : memref<32xi32, #tpu.memory_space<vmem>>, vector<16xi32>,
    %eq3A_207 = arith.constant 3 : i32
    %eq3A_208 = vector.broadcast %eq3A_207 : i32 to vector<16xi32>
    %eq3A_209 = arith.cmpi eq, %iota3A, %eq3A_208 : vector<16xi32>
    %jit3A_210 = arith.constant 0 : i32
    %broadcast_in_dim3A_211 = vector.broadcast %jit3A_210 : i32 to vector<16xi32>
    %select_n3A_212 = arith.select %eq3A_209, %get3A_206, %broadcast_in_dim3A_211 : vector<16xi1>, vector<16xi32>
    %reduce_sum3A_213 = arith.constant true
    %reduce_sum3A_214 = vector.broadcast %reduce_sum3A_213 : i1 to vector<16xi1>
    %reduce_sum3A_215 = tpu.scan <sum>, %select_n3A_212 masked %reduce_sum3A_214 : vector<16xi32>, vector<16xi1> -> vector<16xi32>
    %reduce_sum3A_216 = vector.extract %reduce_sum3A_215[15] : i32 from vector<16xi32>
    %add3A_217 = arith.constant 3 : i32
    %add3A_218 = arith.addi %add3A_6, %add3A_217 : i32
    %dma_start3A_219 = arith.constant 0 : i32
    %dma_start3A_220 = arith.constant 0 : i32
    %dma_start3A_221 = tpu.memref_slice %arg15[%reduce_sum3A_216, %dma_start3A_219, %dma_start3A_220] : memref<9x4x512xf32, #tpu.memory_space<vmem>> -> memref<1x4x512xf32, #tpu.memory_space<vmem>>
    %dma_start3A_222 = tpu.memref_squeeze %dma_start3A_221 : memref<1x4x512xf32, #tpu.memory_space<vmem>> -> memref<4x512xf32, #tpu.memory_space<vmem>>
    %dma_start3A_223 = arith.constant 24 : i32
    %dma_start3A_224 = arith.constant 0 : i32
    %dma_start3A_225 = tpu.memref_slice %arg9[%add3A_218, %dma_start3A_223, %dma_start3A_224] : memref<1024x32x512xf32, #tpu.memory_space<hbm>> -> memref<1x4x512xf32, #tpu.memory_space<hbm>>
    %dma_start3A_226 = tpu.memref_squeeze %dma_start3A_225 : memref<1x4x512xf32, #tpu.memory_space<hbm>> -> memref<4x512xf32, #tpu.memory_space<hbm>>
    %dma_start3A_227 = arith.constant 24 : i32
    %dma_start3A_228 = arith.constant 0 : i32
    %dma_start3A_229 = tpu.memref_slice %arg9[%add3A_218, %dma_start3A_227, %dma_start3A_228] : memref<1024x32x512xf32, #tpu.memory_space<hbm>> -> memref<1x4x512xf32, #tpu.memory_space<hbm>>
    %dma_start3A_230 = tpu.memref_squeeze %dma_start3A_229 : memref<1x4x512xf32, #tpu.memory_space<hbm>> -> memref<4x512xf32, #tpu.memory_space<hbm>>
    %dma_start3A_231 = arith.constant 0 : i32
    %dma_start3A_232 = arith.constant 0 : i32
    %dma_start3A_233 = tpu.memref_slice %arg15[%reduce_sum3A_216, %dma_start3A_231, %dma_start3A_232] : memref<9x4x512xf32, #tpu.memory_space<vmem>> -> memref<1x4x512xf32, #tpu.memory_space<vmem>>
    %dma_start3A_234 = tpu.memref_squeeze %dma_start3A_233 : memref<1x4x512xf32, #tpu.memory_space<vmem>> -> memref<4x512xf32, #tpu.memory_space<vmem>>
    tpu.enqueue_dma source(%dma_start3A_234 : memref<4x512xf32, #tpu.memory_space<vmem>>) target(%dma_start3A_230 : memref<4x512xf32, #tpu.memory_space<hbm>>) target_semaphore(%arg19 : memref<!tpu.dma_semaphore, #tpu.memory_space<semaphore_mem>>)
    %get3A_235 = arith.constant 0 : index
    %get3A_236 = tpu.vector_load %arg13[%get3A_235] {strides = array<i32>} : memref<32xi32, #tpu.memory_space<vmem>>, vector<16xi32>,
    %eq3A_237 = arith.constant 4 : i32
    %eq3A_238 = vector.broadcast %eq3A_237 : i32 to vector<16xi32>
    %eq3A_239 = arith.cmpi eq, %iota3A, %eq3A_238 : vector<16xi32>
    %jit3A_240 = arith.constant 0 : i32
    %broadcast_in_dim3A_241 = vector.broadcast %jit3A_240 : i32 to vector<16xi32>
    %select_n3A_242 = arith.select %eq3A_239, %get3A_236, %broadcast_in_dim3A_241 : vector<16xi1>, vector<16xi32>
    %reduce_sum3A_243 = arith.constant true
    %reduce_sum3A_244 = vector.broadcast %reduce_sum3A_243 : i1 to vector<16xi1>
    %reduce_sum3A_245 = tpu.scan <sum>, %select_n3A_242 masked %reduce_sum3A_244 : vector<16xi32>, vector<16xi1> -> vector<16xi32>
    %reduce_sum3A_246 = vector.extract %reduce_sum3A_245[15] : i32 from vector<16xi32>
    %add3A_247 = arith.constant 4 : i32
    %add3A_248 = arith.addi %add3A_6, %add3A_247 : i32
    %dma_start3A_249 = arith.constant 16 : i32
    %dma_start3A_250 = arith.constant 0 : i32
    %dma_start3A_251 = tpu.memref_slice %arg9[%add3A_248, %dma_start3A_249, %dma_start3A_250] : memref<1024x32x512xf32, #tpu.memory_space<hbm>> -> memref<1x8x512xf32, #tpu.memory_space<hbm>>
    %dma_start3A_252 = tpu.memref_squeeze %dma_start3A_251 : memref<1x8x512xf32, #tpu.memory_space<hbm>> -> memref<8x512xf32, #tpu.memory_space<hbm>>
    %dma_start3A_253 = arith.constant 0 : i32
    %dma_start3A_254 = arith.constant 0 : i32
    %dma_start3A_255 = tpu.memref_slice %arg11[%reduce_sum3A_246, %dma_start3A_253, %dma_start3A_254] : memref<20x8x512xf32, #tpu.memory_space<vmem_shared>> -> memref<1x8x512xf32, #tpu.memory_space<vmem_shared>>
    %dma_start3A_256 = tpu.memref_squeeze %dma_start3A_255 : memref<1x8x512xf32, #tpu.memory_space<vmem_shared>> -> memref<8x512xf32, #tpu.memory_space<vmem_shared>>
    tpu.enqueue_dma source(%dma_start3A_256 : memref<8x512xf32, #tpu.memory_space<vmem_shared>>) target(%dma_start3A_252 : memref<8x512xf32, #tpu.memory_space<hbm>>) target_semaphore(%arg18 : memref<!tpu.dma_semaphore, #tpu.memory_space<semaphore_mem>>)
    %get3A_257 = arith.constant 0 : index
    %get3A_258 = tpu.vector_load %arg14[%get3A_257] {strides = array<i32>} : memref<32xi32, #tpu.memory_space<vmem>>, vector<16xi32>,
    %eq3A_259 = arith.constant 4 : i32
    %eq3A_260 = vector.broadcast %eq3A_259 : i32 to vector<16xi32>
    %eq3A_261 = arith.cmpi eq, %iota3A, %eq3A_260 : vector<16xi32>
    %jit3A_262 = arith.constant 0 : i32
    %broadcast_in_dim3A_263 = vector.broadcast %jit3A_262 : i32 to vector<16xi32>
    %select_n3A_264 = arith.select %eq3A_261, %get3A_258, %broadcast_in_dim3A_263 : vector<16xi1>, vector<16xi32>
    %reduce_sum3A_265 = arith.constant true
    %reduce_sum3A_266 = vector.broadcast %reduce_sum3A_265 : i1 to vector<16xi1>
    %reduce_sum3A_267 = tpu.scan <sum>, %select_n3A_264 masked %reduce_sum3A_266 : vector<16xi32>, vector<16xi1> -> vector<16xi32>
    %reduce_sum3A_268 = vector.extract %reduce_sum3A_267[15] : i32 from vector<16xi32>
    %add3A_269 = arith.constant 4 : i32
    %add3A_270 = arith.addi %add3A_6, %add3A_269 : i32
    %dma_start3A_271 = arith.constant 0 : i32
    %dma_start3A_272 = arith.constant 0 : i32
    %dma_start3A_273 = tpu.memref_slice %arg15[%reduce_sum3A_268, %dma_start3A_271, %dma_start3A_272] : memref<9x4x512xf32, #tpu.memory_space<vmem>> -> memref<1x4x512xf32, #tpu.memory_space<vmem>>
    %dma_start3A_274 = tpu.memref_squeeze %dma_start3A_273 : memref<1x4x512xf32, #tpu.memory_space<vmem>> -> memref<4x512xf32, #tpu.memory_space<vmem>>
    %dma_start3A_275 = arith.constant 24 : i32
    %dma_start3A_276 = arith.constant 0 : i32
    %dma_start3A_277 = tpu.memref_slice %arg9[%add3A_270, %dma_start3A_275, %dma_start3A_276] : memref<1024x32x512xf32, #tpu.memory_space<hbm>> -> memref<1x4x512xf32, #tpu.memory_space<hbm>>
    %dma_start3A_278 = tpu.memref_squeeze %dma_start3A_277 : memref<1x4x512xf32, #tpu.memory_space<hbm>> -> memref<4x512xf32, #tpu.memory_space<hbm>>
    %dma_start3A_279 = arith.constant 24 : i32
    %dma_start3A_280 = arith.constant 0 : i32
    %dma_start3A_281 = tpu.memref_slice %arg9[%add3A_270, %dma_start3A_279, %dma_start3A_280] : memref<1024x32x512xf32, #tpu.memory_space<hbm>> -> memref<1x4x512xf32, #tpu.memory_space<hbm>>
    %dma_start3A_282 = tpu.memref_squeeze %dma_start3A_281 : memref<1x4x512xf32, #tpu.memory_space<hbm>> -> memref<4x512xf32, #tpu.memory_space<hbm>>
    %dma_start3A_283 = arith.constant 0 : i32
    %dma_start3A_284 = arith.constant 0 : i32
    %dma_start3A_285 = tpu.memref_slice %arg15[%reduce_sum3A_268, %dma_start3A_283, %dma_start3A_284] : memref<9x4x512xf32, #tpu.memory_space<vmem>> -> memref<1x4x512xf32, #tpu.memory_space<vmem>>
    %dma_start3A_286 = tpu.memref_squeeze %dma_start3A_285 : memref<1x4x512xf32, #tpu.memory_space<vmem>> -> memref<4x512xf32, #tpu.memory_space<vmem>>
    tpu.enqueue_dma source(%dma_start3A_286 : memref<4x512xf32, #tpu.memory_space<vmem>>) target(%dma_start3A_282 : memref<4x512xf32, #tpu.memory_space<hbm>>) target_semaphore(%arg19 : memref<!tpu.dma_semaphore, #tpu.memory_space<semaphore_mem>>)
    %get3A_287 = arith.constant 0 : index
    %get3A_288 = tpu.vector_load %arg13[%get3A_287] {strides = array<i32>} : memref<32xi32, #tpu.memory_space<vmem>>, vector<16xi32>,
    %eq3A_289 = arith.constant 5 : i32
    %eq3A_290 = vector.broadcast %eq3A_289 : i32 to vector<16xi32>
    %eq3A_291 = arith.cmpi eq, %iota3A, %eq3A_290 : vector<16xi32>
    %jit3A_292 = arith.constant 0 : i32
    %broadcast_in_dim3A_293 = vector.broadcast %jit3A_292 : i32 to vector<16xi32>
    %select_n3A_294 = arith.select %eq3A_291, %get3A_288, %broadcast_in_dim3A_293 : vector<16xi1>, vector<16xi32>
    %reduce_sum3A_295 = arith.constant true
    %reduce_sum3A_296 = vector.broadcast %reduce_sum3A_295 : i1 to vector<16xi1>
    %reduce_sum3A_297 = tpu.scan <sum>, %select_n3A_294 masked %reduce_sum3A_296 : vector<16xi32>, vector<16xi1> -> vector<16xi32>
    %reduce_sum3A_298 = vector.extract %reduce_sum3A_297[15] : i32 from vector<16xi32>
    %add3A_299 = arith.constant 5 : i32
    %add3A_300 = arith.addi %add3A_6, %add3A_299 : i32
    %dma_start3A_301 = arith.constant 16 : i32
    %dma_start3A_302 = arith.constant 0 : i32
    %dma_start3A_303 = tpu.memref_slice %arg9[%add3A_300, %dma_start3A_301, %dma_start3A_302] : memref<1024x32x512xf32, #tpu.memory_space<hbm>> -> memref<1x8x512xf32, #tpu.memory_space<hbm>>
    %dma_start3A_304 = tpu.memref_squeeze %dma_start3A_303 : memref<1x8x512xf32, #tpu.memory_space<hbm>> -> memref<8x512xf32, #tpu.memory_space<hbm>>
    %dma_start3A_305 = arith.constant 0 : i32
    %dma_start3A_306 = arith.constant 0 : i32
    %dma_start3A_307 = tpu.memref_slice %arg11[%reduce_sum3A_298, %dma_start3A_305, %dma_start3A_306] : memref<20x8x512xf32, #tpu.memory_space<vmem_shared>> -> memref<1x8x512xf32, #tpu.memory_space<vmem_shared>>
    %dma_start3A_308 = tpu.memref_squeeze %dma_start3A_307 : memref<1x8x512xf32, #tpu.memory_space<vmem_shared>> -> memref<8x512xf32, #tpu.memory_space<vmem_shared>>
    tpu.enqueue_dma source(%dma_start3A_308 : memref<8x512xf32, #tpu.memory_space<vmem_shared>>) target(%dma_start3A_304 : memref<8x512xf32, #tpu.memory_space<hbm>>) target_semaphore(%arg18 : memref<!tpu.dma_semaphore, #tpu.memory_space<semaphore_mem>>)
    %get3A_309 = arith.constant 0 : index
    %get3A_310 = tpu.vector_load %arg14[%get3A_309] {strides = array<i32>} : memref<32xi32, #tpu.memory_space<vmem>>, vector<16xi32>,
    %eq3A_311 = arith.constant 5 : i32
    %eq3A_312 = vector.broadcast %eq3A_311 : i32 to vector<16xi32>
    %eq3A_313 = arith.cmpi eq, %iota3A, %eq3A_312 : vector<16xi32>
    %jit3A_314 = arith.constant 0 : i32
    %broadcast_in_dim3A_315 = vector.broadcast %jit3A_314 : i32 to vector<16xi32>
    %select_n3A_316 = arith.select %eq3A_313, %get3A_310, %broadcast_in_dim3A_315 : vector<16xi1>, vector<16xi32>
    %reduce_sum3A_317 = arith.constant true
    %reduce_sum3A_318 = vector.broadcast %reduce_sum3A_317 : i1 to vector<16xi1>
    %reduce_sum3A_319 = tpu.scan <sum>, %select_n3A_316 masked %reduce_sum3A_318 : vector<16xi32>, vector<16xi1> -> vector<16xi32>
    %reduce_sum3A_320 = vector.extract %reduce_sum3A_319[15] : i32 from vector<16xi32>
    %add3A_321 = arith.constant 5 : i32
    %add3A_322 = arith.addi %add3A_6, %add3A_321 : i32
    %dma_start3A_323 = arith.constant 0 : i32
    %dma_start3A_324 = arith.constant 0 : i32
    %dma_start3A_325 = tpu.memref_slice %arg15[%reduce_sum3A_320, %dma_start3A_323, %dma_start3A_324] : memref<9x4x512xf32, #tpu.memory_space<vmem>> -> memref<1x4x512xf32, #tpu.memory_space<vmem>>
    %dma_start3A_326 = tpu.memref_squeeze %dma_start3A_325 : memref<1x4x512xf32, #tpu.memory_space<vmem>> -> memref<4x512xf32, #tpu.memory_space<vmem>>
    %dma_start3A_327 = arith.constant 24 : i32
    %dma_start3A_328 = arith.constant 0 : i32
    %dma_start3A_329 = tpu.memref_slice %arg9[%add3A_322, %dma_start3A_327, %dma_start3A_328] : memref<1024x32x512xf32, #tpu.memory_space<hbm>> -> memref<1x4x512xf32, #tpu.memory_space<hbm>>
    %dma_start3A_330 = tpu.memref_squeeze %dma_start3A_329 : memref<1x4x512xf32, #tpu.memory_space<hbm>> -> memref<4x512xf32, #tpu.memory_space<hbm>>
    %dma_start3A_331 = arith.constant 24 : i32
    %dma_start3A_332 = arith.constant 0 : i32
    %dma_start3A_333 = tpu.memref_slice %arg9[%add3A_322, %dma_start3A_331, %dma_start3A_332] : memref<1024x32x512xf32, #tpu.memory_space<hbm>> -> memref<1x4x512xf32, #tpu.memory_space<hbm>>
    %dma_start3A_334 = tpu.memref_squeeze %dma_start3A_333 : memref<1x4x512xf32, #tpu.memory_space<hbm>> -> memref<4x512xf32, #tpu.memory_space<hbm>>
    %dma_start3A_335 = arith.constant 0 : i32
    %dma_start3A_336 = arith.constant 0 : i32
    %dma_start3A_337 = tpu.memref_slice %arg15[%reduce_sum3A_320, %dma_start3A_335, %dma_start3A_336] : memref<9x4x512xf32, #tpu.memory_space<vmem>> -> memref<1x4x512xf32, #tpu.memory_space<vmem>>
    %dma_start3A_338 = tpu.memref_squeeze %dma_start3A_337 : memref<1x4x512xf32, #tpu.memory_space<vmem>> -> memref<4x512xf32, #tpu.memory_space<vmem>>
    tpu.enqueue_dma source(%dma_start3A_338 : memref<4x512xf32, #tpu.memory_space<vmem>>) target(%dma_start3A_334 : memref<4x512xf32, #tpu.memory_space<hbm>>) target_semaphore(%arg19 : memref<!tpu.dma_semaphore, #tpu.memory_space<semaphore_mem>>)
    %get3A_339 = arith.constant 0 : index
    %get3A_340 = tpu.vector_load %arg13[%get3A_339] {strides = array<i32>} : memref<32xi32, #tpu.memory_space<vmem>>, vector<16xi32>,
    %eq3A_341 = arith.constant 6 : i32
    %eq3A_342 = vector.broadcast %eq3A_341 : i32 to vector<16xi32>
    %eq3A_343 = arith.cmpi eq, %iota3A, %eq3A_342 : vector<16xi32>
    %jit3A_344 = arith.constant 0 : i32
    %broadcast_in_dim3A_345 = vector.broadcast %jit3A_344 : i32 to vector<16xi32>
    %select_n3A_346 = arith.select %eq3A_343, %get3A_340, %broadcast_in_dim3A_345 : vector<16xi1>, vector<16xi32>
    %reduce_sum3A_347 = arith.constant true
    %reduce_sum3A_348 = vector.broadcast %reduce_sum3A_347 : i1 to vector<16xi1>
    %reduce_sum3A_349 = tpu.scan <sum>, %select_n3A_346 masked %reduce_sum3A_348 : vector<16xi32>, vector<16xi1> -> vector<16xi32>
    %reduce_sum3A_350 = vector.extract %reduce_sum3A_349[15] : i32 from vector<16xi32>
    %add3A_351 = arith.constant 6 : i32
    %add3A_352 = arith.addi %add3A_6, %add3A_351 : i32
    %dma_start3A_353 = arith.constant 16 : i32
    %dma_start3A_354 = arith.constant 0 : i32
    %dma_start3A_355 = tpu.memref_slice %arg9[%add3A_352, %dma_start3A_353, %dma_start3A_354] : memref<1024x32x512xf32, #tpu.memory_space<hbm>> -> memref<1x8x512xf32, #tpu.memory_space<hbm>>
    %dma_start3A_356 = tpu.memref_squeeze %dma_start3A_355 : memref<1x8x512xf32, #tpu.memory_space<hbm>> -> memref<8x512xf32, #tpu.memory_space<hbm>>
    %dma_start3A_357 = arith.constant 0 : i32
    %dma_start3A_358 = arith.constant 0 : i32
    %dma_start3A_359 = tpu.memref_slice %arg11[%reduce_sum3A_350, %dma_start3A_357, %dma_start3A_358] : memref<20x8x512xf32, #tpu.memory_space<vmem_shared>> -> memref<1x8x512xf32, #tpu.memory_space<vmem_shared>>
    %dma_start3A_360 = tpu.memref_squeeze %dma_start3A_359 : memref<1x8x512xf32, #tpu.memory_space<vmem_shared>> -> memref<8x512xf32, #tpu.memory_space<vmem_shared>>
    tpu.enqueue_dma source(%dma_start3A_360 : memref<8x512xf32, #tpu.memory_space<vmem_shared>>) target(%dma_start3A_356 : memref<8x512xf32, #tpu.memory_space<hbm>>) target_semaphore(%arg18 : memref<!tpu.dma_semaphore, #tpu.memory_space<semaphore_mem>>)
    %get3A_361 = arith.constant 0 : index
    %get3A_362 = tpu.vector_load %arg14[%get3A_361] {strides = array<i32>} : memref<32xi32, #tpu.memory_space<vmem>>, vector<16xi32>,
    %eq3A_363 = arith.constant 6 : i32
    %eq3A_364 = vector.broadcast %eq3A_363 : i32 to vector<16xi32>
    %eq3A_365 = arith.cmpi eq, %iota3A, %eq3A_364 : vector<16xi32>
    %jit3A_366 = arith.constant 0 : i32
    %broadcast_in_dim3A_367 = vector.broadcast %jit3A_366 : i32 to vector<16xi32>
    %select_n3A_368 = arith.select %eq3A_365, %get3A_362, %broadcast_in_dim3A_367 : vector<16xi1>, vector<16xi32>
    %reduce_sum3A_369 = arith.constant true
    %reduce_sum3A_370 = vector.broadcast %reduce_sum3A_369 : i1 to vector<16xi1>
    %reduce_sum3A_371 = tpu.scan <sum>, %select_n3A_368 masked %reduce_sum3A_370 : vector<16xi32>, vector<16xi1> -> vector<16xi32>
    %reduce_sum3A_372 = vector.extract %reduce_sum3A_371[15] : i32 from vector<16xi32>
    %add3A_373 = arith.constant 6 : i32
    %add3A_374 = arith.addi %add3A_6, %add3A_373 : i32
    %dma_start3A_375 = arith.constant 0 : i32
    %dma_start3A_376 = arith.constant 0 : i32
    %dma_start3A_377 = tpu.memref_slice %arg15[%reduce_sum3A_372, %dma_start3A_375, %dma_start3A_376] : memref<9x4x512xf32, #tpu.memory_space<vmem>> -> memref<1x4x512xf32, #tpu.memory_space<vmem>>
    %dma_start3A_378 = tpu.memref_squeeze %dma_start3A_377 : memref<1x4x512xf32, #tpu.memory_space<vmem>> -> memref<4x512xf32, #tpu.memory_space<vmem>>
    %dma_start3A_379 = arith.constant 24 : i32
    %dma_start3A_380 = arith.constant 0 : i32
    %dma_start3A_381 = tpu.memref_slice %arg9[%add3A_374, %dma_start3A_379, %dma_start3A_380] : memref<1024x32x512xf32, #tpu.memory_space<hbm>> -> memref<1x4x512xf32, #tpu.memory_space<hbm>>
    %dma_start3A_382 = tpu.memref_squeeze %dma_start3A_381 : memref<1x4x512xf32, #tpu.memory_space<hbm>> -> memref<4x512xf32, #tpu.memory_space<hbm>>
    %dma_start3A_383 = arith.constant 24 : i32
    %dma_start3A_384 = arith.constant 0 : i32
    %dma_start3A_385 = tpu.memref_slice %arg9[%add3A_374, %dma_start3A_383, %dma_start3A_384] : memref<1024x32x512xf32, #tpu.memory_space<hbm>> -> memref<1x4x512xf32, #tpu.memory_space<hbm>>
    %dma_start3A_386 = tpu.memref_squeeze %dma_start3A_385 : memref<1x4x512xf32, #tpu.memory_space<hbm>> -> memref<4x512xf32, #tpu.memory_space<hbm>>
    %dma_start3A_387 = arith.constant 0 : i32
    %dma_start3A_388 = arith.constant 0 : i32
    %dma_start3A_389 = tpu.memref_slice %arg15[%reduce_sum3A_372, %dma_start3A_387, %dma_start3A_388] : memref<9x4x512xf32, #tpu.memory_space<vmem>> -> memref<1x4x512xf32, #tpu.memory_space<vmem>>
    %dma_start3A_390 = tpu.memref_squeeze %dma_start3A_389 : memref<1x4x512xf32, #tpu.memory_space<vmem>> -> memref<4x512xf32, #tpu.memory_space<vmem>>
    tpu.enqueue_dma source(%dma_start3A_390 : memref<4x512xf32, #tpu.memory_space<vmem>>) target(%dma_start3A_386 : memref<4x512xf32, #tpu.memory_space<hbm>>) target_semaphore(%arg19 : memref<!tpu.dma_semaphore, #tpu.memory_space<semaphore_mem>>)
    %get3A_391 = arith.constant 0 : index
    %get3A_392 = tpu.vector_load %arg13[%get3A_391] {strides = array<i32>} : memref<32xi32, #tpu.memory_space<vmem>>, vector<16xi32>,
    %eq3A_393 = arith.constant 7 : i32
    %eq3A_394 = vector.broadcast %eq3A_393 : i32 to vector<16xi32>
    %eq3A_395 = arith.cmpi eq, %iota3A, %eq3A_394 : vector<16xi32>
    %jit3A_396 = arith.constant 0 : i32
    %broadcast_in_dim3A_397 = vector.broadcast %jit3A_396 : i32 to vector<16xi32>
    %select_n3A_398 = arith.select %eq3A_395, %get3A_392, %broadcast_in_dim3A_397 : vector<16xi1>, vector<16xi32>
    %reduce_sum3A_399 = arith.constant true
    %reduce_sum3A_400 = vector.broadcast %reduce_sum3A_399 : i1 to vector<16xi1>
    %reduce_sum3A_401 = tpu.scan <sum>, %select_n3A_398 masked %reduce_sum3A_400 : vector<16xi32>, vector<16xi1> -> vector<16xi32>
    %reduce_sum3A_402 = vector.extract %reduce_sum3A_401[15] : i32 from vector<16xi32>
    %add3A_403 = arith.constant 7 : i32
    %add3A_404 = arith.addi %add3A_6, %add3A_403 : i32
    %dma_start3A_405 = arith.constant 16 : i32
    %dma_start3A_406 = arith.constant 0 : i32
    %dma_start3A_407 = tpu.memref_slice %arg9[%add3A_404, %dma_start3A_405, %dma_start3A_406] : memref<1024x32x512xf32, #tpu.memory_space<hbm>> -> memref<1x8x512xf32, #tpu.memory_space<hbm>>
    %dma_start3A_408 = tpu.memref_squeeze %dma_start3A_407 : memref<1x8x512xf32, #tpu.memory_space<hbm>> -> memref<8x512xf32, #tpu.memory_space<hbm>>
    %dma_start3A_409 = arith.constant 0 : i32
    %dma_start3A_410 = arith.constant 0 : i32
    %dma_start3A_411 = tpu.memref_slice %arg11[%reduce_sum3A_402, %dma_start3A_409, %dma_start3A_410] : memref<20x8x512xf32, #tpu.memory_space<vmem_shared>> -> memref<1x8x512xf32, #tpu.memory_space<vmem_shared>>
    %dma_start3A_412 = tpu.memref_squeeze %dma_start3A_411 : memref<1x8x512xf32, #tpu.memory_space<vmem_shared>> -> memref<8x512xf32, #tpu.memory_space<vmem_shared>>
    tpu.enqueue_dma source(%dma_start3A_412 : memref<8x512xf32, #tpu.memory_space<vmem_shared>>) target(%dma_start3A_408 : memref<8x512xf32, #tpu.memory_space<hbm>>) target_semaphore(%arg18 : memref<!tpu.dma_semaphore, #tpu.memory_space<semaphore_mem>>)
    %get3A_413 = arith.constant 0 : index
    %get3A_414 = tpu.vector_load %arg14[%get3A_413] {strides = array<i32>} : memref<32xi32, #tpu.memory_space<vmem>>, vector<16xi32>,
    %eq3A_415 = arith.constant 7 : i32
    %eq3A_416 = vector.broadcast %eq3A_415 : i32 to vector<16xi32>
    %eq3A_417 = arith.cmpi eq, %iota3A, %eq3A_416 : vector<16xi32>
    %jit3A_418 = arith.constant 0 : i32
    %broadcast_in_dim3A_419 = vector.broadcast %jit3A_418 : i32 to vector<16xi32>
    %select_n3A_420 = arith.select %eq3A_417, %get3A_414, %broadcast_in_dim3A_419 : vector<16xi1>, vector<16xi32>
    %reduce_sum3A_421 = arith.constant true
    %reduce_sum3A_422 = vector.broadcast %reduce_sum3A_421 : i1 to vector<16xi1>
    %reduce_sum3A_423 = tpu.scan <sum>, %select_n3A_420 masked %reduce_sum3A_422 : vector<16xi32>, vector<16xi1> -> vector<16xi32>
    %reduce_sum3A_424 = vector.extract %reduce_sum3A_423[15] : i32 from vector<16xi32>
    %add3A_425 = arith.constant 7 : i32
    %add3A_426 = arith.addi %add3A_6, %add3A_425 : i32
    %dma_start3A_427 = arith.constant 0 : i32
    %dma_start3A_428 = arith.constant 0 : i32
    %dma_start3A_429 = tpu.memref_slice %arg15[%reduce_sum3A_424, %dma_start3A_427, %dma_start3A_428] : memref<9x4x512xf32, #tpu.memory_space<vmem>> -> memref<1x4x512xf32, #tpu.memory_space<vmem>>
    %dma_start3A_430 = tpu.memref_squeeze %dma_start3A_429 : memref<1x4x512xf32, #tpu.memory_space<vmem>> -> memref<4x512xf32, #tpu.memory_space<vmem>>
    %dma_start3A_431 = arith.constant 24 : i32
    %dma_start3A_432 = arith.constant 0 : i32
    %dma_start3A_433 = tpu.memref_slice %arg9[%add3A_426, %dma_start3A_431, %dma_start3A_432] : memref<1024x32x512xf32, #tpu.memory_space<hbm>> -> memref<1x4x512xf32, #tpu.memory_space<hbm>>
    %dma_start3A_434 = tpu.memref_squeeze %dma_start3A_433 : memref<1x4x512xf32, #tpu.memory_space<hbm>> -> memref<4x512xf32, #tpu.memory_space<hbm>>
    %dma_start3A_435 = arith.constant 24 : i32
    %dma_start3A_436 = arith.constant 0 : i32
    %dma_start3A_437 = tpu.memref_slice %arg9[%add3A_426, %dma_start3A_435, %dma_start3A_436] : memref<1024x32x512xf32, #tpu.memory_space<hbm>> -> memref<1x4x512xf32, #tpu.memory_space<hbm>>
    %dma_start3A_438 = tpu.memref_squeeze %dma_start3A_437 : memref<1x4x512xf32, #tpu.memory_space<hbm>> -> memref<4x512xf32, #tpu.memory_space<hbm>>
    %dma_start3A_439 = arith.constant 0 : i32
    %dma_start3A_440 = arith.constant 0 : i32
    %dma_start3A_441 = tpu.memref_slice %arg15[%reduce_sum3A_424, %dma_start3A_439, %dma_start3A_440] : memref<9x4x512xf32, #tpu.memory_space<vmem>> -> memref<1x4x512xf32, #tpu.memory_space<vmem>>
    %dma_start3A_442 = tpu.memref_squeeze %dma_start3A_441 : memref<1x4x512xf32, #tpu.memory_space<vmem>> -> memref<4x512xf32, #tpu.memory_space<vmem>>
    tpu.enqueue_dma source(%dma_start3A_442 : memref<4x512xf32, #tpu.memory_space<vmem>>) target(%dma_start3A_438 : memref<4x512xf32, #tpu.memory_space<hbm>>) target_semaphore(%arg19 : memref<!tpu.dma_semaphore, #tpu.memory_space<semaphore_mem>>)
    %dma_wait3A = arith.constant 0 : i32
    %dma_wait3A_443 = tpu.memref_slice %arg12[%dma_wait3A] : memref<32xi32, #tpu.memory_space<vmem>> -> memref<8xi32, #tpu.memory_space<vmem>>
    %dma_wait3A_444 = arith.constant 0 : i32
    %dma_wait3A_445 = arith.constant 0 : i32
    %dma_wait3A_446 = arith.constant 0 : i32
    %dma_wait3A_447 = tpu.memref_slice %arg5[%dma_wait3A_444, %dma_wait3A_445, %dma_wait3A_446] : memref<100000x4x512xf32, #tpu.memory_space<hbm>> -> memref<100000x4x512xf32, #tpu.memory_space<hbm>>
    tpu.wait_indirect_dma semaphore(%arg17 : memref<!tpu.dma_semaphore, #tpu.memory_space<semaphore_mem>>) src(%dma_wait3A_447 : memref<100000x4x512xf32, #tpu.memory_space<hbm>>) dst(%arg16 : memref<8x4x512xf32, #tpu.memory_space<vmem>>)
    %dma_start3A_448 = arith.constant 28 : i32
    %dma_start3A_449 = arith.constant 0 : i32
    %dma_start3A_450 = tpu.memref_slice %arg9[%add3A_6, %dma_start3A_448, %dma_start3A_449] : memref<1024x32x512xf32, #tpu.memory_space<hbm>> -> memref<8x4x512xf32, #tpu.memory_space<hbm>>
    %dma_start3A_451 = arith.constant 28 : i32
    %dma_start3A_452 = arith.constant 0 : i32
    %dma_start3A_453 = tpu.memref_slice %arg9[%add3A_6, %dma_start3A_451, %dma_start3A_452] : memref<1024x32x512xf32, #tpu.memory_space<hbm>> -> memref<8x4x512xf32, #tpu.memory_space<hbm>>
    tpu.enqueue_dma source(%arg16 : memref<8x4x512xf32, #tpu.memory_space<vmem>>) target(%dma_start3A_453 : memref<8x4x512xf32, #tpu.memory_space<hbm>>) target_semaphore(%arg18 : memref<!tpu.dma_semaphore, #tpu.memory_space<semaphore_mem>>)
    %dma_wait3A_454 = arith.constant 0 : i32
    %dma_wait3A_455 = arith.constant 0 : i32
    %dma_wait3A_456 = tpu.memref_slice %arg9[%add3A_13, %dma_wait3A_454, %dma_wait3A_455] : memref<1024x32x512xf32, #tpu.memory_space<hbm>> -> memref<2x16x512xf32, #tpu.memory_space<hbm>>
    tpu.wait_dma2 semaphore(%arg19 : memref<!tpu.dma_semaphore, #tpu.memory_space<semaphore_mem>>) src(%arg10 : memref<2x16x512xf32, #tpu.memory_space<vmem_shared>>) dst(%dma_wait3A_456 : memref<2x16x512xf32, #tpu.memory_space<hbm>>)
    %dma_wait3A_457 = arith.constant 0 : i32
    %dma_wait3A_458 = arith.constant 0 : i32
    %dma_wait3A_459 = tpu.memref_slice %arg9[%add3A_18, %dma_wait3A_457, %dma_wait3A_458] : memref<1024x32x512xf32, #tpu.memory_space<hbm>> -> memref<2x16x512xf32, #tpu.memory_space<hbm>>
    tpu.wait_dma2 semaphore(%arg19 : memref<!tpu.dma_semaphore, #tpu.memory_space<semaphore_mem>>) src(%arg10 : memref<2x16x512xf32, #tpu.memory_space<vmem_shared>>) dst(%dma_wait3A_459 : memref<2x16x512xf32, #tpu.memory_space<hbm>>)
    %dma_wait3A_460 = arith.constant 0 : i32
    %dma_wait3A_461 = arith.constant 0 : i32
    %dma_wait3A_462 = tpu.memref_slice %arg9[%add3A_23, %dma_wait3A_460, %dma_wait3A_461] : memref<1024x32x512xf32, #tpu.memory_space<hbm>> -> memref<2x16x512xf32, #tpu.memory_space<hbm>>
    tpu.wait_dma2 semaphore(%arg19 : memref<!tpu.dma_semaphore, #tpu.memory_space<semaphore_mem>>) src(%arg10 : memref<2x16x512xf32, #tpu.memory_space<vmem_shared>>) dst(%dma_wait3A_462 : memref<2x16x512xf32, #tpu.memory_space<hbm>>)
    %dma_wait3A_463 = arith.constant 0 : i32
    %dma_wait3A_464 = arith.constant 0 : i32
    %dma_wait3A_465 = tpu.memref_slice %arg9[%add3A_28, %dma_wait3A_463, %dma_wait3A_464] : memref<1024x32x512xf32, #tpu.memory_space<hbm>> -> memref<2x16x512xf32, #tpu.memory_space<hbm>>
    tpu.wait_dma2 semaphore(%arg19 : memref<!tpu.dma_semaphore, #tpu.memory_space<semaphore_mem>>) src(%arg10 : memref<2x16x512xf32, #tpu.memory_space<vmem_shared>>) dst(%dma_wait3A_465 : memref<2x16x512xf32, #tpu.memory_space<hbm>>)
    %dma_wait3A_466 = arith.constant 16 : i32
    %dma_wait3A_467 = arith.constant 0 : i32
    %dma_wait3A_468 = tpu.memref_slice %arg9[%add3A_40, %dma_wait3A_466, %dma_wait3A_467] : memref<1024x32x512xf32, #tpu.memory_space<hbm>> -> memref<1x8x512xf32, #tpu.memory_space<hbm>>
    %dma_wait3A_469 = tpu.memref_squeeze %dma_wait3A_468 : memref<1x8x512xf32, #tpu.memory_space<hbm>> -> memref<8x512xf32, #tpu.memory_space<hbm>>
    %dma_wait3A_470 = arith.constant 0 : i32
    %dma_wait3A_471 = arith.constant 0 : i32
    %dma_wait3A_472 = tpu.memref_slice %arg11[%reduce_sum3A_38, %dma_wait3A_470, %dma_wait3A_471] : memref<20x8x512xf32, #tpu.memory_space<vmem_shared>> -> memref<1x8x512xf32, #tpu.memory_space<vmem_shared>>
    %dma_wait3A_473 = tpu.memref_squeeze %dma_wait3A_472 : memref<1x8x512xf32, #tpu.memory_space<vmem_shared>> -> memref<8x512xf32, #tpu.memory_space<vmem_shared>>
    tpu.wait_dma2 semaphore(%arg18 : memref<!tpu.dma_semaphore, #tpu.memory_space<semaphore_mem>>) src(%dma_wait3A_473 : memref<8x512xf32, #tpu.memory_space<vmem_shared>>) dst(%dma_wait3A_469 : memref<8x512xf32, #tpu.memory_space<hbm>>)
    %dma_wait3A_474 = arith.constant 0 : i32
    %dma_wait3A_475 = arith.constant 0 : i32
    %dma_wait3A_476 = tpu.memref_slice %arg15[%reduce_sum3A_60, %dma_wait3A_474, %dma_wait3A_475] : memref<9x4x512xf32, #tpu.memory_space<vmem>> -> memref<1x4x512xf32, #tpu.memory_space<vmem>>
    %dma_wait3A_477 = tpu.memref_squeeze %dma_wait3A_476 : memref<1x4x512xf32, #tpu.memory_space<vmem>> -> memref<4x512xf32, #tpu.memory_space<vmem>>
    %dma_wait3A_478 = arith.constant 24 : i32
    %dma_wait3A_479 = arith.constant 0 : i32
    %dma_wait3A_480 = tpu.memref_slice %arg9[%add3A_62, %dma_wait3A_478, %dma_wait3A_479] : memref<1024x32x512xf32, #tpu.memory_space<hbm>> -> memref<1x4x512xf32, #tpu.memory_space<hbm>>
    %dma_wait3A_481 = tpu.memref_squeeze %dma_wait3A_480 : memref<1x4x512xf32, #tpu.memory_space<hbm>> -> memref<4x512xf32, #tpu.memory_space<hbm>>
    %dma_wait3A_482 = arith.constant 24 : i32
    %dma_wait3A_483 = arith.constant 0 : i32
    %dma_wait3A_484 = tpu.memref_slice %arg9[%add3A_62, %dma_wait3A_482, %dma_wait3A_483] : memref<1024x32x512xf32, #tpu.memory_space<hbm>> -> memref<1x4x512xf32, #tpu.memory_space<hbm>>
    %dma_wait3A_485 = tpu.memref_squeeze %dma_wait3A_484 : memref<1x4x512xf32, #tpu.memory_space<hbm>> -> memref<4x512xf32, #tpu.memory_space<hbm>>
    %dma_wait3A_486 = arith.constant 0 : i32
    %dma_wait3A_487 = arith.constant 0 : i32
    %dma_wait3A_488 = tpu.memref_slice %arg15[%reduce_sum3A_60, %dma_wait3A_486, %dma_wait3A_487] : memref<9x4x512xf32, #tpu.memory_space<vmem>> -> memref<1x4x512xf32, #tpu.memory_space<vmem>>
    %dma_wait3A_489 = tpu.memref_squeeze %dma_wait3A_488 : memref<1x4x512xf32, #tpu.memory_space<vmem>> -> memref<4x512xf32, #tpu.memory_space<vmem>>
    tpu.wait_dma2 semaphore(%arg19 : memref<!tpu.dma_semaphore, #tpu.memory_space<semaphore_mem>>) src(%dma_wait3A_489 : memref<4x512xf32, #tpu.memory_space<vmem>>) dst(%dma_wait3A_485 : memref<4x512xf32, #tpu.memory_space<hbm>>)
    %dma_wait3A_490 = arith.constant 16 : i32
    %dma_wait3A_491 = arith.constant 0 : i32
    %dma_wait3A_492 = tpu.memref_slice %arg9[%add3A_92, %dma_wait3A_490, %dma_wait3A_491] : memref<1024x32x512xf32, #tpu.memory_space<hbm>> -> memref<1x8x512xf32, #tpu.memory_space<hbm>>
    %dma_wait3A_493 = tpu.memref_squeeze %dma_wait3A_492 : memref<1x8x512xf32, #tpu.memory_space<hbm>> -> memref<8x512xf32, #tpu.memory_space<hbm>>
    %dma_wait3A_494 = arith.constant 0 : i32
    %dma_wait3A_495 = arith.constant 0 : i32
    %dma_wait3A_496 = tpu.memref_slice %arg11[%reduce_sum3A_90, %dma_wait3A_494, %dma_wait3A_495] : memref<20x8x512xf32, #tpu.memory_space<vmem_shared>> -> memref<1x8x512xf32, #tpu.memory_space<vmem_shared>>
    %dma_wait3A_497 = tpu.memref_squeeze %dma_wait3A_496 : memref<1x8x512xf32, #tpu.memory_space<vmem_shared>> -> memref<8x512xf32, #tpu.memory_space<vmem_shared>>
    tpu.wait_dma2 semaphore(%arg18 : memref<!tpu.dma_semaphore, #tpu.memory_space<semaphore_mem>>) src(%dma_wait3A_497 : memref<8x512xf32, #tpu.memory_space<vmem_shared>>) dst(%dma_wait3A_493 : memref<8x512xf32, #tpu.memory_space<hbm>>)
    %dma_wait3A_498 = arith.constant 0 : i32
    %dma_wait3A_499 = arith.constant 0 : i32
    %dma_wait3A_500 = tpu.memref_slice %arg15[%reduce_sum3A_112, %dma_wait3A_498, %dma_wait3A_499] : memref<9x4x512xf32, #tpu.memory_space<vmem>> -> memref<1x4x512xf32, #tpu.memory_space<vmem>>
    %dma_wait3A_501 = tpu.memref_squeeze %dma_wait3A_500 : memref<1x4x512xf32, #tpu.memory_space<vmem>> -> memref<4x512xf32, #tpu.memory_space<vmem>>
    %dma_wait3A_502 = arith.constant 24 : i32
    %dma_wait3A_503 = arith.constant 0 : i32
    %dma_wait3A_504 = tpu.memref_slice %arg9[%add3A_114, %dma_wait3A_502, %dma_wait3A_503] : memref<1024x32x512xf32, #tpu.memory_space<hbm>> -> memref<1x4x512xf32, #tpu.memory_space<hbm>>
    %dma_wait3A_505 = tpu.memref_squeeze %dma_wait3A_504 : memref<1x4x512xf32, #tpu.memory_space<hbm>> -> memref<4x512xf32, #tpu.memory_space<hbm>>
    %dma_wait3A_506 = arith.constant 24 : i32
    %dma_wait3A_507 = arith.constant 0 : i32
    %dma_wait3A_508 = tpu.memref_slice %arg9[%add3A_114, %dma_wait3A_506, %dma_wait3A_507] : memref<1024x32x512xf32, #tpu.memory_space<hbm>> -> memref<1x4x512xf32, #tpu.memory_space<hbm>>
    %dma_wait3A_509 = tpu.memref_squeeze %dma_wait3A_508 : memref<1x4x512xf32, #tpu.memory_space<hbm>> -> memref<4x512xf32, #tpu.memory_space<hbm>>
    %dma_wait3A_510 = arith.constant 0 : i32
    %dma_wait3A_511 = arith.constant 0 : i32
    %dma_wait3A_512 = tpu.memref_slice %arg15[%reduce_sum3A_112, %dma_wait3A_510, %dma_wait3A_511] : memref<9x4x512xf32, #tpu.memory_space<vmem>> -> memref<1x4x512xf32, #tpu.memory_space<vmem>>
    %dma_wait3A_513 = tpu.memref_squeeze %dma_wait3A_512 : memref<1x4x512xf32, #tpu.memory_space<vmem>> -> memref<4x512xf32, #tpu.memory_space<vmem>>
    tpu.wait_dma2 semaphore(%arg19 : memref<!tpu.dma_semaphore, #tpu.memory_space<semaphore_mem>>) src(%dma_wait3A_513 : memref<4x512xf32, #tpu.memory_space<vmem>>) dst(%dma_wait3A_509 : memref<4x512xf32, #tpu.memory_space<hbm>>)
    %dma_wait3A_514 = arith.constant 16 : i32
    %dma_wait3A_515 = arith.constant 0 : i32
    %dma_wait3A_516 = tpu.memref_slice %arg9[%add3A_144, %dma_wait3A_514, %dma_wait3A_515] : memref<1024x32x512xf32, #tpu.memory_space<hbm>> -> memref<1x8x512xf32, #tpu.memory_space<hbm>>
    %dma_wait3A_517 = tpu.memref_squeeze %dma_wait3A_516 : memref<1x8x512xf32, #tpu.memory_space<hbm>> -> memref<8x512xf32, #tpu.memory_space<hbm>>
    %dma_wait3A_518 = arith.constant 0 : i32
    %dma_wait3A_519 = arith.constant 0 : i32
    %dma_wait3A_520 = tpu.memref_slice %arg11[%reduce_sum3A_142, %dma_wait3A_518, %dma_wait3A_519] : memref<20x8x512xf32, #tpu.memory_space<vmem_shared>> -> memref<1x8x512xf32, #tpu.memory_space<vmem_shared>>
    %dma_wait3A_521 = tpu.memref_squeeze %dma_wait3A_520 : memref<1x8x512xf32, #tpu.memory_space<vmem_shared>> -> memref<8x512xf32, #tpu.memory_space<vmem_shared>>
    tpu.wait_dma2 semaphore(%arg18 : memref<!tpu.dma_semaphore, #tpu.memory_space<semaphore_mem>>) src(%dma_wait3A_521 : memref<8x512xf32, #tpu.memory_space<vmem_shared>>) dst(%dma_wait3A_517 : memref<8x512xf32, #tpu.memory_space<hbm>>)
    %dma_wait3A_522 = arith.constant 0 : i32
    %dma_wait3A_523 = arith.constant 0 : i32
    %dma_wait3A_524 = tpu.memref_slice %arg15[%reduce_sum3A_164, %dma_wait3A_522, %dma_wait3A_523] : memref<9x4x512xf32, #tpu.memory_space<vmem>> -> memref<1x4x512xf32, #tpu.memory_space<vmem>>
    %dma_wait3A_525 = tpu.memref_squeeze %dma_wait3A_524 : memref<1x4x512xf32, #tpu.memory_space<vmem>> -> memref<4x512xf32, #tpu.memory_space<vmem>>
    %dma_wait3A_526 = arith.constant 24 : i32
    %dma_wait3A_527 = arith.constant 0 : i32
    %dma_wait3A_528 = tpu.memref_slice %arg9[%add3A_166, %dma_wait3A_526, %dma_wait3A_527] : memref<1024x32x512xf32, #tpu.memory_space<hbm>> -> memref<1x4x512xf32, #tpu.memory_space<hbm>>
    %dma_wait3A_529 = tpu.memref_squeeze %dma_wait3A_528 : memref<1x4x512xf32, #tpu.memory_space<hbm>> -> memref<4x512xf32, #tpu.memory_space<hbm>>
    %dma_wait3A_530 = arith.constant 24 : i32
    %dma_wait3A_531 = arith.constant 0 : i32
    %dma_wait3A_532 = tpu.memref_slice %arg9[%add3A_166, %dma_wait3A_530, %dma_wait3A_531] : memref<1024x32x512xf32, #tpu.memory_space<hbm>> -> memref<1x4x512xf32, #tpu.memory_space<hbm>>
    %dma_wait3A_533 = tpu.memref_squeeze %dma_wait3A_532 : memref<1x4x512xf32, #tpu.memory_space<hbm>> -> memref<4x512xf32, #tpu.memory_space<hbm>>
    %dma_wait3A_534 = arith.constant 0 : i32
    %dma_wait3A_535 = arith.constant 0 : i32
    %dma_wait3A_536 = tpu.memref_slice %arg15[%reduce_sum3A_164, %dma_wait3A_534, %dma_wait3A_535] : memref<9x4x512xf32, #tpu.memory_space<vmem>> -> memref<1x4x512xf32, #tpu.memory_space<vmem>>
    %dma_wait3A_537 = tpu.memref_squeeze %dma_wait3A_536 : memref<1x4x512xf32, #tpu.memory_space<vmem>> -> memref<4x512xf32, #tpu.memory_space<vmem>>
    tpu.wait_dma2 semaphore(%arg19 : memref<!tpu.dma_semaphore, #tpu.memory_space<semaphore_mem>>) src(%dma_wait3A_537 : memref<4x512xf32, #tpu.memory_space<vmem>>) dst(%dma_wait3A_533 : memref<4x512xf32, #tpu.memory_space<hbm>>)
    %dma_wait3A_538 = arith.constant 16 : i32
    %dma_wait3A_539 = arith.constant 0 : i32
    %dma_wait3A_540 = tpu.memref_slice %arg9[%add3A_196, %dma_wait3A_538, %dma_wait3A_539] : memref<1024x32x512xf32, #tpu.memory_space<hbm>> -> memref<1x8x512xf32, #tpu.memory_space<hbm>>
    %dma_wait3A_541 = tpu.memref_squeeze %dma_wait3A_540 : memref<1x8x512xf32, #tpu.memory_space<hbm>> -> memref<8x512xf32, #tpu.memory_space<hbm>>
    %dma_wait3A_542 = arith.constant 0 : i32
    %dma_wait3A_543 = arith.constant 0 : i32
    %dma_wait3A_544 = tpu.memref_slice %arg11[%reduce_sum3A_194, %dma_wait3A_542, %dma_wait3A_543] : memref<20x8x512xf32, #tpu.memory_space<vmem_shared>> -> memref<1x8x512xf32, #tpu.memory_space<vmem_shared>>
    %dma_wait3A_545 = tpu.memref_squeeze %dma_wait3A_544 : memref<1x8x512xf32, #tpu.memory_space<vmem_shared>> -> memref<8x512xf32, #tpu.memory_space<vmem_shared>>
    tpu.wait_dma2 semaphore(%arg18 : memref<!tpu.dma_semaphore, #tpu.memory_space<semaphore_mem>>) src(%dma_wait3A_545 : memref<8x512xf32, #tpu.memory_space<vmem_shared>>) dst(%dma_wait3A_541 : memref<8x512xf32, #tpu.memory_space<hbm>>)
    %dma_wait3A_546 = arith.constant 0 : i32
    %dma_wait3A_547 = arith.constant 0 : i32
    %dma_wait3A_548 = tpu.memref_slice %arg15[%reduce_sum3A_216, %dma_wait3A_546, %dma_wait3A_547] : memref<9x4x512xf32, #tpu.memory_space<vmem>> -> memref<1x4x512xf32, #tpu.memory_space<vmem>>
    %dma_wait3A_549 = tpu.memref_squeeze %dma_wait3A_548 : memref<1x4x512xf32, #tpu.memory_space<vmem>> -> memref<4x512xf32, #tpu.memory_space<vmem>>
    %dma_wait3A_550 = arith.constant 24 : i32
    %dma_wait3A_551 = arith.constant 0 : i32
    %dma_wait3A_552 = tpu.memref_slice %arg9[%add3A_218, %dma_wait3A_550, %dma_wait3A_551] : memref<1024x32x512xf32, #tpu.memory_space<hbm>> -> memref<1x4x512xf32, #tpu.memory_space<hbm>>
    %dma_wait3A_553 = tpu.memref_squeeze %dma_wait3A_552 : memref<1x4x512xf32, #tpu.memory_space<hbm>> -> memref<4x512xf32, #tpu.memory_space<hbm>>
    %dma_wait3A_554 = arith.constant 24 : i32
    %dma_wait3A_555 = arith.constant 0 : i32
    %dma_wait3A_556 = tpu.memref_slice %arg9[%add3A_218, %dma_wait3A_554, %dma_wait3A_555] : memref<1024x32x512xf32, #tpu.memory_space<hbm>> -> memref<1x4x512xf32, #tpu.memory_space<hbm>>
    %dma_wait3A_557 = tpu.memref_squeeze %dma_wait3A_556 : memref<1x4x512xf32, #tpu.memory_space<hbm>> -> memref<4x512xf32, #tpu.memory_space<hbm>>
    %dma_wait3A_558 = arith.constant 0 : i32
    %dma_wait3A_559 = arith.constant 0 : i32
    %dma_wait3A_560 = tpu.memref_slice %arg15[%reduce_sum3A_216, %dma_wait3A_558, %dma_wait3A_559] : memref<9x4x512xf32, #tpu.memory_space<vmem>> -> memref<1x4x512xf32, #tpu.memory_space<vmem>>
    %dma_wait3A_561 = tpu.memref_squeeze %dma_wait3A_560 : memref<1x4x512xf32, #tpu.memory_space<vmem>> -> memref<4x512xf32, #tpu.memory_space<vmem>>
    tpu.wait_dma2 semaphore(%arg19 : memref<!tpu.dma_semaphore, #tpu.memory_space<semaphore_mem>>) src(%dma_wait3A_561 : memref<4x512xf32, #tpu.memory_space<vmem>>) dst(%dma_wait3A_557 : memref<4x512xf32, #tpu.memory_space<hbm>>)
    %dma_wait3A_562 = arith.constant 16 : i32
    %dma_wait3A_563 = arith.constant 0 : i32
    %dma_wait3A_564 = tpu.memref_slice %arg9[%add3A_248, %dma_wait3A_562, %dma_wait3A_563] : memref<1024x32x512xf32, #tpu.memory_space<hbm>> -> memref<1x8x512xf32, #tpu.memory_space<hbm>>
    %dma_wait3A_565 = tpu.memref_squeeze %dma_wait3A_564 : memref<1x8x512xf32, #tpu.memory_space<hbm>> -> memref<8x512xf32, #tpu.memory_space<hbm>>
    %dma_wait3A_566 = arith.constant 0 : i32
    %dma_wait3A_567 = arith.constant 0 : i32
    %dma_wait3A_568 = tpu.memref_slice %arg11[%reduce_sum3A_246, %dma_wait3A_566, %dma_wait3A_567] : memref<20x8x512xf32, #tpu.memory_space<vmem_shared>> -> memref<1x8x512xf32, #tpu.memory_space<vmem_shared>>
    %dma_wait3A_569 = tpu.memref_squeeze %dma_wait3A_568 : memref<1x8x512xf32, #tpu.memory_space<vmem_shared>> -> memref<8x512xf32, #tpu.memory_space<vmem_shared>>
    tpu.wait_dma2 semaphore(%arg18 : memref<!tpu.dma_semaphore, #tpu.memory_space<semaphore_mem>>) src(%dma_wait3A_569 : memref<8x512xf32, #tpu.memory_space<vmem_shared>>) dst(%dma_wait3A_565 : memref<8x512xf32, #tpu.memory_space<hbm>>)
    %dma_wait3A_570 = arith.constant 0 : i32
    %dma_wait3A_571 = arith.constant 0 : i32
    %dma_wait3A_572 = tpu.memref_slice %arg15[%reduce_sum3A_268, %dma_wait3A_570, %dma_wait3A_571] : memref<9x4x512xf32, #tpu.memory_space<vmem>> -> memref<1x4x512xf32, #tpu.memory_space<vmem>>
    %dma_wait3A_573 = tpu.memref_squeeze %dma_wait3A_572 : memref<1x4x512xf32, #tpu.memory_space<vmem>> -> memref<4x512xf32, #tpu.memory_space<vmem>>
    %dma_wait3A_574 = arith.constant 24 : i32
    %dma_wait3A_575 = arith.constant 0 : i32
    %dma_wait3A_576 = tpu.memref_slice %arg9[%add3A_270, %dma_wait3A_574, %dma_wait3A_575] : memref<1024x32x512xf32, #tpu.memory_space<hbm>> -> memref<1x4x512xf32, #tpu.memory_space<hbm>>
    %dma_wait3A_577 = tpu.memref_squeeze %dma_wait3A_576 : memref<1x4x512xf32, #tpu.memory_space<hbm>> -> memref<4x512xf32, #tpu.memory_space<hbm>>
    %dma_wait3A_578 = arith.constant 24 : i32
    %dma_wait3A_579 = arith.constant 0 : i32
    %dma_wait3A_580 = tpu.memref_slice %arg9[%add3A_270, %dma_wait3A_578, %dma_wait3A_579] : memref<1024x32x512xf32, #tpu.memory_space<hbm>> -> memref<1x4x512xf32, #tpu.memory_space<hbm>>
    %dma_wait3A_581 = tpu.memref_squeeze %dma_wait3A_580 : memref<1x4x512xf32, #tpu.memory_space<hbm>> -> memref<4x512xf32, #tpu.memory_space<hbm>>
    %dma_wait3A_582 = arith.constant 0 : i32
    %dma_wait3A_583 = arith.constant 0 : i32
    %dma_wait3A_584 = tpu.memref_slice %arg15[%reduce_sum3A_268, %dma_wait3A_582, %dma_wait3A_583] : memref<9x4x512xf32, #tpu.memory_space<vmem>> -> memref<1x4x512xf32, #tpu.memory_space<vmem>>
    %dma_wait3A_585 = tpu.memref_squeeze %dma_wait3A_584 : memref<1x4x512xf32, #tpu.memory_space<vmem>> -> memref<4x512xf32, #tpu.memory_space<vmem>>
    tpu.wait_dma2 semaphore(%arg19 : memref<!tpu.dma_semaphore, #tpu.memory_space<semaphore_mem>>) src(%dma_wait3A_585 : memref<4x512xf32, #tpu.memory_space<vmem>>) dst(%dma_wait3A_581 : memref<4x512xf32, #tpu.memory_space<hbm>>)
    %dma_wait3A_586 = arith.constant 16 : i32
    %dma_wait3A_587 = arith.constant 0 : i32
    %dma_wait3A_588 = tpu.memref_slice %arg9[%add3A_300, %dma_wait3A_586, %dma_wait3A_587] : memref<1024x32x512xf32, #tpu.memory_space<hbm>> -> memref<1x8x512xf32, #tpu.memory_space<hbm>>
    %dma_wait3A_589 = tpu.memref_squeeze %dma_wait3A_588 : memref<1x8x512xf32, #tpu.memory_space<hbm>> -> memref<8x512xf32, #tpu.memory_space<hbm>>
    %dma_wait3A_590 = arith.constant 0 : i32
    %dma_wait3A_591 = arith.constant 0 : i32
    %dma_wait3A_592 = tpu.memref_slice %arg11[%reduce_sum3A_298, %dma_wait3A_590, %dma_wait3A_591] : memref<20x8x512xf32, #tpu.memory_space<vmem_shared>> -> memref<1x8x512xf32, #tpu.memory_space<vmem_shared>>
    %dma_wait3A_593 = tpu.memref_squeeze %dma_wait3A_592 : memref<1x8x512xf32, #tpu.memory_space<vmem_shared>> -> memref<8x512xf32, #tpu.memory_space<vmem_shared>>
    tpu.wait_dma2 semaphore(%arg18 : memref<!tpu.dma_semaphore, #tpu.memory_space<semaphore_mem>>) src(%dma_wait3A_593 : memref<8x512xf32, #tpu.memory_space<vmem_shared>>) dst(%dma_wait3A_589 : memref<8x512xf32, #tpu.memory_space<hbm>>)
    %dma_wait3A_594 = arith.constant 0 : i32
    %dma_wait3A_595 = arith.constant 0 : i32
    %dma_wait3A_596 = tpu.memref_slice %arg15[%reduce_sum3A_320, %dma_wait3A_594, %dma_wait3A_595] : memref<9x4x512xf32, #tpu.memory_space<vmem>> -> memref<1x4x512xf32, #tpu.memory_space<vmem>>
    %dma_wait3A_597 = tpu.memref_squeeze %dma_wait3A_596 : memref<1x4x512xf32, #tpu.memory_space<vmem>> -> memref<4x512xf32, #tpu.memory_space<vmem>>
    %dma_wait3A_598 = arith.constant 24 : i32
    %dma_wait3A_599 = arith.constant 0 : i32
    %dma_wait3A_600 = tpu.memref_slice %arg9[%add3A_322, %dma_wait3A_598, %dma_wait3A_599] : memref<1024x32x512xf32, #tpu.memory_space<hbm>> -> memref<1x4x512xf32, #tpu.memory_space<hbm>>
    %dma_wait3A_601 = tpu.memref_squeeze %dma_wait3A_600 : memref<1x4x512xf32, #tpu.memory_space<hbm>> -> memref<4x512xf32, #tpu.memory_space<hbm>>
    %dma_wait3A_602 = arith.constant 24 : i32
    %dma_wait3A_603 = arith.constant 0 : i32
    %dma_wait3A_604 = tpu.memref_slice %arg9[%add3A_322, %dma_wait3A_602, %dma_wait3A_603] : memref<1024x32x512xf32, #tpu.memory_space<hbm>> -> memref<1x4x512xf32, #tpu.memory_space<hbm>>
    %dma_wait3A_605 = tpu.memref_squeeze %dma_wait3A_604 : memref<1x4x512xf32, #tpu.memory_space<hbm>> -> memref<4x512xf32, #tpu.memory_space<hbm>>
    %dma_wait3A_606 = arith.constant 0 : i32
    %dma_wait3A_607 = arith.constant 0 : i32
    %dma_wait3A_608 = tpu.memref_slice %arg15[%reduce_sum3A_320, %dma_wait3A_606, %dma_wait3A_607] : memref<9x4x512xf32, #tpu.memory_space<vmem>> -> memref<1x4x512xf32, #tpu.memory_space<vmem>>
    %dma_wait3A_609 = tpu.memref_squeeze %dma_wait3A_608 : memref<1x4x512xf32, #tpu.memory_space<vmem>> -> memref<4x512xf32, #tpu.memory_space<vmem>>
    tpu.wait_dma2 semaphore(%arg19 : memref<!tpu.dma_semaphore, #tpu.memory_space<semaphore_mem>>) src(%dma_wait3A_609 : memref<4x512xf32, #tpu.memory_space<vmem>>) dst(%dma_wait3A_605 : memref<4x512xf32, #tpu.memory_space<hbm>>)
    %dma_wait3A_610 = arith.constant 16 : i32
    %dma_wait3A_611 = arith.constant 0 : i32
    %dma_wait3A_612 = tpu.memref_slice %arg9[%add3A_352, %dma_wait3A_610, %dma_wait3A_611] : memref<1024x32x512xf32, #tpu.memory_space<hbm>> -> memref<1x8x512xf32, #tpu.memory_space<hbm>>
    %dma_wait3A_613 = tpu.memref_squeeze %dma_wait3A_612 : memref<1x8x512xf32, #tpu.memory_space<hbm>> -> memref<8x512xf32, #tpu.memory_space<hbm>>
    %dma_wait3A_614 = arith.constant 0 : i32
    %dma_wait3A_615 = arith.constant 0 : i32
    %dma_wait3A_616 = tpu.memref_slice %arg11[%reduce_sum3A_350, %dma_wait3A_614, %dma_wait3A_615] : memref<20x8x512xf32, #tpu.memory_space<vmem_shared>> -> memref<1x8x512xf32, #tpu.memory_space<vmem_shared>>
    %dma_wait3A_617 = tpu.memref_squeeze %dma_wait3A_616 : memref<1x8x512xf32, #tpu.memory_space<vmem_shared>> -> memref<8x512xf32, #tpu.memory_space<vmem_shared>>
    tpu.wait_dma2 semaphore(%arg18 : memref<!tpu.dma_semaphore, #tpu.memory_space<semaphore_mem>>) src(%dma_wait3A_617 : memref<8x512xf32, #tpu.memory_space<vmem_shared>>) dst(%dma_wait3A_613 : memref<8x512xf32, #tpu.memory_space<hbm>>)
    %dma_wait3A_618 = arith.constant 0 : i32
    %dma_wait3A_619 = arith.constant 0 : i32
    %dma_wait3A_620 = tpu.memref_slice %arg15[%reduce_sum3A_372, %dma_wait3A_618, %dma_wait3A_619] : memref<9x4x512xf32, #tpu.memory_space<vmem>> -> memref<1x4x512xf32, #tpu.memory_space<vmem>>
    %dma_wait3A_621 = tpu.memref_squeeze %dma_wait3A_620 : memref<1x4x512xf32, #tpu.memory_space<vmem>> -> memref<4x512xf32, #tpu.memory_space<vmem>>
    %dma_wait3A_622 = arith.constant 24 : i32
    %dma_wait3A_623 = arith.constant 0 : i32
    %dma_wait3A_624 = tpu.memref_slice %arg9[%add3A_374, %dma_wait3A_622, %dma_wait3A_623] : memref<1024x32x512xf32, #tpu.memory_space<hbm>> -> memref<1x4x512xf32, #tpu.memory_space<hbm>>
    %dma_wait3A_625 = tpu.memref_squeeze %dma_wait3A_624 : memref<1x4x512xf32, #tpu.memory_space<hbm>> -> memref<4x512xf32, #tpu.memory_space<hbm>>
    %dma_wait3A_626 = arith.constant 24 : i32
    %dma_wait3A_627 = arith.constant 0 : i32
    %dma_wait3A_628 = tpu.memref_slice %arg9[%add3A_374, %dma_wait3A_626, %dma_wait3A_627] : memref<1024x32x512xf32, #tpu.memory_space<hbm>> -> memref<1x4x512xf32, #tpu.memory_space<hbm>>
    %dma_wait3A_629 = tpu.memref_squeeze %dma_wait3A_628 : memref<1x4x512xf32, #tpu.memory_space<hbm>> -> memref<4x512xf32, #tpu.memory_space<hbm>>
    %dma_wait3A_630 = arith.constant 0 : i32
    %dma_wait3A_631 = arith.constant 0 : i32
    %dma_wait3A_632 = tpu.memref_slice %arg15[%reduce_sum3A_372, %dma_wait3A_630, %dma_wait3A_631] : memref<9x4x512xf32, #tpu.memory_space<vmem>> -> memref<1x4x512xf32, #tpu.memory_space<vmem>>
    %dma_wait3A_633 = tpu.memref_squeeze %dma_wait3A_632 : memref<1x4x512xf32, #tpu.memory_space<vmem>> -> memref<4x512xf32, #tpu.memory_space<vmem>>
    tpu.wait_dma2 semaphore(%arg19 : memref<!tpu.dma_semaphore, #tpu.memory_space<semaphore_mem>>) src(%dma_wait3A_633 : memref<4x512xf32, #tpu.memory_space<vmem>>) dst(%dma_wait3A_629 : memref<4x512xf32, #tpu.memory_space<hbm>>)
    %dma_wait3A_634 = arith.constant 16 : i32
    %dma_wait3A_635 = arith.constant 0 : i32
    %dma_wait3A_636 = tpu.memref_slice %arg9[%add3A_404, %dma_wait3A_634, %dma_wait3A_635] : memref<1024x32x512xf32, #tpu.memory_space<hbm>> -> memref<1x8x512xf32, #tpu.memory_space<hbm>>
    %dma_wait3A_637 = tpu.memref_squeeze %dma_wait3A_636 : memref<1x8x512xf32, #tpu.memory_space<hbm>> -> memref<8x512xf32, #tpu.memory_space<hbm>>
    %dma_wait3A_638 = arith.constant 0 : i32
    %dma_wait3A_639 = arith.constant 0 : i32
    %dma_wait3A_640 = tpu.memref_slice %arg11[%reduce_sum3A_402, %dma_wait3A_638, %dma_wait3A_639] : memref<20x8x512xf32, #tpu.memory_space<vmem_shared>> -> memref<1x8x512xf32, #tpu.memory_space<vmem_shared>>
    %dma_wait3A_641 = tpu.memref_squeeze %dma_wait3A_640 : memref<1x8x512xf32, #tpu.memory_space<vmem_shared>> -> memref<8x512xf32, #tpu.memory_space<vmem_shared>>
    tpu.wait_dma2 semaphore(%arg18 : memref<!tpu.dma_semaphore, #tpu.memory_space<semaphore_mem>>) src(%dma_wait3A_641 : memref<8x512xf32, #tpu.memory_space<vmem_shared>>) dst(%dma_wait3A_637 : memref<8x512xf32, #tpu.memory_space<hbm>>)
    %dma_wait3A_642 = arith.constant 0 : i32
    %dma_wait3A_643 = arith.constant 0 : i32
    %dma_wait3A_644 = tpu.memref_slice %arg15[%reduce_sum3A_424, %dma_wait3A_642, %dma_wait3A_643] : memref<9x4x512xf32, #tpu.memory_space<vmem>> -> memref<1x4x512xf32, #tpu.memory_space<vmem>>
    %dma_wait3A_645 = tpu.memref_squeeze %dma_wait3A_644 : memref<1x4x512xf32, #tpu.memory_space<vmem>> -> memref<4x512xf32, #tpu.memory_space<vmem>>
    %dma_wait3A_646 = arith.constant 24 : i32
    %dma_wait3A_647 = arith.constant 0 : i32
    %dma_wait3A_648 = tpu.memref_slice %arg9[%add3A_426, %dma_wait3A_646, %dma_wait3A_647] : memref<1024x32x512xf32, #tpu.memory_space<hbm>> -> memref<1x4x512xf32, #tpu.memory_space<hbm>>
    %dma_wait3A_649 = tpu.memref_squeeze %dma_wait3A_648 : memref<1x4x512xf32, #tpu.memory_space<hbm>> -> memref<4x512xf32, #tpu.memory_space<hbm>>
    %dma_wait3A_650 = arith.constant 24 : i32
    %dma_wait3A_651 = arith.constant 0 : i32
    %dma_wait3A_652 = tpu.memref_slice %arg9[%add3A_426, %dma_wait3A_650, %dma_wait3A_651] : memref<1024x32x512xf32, #tpu.memory_space<hbm>> -> memref<1x4x512xf32, #tpu.memory_space<hbm>>
    %dma_wait3A_653 = tpu.memref_squeeze %dma_wait3A_652 : memref<1x4x512xf32, #tpu.memory_space<hbm>> -> memref<4x512xf32, #tpu.memory_space<hbm>>
    %dma_wait3A_654 = arith.constant 0 : i32
    %dma_wait3A_655 = arith.constant 0 : i32
    %dma_wait3A_656 = tpu.memref_slice %arg15[%reduce_sum3A_424, %dma_wait3A_654, %dma_wait3A_655] : memref<9x4x512xf32, #tpu.memory_space<vmem>> -> memref<1x4x512xf32, #tpu.memory_space<vmem>>
    %dma_wait3A_657 = tpu.memref_squeeze %dma_wait3A_656 : memref<1x4x512xf32, #tpu.memory_space<vmem>> -> memref<4x512xf32, #tpu.memory_space<vmem>>
    tpu.wait_dma2 semaphore(%arg19 : memref<!tpu.dma_semaphore, #tpu.memory_space<semaphore_mem>>) src(%dma_wait3A_657 : memref<4x512xf32, #tpu.memory_space<vmem>>) dst(%dma_wait3A_653 : memref<4x512xf32, #tpu.memory_space<hbm>>)
    %dma_wait3A_658 = arith.constant 28 : i32
    %dma_wait3A_659 = arith.constant 0 : i32
    %dma_wait3A_660 = tpu.memref_slice %arg9[%add3A_6, %dma_wait3A_658, %dma_wait3A_659] : memref<1024x32x512xf32, #tpu.memory_space<hbm>> -> memref<8x4x512xf32, #tpu.memory_space<hbm>>
    %dma_wait3A_661 = arith.constant 28 : i32
    %dma_wait3A_662 = arith.constant 0 : i32
    %dma_wait3A_663 = tpu.memref_slice %arg9[%add3A_6, %dma_wait3A_661, %dma_wait3A_662] : memref<1024x32x512xf32, #tpu.memory_space<hbm>> -> memref<8x4x512xf32, #tpu.memory_space<hbm>>
    tpu.wait_dma2 semaphore(%arg18 : memref<!tpu.dma_semaphore, #tpu.memory_space<semaphore_mem>>) src(%arg16 : memref<8x4x512xf32, #tpu.memory_space<vmem>>) dst(%dma_wait3A_663 : memref<8x4x512xf32, #tpu.memory_space<hbm>>)
    %add3A_664 = arith.constant 8 : i32
    %add3A_665 = arith.addi %mul3A_2, %add3A_664 : i32
    %dma_start3A_666 = arith.constant 8 : i32
    %dma_start3A_667 = tpu.memref_slice %arg12[%dma_start3A_666] : memref<32xi32, #tpu.memory_space<vmem>> -> memref<8xi32, #tpu.memory_space<vmem>>
    %dma_start3A_668 = arith.constant 0 : i32
    %dma_start3A_669 = arith.constant 0 : i32
    %dma_start3A_670 = arith.constant 0 : i32
    %dma_start3A_671 = tpu.memref_slice %arg5[%dma_start3A_668, %dma_start3A_669, %dma_start3A_670] : memref<100000x4x512xf32, #tpu.memory_space<hbm>> -> memref<100000x4x512xf32, #tpu.memory_space<hbm>>
    tpu.enqueue_indirect_dma source(%dma_start3A_671 : memref<100000x4x512xf32, #tpu.memory_space<hbm>>) target(%arg16 : memref<8x4x512xf32, #tpu.memory_space<vmem>>) offsets(%dma_start3A_667 : memref<8xi32, #tpu.memory_space<vmem>>) semaphore(%arg17 : memref<!tpu.dma_semaphore, #tpu.memory_space<semaphore_mem>>)
    %add3A_672 = arith.constant 0 : i32
    %add3A_673 = arith.addi %add3A_665, %add3A_672 : i32
    %dma_start3A_674 = arith.constant 0 : i32
    %dma_start3A_675 = arith.constant 0 : i32
    %dma_start3A_676 = tpu.memref_slice %arg9[%add3A_673, %dma_start3A_674, %dma_start3A_675] : memref<1024x32x512xf32, #tpu.memory_space<hbm>> -> memref<2x16x512xf32, #tpu.memory_space<hbm>>
    tpu.enqueue_dma source(%arg10 : memref<2x16x512xf32, #tpu.memory_space<vmem_shared>>) target(%dma_start3A_676 : memref<2x16x512xf32, #tpu.memory_space<hbm>>) target_semaphore(%arg19 : memref<!tpu.dma_semaphore, #tpu.memory_space<semaphore_mem>>)
    %add3A_677 = arith.constant 2 : i32
    %add3A_678 = arith.addi %add3A_665, %add3A_677 : i32
    %dma_start3A_679 = arith.constant 0 : i32
    %dma_start3A_680 = arith.constant 0 : i32
    %dma_start3A_681 = tpu.memref_slice %arg9[%add3A_678, %dma_start3A_679, %dma_start3A_680] : memref<1024x32x512xf32, #tpu.memory_space<hbm>> -> memref<2x16x512xf32, #tpu.memory_space<hbm>>
    tpu.enqueue_dma source(%arg10 : memref<2x16x512xf32, #tpu.memory_space<vmem_shared>>) target(%dma_start3A_681 : memref<2x16x512xf32, #tpu.memory_space<hbm>>) target_semaphore(%arg19 : memref<!tpu.dma_semaphore, #tpu.memory_space<semaphore_mem>>)
    %add3A_682 = arith.constant 4 : i32
    %add3A_683 = arith.addi %add3A_665, %add3A_682 : i32
    %dma_start3A_684 = arith.constant 0 : i32
    %dma_start3A_685 = arith.constant 0 : i32
    %dma_start3A_686 = tpu.memref_slice %arg9[%add3A_683, %dma_start3A_684, %dma_start3A_685] : memref<1024x32x512xf32, #tpu.memory_space<hbm>> -> memref<2x16x512xf32, #tpu.memory_space<hbm>>
    tpu.enqueue_dma source(%arg10 : memref<2x16x512xf32, #tpu.memory_space<vmem_shared>>) target(%dma_start3A_686 : memref<2x16x512xf32, #tpu.memory_space<hbm>>) target_semaphore(%arg19 : memref<!tpu.dma_semaphore, #tpu.memory_space<semaphore_mem>>)
    %add3A_687 = arith.constant 6 : i32
    %add3A_688 = arith.addi %add3A_665, %add3A_687 : i32
    %dma_start3A_689 = arith.constant 0 : i32
    %dma_start3A_690 = arith.constant 0 : i32
    %dma_start3A_691 = tpu.memref_slice %arg9[%add3A_688, %dma_start3A_689, %dma_start3A_690] : memref<1024x32x512xf32, #tpu.memory_space<hbm>> -> memref<2x16x512xf32, #tpu.memory_space<hbm>>
    tpu.enqueue_dma source(%arg10 : memref<2x16x512xf32, #tpu.memory_space<vmem_shared>>) target(%dma_start3A_691 : memref<2x16x512xf32, #tpu.memory_space<hbm>>) target_semaphore(%arg19 : memref<!tpu.dma_semaphore, #tpu.memory_space<semaphore_mem>>)
    %get3A_692 = arith.constant 0 : index
    %get3A_693 = tpu.vector_load %arg13[%get3A_692] {strides = array<i32>} : memref<32xi32, #tpu.memory_space<vmem>>, vector<16xi32>,
    %eq3A_694 = arith.constant 8 : i32
    %eq3A_695 = vector.broadcast %eq3A_694 : i32 to vector<16xi32>
    %eq3A_696 = arith.cmpi eq, %iota3A, %eq3A_695 : vector<16xi32>
    %jit3A_697 = arith.constant 0 : i32
    %broadcast_in_dim3A_698 = vector.broadcast %jit3A_697 : i32 to vector<16xi32>
    %select_n3A_699 = arith.select %eq3A_696, %get3A_693, %broadcast_in_dim3A_698 : vector<16xi1>, vector<16xi32>
    %reduce_sum3A_700 = arith.constant true
    %reduce_sum3A_701 = vector.broadcast %reduce_sum3A_700 : i1 to vector<16xi1>
    %reduce_sum3A_702 = tpu.scan <sum>, %select_n3A_699 masked %reduce_sum3A_701 : vector<16xi32>, vector<16xi1> -> vector<16xi32>
    %reduce_sum3A_703 = vector.extract %reduce_sum3A_702[15] : i32 from vector<16xi32>
    %add3A_704 = arith.constant 0 : i32
    %add3A_705 = arith.addi %add3A_665, %add3A_704 : i32
    %dma_start3A_706 = arith.constant 16 : i32
    %dma_start3A_707 = arith.constant 0 : i32
    %dma_start3A_708 = tpu.memref_slice %arg9[%add3A_705, %dma_start3A_706, %dma_start3A_707] : memref<1024x32x512xf32, #tpu.memory_space<hbm>> -> memref<1x8x512xf32, #tpu.memory_space<hbm>>
    %dma_start3A_709 = tpu.memref_squeeze %dma_start3A_708 : memref<1x8x512xf32, #tpu.memory_space<hbm>> -> memref<8x512xf32, #tpu.memory_space<hbm>>
    %dma_start3A_710 = arith.constant 0 : i32
    %dma_start3A_711 = arith.constant 0 : i32
    %dma_start3A_712 = tpu.memref_slice %arg11[%reduce_sum3A_703, %dma_start3A_710, %dma_start3A_711] : memref<20x8x512xf32, #tpu.memory_space<vmem_shared>> -> memref<1x8x512xf32, #tpu.memory_space<vmem_shared>>
    %dma_start3A_713 = tpu.memref_squeeze %dma_start3A_712 : memref<1x8x512xf32, #tpu.memory_space<vmem_shared>> -> memref<8x512xf32, #tpu.memory_space<vmem_shared>>
    tpu.enqueue_dma source(%dma_start3A_713 : memref<8x512xf32, #tpu.memory_space<vmem_shared>>) target(%dma_start3A_709 : memref<8x512xf32, #tpu.memory_space<hbm>>) target_semaphore(%arg18 : memref<!tpu.dma_semaphore, #tpu.memory_space<semaphore_mem>>)
    %get3A_714 = arith.constant 0 : index
    %get3A_715 = tpu.vector_load %arg14[%get3A_714] {strides = array<i32>} : memref<32xi32, #tpu.memory_space<vmem>>, vector<16xi32>,
    %eq3A_716 = arith.constant 8 : i32
    %eq3A_717 = vector.broadcast %eq3A_716 : i32 to vector<16xi32>
    %eq3A_718 = arith.cmpi eq, %iota3A, %eq3A_717 : vector<16xi32>
    %jit3A_719 = arith.constant 0 : i32
    %broadcast_in_dim3A_720 = vector.broadcast %jit3A_719 : i32 to vector<16xi32>
    %select_n3A_721 = arith.select %eq3A_718, %get3A_715, %broadcast_in_dim3A_720 : vector<16xi1>, vector<16xi32>
    %reduce_sum3A_722 = arith.constant true
    %reduce_sum3A_723 = vector.broadcast %reduce_sum3A_722 : i1 to vector<16xi1>
    %reduce_sum3A_724 = tpu.scan <sum>, %select_n3A_721 masked %reduce_sum3A_723 : vector<16xi32>, vector<16xi1> -> vector<16xi32>
    %reduce_sum3A_725 = vector.extract %reduce_sum3A_724[15] : i32 from vector<16xi32>
    %add3A_726 = arith.constant 0 : i32
    %add3A_727 = arith.addi %add3A_665, %add3A_726 : i32
    %dma_start3A_728 = arith.constant 0 : i32
    %dma_start3A_729 = arith.constant 0 : i32
    %dma_start3A_730 = tpu.memref_slice %arg15[%reduce_sum3A_725, %dma_start3A_728, %dma_start3A_729] : memref<9x4x512xf32, #tpu.memory_space<vmem>> -> memref<1x4x512xf32, #tpu.memory_space<vmem>>
    %dma_start3A_731 = tpu.memref_squeeze %dma_start3A_730 : memref<1x4x512xf32, #tpu.memory_space<vmem>> -> memref<4x512xf32, #tpu.memory_space<vmem>>
    %dma_start3A_732 = arith.constant 24 : i32
    %dma_start3A_733 = arith.constant 0 : i32
    %dma_start3A_734 = tpu.memref_slice %arg9[%add3A_727, %dma_start3A_732, %dma_start3A_733] : memref<1024x32x512xf32, #tpu.memory_space<hbm>> -> memref<1x4x512xf32, #tpu.memory_space<hbm>>
    %dma_start3A_735 = tpu.memref_squeeze %dma_start3A_734 : memref<1x4x512xf32, #tpu.memory_space<hbm>> -> memref<4x512xf32, #tpu.memory_space<hbm>>
    %dma_start3A_736 = arith.constant 24 : i32
    %dma_start3A_737 = arith.constant 0 : i32
    %dma_start3A_738 = tpu.memref_slice %arg9[%add3A_727, %dma_start3A_736, %dma_start3A_737] : memref<1024x32x512xf32, #tpu.memory_space<hbm>> -> memref<1x4x512xf32, #tpu.memory_space<hbm>>
    %dma_start3A_739 = tpu.memref_squeeze %dma_start3A_738 : memref<1x4x512xf32, #tpu.memory_space<hbm>> -> memref<4x512xf32, #tpu.memory_space<hbm>>
    %dma_start3A_740 = arith.constant 0 : i32
    %dma_start3A_741 = arith.constant 0 : i32
    %dma_start3A_742 = tpu.memref_slice %arg15[%reduce_sum3A_725, %dma_start3A_740, %dma_start3A_741] : memref<9x4x512xf32, #tpu.memory_space<vmem>> -> memref<1x4x512xf32, #tpu.memory_space<vmem>>
    %dma_start3A_743 = tpu.memref_squeeze %dma_start3A_742 : memref<1x4x512xf32, #tpu.memory_space<vmem>> -> memref<4x512xf32, #tpu.memory_space<vmem>>
    tpu.enqueue_dma source(%dma_start3A_743 : memref<4x512xf32, #tpu.memory_space<vmem>>) target(%dma_start3A_739 : memref<4x512xf32, #tpu.memory_space<hbm>>) target_semaphore(%arg19 : memref<!tpu.dma_semaphore, #tpu.memory_space<semaphore_mem>>)
    %get3A_744 = arith.constant 0 : index
    %get3A_745 = tpu.vector_load %arg13[%get3A_744] {strides = array<i32>} : memref<32xi32, #tpu.memory_space<vmem>>, vector<16xi32>,
    %eq3A_746 = arith.constant 9 : i32
    %eq3A_747 = vector.broadcast %eq3A_746 : i32 to vector<16xi32>
    %eq3A_748 = arith.cmpi eq, %iota3A, %eq3A_747 : vector<16xi32>
    %jit3A_749 = arith.constant 0 : i32
    %broadcast_in_dim3A_750 = vector.broadcast %jit3A_749 : i32 to vector<16xi32>
    %select_n3A_751 = arith.select %eq3A_748, %get3A_745, %broadcast_in_dim3A_750 : vector<16xi1>, vector<16xi32>
    %reduce_sum3A_752 = arith.constant true
    %reduce_sum3A_753 = vector.broadcast %reduce_sum3A_752 : i1 to vector<16xi1>
    %reduce_sum3A_754 = tpu.scan <sum>, %select_n3A_751 masked %reduce_sum3A_753 : vector<16xi32>, vector<16xi1> -> vector<16xi32>
    %reduce_sum3A_755 = vector.extract %reduce_sum3A_754[15] : i32 from vector<16xi32>
    %add3A_756 = arith.constant 1 : i32
    %add3A_757 = arith.addi %add3A_665, %add3A_756 : i32
    %dma_start3A_758 = arith.constant 16 : i32
    %dma_start3A_759 = arith.constant 0 : i32
    %dma_start3A_760 = tpu.memref_slice %arg9[%add3A_757, %dma_start3A_758, %dma_start3A_759] : memref<1024x32x512xf32, #tpu.memory_space<hbm>> -> memref<1x8x512xf32, #tpu.memory_space<hbm>>
    %dma_start3A_761 = tpu.memref_squeeze %dma_start3A_760 : memref<1x8x512xf32, #tpu.memory_space<hbm>> -> memref<8x512xf32, #tpu.memory_space<hbm>>
    %dma_start3A_762 = arith.constant 0 : i32
    %dma_start3A_763 = arith.constant 0 : i32
    %dma_start3A_764 = tpu.memref_slice %arg11[%reduce_sum3A_755, %dma_start3A_762, %dma_start3A_763] : memref<20x8x512xf32, #tpu.memory_space<vmem_shared>> -> memref<1x8x512xf32, #tpu.memory_space<vmem_shared>>
    %dma_start3A_765 = tpu.memref_squeeze %dma_start3A_764 : memref<1x8x512xf32, #tpu.memory_space<vmem_shared>> -> memref<8x512xf32, #tpu.memory_space<vmem_shared>>
    tpu.enqueue_dma source(%dma_start3A_765 : memref<8x512xf32, #tpu.memory_space<vmem_shared>>) target(%dma_start3A_761 : memref<8x512xf32, #tpu.memory_space<hbm>>) target_semaphore(%arg18 : memref<!tpu.dma_semaphore, #tpu.memory_space<semaphore_mem>>)
    %get3A_766 = arith.constant 0 : index
    %get3A_767 = tpu.vector_load %arg14[%get3A_766] {strides = array<i32>} : memref<32xi32, #tpu.memory_space<vmem>>, vector<16xi32>,
    %eq3A_768 = arith.constant 9 : i32
    %eq3A_769 = vector.broadcast %eq3A_768 : i32 to vector<16xi32>
    %eq3A_770 = arith.cmpi eq, %iota3A, %eq3A_769 : vector<16xi32>
    %jit3A_771 = arith.constant 0 : i32
    %broadcast_in_dim3A_772 = vector.broadcast %jit3A_771 : i32 to vector<16xi32>
    %select_n3A_773 = arith.select %eq3A_770, %get3A_767, %broadcast_in_dim3A_772 : vector<16xi1>, vector<16xi32>
    %reduce_sum3A_774 = arith.constant true
    %reduce_sum3A_775 = vector.broadcast %reduce_sum3A_774 : i1 to vector<16xi1>
    %reduce_sum3A_776 = tpu.scan <sum>, %select_n3A_773 masked %reduce_sum3A_775 : vector<16xi32>, vector<16xi1> -> vector<16xi32>
    %reduce_sum3A_777 = vector.extract %reduce_sum3A_776[15] : i32 from vector<16xi32>
    %add3A_778 = arith.constant 1 : i32
    %add3A_779 = arith.addi %add3A_665, %add3A_778 : i32
    %dma_start3A_780 = arith.constant 0 : i32
    %dma_start3A_781 = arith.constant 0 : i32
    %dma_start3A_782 = tpu.memref_slice %arg15[%reduce_sum3A_777, %dma_start3A_780, %dma_start3A_781] : memref<9x4x512xf32, #tpu.memory_space<vmem>> -> memref<1x4x512xf32, #tpu.memory_space<vmem>>
    %dma_start3A_783 = tpu.memref_squeeze %dma_start3A_782 : memref<1x4x512xf32, #tpu.memory_space<vmem>> -> memref<4x512xf32, #tpu.memory_space<vmem>>
    %dma_start3A_784 = arith.constant 24 : i32
    %dma_start3A_785 = arith.constant 0 : i32
    %dma_start3A_786 = tpu.memref_slice %arg9[%add3A_779, %dma_start3A_784, %dma_start3A_785] : memref<1024x32x512xf32, #tpu.memory_space<hbm>> -> memref<1x4x512xf32, #tpu.memory_space<hbm>>
    %dma_start3A_787 = tpu.memref_squeeze %dma_start3A_786 : memref<1x4x512xf32, #tpu.memory_space<hbm>> -> memref<4x512xf32, #tpu.memory_space<hbm>>
    %dma_start3A_788 = arith.constant 24 : i32
    %dma_start3A_789 = arith.constant 0 : i32
    %dma_start3A_790 = tpu.memref_slice %arg9[%add3A_779, %dma_start3A_788, %dma_start3A_789] : memref<1024x32x512xf32, #tpu.memory_space<hbm>> -> memref<1x4x512xf32, #tpu.memory_space<hbm>>
    %dma_start3A_791 = tpu.memref_squeeze %dma_start3A_790 : memref<1x4x512xf32, #tpu.memory_space<hbm>> -> memref<4x512xf32, #tpu.memory_space<hbm>>
    %dma_start3A_792 = arith.constant 0 : i32
    %dma_start3A_793 = arith.constant 0 : i32
    %dma_start3A_794 = tpu.memref_slice %arg15[%reduce_sum3A_777, %dma_start3A_792, %dma_start3A_793] : memref<9x4x512xf32, #tpu.memory_space<vmem>> -> memref<1x4x512xf32, #tpu.memory_space<vmem>>
    %dma_start3A_795 = tpu.memref_squeeze %dma_start3A_794 : memref<1x4x512xf32, #tpu.memory_space<vmem>> -> memref<4x512xf32, #tpu.memory_space<vmem>>
    tpu.enqueue_dma source(%dma_start3A_795 : memref<4x512xf32, #tpu.memory_space<vmem>>) target(%dma_start3A_791 : memref<4x512xf32, #tpu.memory_space<hbm>>) target_semaphore(%arg19 : memref<!tpu.dma_semaphore, #tpu.memory_space<semaphore_mem>>)
    %get3A_796 = arith.constant 0 : index
    %get3A_797 = tpu.vector_load %arg13[%get3A_796] {strides = array<i32>} : memref<32xi32, #tpu.memory_space<vmem>>, vector<16xi32>,
    %eq3A_798 = arith.constant 10 : i32
    %eq3A_799 = vector.broadcast %eq3A_798 : i32 to vector<16xi32>
    %eq3A_800 = arith.cmpi eq, %iota3A, %eq3A_799 : vector<16xi32>
    %jit3A_801 = arith.constant 0 : i32
    %broadcast_in_dim3A_802 = vector.broadcast %jit3A_801 : i32 to vector<16xi32>
    %select_n3A_803 = arith.select %eq3A_800, %get3A_797, %broadcast_in_dim3A_802 : vector<16xi1>, vector<16xi32>
    %reduce_sum3A_804 = arith.constant true
    %reduce_sum3A_805 = vector.broadcast %reduce_sum3A_804 : i1 to vector<16xi1>
    %reduce_sum3A_806 = tpu.scan <sum>, %select_n3A_803 masked %reduce_sum3A_805 : vector<16xi32>, vector<16xi1> -> vector<16xi32>
    %reduce_sum3A_807 = vector.extract %reduce_sum3A_806[15] : i32 from vector<16xi32>
    %add3A_808 = arith.constant 2 : i32
    %add3A_809 = arith.addi %add3A_665, %add3A_808 : i32
    %dma_start3A_810 = arith.constant 16 : i32
    %dma_start3A_811 = arith.constant 0 : i32
    %dma_start3A_812 = tpu.memref_slice %arg9[%add3A_809, %dma_start3A_810, %dma_start3A_811] : memref<1024x32x512xf32, #tpu.memory_space<hbm>> -> memref<1x8x512xf32, #tpu.memory_space<hbm>>
    %dma_start3A_813 = tpu.memref_squeeze %dma_start3A_812 : memref<1x8x512xf32, #tpu.memory_space<hbm>> -> memref<8x512xf32, #tpu.memory_space<hbm>>
    %dma_start3A_814 = arith.constant 0 : i32
    %dma_start3A_815 = arith.constant 0 : i32
    %dma_start3A_816 = tpu.memref_slice %arg11[%reduce_sum3A_807, %dma_start3A_814, %dma_start3A_815] : memref<20x8x512xf32, #tpu.memory_space<vmem_shared>> -> memref<1x8x512xf32, #tpu.memory_space<vmem_shared>>
    %dma_start3A_817 = tpu.memref_squeeze %dma_start3A_816 : memref<1x8x512xf32, #tpu.memory_space<vmem_shared>> -> memref<8x512xf32, #tpu.memory_space<vmem_shared>>
    tpu.enqueue_dma source(%dma_start3A_817 : memref<8x512xf32, #tpu.memory_space<vmem_shared>>) target(%dma_start3A_813 : memref<8x512xf32, #tpu.memory_space<hbm>>) target_semaphore(%arg18 : memref<!tpu.dma_semaphore, #tpu.memory_space<semaphore_mem>>)
    %get3A_818 = arith.constant 0 : index
    %get3A_819 = tpu.vector_load %arg14[%get3A_818] {strides = array<i32>} : memref<32xi32, #tpu.memory_space<vmem>>, vector<16xi32>,
    %eq3A_820 = arith.constant 10 : i32
    %eq3A_821 = vector.broadcast %eq3A_820 : i32 to vector<16xi32>
    %eq3A_822 = arith.cmpi eq, %iota3A, %eq3A_821 : vector<16xi32>
    %jit3A_823 = arith.constant 0 : i32
    %broadcast_in_dim3A_824 = vector.broadcast %jit3A_823 : i32 to vector<16xi32>
    %select_n3A_825 = arith.select %eq3A_822, %get3A_819, %broadcast_in_dim3A_824 : vector<16xi1>, vector<16xi32>
    %reduce_sum3A_826 = arith.constant true
    %reduce_sum3A_827 = vector.broadcast %reduce_sum3A_826 : i1 to vector<16xi1>
    %reduce_sum3A_828 = tpu.scan <sum>, %select_n3A_825 masked %reduce_sum3A_827 : vector<16xi32>, vector<16xi1> -> vector<16xi32>
    %reduce_sum3A_829 = vector.extract %reduce_sum3A_828[15] : i32 from vector<16xi32>
    %add3A_830 = arith.constant 2 : i32
    %add3A_831 = arith.addi %add3A_665, %add3A_830 : i32
    %dma_start3A_832 = arith.constant 0 : i32
    %dma_start3A_833 = arith.constant 0 : i32
    %dma_start3A_834 = tpu.memref_slice %arg15[%reduce_sum3A_829, %dma_start3A_832, %dma_start3A_833] : memref<9x4x512xf32, #tpu.memory_space<vmem>> -> memref<1x4x512xf32, #tpu.memory_space<vmem>>
    %dma_start3A_835 = tpu.memref_squeeze %dma_start3A_834 : memref<1x4x512xf32, #tpu.memory_space<vmem>> -> memref<4x512xf32, #tpu.memory_space<vmem>>
    %dma_start3A_836 = arith.constant 24 : i32
    %dma_start3A_837 = arith.constant 0 : i32
    %dma_start3A_838 = tpu.memref_slice %arg9[%add3A_831, %dma_start3A_836, %dma_start3A_837] : memref<1024x32x512xf32, #tpu.memory_space<hbm>> -> memref<1x4x512xf32, #tpu.memory_space<hbm>>
    %dma_start3A_839 = tpu.memref_squeeze %dma_start3A_838 : memref<1x4x512xf32, #tpu.memory_space<hbm>> -> memref<4x512xf32, #tpu.memory_space<hbm>>
    %dma_start3A_840 = arith.constant 24 : i32
    %dma_start3A_841 = arith.constant 0 : i32
    %dma_start3A_842 = tpu.memref_slice %arg9[%add3A_831, %dma_start3A_840, %dma_start3A_841] : memref<1024x32x512xf32, #tpu.memory_space<hbm>> -> memref<1x4x512xf32, #tpu.memory_space<hbm>>
    %dma_start3A_843 = tpu.memref_squeeze %dma_start3A_842 : memref<1x4x512xf32, #tpu.memory_space<hbm>> -> memref<4x512xf32, #tpu.memory_space<hbm>>
    %dma_start3A_844 = arith.constant 0 : i32
    %dma_start3A_845 = arith.constant 0 : i32
    %dma_start3A_846 = tpu.memref_slice %arg15[%reduce_sum3A_829, %dma_start3A_844, %dma_start3A_845] : memref<9x4x512xf32, #tpu.memory_space<vmem>> -> memref<1x4x512xf32, #tpu.memory_space<vmem>>
    %dma_start3A_847 = tpu.memref_squeeze %dma_start3A_846 : memref<1x4x512xf32, #tpu.memory_space<vmem>> -> memref<4x512xf32, #tpu.memory_space<vmem>>
    tpu.enqueue_dma source(%dma_start3A_847 : memref<4x512xf32, #tpu.memory_space<vmem>>) target(%dma_start3A_843 : memref<4x512xf32, #tpu.memory_space<hbm>>) target_semaphore(%arg19 : memref<!tpu.dma_semaphore, #tpu.memory_space<semaphore_mem>>)
    %get3A_848 = arith.constant 0 : index
    %get3A_849 = tpu.vector_load %arg13[%get3A_848] {strides = array<i32>} : memref<32xi32, #tpu.memory_space<vmem>>, vector<16xi32>,
    %eq3A_850 = arith.constant 11 : i32
    %eq3A_851 = vector.broadcast %eq3A_850 : i32 to vector<16xi32>
    %eq3A_852 = arith.cmpi eq, %iota3A, %eq3A_851 : vector<16xi32>
    %jit3A_853 = arith.constant 0 : i32
    %broadcast_in_dim3A_854 = vector.broadcast %jit3A_853 : i32 to vector<16xi32>
    %select_n3A_855 = arith.select %eq3A_852, %get3A_849, %broadcast_in_dim3A_854 : vector<16xi1>, vector<16xi32>
    %reduce_sum3A_856 = arith.constant true
    %reduce_sum3A_857 = vector.broadcast %reduce_sum3A_856 : i1 to vector<16xi1>
    %reduce_sum3A_858 = tpu.scan <sum>, %select_n3A_855 masked %reduce_sum3A_857 : vector<16xi32>, vector<16xi1> -> vector<16xi32>
    %reduce_sum3A_859 = vector.extract %reduce_sum3A_858[15] : i32 from vector<16xi32>
    %add3A_860 = arith.constant 3 : i32
    %add3A_861 = arith.addi %add3A_665, %add3A_860 : i32
    %dma_start3A_862 = arith.constant 16 : i32
    %dma_start3A_863 = arith.constant 0 : i32
    %dma_start3A_864 = tpu.memref_slice %arg9[%add3A_861, %dma_start3A_862, %dma_start3A_863] : memref<1024x32x512xf32, #tpu.memory_space<hbm>> -> memref<1x8x512xf32, #tpu.memory_space<hbm>>
    %dma_start3A_865 = tpu.memref_squeeze %dma_start3A_864 : memref<1x8x512xf32, #tpu.memory_space<hbm>> -> memref<8x512xf32, #tpu.memory_space<hbm>>
    %dma_start3A_866 = arith.constant 0 : i32
    %dma_start3A_867 = arith.constant 0 : i32
    %dma_start3A_868 = tpu.memref_slice %arg11[%reduce_sum3A_859, %dma_start3A_866, %dma_start3A_867] : memref<20x8x512xf32, #tpu.memory_space<vmem_shared>> -> memref<1x8x512xf32, #tpu.memory_space<vmem_shared>>
    %dma_start3A_869 = tpu.memref_squeeze %dma_start3A_868 : memref<1x8x512xf32, #tpu.memory_space<vmem_shared>> -> memref<8x512xf32, #tpu.memory_space<vmem_shared>>
    tpu.enqueue_dma source(%dma_start3A_869 : memref<8x512xf32, #tpu.memory_space<vmem_shared>>) target(%dma_start3A_865 : memref<8x512xf32, #tpu.memory_space<hbm>>) target_semaphore(%arg18 : memref<!tpu.dma_semaphore, #tpu.memory_space<semaphore_mem>>)
    %get3A_870 = arith.constant 0 : index
    %get3A_871 = tpu.vector_load %arg14[%get3A_870] {strides = array<i32>} : memref<32xi32, #tpu.memory_space<vmem>>, vector<16xi32>,
    %eq3A_872 = arith.constant 11 : i32
    %eq3A_873 = vector.broadcast %eq3A_872 : i32 to vector<16xi32>
    %eq3A_874 = arith.cmpi eq, %iota3A, %eq3A_873 : vector<16xi32>
    %jit3A_875 = arith.constant 0 : i32
    %broadcast_in_dim3A_876 = vector.broadcast %jit3A_875 : i32 to vector<16xi32>
    %select_n3A_877 = arith.select %eq3A_874, %get3A_871, %broadcast_in_dim3A_876 : vector<16xi1>, vector<16xi32>
    %reduce_sum3A_878 = arith.constant true
    %reduce_sum3A_879 = vector.broadcast %reduce_sum3A_878 : i1 to vector<16xi1>
    %reduce_sum3A_880 = tpu.scan <sum>, %select_n3A_877 masked %reduce_sum3A_879 : vector<16xi32>, vector<16xi1> -> vector<16xi32>
    %reduce_sum3A_881 = vector.extract %reduce_sum3A_880[15] : i32 from vector<16xi32>
    %add3A_882 = arith.constant 3 : i32
    %add3A_883 = arith.addi %add3A_665, %add3A_882 : i32
    %dma_start3A_884 = arith.constant 0 : i32
    %dma_start3A_885 = arith.constant 0 : i32
    %dma_start3A_886 = tpu.memref_slice %arg15[%reduce_sum3A_881, %dma_start3A_884, %dma_start3A_885] : memref<9x4x512xf32, #tpu.memory_space<vmem>> -> memref<1x4x512xf32, #tpu.memory_space<vmem>>
    %dma_start3A_887 = tpu.memref_squeeze %dma_start3A_886 : memref<1x4x512xf32, #tpu.memory_space<vmem>> -> memref<4x512xf32, #tpu.memory_space<vmem>>
    %dma_start3A_888 = arith.constant 24 : i32
    %dma_start3A_889 = arith.constant 0 : i32
    %dma_start3A_890 = tpu.memref_slice %arg9[%add3A_883, %dma_start3A_888, %dma_start3A_889] : memref<1024x32x512xf32, #tpu.memory_space<hbm>> -> memref<1x4x512xf32, #tpu.memory_space<hbm>>
    %dma_start3A_891 = tpu.memref_squeeze %dma_start3A_890 : memref<1x4x512xf32, #tpu.memory_space<hbm>> -> memref<4x512xf32, #tpu.memory_space<hbm>>
    %dma_start3A_892 = arith.constant 24 : i32
    %dma_start3A_893 = arith.constant 0 : i32
    %dma_start3A_894 = tpu.memref_slice %arg9[%add3A_883, %dma_start3A_892, %dma_start3A_893] : memref<1024x32x512xf32, #tpu.memory_space<hbm>> -> memref<1x4x512xf32, #tpu.memory_space<hbm>>
    %dma_start3A_895 = tpu.memref_squeeze %dma_start3A_894 : memref<1x4x512xf32, #tpu.memory_space<hbm>> -> memref<4x512xf32, #tpu.memory_space<hbm>>
    %dma_start3A_896 = arith.constant 0 : i32
    %dma_start3A_897 = arith.constant 0 : i32
    %dma_start3A_898 = tpu.memref_slice %arg15[%reduce_sum3A_881, %dma_start3A_896, %dma_start3A_897] : memref<9x4x512xf32, #tpu.memory_space<vmem>> -> memref<1x4x512xf32, #tpu.memory_space<vmem>>
    %dma_start3A_899 = tpu.memref_squeeze %dma_start3A_898 : memref<1x4x512xf32, #tpu.memory_space<vmem>> -> memref<4x512xf32, #tpu.memory_space<vmem>>
    tpu.enqueue_dma source(%dma_start3A_899 : memref<4x512xf32, #tpu.memory_space<vmem>>) target(%dma_start3A_895 : memref<4x512xf32, #tpu.memory_space<hbm>>) target_semaphore(%arg19 : memref<!tpu.dma_semaphore, #tpu.memory_space<semaphore_mem>>)
    %get3A_900 = arith.constant 0 : index
    %get3A_901 = tpu.vector_load %arg13[%get3A_900] {strides = array<i32>} : memref<32xi32, #tpu.memory_space<vmem>>, vector<16xi32>,
    %eq3A_902 = arith.constant 12 : i32
    %eq3A_903 = vector.broadcast %eq3A_902 : i32 to vector<16xi32>
    %eq3A_904 = arith.cmpi eq, %iota3A, %eq3A_903 : vector<16xi32>
    %jit3A_905 = arith.constant 0 : i32
    %broadcast_in_dim3A_906 = vector.broadcast %jit3A_905 : i32 to vector<16xi32>
    %select_n3A_907 = arith.select %eq3A_904, %get3A_901, %broadcast_in_dim3A_906 : vector<16xi1>, vector<16xi32>
    %reduce_sum3A_908 = arith.constant true
    %reduce_sum3A_909 = vector.broadcast %reduce_sum3A_908 : i1 to vector<16xi1>
    %reduce_sum3A_910 = tpu.scan <sum>, %select_n3A_907 masked %reduce_sum3A_909 : vector<16xi32>, vector<16xi1> -> vector<16xi32>
    %reduce_sum3A_911 = vector.extract %reduce_sum3A_910[15] : i32 from vector<16xi32>
    %add3A_912 = arith.constant 4 : i32
    %add3A_913 = arith.addi %add3A_665, %add3A_912 : i32
    %dma_start3A_914 = arith.constant 16 : i32
    %dma_start3A_915 = arith.constant 0 : i32
    %dma_start3A_916 = tpu.memref_slice %arg9[%add3A_913, %dma_start3A_914, %dma_start3A_915] : memref<1024x32x512xf32, #tpu.memory_space<hbm>> -> memref<1x8x512xf32, #tpu.memory_space<hbm>>
    %dma_start3A_917 = tpu.memref_squeeze %dma_start3A_916 : memref<1x8x512xf32, #tpu.memory_space<hbm>> -> memref<8x512xf32, #tpu.memory_space<hbm>>
    %dma_start3A_918 = arith.constant 0 : i32
    %dma_start3A_919 = arith.constant 0 : i32
    %dma_start3A_920 = tpu.memref_slice %arg11[%reduce_sum3A_911, %dma_start3A_918, %dma_start3A_919] : memref<20x8x512xf32, #tpu.memory_space<vmem_shared>> -> memref<1x8x512xf32, #tpu.memory_space<vmem_shared>>
    %dma_start3A_921 = tpu.memref_squeeze %dma_start3A_920 : memref<1x8x512xf32, #tpu.memory_space<vmem_shared>> -> memref<8x512xf32, #tpu.memory_space<vmem_shared>>
    tpu.enqueue_dma source(%dma_start3A_921 : memref<8x512xf32, #tpu.memory_space<vmem_shared>>) target(%dma_start3A_917 : memref<8x512xf32, #tpu.memory_space<hbm>>) target_semaphore(%arg18 : memref<!tpu.dma_semaphore, #tpu.memory_space<semaphore_mem>>)
    %get3A_922 = arith.constant 0 : index
    %get3A_923 = tpu.vector_load %arg14[%get3A_922] {strides = array<i32>} : memref<32xi32, #tpu.memory_space<vmem>>, vector<16xi32>,
    %eq3A_924 = arith.constant 12 : i32
    %eq3A_925 = vector.broadcast %eq3A_924 : i32 to vector<16xi32>
    %eq3A_926 = arith.cmpi eq, %iota3A, %eq3A_925 : vector<16xi32>
    %jit3A_927 = arith.constant 0 : i32
    %broadcast_in_dim3A_928 = vector.broadcast %jit3A_927 : i32 to vector<16xi32>
    %select_n3A_929 = arith.select %eq3A_926, %get3A_923, %broadcast_in_dim3A_928 : vector<16xi1>, vector<16xi32>
    %reduce_sum3A_930 = arith.constant true
    %reduce_sum3A_931 = vector.broadcast %reduce_sum3A_930 : i1 to vector<16xi1>
    %reduce_sum3A_932 = tpu.scan <sum>, %select_n3A_929 masked %reduce_sum3A_931 : vector<16xi32>, vector<16xi1> -> vector<16xi32>
    %reduce_sum3A_933 = vector.extract %reduce_sum3A_932[15] : i32 from vector<16xi32>
    %add3A_934 = arith.constant 4 : i32
    %add3A_935 = arith.addi %add3A_665, %add3A_934 : i32
    %dma_start3A_936 = arith.constant 0 : i32
    %dma_start3A_937 = arith.constant 0 : i32
    %dma_start3A_938 = tpu.memref_slice %arg15[%reduce_sum3A_933, %dma_start3A_936, %dma_start3A_937] : memref<9x4x512xf32, #tpu.memory_space<vmem>> -> memref<1x4x512xf32, #tpu.memory_space<vmem>>
    %dma_start3A_939 = tpu.memref_squeeze %dma_start3A_938 : memref<1x4x512xf32, #tpu.memory_space<vmem>> -> memref<4x512xf32, #tpu.memory_space<vmem>>
    %dma_start3A_940 = arith.constant 24 : i32
    %dma_start3A_941 = arith.constant 0 : i32
    %dma_start3A_942 = tpu.memref_slice %arg9[%add3A_935, %dma_start3A_940, %dma_start3A_941] : memref<1024x32x512xf32, #tpu.memory_space<hbm>> -> memref<1x4x512xf32, #tpu.memory_space<hbm>>
    %dma_start3A_943 = tpu.memref_squeeze %dma_start3A_942 : memref<1x4x512xf32, #tpu.memory_space<hbm>> -> memref<4x512xf32, #tpu.memory_space<hbm>>
    %dma_start3A_944 = arith.constant 24 : i32
    %dma_start3A_945 = arith.constant 0 : i32
    %dma_start3A_946 = tpu.memref_slice %arg9[%add3A_935, %dma_start3A_944, %dma_start3A_945] : memref<1024x32x512xf32, #tpu.memory_space<hbm>> -> memref<1x4x512xf32, #tpu.memory_space<hbm>>
    %dma_start3A_947 = tpu.memref_squeeze %dma_start3A_946 : memref<1x4x512xf32, #tpu.memory_space<hbm>> -> memref<4x512xf32, #tpu.memory_space<hbm>>
    %dma_start3A_948 = arith.constant 0 : i32
    %dma_start3A_949 = arith.constant 0 : i32
    %dma_start3A_950 = tpu.memref_slice %arg15[%reduce_sum3A_933, %dma_start3A_948, %dma_start3A_949] : memref<9x4x512xf32, #tpu.memory_space<vmem>> -> memref<1x4x512xf32, #tpu.memory_space<vmem>>
    %dma_start3A_951 = tpu.memref_squeeze %dma_start3A_950 : memref<1x4x512xf32, #tpu.memory_space<vmem>> -> memref<4x512xf32, #tpu.memory_space<vmem>>
    tpu.enqueue_dma source(%dma_start3A_951 : memref<4x512xf32, #tpu.memory_space<vmem>>) target(%dma_start3A_947 : memref<4x512xf32, #tpu.memory_space<hbm>>) target_semaphore(%arg19 : memref<!tpu.dma_semaphore, #tpu.memory_space<semaphore_mem>>)
    %get3A_952 = arith.constant 0 : index
    %get3A_953 = tpu.vector_load %arg13[%get3A_952] {strides = array<i32>} : memref<32xi32, #tpu.memory_space<vmem>>, vector<16xi32>,
    %eq3A_954 = arith.constant 13 : i32
    %eq3A_955 = vector.broadcast %eq3A_954 : i32 to vector<16xi32>
    %eq3A_956 = arith.cmpi eq, %iota3A, %eq3A_955 : vector<16xi32>
    %jit3A_957 = arith.constant 0 : i32
    %broadcast_in_dim3A_958 = vector.broadcast %jit3A_957 : i32 to vector<16xi32>
    %select_n3A_959 = arith.select %eq3A_956, %get3A_953, %broadcast_in_dim3A_958 : vector<16xi1>, vector<16xi32>
    %reduce_sum3A_960 = arith.constant true
    %reduce_sum3A_961 = vector.broadcast %reduce_sum3A_960 : i1 to vector<16xi1>
    %reduce_sum3A_962 = tpu.scan <sum>, %select_n3A_959 masked %reduce_sum3A_961 : vector<16xi32>, vector<16xi1> -> vector<16xi32>
    %reduce_sum3A_963 = vector.extract %reduce_sum3A_962[15] : i32 from vector<16xi32>
    %add3A_964 = arith.constant 5 : i32
    %add3A_965 = arith.addi %add3A_665, %add3A_964 : i32
    %dma_start3A_966 = arith.constant 16 : i32
    %dma_start3A_967 = arith.constant 0 : i32
    %dma_start3A_968 = tpu.memref_slice %arg9[%add3A_965, %dma_start3A_966, %dma_start3A_967] : memref<1024x32x512xf32, #tpu.memory_space<hbm>> -> memref<1x8x512xf32, #tpu.memory_space<hbm>>
    %dma_start3A_969 = tpu.memref_squeeze %dma_start3A_968 : memref<1x8x512xf32, #tpu.memory_space<hbm>> -> memref<8x512xf32, #tpu.memory_space<hbm>>
    %dma_start3A_970 = arith.constant 0 : i32
    %dma_start3A_971 = arith.constant 0 : i32
    %dma_start3A_972 = tpu.memref_slice %arg11[%reduce_sum3A_963, %dma_start3A_970, %dma_start3A_971] : memref<20x8x512xf32, #tpu.memory_space<vmem_shared>> -> memref<1x8x512xf32, #tpu.memory_space<vmem_shared>>
    %dma_start3A_973 = tpu.memref_squeeze %dma_start3A_972 : memref<1x8x512xf32, #tpu.memory_space<vmem_shared>> -> memref<8x512xf32, #tpu.memory_space<vmem_shared>>
    tpu.enqueue_dma source(%dma_start3A_973 : memref<8x512xf32, #tpu.memory_space<vmem_shared>>) target(%dma_start3A_969 : memref<8x512xf32, #tpu.memory_space<hbm>>) target_semaphore(%arg18 : memref<!tpu.dma_semaphore, #tpu.memory_space<semaphore_mem>>)
    %get3A_974 = arith.constant 0 : index
    %get3A_975 = tpu.vector_load %arg14[%get3A_974] {strides = array<i32>} : memref<32xi32, #tpu.memory_space<vmem>>, vector<16xi32>,
    %eq3A_976 = arith.constant 13 : i32
    %eq3A_977 = vector.broadcast %eq3A_976 : i32 to vector<16xi32>
    %eq3A_978 = arith.cmpi eq, %iota3A, %eq3A_977 : vector<16xi32>
    %jit3A_979 = arith.constant 0 : i32
    %broadcast_in_dim3A_980 = vector.broadcast %jit3A_979 : i32 to vector<16xi32>
    %select_n3A_981 = arith.select %eq3A_978, %get3A_975, %broadcast_in_dim3A_980 : vector<16xi1>, vector<16xi32>
    %reduce_sum3A_982 = arith.constant true
    %reduce_sum3A_983 = vector.broadcast %reduce_sum3A_982 : i1 to vector<16xi1>
    %reduce_sum3A_984 = tpu.scan <sum>, %select_n3A_981 masked %reduce_sum3A_983 : vector<16xi32>, vector<16xi1> -> vector<16xi32>
    %reduce_sum3A_985 = vector.extract %reduce_sum3A_984[15] : i32 from vector<16xi32>
    %add3A_986 = arith.constant 5 : i32
    %add3A_987 = arith.addi %add3A_665, %add3A_986 : i32
    %dma_start3A_988 = arith.constant 0 : i32
    %dma_start3A_989 = arith.constant 0 : i32
    %dma_start3A_990 = tpu.memref_slice %arg15[%reduce_sum3A_985, %dma_start3A_988, %dma_start3A_989] : memref<9x4x512xf32, #tpu.memory_space<vmem>> -> memref<1x4x512xf32, #tpu.memory_space<vmem>>
    %dma_start3A_991 = tpu.memref_squeeze %dma_start3A_990 : memref<1x4x512xf32, #tpu.memory_space<vmem>> -> memref<4x512xf32, #tpu.memory_space<vmem>>
    %dma_start3A_992 = arith.constant 24 : i32
    %dma_start3A_993 = arith.constant 0 : i32
    %dma_start3A_994 = tpu.memref_slice %arg9[%add3A_987, %dma_start3A_992, %dma_start3A_993] : memref<1024x32x512xf32, #tpu.memory_space<hbm>> -> memref<1x4x512xf32, #tpu.memory_space<hbm>>
    %dma_start3A_995 = tpu.memref_squeeze %dma_start3A_994 : memref<1x4x512xf32, #tpu.memory_space<hbm>> -> memref<4x512xf32, #tpu.memory_space<hbm>>
    %dma_start3A_996 = arith.constant 24 : i32
    %dma_start3A_997 = arith.constant 0 : i32
    %dma_start3A_998 = tpu.memref_slice %arg9[%add3A_987, %dma_start3A_996, %dma_start3A_997] : memref<1024x32x512xf32, #tpu.memory_space<hbm>> -> memref<1x4x512xf32, #tpu.memory_space<hbm>>
    %dma_start3A_999 = tpu.memref_squeeze %dma_start3A_998 : memref<1x4x512xf32, #tpu.memory_space<hbm>> -> memref<4x512xf32, #tpu.memory_space<hbm>>
    %dma_start3A_1000 = arith.constant 0 : i32
    %dma_start3A_1001 = arith.constant 0 : i32
    %dma_start3A_1002 = tpu.memref_slice %arg15[%reduce_sum3A_985, %dma_start3A_1000, %dma_start3A_1001] : memref<9x4x512xf32, #tpu.memory_space<vmem>> -> memref<1x4x512xf32, #tpu.memory_space<vmem>>
    %dma_start3A_1003 = tpu.memref_squeeze %dma_start3A_1002 : memref<1x4x512xf32, #tpu.memory_space<vmem>> -> memref<4x512xf32, #tpu.memory_space<vmem>>
    tpu.enqueue_dma source(%dma_start3A_1003 : memref<4x512xf32, #tpu.memory_space<vmem>>) target(%dma_start3A_999 : memref<4x512xf32, #tpu.memory_space<hbm>>) target_semaphore(%arg19 : memref<!tpu.dma_semaphore, #tpu.memory_space<semaphore_mem>>)
    %get3A_1004 = arith.constant 0 : index
    %get3A_1005 = tpu.vector_load %arg13[%get3A_1004] {strides = array<i32>} : memref<32xi32, #tpu.memory_space<vmem>>, vector<16xi32>,
    %eq3A_1006 = arith.constant 14 : i32
    %eq3A_1007 = vector.broadcast %eq3A_1006 : i32 to vector<16xi32>
    %eq3A_1008 = arith.cmpi eq, %iota3A, %eq3A_1007 : vector<16xi32>
    %jit3A_1009 = arith.constant 0 : i32
    %broadcast_in_dim3A_1010 = vector.broadcast %jit3A_1009 : i32 to vector<16xi32>
    %select_n3A_1011 = arith.select %eq3A_1008, %get3A_1005, %broadcast_in_dim3A_1010 : vector<16xi1>, vector<16xi32>
    %reduce_sum3A_1012 = arith.constant true
    %reduce_sum3A_1013 = vector.broadcast %reduce_sum3A_1012 : i1 to vector<16xi1>
    %reduce_sum3A_1014 = tpu.scan <sum>, %select_n3A_1011 masked %reduce_sum3A_1013 : vector<16xi32>, vector<16xi1> -> vector<16xi32>
    %reduce_sum3A_1015 = vector.extract %reduce_sum3A_1014[15] : i32 from vector<16xi32>
    %add3A_1016 = arith.constant 6 : i32
    %add3A_1017 = arith.addi %add3A_665, %add3A_1016 : i32
    %dma_start3A_1018 = arith.constant 16 : i32
    %dma_start3A_1019 = arith.constant 0 : i32
    %dma_start3A_1020 = tpu.memref_slice %arg9[%add3A_1017, %dma_start3A_1018, %dma_start3A_1019] : memref<1024x32x512xf32, #tpu.memory_space<hbm>> -> memref<1x8x512xf32, #tpu.memory_space<hbm>>
    %dma_start3A_1021 = tpu.memref_squeeze %dma_start3A_1020 : memref<1x8x512xf32, #tpu.memory_space<hbm>> -> memref<8x512xf32, #tpu.memory_space<hbm>>
    %dma_start3A_1022 = arith.constant 0 : i32
    %dma_start3A_1023 = arith.constant 0 : i32
    %dma_start3A_1024 = tpu.memref_slice %arg11[%reduce_sum3A_1015, %dma_start3A_1022, %dma_start3A_1023] : memref<20x8x512xf32, #tpu.memory_space<vmem_shared>> -> memref<1x8x512xf32, #tpu.memory_space<vmem_shared>>
    %dma_start3A_1025 = tpu.memref_squeeze %dma_start3A_1024 : memref<1x8x512xf32, #tpu.memory_space<vmem_shared>> -> memref<8x512xf32, #tpu.memory_space<vmem_shared>>
    tpu.enqueue_dma source(%dma_start3A_1025 : memref<8x512xf32, #tpu.memory_space<vmem_shared>>) target(%dma_start3A_1021 : memref<8x512xf32, #tpu.memory_space<hbm>>) target_semaphore(%arg18 : memref<!tpu.dma_semaphore, #tpu.memory_space<semaphore_mem>>)
    %get3A_1026 = arith.constant 0 : index
    %get3A_1027 = tpu.vector_load %arg14[%get3A_1026] {strides = array<i32>} : memref<32xi32, #tpu.memory_space<vmem>>, vector<16xi32>,
    %eq3A_1028 = arith.constant 14 : i32
    %eq3A_1029 = vector.broadcast %eq3A_1028 : i32 to vector<16xi32>
    %eq3A_1030 = arith.cmpi eq, %iota3A, %eq3A_1029 : vector<16xi32>
    %jit3A_1031 = arith.constant 0 : i32
    %broadcast_in_dim3A_1032 = vector.broadcast %jit3A_1031 : i32 to vector<16xi32>
    %select_n3A_1033 = arith.select %eq3A_1030, %get3A_1027, %broadcast_in_dim3A_1032 : vector<16xi1>, vector<16xi32>
    %reduce_sum3A_1034 = arith.constant true
    %reduce_sum3A_1035 = vector.broadcast %reduce_sum3A_1034 : i1 to vector<16xi1>
    %reduce_sum3A_1036 = tpu.scan <sum>, %select_n3A_1033 masked %reduce_sum3A_1035 : vector<16xi32>, vector<16xi1> -> vector<16xi32>
    %reduce_sum3A_1037 = vector.extract %reduce_sum3A_1036[15] : i32 from vector<16xi32>
    %add3A_1038 = arith.constant 6 : i32
    %add3A_1039 = arith.addi %add3A_665, %add3A_1038 : i32
    %dma_start3A_1040 = arith.constant 0 : i32
    %dma_start3A_1041 = arith.constant 0 : i32
    %dma_start3A_1042 = tpu.memref_slice %arg15[%reduce_sum3A_1037, %dma_start3A_1040, %dma_start3A_1041] : memref<9x4x512xf32, #tpu.memory_space<vmem>> -> memref<1x4x512xf32, #tpu.memory_space<vmem>>
    %dma_start3A_1043 = tpu.memref_squeeze %dma_start3A_1042 : memref<1x4x512xf32, #tpu.memory_space<vmem>> -> memref<4x512xf32, #tpu.memory_space<vmem>>
    %dma_start3A_1044 = arith.constant 24 : i32
    %dma_start3A_1045 = arith.constant 0 : i32
    %dma_start3A_1046 = tpu.memref_slice %arg9[%add3A_1039, %dma_start3A_1044, %dma_start3A_1045] : memref<1024x32x512xf32, #tpu.memory_space<hbm>> -> memref<1x4x512xf32, #tpu.memory_space<hbm>>
    %dma_start3A_1047 = tpu.memref_squeeze %dma_start3A_1046 : memref<1x4x512xf32, #tpu.memory_space<hbm>> -> memref<4x512xf32, #tpu.memory_space<hbm>>
    %dma_start3A_1048 = arith.constant 24 : i32
    %dma_start3A_1049 = arith.constant 0 : i32
    %dma_start3A_1050 = tpu.memref_slice %arg9[%add3A_1039, %dma_start3A_1048, %dma_start3A_1049] : memref<1024x32x512xf32, #tpu.memory_space<hbm>> -> memref<1x4x512xf32, #tpu.memory_space<hbm>>
    %dma_start3A_1051 = tpu.memref_squeeze %dma_start3A_1050 : memref<1x4x512xf32, #tpu.memory_space<hbm>> -> memref<4x512xf32, #tpu.memory_space<hbm>>
    %dma_start3A_1052 = arith.constant 0 : i32
    %dma_start3A_1053 = arith.constant 0 : i32
    %dma_start3A_1054 = tpu.memref_slice %arg15[%reduce_sum3A_1037, %dma_start3A_1052, %dma_start3A_1053] : memref<9x4x512xf32, #tpu.memory_space<vmem>> -> memref<1x4x512xf32, #tpu.memory_space<vmem>>
    %dma_start3A_1055 = tpu.memref_squeeze %dma_start3A_1054 : memref<1x4x512xf32, #tpu.memory_space<vmem>> -> memref<4x512xf32, #tpu.memory_space<vmem>>
    tpu.enqueue_dma source(%dma_start3A_1055 : memref<4x512xf32, #tpu.memory_space<vmem>>) target(%dma_start3A_1051 : memref<4x512xf32, #tpu.memory_space<hbm>>) target_semaphore(%arg19 : memref<!tpu.dma_semaphore, #tpu.memory_space<semaphore_mem>>)
    %get3A_1056 = arith.constant 0 : index
    %get3A_1057 = tpu.vector_load %arg13[%get3A_1056] {strides = array<i32>} : memref<32xi32, #tpu.memory_space<vmem>>, vector<16xi32>,
    %eq3A_1058 = arith.constant 15 : i32
    %eq3A_1059 = vector.broadcast %eq3A_1058 : i32 to vector<16xi32>
    %eq3A_1060 = arith.cmpi eq, %iota3A, %eq3A_1059 : vector<16xi32>
    %jit3A_1061 = arith.constant 0 : i32
    %broadcast_in_dim3A_1062 = vector.broadcast %jit3A_1061 : i32 to vector<16xi32>
    %select_n3A_1063 = arith.select %eq3A_1060, %get3A_1057, %broadcast_in_dim3A_1062 : vector<16xi1>, vector<16xi32>
    %reduce_sum3A_1064 = arith.constant true
    %reduce_sum3A_1065 = vector.broadcast %reduce_sum3A_1064 : i1 to vector<16xi1>
    %reduce_sum3A_1066 = tpu.scan <sum>, %select_n3A_1063 masked %reduce_sum3A_1065 : vector<16xi32>, vector<16xi1> -> vector<16xi32>
    %reduce_sum3A_1067 = vector.extract %reduce_sum3A_1066[15] : i32 from vector<16xi32>
    %add3A_1068 = arith.constant 7 : i32
    %add3A_1069 = arith.addi %add3A_665, %add3A_1068 : i32
    %dma_start3A_1070 = arith.constant 16 : i32
    %dma_start3A_1071 = arith.constant 0 : i32
    %dma_start3A_1072 = tpu.memref_slice %arg9[%add3A_1069, %dma_start3A_1070, %dma_start3A_1071] : memref<1024x32x512xf32, #tpu.memory_space<hbm>> -> memref<1x8x512xf32, #tpu.memory_space<hbm>>
    %dma_start3A_1073 = tpu.memref_squeeze %dma_start3A_1072 : memref<1x8x512xf32, #tpu.memory_space<hbm>> -> memref<8x512xf32, #tpu.memory_space<hbm>>
    %dma_start3A_1074 = arith.constant 0 : i32
    %dma_start3A_1075 = arith.constant 0 : i32
    %dma_start3A_1076 = tpu.memref_slice %arg11[%reduce_sum3A_1067, %dma_start3A_1074, %dma_start3A_1075] : memref<20x8x512xf32, #tpu.memory_space<vmem_shared>> -> memref<1x8x512xf32, #tpu.memory_space<vmem_shared>>
    %dma_start3A_1077 = tpu.memref_squeeze %dma_start3A_1076 : memref<1x8x512xf32, #tpu.memory_space<vmem_shared>> -> memref<8x512xf32, #tpu.memory_space<vmem_shared>>
    tpu.enqueue_dma source(%dma_start3A_1077 : memref<8x512xf32, #tpu.memory_space<vmem_shared>>) target(%dma_start3A_1073 : memref<8x512xf32, #tpu.memory_space<hbm>>) target_semaphore(%arg18 : memref<!tpu.dma_semaphore, #tpu.memory_space<semaphore_mem>>)
    %get3A_1078 = arith.constant 0 : index
    %get3A_1079 = tpu.vector_load %arg14[%get3A_1078] {strides = array<i32>} : memref<32xi32, #tpu.memory_space<vmem>>, vector<16xi32>,
    %eq3A_1080 = arith.constant 15 : i32
    %eq3A_1081 = vector.broadcast %eq3A_1080 : i32 to vector<16xi32>
    %eq3A_1082 = arith.cmpi eq, %iota3A, %eq3A_1081 : vector<16xi32>
    %jit3A_1083 = arith.constant 0 : i32
    %broadcast_in_dim3A_1084 = vector.broadcast %jit3A_1083 : i32 to vector<16xi32>
    %select_n3A_1085 = arith.select %eq3A_1082, %get3A_1079, %broadcast_in_dim3A_1084 : vector<16xi1>, vector<16xi32>
    %reduce_sum3A_1086 = arith.constant true
    %reduce_sum3A_1087 = vector.broadcast %reduce_sum3A_1086 : i1 to vector<16xi1>
    %reduce_sum3A_1088 = tpu.scan <sum>, %select_n3A_1085 masked %reduce_sum3A_1087 : vector<16xi32>, vector<16xi1> -> vector<16xi32>
    %reduce_sum3A_1089 = vector.extract %reduce_sum3A_1088[15] : i32 from vector<16xi32>
    %add3A_1090 = arith.constant 7 : i32
    %add3A_1091 = arith.addi %add3A_665, %add3A_1090 : i32
    %dma_start3A_1092 = arith.constant 0 : i32
    %dma_start3A_1093 = arith.constant 0 : i32
    %dma_start3A_1094 = tpu.memref_slice %arg15[%reduce_sum3A_1089, %dma_start3A_1092, %dma_start3A_1093] : memref<9x4x512xf32, #tpu.memory_space<vmem>> -> memref<1x4x512xf32, #tpu.memory_space<vmem>>
    %dma_start3A_1095 = tpu.memref_squeeze %dma_start3A_1094 : memref<1x4x512xf32, #tpu.memory_space<vmem>> -> memref<4x512xf32, #tpu.memory_space<vmem>>
    %dma_start3A_1096 = arith.constant 24 : i32
    %dma_start3A_1097 = arith.constant 0 : i32
    %dma_start3A_1098 = tpu.memref_slice %arg9[%add3A_1091, %dma_start3A_1096, %dma_start3A_1097] : memref<1024x32x512xf32, #tpu.memory_space<hbm>> -> memref<1x4x512xf32, #tpu.memory_space<hbm>>
    %dma_start3A_1099 = tpu.memref_squeeze %dma_start3A_1098 : memref<1x4x512xf32, #tpu.memory_space<hbm>> -> memref<4x512xf32, #tpu.memory_space<hbm>>
    %dma_start3A_1100 = arith.constant 24 : i32
    %dma_start3A_1101 = arith.constant 0 : i32
    %dma_start3A_1102 = tpu.memref_slice %arg9[%add3A_1091, %dma_start3A_1100, %dma_start3A_1101] : memref<1024x32x512xf32, #tpu.memory_space<hbm>> -> memref<1x4x512xf32, #tpu.memory_space<hbm>>
    %dma_start3A_1103 = tpu.memref_squeeze %dma_start3A_1102 : memref<1x4x512xf32, #tpu.memory_space<hbm>> -> memref<4x512xf32, #tpu.memory_space<hbm>>
    %dma_start3A_1104 = arith.constant 0 : i32
    %dma_start3A_1105 = arith.constant 0 : i32
    %dma_start3A_1106 = tpu.memref_slice %arg15[%reduce_sum3A_1089, %dma_start3A_1104, %dma_start3A_1105] : memref<9x4x512xf32, #tpu.memory_space<vmem>> -> memref<1x4x512xf32, #tpu.memory_space<vmem>>
    %dma_start3A_1107 = tpu.memref_squeeze %dma_start3A_1106 : memref<1x4x512xf32, #tpu.memory_space<vmem>> -> memref<4x512xf32, #tpu.memory_space<vmem>>
    tpu.enqueue_dma source(%dma_start3A_1107 : memref<4x512xf32, #tpu.memory_space<vmem>>) target(%dma_start3A_1103 : memref<4x512xf32, #tpu.memory_space<hbm>>) target_semaphore(%arg19 : memref<!tpu.dma_semaphore, #tpu.memory_space<semaphore_mem>>)
    %dma_wait3A_1108 = arith.constant 8 : i32
    %dma_wait3A_1109 = tpu.memref_slice %arg12[%dma_wait3A_1108] : memref<32xi32, #tpu.memory_space<vmem>> -> memref<8xi32, #tpu.memory_space<vmem>>
    %dma_wait3A_1110 = arith.constant 0 : i32
    %dma_wait3A_1111 = arith.constant 0 : i32
    %dma_wait3A_1112 = arith.constant 0 : i32
    %dma_wait3A_1113 = tpu.memref_slice %arg5[%dma_wait3A_1110, %dma_wait3A_1111, %dma_wait3A_1112] : memref<100000x4x512xf32, #tpu.memory_space<hbm>> -> memref<100000x4x512xf32, #tpu.memory_space<hbm>>
    tpu.wait_indirect_dma semaphore(%arg17 : memref<!tpu.dma_semaphore, #tpu.memory_space<semaphore_mem>>) src(%dma_wait3A_1113 : memref<100000x4x512xf32, #tpu.memory_space<hbm>>) dst(%arg16 : memref<8x4x512xf32, #tpu.memory_space<vmem>>)
    %dma_start3A_1114 = arith.constant 28 : i32
    %dma_start3A_1115 = arith.constant 0 : i32
    %dma_start3A_1116 = tpu.memref_slice %arg9[%add3A_665, %dma_start3A_1114, %dma_start3A_1115] : memref<1024x32x512xf32, #tpu.memory_space<hbm>> -> memref<8x4x512xf32, #tpu.memory_space<hbm>>
    %dma_start3A_1117 = arith.constant 28 : i32
    %dma_start3A_1118 = arith.constant 0 : i32
    %dma_start3A_1119 = tpu.memref_slice %arg9[%add3A_665, %dma_start3A_1117, %dma_start3A_1118] : memref<1024x32x512xf32, #tpu.memory_space<hbm>> -> memref<8x4x512xf32, #tpu.memory_space<hbm>>
    tpu.enqueue_dma source(%arg16 : memref<8x4x512xf32, #tpu.memory_space<vmem>>) target(%dma_start3A_1119 : memref<8x4x512xf32, #tpu.memory_space<hbm>>) target_semaphore(%arg18 : memref<!tpu.dma_semaphore, #tpu.memory_space<semaphore_mem>>)
    %dma_wait3A_1120 = arith.constant 0 : i32
    %dma_wait3A_1121 = arith.constant 0 : i32
    %dma_wait3A_1122 = tpu.memref_slice %arg9[%add3A_673, %dma_wait3A_1120, %dma_wait3A_1121] : memref<1024x32x512xf32, #tpu.memory_space<hbm>> -> memref<2x16x512xf32, #tpu.memory_space<hbm>>
    tpu.wait_dma2 semaphore(%arg19 : memref<!tpu.dma_semaphore, #tpu.memory_space<semaphore_mem>>) src(%arg10 : memref<2x16x512xf32, #tpu.memory_space<vmem_shared>>) dst(%dma_wait3A_1122 : memref<2x16x512xf32, #tpu.memory_space<hbm>>)
    %dma_wait3A_1123 = arith.constant 0 : i32
    %dma_wait3A_1124 = arith.constant 0 : i32
    %dma_wait3A_1125 = tpu.memref_slice %arg9[%add3A_678, %dma_wait3A_1123, %dma_wait3A_1124] : memref<1024x32x512xf32, #tpu.memory_space<hbm>> -> memref<2x16x512xf32, #tpu.memory_space<hbm>>
    tpu.wait_dma2 semaphore(%arg19 : memref<!tpu.dma_semaphore, #tpu.memory_space<semaphore_mem>>) src(%arg10 : memref<2x16x512xf32, #tpu.memory_space<vmem_shared>>) dst(%dma_wait3A_1125 : memref<2x16x512xf32, #tpu.memory_space<hbm>>)
    %dma_wait3A_1126 = arith.constant 0 : i32
    %dma_wait3A_1127 = arith.constant 0 : i32
    %dma_wait3A_1128 = tpu.memref_slice %arg9[%add3A_683, %dma_wait3A_1126, %dma_wait3A_1127] : memref<1024x32x512xf32, #tpu.memory_space<hbm>> -> memref<2x16x512xf32, #tpu.memory_space<hbm>>
    tpu.wait_dma2 semaphore(%arg19 : memref<!tpu.dma_semaphore, #tpu.memory_space<semaphore_mem>>) src(%arg10 : memref<2x16x512xf32, #tpu.memory_space<vmem_shared>>) dst(%dma_wait3A_1128 : memref<2x16x512xf32, #tpu.memory_space<hbm>>)
    %dma_wait3A_1129 = arith.constant 0 : i32
    %dma_wait3A_1130 = arith.constant 0 : i32
    %dma_wait3A_1131 = tpu.memref_slice %arg9[%add3A_688, %dma_wait3A_1129, %dma_wait3A_1130] : memref<1024x32x512xf32, #tpu.memory_space<hbm>> -> memref<2x16x512xf32, #tpu.memory_space<hbm>>
    tpu.wait_dma2 semaphore(%arg19 : memref<!tpu.dma_semaphore, #tpu.memory_space<semaphore_mem>>) src(%arg10 : memref<2x16x512xf32, #tpu.memory_space<vmem_shared>>) dst(%dma_wait3A_1131 : memref<2x16x512xf32, #tpu.memory_space<hbm>>)
    %dma_wait3A_1132 = arith.constant 16 : i32
    %dma_wait3A_1133 = arith.constant 0 : i32
    %dma_wait3A_1134 = tpu.memref_slice %arg9[%add3A_705, %dma_wait3A_1132, %dma_wait3A_1133] : memref<1024x32x512xf32, #tpu.memory_space<hbm>> -> memref<1x8x512xf32, #tpu.memory_space<hbm>>
    %dma_wait3A_1135 = tpu.memref_squeeze %dma_wait3A_1134 : memref<1x8x512xf32, #tpu.memory_space<hbm>> -> memref<8x512xf32, #tpu.memory_space<hbm>>
    %dma_wait3A_1136 = arith.constant 0 : i32
    %dma_wait3A_1137 = arith.constant 0 : i32
    %dma_wait3A_1138 = tpu.memref_slice %arg11[%reduce_sum3A_703, %dma_wait3A_1136, %dma_wait3A_1137] : memref<20x8x512xf32, #tpu.memory_space<vmem_shared>> -> memref<1x8x512xf32, #tpu.memory_space<vmem_shared>>
    %dma_wait3A_1139 = tpu.memref_squeeze %dma_wait3A_1138 : memref<1x8x512xf32, #tpu.memory_space<vmem_shared>> -> memref<8x512xf32, #tpu.memory_space<vmem_shared>>
    tpu.wait_dma2 semaphore(%arg18 : memref<!tpu.dma_semaphore, #tpu.memory_space<semaphore_mem>>) src(%dma_wait3A_1139 : memref<8x512xf32, #tpu.memory_space<vmem_shared>>) dst(%dma_wait3A_1135 : memref<8x512xf32, #tpu.memory_space<hbm>>)
    %dma_wait3A_1140 = arith.constant 0 : i32
    %dma_wait3A_1141 = arith.constant 0 : i32
    %dma_wait3A_1142 = tpu.memref_slice %arg15[%reduce_sum3A_725, %dma_wait3A_1140, %dma_wait3A_1141] : memref<9x4x512xf32, #tpu.memory_space<vmem>> -> memref<1x4x512xf32, #tpu.memory_space<vmem>>
    %dma_wait3A_1143 = tpu.memref_squeeze %dma_wait3A_1142 : memref<1x4x512xf32, #tpu.memory_space<vmem>> -> memref<4x512xf32, #tpu.memory_space<vmem>>
    %dma_wait3A_1144 = arith.constant 24 : i32
    %dma_wait3A_1145 = arith.constant 0 : i32
    %dma_wait3A_1146 = tpu.memref_slice %arg9[%add3A_727, %dma_wait3A_1144, %dma_wait3A_1145] : memref<1024x32x512xf32, #tpu.memory_space<hbm>> -> memref<1x4x512xf32, #tpu.memory_space<hbm>>
    %dma_wait3A_1147 = tpu.memref_squeeze %dma_wait3A_1146 : memref<1x4x512xf32, #tpu.memory_space<hbm>> -> memref<4x512xf32, #tpu.memory_space<hbm>>
    %dma_wait3A_1148 = arith.constant 24 : i32
    %dma_wait3A_1149 = arith.constant 0 : i32
    %dma_wait3A_1150 = tpu.memref_slice %arg9[%add3A_727, %dma_wait3A_1148, %dma_wait3A_1149] : memref<1024x32x512xf32, #tpu.memory_space<hbm>> -> memref<1x4x512xf32, #tpu.memory_space<hbm>>
    %dma_wait3A_1151 = tpu.memref_squeeze %dma_wait3A_1150 : memref<1x4x512xf32, #tpu.memory_space<hbm>> -> memref<4x512xf32, #tpu.memory_space<hbm>>
    %dma_wait3A_1152 = arith.constant 0 : i32
    %dma_wait3A_1153 = arith.constant 0 : i32
    %dma_wait3A_1154 = tpu.memref_slice %arg15[%reduce_sum3A_725, %dma_wait3A_1152, %dma_wait3A_1153] : memref<9x4x512xf32, #tpu.memory_space<vmem>> -> memref<1x4x512xf32, #tpu.memory_space<vmem>>
    %dma_wait3A_1155 = tpu.memref_squeeze %dma_wait3A_1154 : memref<1x4x512xf32, #tpu.memory_space<vmem>> -> memref<4x512xf32, #tpu.memory_space<vmem>>
    tpu.wait_dma2 semaphore(%arg19 : memref<!tpu.dma_semaphore, #tpu.memory_space<semaphore_mem>>) src(%dma_wait3A_1155 : memref<4x512xf32, #tpu.memory_space<vmem>>) dst(%dma_wait3A_1151 : memref<4x512xf32, #tpu.memory_space<hbm>>)
    %dma_wait3A_1156 = arith.constant 16 : i32
    %dma_wait3A_1157 = arith.constant 0 : i32
    %dma_wait3A_1158 = tpu.memref_slice %arg9[%add3A_757, %dma_wait3A_1156, %dma_wait3A_1157] : memref<1024x32x512xf32, #tpu.memory_space<hbm>> -> memref<1x8x512xf32, #tpu.memory_space<hbm>>
    %dma_wait3A_1159 = tpu.memref_squeeze %dma_wait3A_1158 : memref<1x8x512xf32, #tpu.memory_space<hbm>> -> memref<8x512xf32, #tpu.memory_space<hbm>>
    %dma_wait3A_1160 = arith.constant 0 : i32
    %dma_wait3A_1161 = arith.constant 0 : i32
    %dma_wait3A_1162 = tpu.memref_slice %arg11[%reduce_sum3A_755, %dma_wait3A_1160, %dma_wait3A_1161] : memref<20x8x512xf32, #tpu.memory_space<vmem_shared>> -> memref<1x8x512xf32, #tpu.memory_space<vmem_shared>>
    %dma_wait3A_1163 = tpu.memref_squeeze %dma_wait3A_1162 : memref<1x8x512xf32, #tpu.memory_space<vmem_shared>> -> memref<8x512xf32, #tpu.memory_space<vmem_shared>>
    tpu.wait_dma2 semaphore(%arg18 : memref<!tpu.dma_semaphore, #tpu.memory_space<semaphore_mem>>) src(%dma_wait3A_1163 : memref<8x512xf32, #tpu.memory_space<vmem_shared>>) dst(%dma_wait3A_1159 : memref<8x512xf32, #tpu.memory_space<hbm>>)
    %dma_wait3A_1164 = arith.constant 0 : i32
    %dma_wait3A_1165 = arith.constant 0 : i32
    %dma_wait3A_1166 = tpu.memref_slice %arg15[%reduce_sum3A_777, %dma_wait3A_1164, %dma_wait3A_1165] : memref<9x4x512xf32, #tpu.memory_space<vmem>> -> memref<1x4x512xf32, #tpu.memory_space<vmem>>
    %dma_wait3A_1167 = tpu.memref_squeeze %dma_wait3A_1166 : memref<1x4x512xf32, #tpu.memory_space<vmem>> -> memref<4x512xf32, #tpu.memory_space<vmem>>
    %dma_wait3A_1168 = arith.constant 24 : i32
    %dma_wait3A_1169 = arith.constant 0 : i32
    %dma_wait3A_1170 = tpu.memref_slice %arg9[%add3A_779, %dma_wait3A_1168, %dma_wait3A_1169] : memref<1024x32x512xf32, #tpu.memory_space<hbm>> -> memref<1x4x512xf32, #tpu.memory_space<hbm>>
    %dma_wait3A_1171 = tpu.memref_squeeze %dma_wait3A_1170 : memref<1x4x512xf32, #tpu.memory_space<hbm>> -> memref<4x512xf32, #tpu.memory_space<hbm>>
    %dma_wait3A_1172 = arith.constant 24 : i32
    %dma_wait3A_1173 = arith.constant 0 : i32
    %dma_wait3A_1174 = tpu.memref_slice %arg9[%add3A_779, %dma_wait3A_1172, %dma_wait3A_1173] : memref<1024x32x512xf32, #tpu.memory_space<hbm>> -> memref<1x4x512xf32, #tpu.memory_space<hbm>>
    %dma_wait3A_1175 = tpu.memref_squeeze %dma_wait3A_1174 : memref<1x4x512xf32, #tpu.memory_space<hbm>> -> memref<4x512xf32, #tpu.memory_space<hbm>>
    %dma_wait3A_1176 = arith.constant 0 : i32
    %dma_wait3A_1177 = arith.constant 0 : i32
    %dma_wait3A_1178 = tpu.memref_slice %arg15[%reduce_sum3A_777, %dma_wait3A_1176, %dma_wait3A_1177] : memref<9x4x512xf32, #tpu.memory_space<vmem>> -> memref<1x4x512xf32, #tpu.memory_space<vmem>>
    %dma_wait3A_1179 = tpu.memref_squeeze %dma_wait3A_1178 : memref<1x4x512xf32, #tpu.memory_space<vmem>> -> memref<4x512xf32, #tpu.memory_space<vmem>>
    tpu.wait_dma2 semaphore(%arg19 : memref<!tpu.dma_semaphore, #tpu.memory_space<semaphore_mem>>) src(%dma_wait3A_1179 : memref<4x512xf32, #tpu.memory_space<vmem>>) dst(%dma_wait3A_1175 : memref<4x512xf32, #tpu.memory_space<hbm>>)
    %dma_wait3A_1180 = arith.constant 16 : i32
    %dma_wait3A_1181 = arith.constant 0 : i32
    %dma_wait3A_1182 = tpu.memref_slice %arg9[%add3A_809, %dma_wait3A_1180, %dma_wait3A_1181] : memref<1024x32x512xf32, #tpu.memory_space<hbm>> -> memref<1x8x512xf32, #tpu.memory_space<hbm>>
    %dma_wait3A_1183 = tpu.memref_squeeze %dma_wait3A_1182 : memref<1x8x512xf32, #tpu.memory_space<hbm>> -> memref<8x512xf32, #tpu.memory_space<hbm>>
    %dma_wait3A_1184 = arith.constant 0 : i32
    %dma_wait3A_1185 = arith.constant 0 : i32
    %dma_wait3A_1186 = tpu.memref_slice %arg11[%reduce_sum3A_807, %dma_wait3A_1184, %dma_wait3A_1185] : memref<20x8x512xf32, #tpu.memory_space<vmem_shared>> -> memref<1x8x512xf32, #tpu.memory_space<vmem_shared>>
    %dma_wait3A_1187 = tpu.memref_squeeze %dma_wait3A_1186 : memref<1x8x512xf32, #tpu.memory_space<vmem_shared>> -> memref<8x512xf32, #tpu.memory_space<vmem_shared>>
    tpu.wait_dma2 semaphore(%arg18 : memref<!tpu.dma_semaphore, #tpu.memory_space<semaphore_mem>>) src(%dma_wait3A_1187 : memref<8x512xf32, #tpu.memory_space<vmem_shared>>) dst(%dma_wait3A_1183 : memref<8x512xf32, #tpu.memory_space<hbm>>)
    %dma_wait3A_1188 = arith.constant 0 : i32
    %dma_wait3A_1189 = arith.constant 0 : i32
    %dma_wait3A_1190 = tpu.memref_slice %arg15[%reduce_sum3A_829, %dma_wait3A_1188, %dma_wait3A_1189] : memref<9x4x512xf32, #tpu.memory_space<vmem>> -> memref<1x4x512xf32, #tpu.memory_space<vmem>>
    %dma_wait3A_1191 = tpu.memref_squeeze %dma_wait3A_1190 : memref<1x4x512xf32, #tpu.memory_space<vmem>> -> memref<4x512xf32, #tpu.memory_space<vmem>>
    %dma_wait3A_1192 = arith.constant 24 : i32
    %dma_wait3A_1193 = arith.constant 0 : i32
    %dma_wait3A_1194 = tpu.memref_slice %arg9[%add3A_831, %dma_wait3A_1192, %dma_wait3A_1193] : memref<1024x32x512xf32, #tpu.memory_space<hbm>> -> memref<1x4x512xf32, #tpu.memory_space<hbm>>
    %dma_wait3A_1195 = tpu.memref_squeeze %dma_wait3A_1194 : memref<1x4x512xf32, #tpu.memory_space<hbm>> -> memref<4x512xf32, #tpu.memory_space<hbm>>
    %dma_wait3A_1196 = arith.constant 24 : i32
    %dma_wait3A_1197 = arith.constant 0 : i32
    %dma_wait3A_1198 = tpu.memref_slice %arg9[%add3A_831, %dma_wait3A_1196, %dma_wait3A_1197] : memref<1024x32x512xf32, #tpu.memory_space<hbm>> -> memref<1x4x512xf32, #tpu.memory_space<hbm>>
    %dma_wait3A_1199 = tpu.memref_squeeze %dma_wait3A_1198 : memref<1x4x512xf32, #tpu.memory_space<hbm>> -> memref<4x512xf32, #tpu.memory_space<hbm>>
    %dma_wait3A_1200 = arith.constant 0 : i32
    %dma_wait3A_1201 = arith.constant 0 : i32
    %dma_wait3A_1202 = tpu.memref_slice %arg15[%reduce_sum3A_829, %dma_wait3A_1200, %dma_wait3A_1201] : memref<9x4x512xf32, #tpu.memory_space<vmem>> -> memref<1x4x512xf32, #tpu.memory_space<vmem>>
    %dma_wait3A_1203 = tpu.memref_squeeze %dma_wait3A_1202 : memref<1x4x512xf32, #tpu.memory_space<vmem>> -> memref<4x512xf32, #tpu.memory_space<vmem>>
    tpu.wait_dma2 semaphore(%arg19 : memref<!tpu.dma_semaphore, #tpu.memory_space<semaphore_mem>>) src(%dma_wait3A_1203 : memref<4x512xf32, #tpu.memory_space<vmem>>) dst(%dma_wait3A_1199 : memref<4x512xf32, #tpu.memory_space<hbm>>)
    %dma_wait3A_1204 = arith.constant 16 : i32
    %dma_wait3A_1205 = arith.constant 0 : i32
    %dma_wait3A_1206 = tpu.memref_slice %arg9[%add3A_861, %dma_wait3A_1204, %dma_wait3A_1205] : memref<1024x32x512xf32, #tpu.memory_space<hbm>> -> memref<1x8x512xf32, #tpu.memory_space<hbm>>
    %dma_wait3A_1207 = tpu.memref_squeeze %dma_wait3A_1206 : memref<1x8x512xf32, #tpu.memory_space<hbm>> -> memref<8x512xf32, #tpu.memory_space<hbm>>
    %dma_wait3A_1208 = arith.constant 0 : i32
    %dma_wait3A_1209 = arith.constant 0 : i32
    %dma_wait3A_1210 = tpu.memref_slice %arg11[%reduce_sum3A_859, %dma_wait3A_1208, %dma_wait3A_1209] : memref<20x8x512xf32, #tpu.memory_space<vmem_shared>> -> memref<1x8x512xf32, #tpu.memory_space<vmem_shared>>
    %dma_wait3A_1211 = tpu.memref_squeeze %dma_wait3A_1210 : memref<1x8x512xf32, #tpu.memory_space<vmem_shared>> -> memref<8x512xf32, #tpu.memory_space<vmem_shared>>
    tpu.wait_dma2 semaphore(%arg18 : memref<!tpu.dma_semaphore, #tpu.memory_space<semaphore_mem>>) src(%dma_wait3A_1211 : memref<8x512xf32, #tpu.memory_space<vmem_shared>>) dst(%dma_wait3A_1207 : memref<8x512xf32, #tpu.memory_space<hbm>>)
    %dma_wait3A_1212 = arith.constant 0 : i32
    %dma_wait3A_1213 = arith.constant 0 : i32
    %dma_wait3A_1214 = tpu.memref_slice %arg15[%reduce_sum3A_881, %dma_wait3A_1212, %dma_wait3A_1213] : memref<9x4x512xf32, #tpu.memory_space<vmem>> -> memref<1x4x512xf32, #tpu.memory_space<vmem>>
    %dma_wait3A_1215 = tpu.memref_squeeze %dma_wait3A_1214 : memref<1x4x512xf32, #tpu.memory_space<vmem>> -> memref<4x512xf32, #tpu.memory_space<vmem>>
    %dma_wait3A_1216 = arith.constant 24 : i32
    %dma_wait3A_1217 = arith.constant 0 : i32
    %dma_wait3A_1218 = tpu.memref_slice %arg9[%add3A_883, %dma_wait3A_1216, %dma_wait3A_1217] : memref<1024x32x512xf32, #tpu.memory_space<hbm>> -> memref<1x4x512xf32, #tpu.memory_space<hbm>>
    %dma_wait3A_1219 = tpu.memref_squeeze %dma_wait3A_1218 : memref<1x4x512xf32, #tpu.memory_space<hbm>> -> memref<4x512xf32, #tpu.memory_space<hbm>>
    %dma_wait3A_1220 = arith.constant 24 : i32
    %dma_wait3A_1221 = arith.constant 0 : i32
    %dma_wait3A_1222 = tpu.memref_slice %arg9[%add3A_883, %dma_wait3A_1220, %dma_wait3A_1221] : memref<1024x32x512xf32, #tpu.memory_space<hbm>> -> memref<1x4x512xf32, #tpu.memory_space<hbm>>
    %dma_wait3A_1223 = tpu.memref_squeeze %dma_wait3A_1222 : memref<1x4x512xf32, #tpu.memory_space<hbm>> -> memref<4x512xf32, #tpu.memory_space<hbm>>
    %dma_wait3A_1224 = arith.constant 0 : i32
    %dma_wait3A_1225 = arith.constant 0 : i32
    %dma_wait3A_1226 = tpu.memref_slice %arg15[%reduce_sum3A_881, %dma_wait3A_1224, %dma_wait3A_1225] : memref<9x4x512xf32, #tpu.memory_space<vmem>> -> memref<1x4x512xf32, #tpu.memory_space<vmem>>
    %dma_wait3A_1227 = tpu.memref_squeeze %dma_wait3A_1226 : memref<1x4x512xf32, #tpu.memory_space<vmem>> -> memref<4x512xf32, #tpu.memory_space<vmem>>
    tpu.wait_dma2 semaphore(%arg19 : memref<!tpu.dma_semaphore, #tpu.memory_space<semaphore_mem>>) src(%dma_wait3A_1227 : memref<4x512xf32, #tpu.memory_space<vmem>>) dst(%dma_wait3A_1223 : memref<4x512xf32, #tpu.memory_space<hbm>>)
    %dma_wait3A_1228 = arith.constant 16 : i32
    %dma_wait3A_1229 = arith.constant 0 : i32
    %dma_wait3A_1230 = tpu.memref_slice %arg9[%add3A_913, %dma_wait3A_1228, %dma_wait3A_1229] : memref<1024x32x512xf32, #tpu.memory_space<hbm>> -> memref<1x8x512xf32, #tpu.memory_space<hbm>>
    %dma_wait3A_1231 = tpu.memref_squeeze %dma_wait3A_1230 : memref<1x8x512xf32, #tpu.memory_space<hbm>> -> memref<8x512xf32, #tpu.memory_space<hbm>>
    %dma_wait3A_1232 = arith.constant 0 : i32
    %dma_wait3A_1233 = arith.constant 0 : i32
    %dma_wait3A_1234 = tpu.memref_slice %arg11[%reduce_sum3A_911, %dma_wait3A_1232, %dma_wait3A_1233] : memref<20x8x512xf32, #tpu.memory_space<vmem_shared>> -> memref<1x8x512xf32, #tpu.memory_space<vmem_shared>>
    %dma_wait3A_1235 = tpu.memref_squeeze %dma_wait3A_1234 : memref<1x8x512xf32, #tpu.memory_space<vmem_shared>> -> memref<8x512xf32, #tpu.memory_space<vmem_shared>>
    tpu.wait_dma2 semaphore(%arg18 : memref<!tpu.dma_semaphore, #tpu.memory_space<semaphore_mem>>) src(%dma_wait3A_1235 : memref<8x512xf32, #tpu.memory_space<vmem_shared>>) dst(%dma_wait3A_1231 : memref<8x512xf32, #tpu.memory_space<hbm>>)
    %dma_wait3A_1236 = arith.constant 0 : i32
    %dma_wait3A_1237 = arith.constant 0 : i32
    %dma_wait3A_1238 = tpu.memref_slice %arg15[%reduce_sum3A_933, %dma_wait3A_1236, %dma_wait3A_1237] : memref<9x4x512xf32, #tpu.memory_space<vmem>> -> memref<1x4x512xf32, #tpu.memory_space<vmem>>
    %dma_wait3A_1239 = tpu.memref_squeeze %dma_wait3A_1238 : memref<1x4x512xf32, #tpu.memory_space<vmem>> -> memref<4x512xf32, #tpu.memory_space<vmem>>
    %dma_wait3A_1240 = arith.constant 24 : i32
    %dma_wait3A_1241 = arith.constant 0 : i32
    %dma_wait3A_1242 = tpu.memref_slice %arg9[%add3A_935, %dma_wait3A_1240, %dma_wait3A_1241] : memref<1024x32x512xf32, #tpu.memory_space<hbm>> -> memref<1x4x512xf32, #tpu.memory_space<hbm>>
    %dma_wait3A_1243 = tpu.memref_squeeze %dma_wait3A_1242 : memref<1x4x512xf32, #tpu.memory_space<hbm>> -> memref<4x512xf32, #tpu.memory_space<hbm>>
    %dma_wait3A_1244 = arith.constant 24 : i32
    %dma_wait3A_1245 = arith.constant 0 : i32
    %dma_wait3A_1246 = tpu.memref_slice %arg9[%add3A_935, %dma_wait3A_1244, %dma_wait3A_1245] : memref<1024x32x512xf32, #tpu.memory_space<hbm>> -> memref<1x4x512xf32, #tpu.memory_space<hbm>>
    %dma_wait3A_1247 = tpu.memref_squeeze %dma_wait3A_1246 : memref<1x4x512xf32, #tpu.memory_space<hbm>> -> memref<4x512xf32, #tpu.memory_space<hbm>>
    %dma_wait3A_1248 = arith.constant 0 : i32
    %dma_wait3A_1249 = arith.constant 0 : i32
    %dma_wait3A_1250 = tpu.memref_slice %arg15[%reduce_sum3A_933, %dma_wait3A_1248, %dma_wait3A_1249] : memref<9x4x512xf32, #tpu.memory_space<vmem>> -> memref<1x4x512xf32, #tpu.memory_space<vmem>>
    %dma_wait3A_1251 = tpu.memref_squeeze %dma_wait3A_1250 : memref<1x4x512xf32, #tpu.memory_space<vmem>> -> memref<4x512xf32, #tpu.memory_space<vmem>>
    tpu.wait_dma2 semaphore(%arg19 : memref<!tpu.dma_semaphore, #tpu.memory_space<semaphore_mem>>) src(%dma_wait3A_1251 : memref<4x512xf32, #tpu.memory_space<vmem>>) dst(%dma_wait3A_1247 : memref<4x512xf32, #tpu.memory_space<hbm>>)
    %dma_wait3A_1252 = arith.constant 16 : i32
    %dma_wait3A_1253 = arith.constant 0 : i32
    %dma_wait3A_1254 = tpu.memref_slice %arg9[%add3A_965, %dma_wait3A_1252, %dma_wait3A_1253] : memref<1024x32x512xf32, #tpu.memory_space<hbm>> -> memref<1x8x512xf32, #tpu.memory_space<hbm>>
    %dma_wait3A_1255 = tpu.memref_squeeze %dma_wait3A_1254 : memref<1x8x512xf32, #tpu.memory_space<hbm>> -> memref<8x512xf32, #tpu.memory_space<hbm>>
    %dma_wait3A_1256 = arith.constant 0 : i32
    %dma_wait3A_1257 = arith.constant 0 : i32
    %dma_wait3A_1258 = tpu.memref_slice %arg11[%reduce_sum3A_963, %dma_wait3A_1256, %dma_wait3A_1257] : memref<20x8x512xf32, #tpu.memory_space<vmem_shared>> -> memref<1x8x512xf32, #tpu.memory_space<vmem_shared>>
    %dma_wait3A_1259 = tpu.memref_squeeze %dma_wait3A_1258 : memref<1x8x512xf32, #tpu.memory_space<vmem_shared>> -> memref<8x512xf32, #tpu.memory_space<vmem_shared>>
    tpu.wait_dma2 semaphore(%arg18 : memref<!tpu.dma_semaphore, #tpu.memory_space<semaphore_mem>>) src(%dma_wait3A_1259 : memref<8x512xf32, #tpu.memory_space<vmem_shared>>) dst(%dma_wait3A_1255 : memref<8x512xf32, #tpu.memory_space<hbm>>)
    %dma_wait3A_1260 = arith.constant 0 : i32
    %dma_wait3A_1261 = arith.constant 0 : i32
    %dma_wait3A_1262 = tpu.memref_slice %arg15[%reduce_sum3A_985, %dma_wait3A_1260, %dma_wait3A_1261] : memref<9x4x512xf32, #tpu.memory_space<vmem>> -> memref<1x4x512xf32, #tpu.memory_space<vmem>>
    %dma_wait3A_1263 = tpu.memref_squeeze %dma_wait3A_1262 : memref<1x4x512xf32, #tpu.memory_space<vmem>> -> memref<4x512xf32, #tpu.memory_space<vmem>>
    %dma_wait3A_1264 = arith.constant 24 : i32
    %dma_wait3A_1265 = arith.constant 0 : i32
    %dma_wait3A_1266 = tpu.memref_slice %arg9[%add3A_987, %dma_wait3A_1264, %dma_wait3A_1265] : memref<1024x32x512xf32, #tpu.memory_space<hbm>> -> memref<1x4x512xf32, #tpu.memory_space<hbm>>
    %dma_wait3A_1267 = tpu.memref_squeeze %dma_wait3A_1266 : memref<1x4x512xf32, #tpu.memory_space<hbm>> -> memref<4x512xf32, #tpu.memory_space<hbm>>
    %dma_wait3A_1268 = arith.constant 24 : i32
    %dma_wait3A_1269 = arith.constant 0 : i32
    %dma_wait3A_1270 = tpu.memref_slice %arg9[%add3A_987, %dma_wait3A_1268, %dma_wait3A_1269] : memref<1024x32x512xf32, #tpu.memory_space<hbm>> -> memref<1x4x512xf32, #tpu.memory_space<hbm>>
    %dma_wait3A_1271 = tpu.memref_squeeze %dma_wait3A_1270 : memref<1x4x512xf32, #tpu.memory_space<hbm>> -> memref<4x512xf32, #tpu.memory_space<hbm>>
    %dma_wait3A_1272 = arith.constant 0 : i32
    %dma_wait3A_1273 = arith.constant 0 : i32
    %dma_wait3A_1274 = tpu.memref_slice %arg15[%reduce_sum3A_985, %dma_wait3A_1272, %dma_wait3A_1273] : memref<9x4x512xf32, #tpu.memory_space<vmem>> -> memref<1x4x512xf32, #tpu.memory_space<vmem>>
    %dma_wait3A_1275 = tpu.memref_squeeze %dma_wait3A_1274 : memref<1x4x512xf32, #tpu.memory_space<vmem>> -> memref<4x512xf32, #tpu.memory_space<vmem>>
    tpu.wait_dma2 semaphore(%arg19 : memref<!tpu.dma_semaphore, #tpu.memory_space<semaphore_mem>>) src(%dma_wait3A_1275 : memref<4x512xf32, #tpu.memory_space<vmem>>) dst(%dma_wait3A_1271 : memref<4x512xf32, #tpu.memory_space<hbm>>)
    %dma_wait3A_1276 = arith.constant 16 : i32
    %dma_wait3A_1277 = arith.constant 0 : i32
    %dma_wait3A_1278 = tpu.memref_slice %arg9[%add3A_1017, %dma_wait3A_1276, %dma_wait3A_1277] : memref<1024x32x512xf32, #tpu.memory_space<hbm>> -> memref<1x8x512xf32, #tpu.memory_space<hbm>>
    %dma_wait3A_1279 = tpu.memref_squeeze %dma_wait3A_1278 : memref<1x8x512xf32, #tpu.memory_space<hbm>> -> memref<8x512xf32, #tpu.memory_space<hbm>>
    %dma_wait3A_1280 = arith.constant 0 : i32
    %dma_wait3A_1281 = arith.constant 0 : i32
    %dma_wait3A_1282 = tpu.memref_slice %arg11[%reduce_sum3A_1015, %dma_wait3A_1280, %dma_wait3A_1281] : memref<20x8x512xf32, #tpu.memory_space<vmem_shared>> -> memref<1x8x512xf32, #tpu.memory_space<vmem_shared>>
    %dma_wait3A_1283 = tpu.memref_squeeze %dma_wait3A_1282 : memref<1x8x512xf32, #tpu.memory_space<vmem_shared>> -> memref<8x512xf32, #tpu.memory_space<vmem_shared>>
    tpu.wait_dma2 semaphore(%arg18 : memref<!tpu.dma_semaphore, #tpu.memory_space<semaphore_mem>>) src(%dma_wait3A_1283 : memref<8x512xf32, #tpu.memory_space<vmem_shared>>) dst(%dma_wait3A_1279 : memref<8x512xf32, #tpu.memory_space<hbm>>)
    %dma_wait3A_1284 = arith.constant 0 : i32
    %dma_wait3A_1285 = arith.constant 0 : i32
    %dma_wait3A_1286 = tpu.memref_slice %arg15[%reduce_sum3A_1037, %dma_wait3A_1284, %dma_wait3A_1285] : memref<9x4x512xf32, #tpu.memory_space<vmem>> -> memref<1x4x512xf32, #tpu.memory_space<vmem>>
    %dma_wait3A_1287 = tpu.memref_squeeze %dma_wait3A_1286 : memref<1x4x512xf32, #tpu.memory_space<vmem>> -> memref<4x512xf32, #tpu.memory_space<vmem>>
    %dma_wait3A_1288 = arith.constant 24 : i32
    %dma_wait3A_1289 = arith.constant 0 : i32
    %dma_wait3A_1290 = tpu.memref_slice %arg9[%add3A_1039, %dma_wait3A_1288, %dma_wait3A_1289] : memref<1024x32x512xf32, #tpu.memory_space<hbm>> -> memref<1x4x512xf32, #tpu.memory_space<hbm>>
    %dma_wait3A_1291 = tpu.memref_squeeze %dma_wait3A_1290 : memref<1x4x512xf32, #tpu.memory_space<hbm>> -> memref<4x512xf32, #tpu.memory_space<hbm>>
    %dma_wait3A_1292 = arith.constant 24 : i32
    %dma_wait3A_1293 = arith.constant 0 : i32
    %dma_wait3A_1294 = tpu.memref_slice %arg9[%add3A_1039, %dma_wait3A_1292, %dma_wait3A_1293] : memref<1024x32x512xf32, #tpu.memory_space<hbm>> -> memref<1x4x512xf32, #tpu.memory_space<hbm>>
    %dma_wait3A_1295 = tpu.memref_squeeze %dma_wait3A_1294 : memref<1x4x512xf32, #tpu.memory_space<hbm>> -> memref<4x512xf32, #tpu.memory_space<hbm>>
    %dma_wait3A_1296 = arith.constant 0 : i32
    %dma_wait3A_1297 = arith.constant 0 : i32
    %dma_wait3A_1298 = tpu.memref_slice %arg15[%reduce_sum3A_1037, %dma_wait3A_1296, %dma_wait3A_1297] : memref<9x4x512xf32, #tpu.memory_space<vmem>> -> memref<1x4x512xf32, #tpu.memory_space<vmem>>
    %dma_wait3A_1299 = tpu.memref_squeeze %dma_wait3A_1298 : memref<1x4x512xf32, #tpu.memory_space<vmem>> -> memref<4x512xf32, #tpu.memory_space<vmem>>
    tpu.wait_dma2 semaphore(%arg19 : memref<!tpu.dma_semaphore, #tpu.memory_space<semaphore_mem>>) src(%dma_wait3A_1299 : memref<4x512xf32, #tpu.memory_space<vmem>>) dst(%dma_wait3A_1295 : memref<4x512xf32, #tpu.memory_space<hbm>>)
    %dma_wait3A_1300 = arith.constant 16 : i32
    %dma_wait3A_1301 = arith.constant 0 : i32
    %dma_wait3A_1302 = tpu.memref_slice %arg9[%add3A_1069, %dma_wait3A_1300, %dma_wait3A_1301] : memref<1024x32x512xf32, #tpu.memory_space<hbm>> -> memref<1x8x512xf32, #tpu.memory_space<hbm>>
    %dma_wait3A_1303 = tpu.memref_squeeze %dma_wait3A_1302 : memref<1x8x512xf32, #tpu.memory_space<hbm>> -> memref<8x512xf32, #tpu.memory_space<hbm>>
    %dma_wait3A_1304 = arith.constant 0 : i32
    %dma_wait3A_1305 = arith.constant 0 : i32
    %dma_wait3A_1306 = tpu.memref_slice %arg11[%reduce_sum3A_1067, %dma_wait3A_1304, %dma_wait3A_1305] : memref<20x8x512xf32, #tpu.memory_space<vmem_shared>> -> memref<1x8x512xf32, #tpu.memory_space<vmem_shared>>
    %dma_wait3A_1307 = tpu.memref_squeeze %dma_wait3A_1306 : memref<1x8x512xf32, #tpu.memory_space<vmem_shared>> -> memref<8x512xf32, #tpu.memory_space<vmem_shared>>
    tpu.wait_dma2 semaphore(%arg18 : memref<!tpu.dma_semaphore, #tpu.memory_space<semaphore_mem>>) src(%dma_wait3A_1307 : memref<8x512xf32, #tpu.memory_space<vmem_shared>>) dst(%dma_wait3A_1303 : memref<8x512xf32, #tpu.memory_space<hbm>>)
    %dma_wait3A_1308 = arith.constant 0 : i32
    %dma_wait3A_1309 = arith.constant 0 : i32
    %dma_wait3A_1310 = tpu.memref_slice %arg15[%reduce_sum3A_1089, %dma_wait3A_1308, %dma_wait3A_1309] : memref<9x4x512xf32, #tpu.memory_space<vmem>> -> memref<1x4x512xf32, #tpu.memory_space<vmem>>
    %dma_wait3A_1311 = tpu.memref_squeeze %dma_wait3A_1310 : memref<1x4x512xf32, #tpu.memory_space<vmem>> -> memref<4x512xf32, #tpu.memory_space<vmem>>
    %dma_wait3A_1312 = arith.constant 24 : i32
    %dma_wait3A_1313 = arith.constant 0 : i32
    %dma_wait3A_1314 = tpu.memref_slice %arg9[%add3A_1091, %dma_wait3A_1312, %dma_wait3A_1313] : memref<1024x32x512xf32, #tpu.memory_space<hbm>> -> memref<1x4x512xf32, #tpu.memory_space<hbm>>
    %dma_wait3A_1315 = tpu.memref_squeeze %dma_wait3A_1314 : memref<1x4x512xf32, #tpu.memory_space<hbm>> -> memref<4x512xf32, #tpu.memory_space<hbm>>
    %dma_wait3A_1316 = arith.constant 24 : i32
    %dma_wait3A_1317 = arith.constant 0 : i32
    %dma_wait3A_1318 = tpu.memref_slice %arg9[%add3A_1091, %dma_wait3A_1316, %dma_wait3A_1317] : memref<1024x32x512xf32, #tpu.memory_space<hbm>> -> memref<1x4x512xf32, #tpu.memory_space<hbm>>
    %dma_wait3A_1319 = tpu.memref_squeeze %dma_wait3A_1318 : memref<1x4x512xf32, #tpu.memory_space<hbm>> -> memref<4x512xf32, #tpu.memory_space<hbm>>
    %dma_wait3A_1320 = arith.constant 0 : i32
    %dma_wait3A_1321 = arith.constant 0 : i32
    %dma_wait3A_1322 = tpu.memref_slice %arg15[%reduce_sum3A_1089, %dma_wait3A_1320, %dma_wait3A_1321] : memref<9x4x512xf32, #tpu.memory_space<vmem>> -> memref<1x4x512xf32, #tpu.memory_space<vmem>>
    %dma_wait3A_1323 = tpu.memref_squeeze %dma_wait3A_1322 : memref<1x4x512xf32, #tpu.memory_space<vmem>> -> memref<4x512xf32, #tpu.memory_space<vmem>>
    tpu.wait_dma2 semaphore(%arg19 : memref<!tpu.dma_semaphore, #tpu.memory_space<semaphore_mem>>) src(%dma_wait3A_1323 : memref<4x512xf32, #tpu.memory_space<vmem>>) dst(%dma_wait3A_1319 : memref<4x512xf32, #tpu.memory_space<hbm>>)
    %dma_wait3A_1324 = arith.constant 28 : i32
    %dma_wait3A_1325 = arith.constant 0 : i32
    %dma_wait3A_1326 = tpu.memref_slice %arg9[%add3A_665, %dma_wait3A_1324, %dma_wait3A_1325] : memref<1024x32x512xf32, #tpu.memory_space<hbm>> -> memref<8x4x512xf32, #tpu.memory_space<hbm>>
    %dma_wait3A_1327 = arith.constant 28 : i32
    %dma_wait3A_1328 = arith.constant 0 : i32
    %dma_wait3A_1329 = tpu.memref_slice %arg9[%add3A_665, %dma_wait3A_1327, %dma_wait3A_1328] : memref<1024x32x512xf32, #tpu.memory_space<hbm>> -> memref<8x4x512xf32, #tpu.memory_space<hbm>>
    tpu.wait_dma2 semaphore(%arg18 : memref<!tpu.dma_semaphore, #tpu.memory_space<semaphore_mem>>) src(%arg16 : memref<8x4x512xf32, #tpu.memory_space<vmem>>) dst(%dma_wait3A_1329 : memref<8x4x512xf32, #tpu.memory_space<hbm>>)
    %add3A_1330 = arith.constant 16 : i32
    %add3A_1331 = arith.addi %mul3A_2, %add3A_1330 : i32
    %dma_start3A_1332 = arith.constant 16 : i32
    %dma_start3A_1333 = tpu.memref_slice %arg12[%dma_start3A_1332] : memref<32xi32, #tpu.memory_space<vmem>> -> memref<8xi32, #tpu.memory_space<vmem>>
    %dma_start3A_1334 = arith.constant 0 : i32
    %dma_start3A_1335 = arith.constant 0 : i32
    %dma_start3A_1336 = arith.constant 0 : i32
    %dma_start3A_1337 = tpu.memref_slice %arg5[%dma_start3A_1334, %dma_start3A_1335, %dma_start3A_1336] : memref<100000x4x512xf32, #tpu.memory_space<hbm>> -> memref<100000x4x512xf32, #tpu.memory_space<hbm>>
    tpu.enqueue_indirect_dma source(%dma_start3A_1337 : memref<100000x4x512xf32, #tpu.memory_space<hbm>>) target(%arg16 : memref<8x4x512xf32, #tpu.memory_space<vmem>>) offsets(%dma_start3A_1333 : memref<8xi32, #tpu.memory_space<vmem>>) semaphore(%arg17 : memref<!tpu.dma_semaphore, #tpu.memory_space<semaphore_mem>>)
    %add3A_1338 = arith.constant 0 : i32
    %add3A_1339 = arith.addi %add3A_1331, %add3A_1338 : i32
    %dma_start3A_1340 = arith.constant 0 : i32
    %dma_start3A_1341 = arith.constant 0 : i32
    %dma_start3A_1342 = tpu.memref_slice %arg9[%add3A_1339, %dma_start3A_1340, %dma_start3A_1341] : memref<1024x32x512xf32, #tpu.memory_space<hbm>> -> memref<2x16x512xf32, #tpu.memory_space<hbm>>
    tpu.enqueue_dma source(%arg10 : memref<2x16x512xf32, #tpu.memory_space<vmem_shared>>) target(%dma_start3A_1342 : memref<2x16x512xf32, #tpu.memory_space<hbm>>) target_semaphore(%arg19 : memref<!tpu.dma_semaphore, #tpu.memory_space<semaphore_mem>>)
    %add3A_1343 = arith.constant 2 : i32
    %add3A_1344 = arith.addi %add3A_1331, %add3A_1343 : i32
    %dma_start3A_1345 = arith.constant 0 : i32
    %dma_start3A_1346 = arith.constant 0 : i32
    %dma_start3A_1347 = tpu.memref_slice %arg9[%add3A_1344, %dma_start3A_1345, %dma_start3A_1346] : memref<1024x32x512xf32, #tpu.memory_space<hbm>> -> memref<2x16x512xf32, #tpu.memory_space<hbm>>
    tpu.enqueue_dma source(%arg10 : memref<2x16x512xf32, #tpu.memory_space<vmem_shared>>) target(%dma_start3A_1347 : memref<2x16x512xf32, #tpu.memory_space<hbm>>) target_semaphore(%arg19 : memref<!tpu.dma_semaphore, #tpu.memory_space<semaphore_mem>>)
    %add3A_1348 = arith.constant 4 : i32
    %add3A_1349 = arith.addi %add3A_1331, %add3A_1348 : i32
    %dma_start3A_1350 = arith.constant 0 : i32
    %dma_start3A_1351 = arith.constant 0 : i32
    %dma_start3A_1352 = tpu.memref_slice %arg9[%add3A_1349, %dma_start3A_1350, %dma_start3A_1351] : memref<1024x32x512xf32, #tpu.memory_space<hbm>> -> memref<2x16x512xf32, #tpu.memory_space<hbm>>
    tpu.enqueue_dma source(%arg10 : memref<2x16x512xf32, #tpu.memory_space<vmem_shared>>) target(%dma_start3A_1352 : memref<2x16x512xf32, #tpu.memory_space<hbm>>) target_semaphore(%arg19 : memref<!tpu.dma_semaphore, #tpu.memory_space<semaphore_mem>>)
    %add3A_1353 = arith.constant 6 : i32
    %add3A_1354 = arith.addi %add3A_1331, %add3A_1353 : i32
    %dma_start3A_1355 = arith.constant 0 : i32
    %dma_start3A_1356 = arith.constant 0 : i32
    %dma_start3A_1357 = tpu.memref_slice %arg9[%add3A_1354, %dma_start3A_1355, %dma_start3A_1356] : memref<1024x32x512xf32, #tpu.memory_space<hbm>> -> memref<2x16x512xf32, #tpu.memory_space<hbm>>
    tpu.enqueue_dma source(%arg10 : memref<2x16x512xf32, #tpu.memory_space<vmem_shared>>) target(%dma_start3A_1357 : memref<2x16x512xf32, #tpu.memory_space<hbm>>) target_semaphore(%arg19 : memref<!tpu.dma_semaphore, #tpu.memory_space<semaphore_mem>>)
    %get3A_1358 = arith.constant 16 : index
    %get3A_1359 = tpu.vector_load %arg13[%get3A_1358] {strides = array<i32>} : memref<32xi32, #tpu.memory_space<vmem>>, vector<16xi32>,
    %eq3A_1360 = arith.constant 0 : i32
    %eq3A_1361 = vector.broadcast %eq3A_1360 : i32 to vector<16xi32>
    %eq3A_1362 = arith.cmpi eq, %iota3A, %eq3A_1361 : vector<16xi32>
    %jit3A_1363 = arith.constant 0 : i32
    %broadcast_in_dim3A_1364 = vector.broadcast %jit3A_1363 : i32 to vector<16xi32>
    %select_n3A_1365 = arith.select %eq3A_1362, %get3A_1359, %broadcast_in_dim3A_1364 : vector<16xi1>, vector<16xi32>
    %reduce_sum3A_1366 = arith.constant true
    %reduce_sum3A_1367 = vector.broadcast %reduce_sum3A_1366 : i1 to vector<16xi1>
    %reduce_sum3A_1368 = tpu.scan <sum>, %select_n3A_1365 masked %reduce_sum3A_1367 : vector<16xi32>, vector<16xi1> -> vector<16xi32>
    %reduce_sum3A_1369 = vector.extract %reduce_sum3A_1368[15] : i32 from vector<16xi32>
    %add3A_1370 = arith.constant 0 : i32
    %add3A_1371 = arith.addi %add3A_1331, %add3A_1370 : i32
    %dma_start3A_1372 = arith.constant 16 : i32
    %dma_start3A_1373 = arith.constant 0 : i32
    %dma_start3A_1374 = tpu.memref_slice %arg9[%add3A_1371, %dma_start3A_1372, %dma_start3A_1373] : memref<1024x32x512xf32, #tpu.memory_space<hbm>> -> memref<1x8x512xf32, #tpu.memory_space<hbm>>
    %dma_start3A_1375 = tpu.memref_squeeze %dma_start3A_1374 : memref<1x8x512xf32, #tpu.memory_space<hbm>> -> memref<8x512xf32, #tpu.memory_space<hbm>>
    %dma_start3A_1376 = arith.constant 0 : i32
    %dma_start3A_1377 = arith.constant 0 : i32
    %dma_start3A_1378 = tpu.memref_slice %arg11[%reduce_sum3A_1369, %dma_start3A_1376, %dma_start3A_1377] : memref<20x8x512xf32, #tpu.memory_space<vmem_shared>> -> memref<1x8x512xf32, #tpu.memory_space<vmem_shared>>
    %dma_start3A_1379 = tpu.memref_squeeze %dma_start3A_1378 : memref<1x8x512xf32, #tpu.memory_space<vmem_shared>> -> memref<8x512xf32, #tpu.memory_space<vmem_shared>>
    tpu.enqueue_dma source(%dma_start3A_1379 : memref<8x512xf32, #tpu.memory_space<vmem_shared>>) target(%dma_start3A_1375 : memref<8x512xf32, #tpu.memory_space<hbm>>) target_semaphore(%arg18 : memref<!tpu.dma_semaphore, #tpu.memory_space<semaphore_mem>>)
    %get3A_1380 = arith.constant 16 : index
    %get3A_1381 = tpu.vector_load %arg14[%get3A_1380] {strides = array<i32>} : memref<32xi32, #tpu.memory_space<vmem>>, vector<16xi32>,
    %eq3A_1382 = arith.constant 0 : i32
    %eq3A_1383 = vector.broadcast %eq3A_1382 : i32 to vector<16xi32>
    %eq3A_1384 = arith.cmpi eq, %iota3A, %eq3A_1383 : vector<16xi32>
    %jit3A_1385 = arith.constant 0 : i32
    %broadcast_in_dim3A_1386 = vector.broadcast %jit3A_1385 : i32 to vector<16xi32>
    %select_n3A_1387 = arith.select %eq3A_1384, %get3A_1381, %broadcast_in_dim3A_1386 : vector<16xi1>, vector<16xi32>
    %reduce_sum3A_1388 = arith.constant true
    %reduce_sum3A_1389 = vector.broadcast %reduce_sum3A_1388 : i1 to vector<16xi1>
    %reduce_sum3A_1390 = tpu.scan <sum>, %select_n3A_1387 masked %reduce_sum3A_1389 : vector<16xi32>, vector<16xi1> -> vector<16xi32>
    %reduce_sum3A_1391 = vector.extract %reduce_sum3A_1390[15] : i32 from vector<16xi32>
    %add3A_1392 = arith.constant 0 : i32
    %add3A_1393 = arith.addi %add3A_1331, %add3A_1392 : i32
    %dma_start3A_1394 = arith.constant 0 : i32
    %dma_start3A_1395 = arith.constant 0 : i32
    %dma_start3A_1396 = tpu.memref_slice %arg15[%reduce_sum3A_1391, %dma_start3A_1394, %dma_start3A_1395] : memref<9x4x512xf32, #tpu.memory_space<vmem>> -> memref<1x4x512xf32, #tpu.memory_space<vmem>>
    %dma_start3A_1397 = tpu.memref_squeeze %dma_start3A_1396 : memref<1x4x512xf32, #tpu.memory_space<vmem>> -> memref<4x512xf32, #tpu.memory_space<vmem>>
    %dma_start3A_1398 = arith.constant 24 : i32
    %dma_start3A_1399 = arith.constant 0 : i32
    %dma_start3A_1400 = tpu.memref_slice %arg9[%add3A_1393, %dma_start3A_1398, %dma_start3A_1399] : memref<1024x32x512xf32, #tpu.memory_space<hbm>> -> memref<1x4x512xf32, #tpu.memory_space<hbm>>
    %dma_start3A_1401 = tpu.memref_squeeze %dma_start3A_1400 : memref<1x4x512xf32, #tpu.memory_space<hbm>> -> memref<4x512xf32, #tpu.memory_space<hbm>>
    %dma_start3A_1402 = arith.constant 24 : i32
    %dma_start3A_1403 = arith.constant 0 : i32
    %dma_start3A_1404 = tpu.memref_slice %arg9[%add3A_1393, %dma_start3A_1402, %dma_start3A_1403] : memref<1024x32x512xf32, #tpu.memory_space<hbm>> -> memref<1x4x512xf32, #tpu.memory_space<hbm>>
    %dma_start3A_1405 = tpu.memref_squeeze %dma_start3A_1404 : memref<1x4x512xf32, #tpu.memory_space<hbm>> -> memref<4x512xf32, #tpu.memory_space<hbm>>
    %dma_start3A_1406 = arith.constant 0 : i32
    %dma_start3A_1407 = arith.constant 0 : i32
    %dma_start3A_1408 = tpu.memref_slice %arg15[%reduce_sum3A_1391, %dma_start3A_1406, %dma_start3A_1407] : memref<9x4x512xf32, #tpu.memory_space<vmem>> -> memref<1x4x512xf32, #tpu.memory_space<vmem>>
    %dma_start3A_1409 = tpu.memref_squeeze %dma_start3A_1408 : memref<1x4x512xf32, #tpu.memory_space<vmem>> -> memref<4x512xf32, #tpu.memory_space<vmem>>
    tpu.enqueue_dma source(%dma_start3A_1409 : memref<4x512xf32, #tpu.memory_space<vmem>>) target(%dma_start3A_1405 : memref<4x512xf32, #tpu.memory_space<hbm>>) target_semaphore(%arg19 : memref<!tpu.dma_semaphore, #tpu.memory_space<semaphore_mem>>)
    %get3A_1410 = arith.constant 16 : index
    %get3A_1411 = tpu.vector_load %arg13[%get3A_1410] {strides = array<i32>} : memref<32xi32, #tpu.memory_space<vmem>>, vector<16xi32>,
    %eq3A_1412 = arith.constant 1 : i32
    %eq3A_1413 = vector.broadcast %eq3A_1412 : i32 to vector<16xi32>
    %eq3A_1414 = arith.cmpi eq, %iota3A, %eq3A_1413 : vector<16xi32>
    %jit3A_1415 = arith.constant 0 : i32
    %broadcast_in_dim3A_1416 = vector.broadcast %jit3A_1415 : i32 to vector<16xi32>
    %select_n3A_1417 = arith.select %eq3A_1414, %get3A_1411, %broadcast_in_dim3A_1416 : vector<16xi1>, vector<16xi32>
    %reduce_sum3A_1418 = arith.constant true
    %reduce_sum3A_1419 = vector.broadcast %reduce_sum3A_1418 : i1 to vector<16xi1>
    %reduce_sum3A_1420 = tpu.scan <sum>, %select_n3A_1417 masked %reduce_sum3A_1419 : vector<16xi32>, vector<16xi1> -> vector<16xi32>
    %reduce_sum3A_1421 = vector.extract %reduce_sum3A_1420[15] : i32 from vector<16xi32>
    %add3A_1422 = arith.constant 1 : i32
    %add3A_1423 = arith.addi %add3A_1331, %add3A_1422 : i32
    %dma_start3A_1424 = arith.constant 16 : i32
    %dma_start3A_1425 = arith.constant 0 : i32
    %dma_start3A_1426 = tpu.memref_slice %arg9[%add3A_1423, %dma_start3A_1424, %dma_start3A_1425] : memref<1024x32x512xf32, #tpu.memory_space<hbm>> -> memref<1x8x512xf32, #tpu.memory_space<hbm>>
    %dma_start3A_1427 = tpu.memref_squeeze %dma_start3A_1426 : memref<1x8x512xf32, #tpu.memory_space<hbm>> -> memref<8x512xf32, #tpu.memory_space<hbm>>
    %dma_start3A_1428 = arith.constant 0 : i32
    %dma_start3A_1429 = arith.constant 0 : i32
    %dma_start3A_1430 = tpu.memref_slice %arg11[%reduce_sum3A_1421, %dma_start3A_1428, %dma_start3A_1429] : memref<20x8x512xf32, #tpu.memory_space<vmem_shared>> -> memref<1x8x512xf32, #tpu.memory_space<vmem_shared>>
    %dma_start3A_1431 = tpu.memref_squeeze %dma_start3A_1430 : memref<1x8x512xf32, #tpu.memory_space<vmem_shared>> -> memref<8x512xf32, #tpu.memory_space<vmem_shared>>
    tpu.enqueue_dma source(%dma_start3A_1431 : memref<8x512xf32, #tpu.memory_space<vmem_shared>>) target(%dma_start3A_1427 : memref<8x512xf32, #tpu.memory_space<hbm>>) target_semaphore(%arg18 : memref<!tpu.dma_semaphore, #tpu.memory_space<semaphore_mem>>)
    %get3A_1432 = arith.constant 16 : index
    %get3A_1433 = tpu.vector_load %arg14[%get3A_1432] {strides = array<i32>} : memref<32xi32, #tpu.memory_space<vmem>>, vector<16xi32>,
    %eq3A_1434 = arith.constant 1 : i32
    %eq3A_1435 = vector.broadcast %eq3A_1434 : i32 to vector<16xi32>
    %eq3A_1436 = arith.cmpi eq, %iota3A, %eq3A_1435 : vector<16xi32>
    %jit3A_1437 = arith.constant 0 : i32
    %broadcast_in_dim3A_1438 = vector.broadcast %jit3A_1437 : i32 to vector<16xi32>
    %select_n3A_1439 = arith.select %eq3A_1436, %get3A_1433, %broadcast_in_dim3A_1438 : vector<16xi1>, vector<16xi32>
    %reduce_sum3A_1440 = arith.constant true
    %reduce_sum3A_1441 = vector.broadcast %reduce_sum3A_1440 : i1 to vector<16xi1>
    %reduce_sum3A_1442 = tpu.scan <sum>, %select_n3A_1439 masked %reduce_sum3A_1441 : vector<16xi32>, vector<16xi1> -> vector<16xi32>
    %reduce_sum3A_1443 = vector.extract %reduce_sum3A_1442[15] : i32 from vector<16xi32>
    %add3A_1444 = arith.constant 1 : i32
    %add3A_1445 = arith.addi %add3A_1331, %add3A_1444 : i32
    %dma_start3A_1446 = arith.constant 0 : i32
    %dma_start3A_1447 = arith.constant 0 : i32
    %dma_start3A_1448 = tpu.memref_slice %arg15[%reduce_sum3A_1443, %dma_start3A_1446, %dma_start3A_1447] : memref<9x4x512xf32, #tpu.memory_space<vmem>> -> memref<1x4x512xf32, #tpu.memory_space<vmem>>
    %dma_start3A_1449 = tpu.memref_squeeze %dma_start3A_1448 : memref<1x4x512xf32, #tpu.memory_space<vmem>> -> memref<4x512xf32, #tpu.memory_space<vmem>>
    %dma_start3A_1450 = arith.constant 24 : i32
    %dma_start3A_1451 = arith.constant 0 : i32
    %dma_start3A_1452 = tpu.memref_slice %arg9[%add3A_1445, %dma_start3A_1450, %dma_start3A_1451] : memref<1024x32x512xf32, #tpu.memory_space<hbm>> -> memref<1x4x512xf32, #tpu.memory_space<hbm>>
    %dma_start3A_1453 = tpu.memref_squeeze %dma_start3A_1452 : memref<1x4x512xf32, #tpu.memory_space<hbm>> -> memref<4x512xf32, #tpu.memory_space<hbm>>
    %dma_start3A_1454 = arith.constant 24 : i32
    %dma_start3A_1455 = arith.constant 0 : i32
    %dma_start3A_1456 = tpu.memref_slice %arg9[%add3A_1445, %dma_start3A_1454, %dma_start3A_1455] : memref<1024x32x512xf32, #tpu.memory_space<hbm>> -> memref<1x4x512xf32, #tpu.memory_space<hbm>>
    %dma_start3A_1457 = tpu.memref_squeeze %dma_start3A_1456 : memref<1x4x512xf32, #tpu.memory_space<hbm>> -> memref<4x512xf32, #tpu.memory_space<hbm>>
    %dma_start3A_1458 = arith.constant 0 : i32
    %dma_start3A_1459 = arith.constant 0 : i32
    %dma_start3A_1460 = tpu.memref_slice %arg15[%reduce_sum3A_1443, %dma_start3A_1458, %dma_start3A_1459] : memref<9x4x512xf32, #tpu.memory_space<vmem>> -> memref<1x4x512xf32, #tpu.memory_space<vmem>>
    %dma_start3A_1461 = tpu.memref_squeeze %dma_start3A_1460 : memref<1x4x512xf32, #tpu.memory_space<vmem>> -> memref<4x512xf32, #tpu.memory_space<vmem>>
    tpu.enqueue_dma source(%dma_start3A_1461 : memref<4x512xf32, #tpu.memory_space<vmem>>) target(%dma_start3A_1457 : memref<4x512xf32, #tpu.memory_space<hbm>>) target_semaphore(%arg19 : memref<!tpu.dma_semaphore, #tpu.memory_space<semaphore_mem>>)
    %get3A_1462 = arith.constant 16 : index
    %get3A_1463 = tpu.vector_load %arg13[%get3A_1462] {strides = array<i32>} : memref<32xi32, #tpu.memory_space<vmem>>, vector<16xi32>,
    %eq3A_1464 = arith.constant 2 : i32
    %eq3A_1465 = vector.broadcast %eq3A_1464 : i32 to vector<16xi32>
    %eq3A_1466 = arith.cmpi eq, %iota3A, %eq3A_1465 : vector<16xi32>
    %jit3A_1467 = arith.constant 0 : i32
    %broadcast_in_dim3A_1468 = vector.broadcast %jit3A_1467 : i32 to vector<16xi32>
    %select_n3A_1469 = arith.select %eq3A_1466, %get3A_1463, %broadcast_in_dim3A_1468 : vector<16xi1>, vector<16xi32>
    %reduce_sum3A_1470 = arith.constant true
    %reduce_sum3A_1471 = vector.broadcast %reduce_sum3A_1470 : i1 to vector<16xi1>
    %reduce_sum3A_1472 = tpu.scan <sum>, %select_n3A_1469 masked %reduce_sum3A_1471 : vector<16xi32>, vector<16xi1> -> vector<16xi32>
    %reduce_sum3A_1473 = vector.extract %reduce_sum3A_1472[15] : i32 from vector<16xi32>
    %add3A_1474 = arith.constant 2 : i32
    %add3A_1475 = arith.addi %add3A_1331, %add3A_1474 : i32
    %dma_start3A_1476 = arith.constant 16 : i32
    %dma_start3A_1477 = arith.constant 0 : i32
    %dma_start3A_1478 = tpu.memref_slice %arg9[%add3A_1475, %dma_start3A_1476, %dma_start3A_1477] : memref<1024x32x512xf32, #tpu.memory_space<hbm>> -> memref<1x8x512xf32, #tpu.memory_space<hbm>>
    %dma_start3A_1479 = tpu.memref_squeeze %dma_start3A_1478 : memref<1x8x512xf32, #tpu.memory_space<hbm>> -> memref<8x512xf32, #tpu.memory_space<hbm>>
    %dma_start3A_1480 = arith.constant 0 : i32
    %dma_start3A_1481 = arith.constant 0 : i32
    %dma_start3A_1482 = tpu.memref_slice %arg11[%reduce_sum3A_1473, %dma_start3A_1480, %dma_start3A_1481] : memref<20x8x512xf32, #tpu.memory_space<vmem_shared>> -> memref<1x8x512xf32, #tpu.memory_space<vmem_shared>>
    %dma_start3A_1483 = tpu.memref_squeeze %dma_start3A_1482 : memref<1x8x512xf32, #tpu.memory_space<vmem_shared>> -> memref<8x512xf32, #tpu.memory_space<vmem_shared>>
    tpu.enqueue_dma source(%dma_start3A_1483 : memref<8x512xf32, #tpu.memory_space<vmem_shared>>) target(%dma_start3A_1479 : memref<8x512xf32, #tpu.memory_space<hbm>>) target_semaphore(%arg18 : memref<!tpu.dma_semaphore, #tpu.memory_space<semaphore_mem>>)
    %get3A_1484 = arith.constant 16 : index
    %get3A_1485 = tpu.vector_load %arg14[%get3A_1484] {strides = array<i32>} : memref<32xi32, #tpu.memory_space<vmem>>, vector<16xi32>,
    %eq3A_1486 = arith.constant 2 : i32
    %eq3A_1487 = vector.broadcast %eq3A_1486 : i32 to vector<16xi32>
    %eq3A_1488 = arith.cmpi eq, %iota3A, %eq3A_1487 : vector<16xi32>
    %jit3A_1489 = arith.constant 0 : i32
    %broadcast_in_dim3A_1490 = vector.broadcast %jit3A_1489 : i32 to vector<16xi32>
    %select_n3A_1491 = arith.select %eq3A_1488, %get3A_1485, %broadcast_in_dim3A_1490 : vector<16xi1>, vector<16xi32>
    %reduce_sum3A_1492 = arith.constant true
    %reduce_sum3A_1493 = vector.broadcast %reduce_sum3A_1492 : i1 to vector<16xi1>
    %reduce_sum3A_1494 = tpu.scan <sum>, %select_n3A_1491 masked %reduce_sum3A_1493 : vector<16xi32>, vector<16xi1> -> vector<16xi32>
    %reduce_sum3A_1495 = vector.extract %reduce_sum3A_1494[15] : i32 from vector<16xi32>
    %add3A_1496 = arith.constant 2 : i32
    %add3A_1497 = arith.addi %add3A_1331, %add3A_1496 : i32
    %dma_start3A_1498 = arith.constant 0 : i32
    %dma_start3A_1499 = arith.constant 0 : i32
    %dma_start3A_1500 = tpu.memref_slice %arg15[%reduce_sum3A_1495, %dma_start3A_1498, %dma_start3A_1499] : memref<9x4x512xf32, #tpu.memory_space<vmem>> -> memref<1x4x512xf32, #tpu.memory_space<vmem>>
    %dma_start3A_1501 = tpu.memref_squeeze %dma_start3A_1500 : memref<1x4x512xf32, #tpu.memory_space<vmem>> -> memref<4x512xf32, #tpu.memory_space<vmem>>
    %dma_start3A_1502 = arith.constant 24 : i32
    %dma_start3A_1503 = arith.constant 0 : i32
    %dma_start3A_1504 = tpu.memref_slice %arg9[%add3A_1497, %dma_start3A_1502, %dma_start3A_1503] : memref<1024x32x512xf32, #tpu.memory_space<hbm>> -> memref<1x4x512xf32, #tpu.memory_space<hbm>>
    %dma_start3A_1505 = tpu.memref_squeeze %dma_start3A_1504 : memref<1x4x512xf32, #tpu.memory_space<hbm>> -> memref<4x512xf32, #tpu.memory_space<hbm>>
    %dma_start3A_1506 = arith.constant 24 : i32
    %dma_start3A_1507 = arith.constant 0 : i32
    %dma_start3A_1508 = tpu.memref_slice %arg9[%add3A_1497, %dma_start3A_1506, %dma_start3A_1507] : memref<1024x32x512xf32, #tpu.memory_space<hbm>> -> memref<1x4x512xf32, #tpu.memory_space<hbm>>
    %dma_start3A_1509 = tpu.memref_squeeze %dma_start3A_1508 : memref<1x4x512xf32, #tpu.memory_space<hbm>> -> memref<4x512xf32, #tpu.memory_space<hbm>>
    %dma_start3A_1510 = arith.constant 0 : i32
    %dma_start3A_1511 = arith.constant 0 : i32
    %dma_start3A_1512 = tpu.memref_slice %arg15[%reduce_sum3A_1495, %dma_start3A_1510, %dma_start3A_1511] : memref<9x4x512xf32, #tpu.memory_space<vmem>> -> memref<1x4x512xf32, #tpu.memory_space<vmem>>
    %dma_start3A_1513 = tpu.memref_squeeze %dma_start3A_1512 : memref<1x4x512xf32, #tpu.memory_space<vmem>> -> memref<4x512xf32, #tpu.memory_space<vmem>>
    tpu.enqueue_dma source(%dma_start3A_1513 : memref<4x512xf32, #tpu.memory_space<vmem>>) target(%dma_start3A_1509 : memref<4x512xf32, #tpu.memory_space<hbm>>) target_semaphore(%arg19 : memref<!tpu.dma_semaphore, #tpu.memory_space<semaphore_mem>>)
    %get3A_1514 = arith.constant 16 : index
    %get3A_1515 = tpu.vector_load %arg13[%get3A_1514] {strides = array<i32>} : memref<32xi32, #tpu.memory_space<vmem>>, vector<16xi32>,
    %eq3A_1516 = arith.constant 3 : i32
    %eq3A_1517 = vector.broadcast %eq3A_1516 : i32 to vector<16xi32>
    %eq3A_1518 = arith.cmpi eq, %iota3A, %eq3A_1517 : vector<16xi32>
    %jit3A_1519 = arith.constant 0 : i32
    %broadcast_in_dim3A_1520 = vector.broadcast %jit3A_1519 : i32 to vector<16xi32>
    %select_n3A_1521 = arith.select %eq3A_1518, %get3A_1515, %broadcast_in_dim3A_1520 : vector<16xi1>, vector<16xi32>
    %reduce_sum3A_1522 = arith.constant true
    %reduce_sum3A_1523 = vector.broadcast %reduce_sum3A_1522 : i1 to vector<16xi1>
    %reduce_sum3A_1524 = tpu.scan <sum>, %select_n3A_1521 masked %reduce_sum3A_1523 : vector<16xi32>, vector<16xi1> -> vector<16xi32>
    %reduce_sum3A_1525 = vector.extract %reduce_sum3A_1524[15] : i32 from vector<16xi32>
    %add3A_1526 = arith.constant 3 : i32
    %add3A_1527 = arith.addi %add3A_1331, %add3A_1526 : i32
    %dma_start3A_1528 = arith.constant 16 : i32
    %dma_start3A_1529 = arith.constant 0 : i32
    %dma_start3A_1530 = tpu.memref_slice %arg9[%add3A_1527, %dma_start3A_1528, %dma_start3A_1529] : memref<1024x32x512xf32, #tpu.memory_space<hbm>> -> memref<1x8x512xf32, #tpu.memory_space<hbm>>
    %dma_start3A_1531 = tpu.memref_squeeze %dma_start3A_1530 : memref<1x8x512xf32, #tpu.memory_space<hbm>> -> memref<8x512xf32, #tpu.memory_space<hbm>>
    %dma_start3A_1532 = arith.constant 0 : i32
    %dma_start3A_1533 = arith.constant 0 : i32
    %dma_start3A_1534 = tpu.memref_slice %arg11[%reduce_sum3A_1525, %dma_start3A_1532, %dma_start3A_1533] : memref<20x8x512xf32, #tpu.memory_space<vmem_shared>> -> memref<1x8x512xf32, #tpu.memory_space<vmem_shared>>
    %dma_start3A_1535 = tpu.memref_squeeze %dma_start3A_1534 : memref<1x8x512xf32, #tpu.memory_space<vmem_shared>> -> memref<8x512xf32, #tpu.memory_space<vmem_shared>>
    tpu.enqueue_dma source(%dma_start3A_1535 : memref<8x512xf32, #tpu.memory_space<vmem_shared>>) target(%dma_start3A_1531 : memref<8x512xf32, #tpu.memory_space<hbm>>) target_semaphore(%arg18 : memref<!tpu.dma_semaphore, #tpu.memory_space<semaphore_mem>>)
    %get3A_1536 = arith.constant 16 : index
    %get3A_1537 = tpu.vector_load %arg14[%get3A_1536] {strides = array<i32>} : memref<32xi32, #tpu.memory_space<vmem>>, vector<16xi32>,
    %eq3A_1538 = arith.constant 3 : i32
    %eq3A_1539 = vector.broadcast %eq3A_1538 : i32 to vector<16xi32>
    %eq3A_1540 = arith.cmpi eq, %iota3A, %eq3A_1539 : vector<16xi32>
    %jit3A_1541 = arith.constant 0 : i32
    %broadcast_in_dim3A_1542 = vector.broadcast %jit3A_1541 : i32 to vector<16xi32>
    %select_n3A_1543 = arith.select %eq3A_1540, %get3A_1537, %broadcast_in_dim3A_1542 : vector<16xi1>, vector<16xi32>
    %reduce_sum3A_1544 = arith.constant true
    %reduce_sum3A_1545 = vector.broadcast %reduce_sum3A_1544 : i1 to vector<16xi1>
    %reduce_sum3A_1546 = tpu.scan <sum>, %select_n3A_1543 masked %reduce_sum3A_1545 : vector<16xi32>, vector<16xi1> -> vector<16xi32>
    %reduce_sum3A_1547 = vector.extract %reduce_sum3A_1546[15] : i32 from vector<16xi32>
    %add3A_1548 = arith.constant 3 : i32
    %add3A_1549 = arith.addi %add3A_1331, %add3A_1548 : i32
    %dma_start3A_1550 = arith.constant 0 : i32
    %dma_start3A_1551 = arith.constant 0 : i32
    %dma_start3A_1552 = tpu.memref_slice %arg15[%reduce_sum3A_1547, %dma_start3A_1550, %dma_start3A_1551] : memref<9x4x512xf32, #tpu.memory_space<vmem>> -> memref<1x4x512xf32, #tpu.memory_space<vmem>>
    %dma_start3A_1553 = tpu.memref_squeeze %dma_start3A_1552 : memref<1x4x512xf32, #tpu.memory_space<vmem>> -> memref<4x512xf32, #tpu.memory_space<vmem>>
    %dma_start3A_1554 = arith.constant 24 : i32
    %dma_start3A_1555 = arith.constant 0 : i32
    %dma_start3A_1556 = tpu.memref_slice %arg9[%add3A_1549, %dma_start3A_1554, %dma_start3A_1555] : memref<1024x32x512xf32, #tpu.memory_space<hbm>> -> memref<1x4x512xf32, #tpu.memory_space<hbm>>
    %dma_start3A_1557 = tpu.memref_squeeze %dma_start3A_1556 : memref<1x4x512xf32, #tpu.memory_space<hbm>> -> memref<4x512xf32, #tpu.memory_space<hbm>>
    %dma_start3A_1558 = arith.constant 24 : i32
    %dma_start3A_1559 = arith.constant 0 : i32
    %dma_start3A_1560 = tpu.memref_slice %arg9[%add3A_1549, %dma_start3A_1558, %dma_start3A_1559] : memref<1024x32x512xf32, #tpu.memory_space<hbm>> -> memref<1x4x512xf32, #tpu.memory_space<hbm>>
    %dma_start3A_1561 = tpu.memref_squeeze %dma_start3A_1560 : memref<1x4x512xf32, #tpu.memory_space<hbm>> -> memref<4x512xf32, #tpu.memory_space<hbm>>
    %dma_start3A_1562 = arith.constant 0 : i32
    %dma_start3A_1563 = arith.constant 0 : i32
    %dma_start3A_1564 = tpu.memref_slice %arg15[%reduce_sum3A_1547, %dma_start3A_1562, %dma_start3A_1563] : memref<9x4x512xf32, #tpu.memory_space<vmem>> -> memref<1x4x512xf32, #tpu.memory_space<vmem>>
    %dma_start3A_1565 = tpu.memref_squeeze %dma_start3A_1564 : memref<1x4x512xf32, #tpu.memory_space<vmem>> -> memref<4x512xf32, #tpu.memory_space<vmem>>
    tpu.enqueue_dma source(%dma_start3A_1565 : memref<4x512xf32, #tpu.memory_space<vmem>>) target(%dma_start3A_1561 : memref<4x512xf32, #tpu.memory_space<hbm>>) target_semaphore(%arg19 : memref<!tpu.dma_semaphore, #tpu.memory_space<semaphore_mem>>)
    %get3A_1566 = arith.constant 16 : index
    %get3A_1567 = tpu.vector_load %arg13[%get3A_1566] {strides = array<i32>} : memref<32xi32, #tpu.memory_space<vmem>>, vector<16xi32>,
    %eq3A_1568 = arith.constant 4 : i32
    %eq3A_1569 = vector.broadcast %eq3A_1568 : i32 to vector<16xi32>
    %eq3A_1570 = arith.cmpi eq, %iota3A, %eq3A_1569 : vector<16xi32>
    %jit3A_1571 = arith.constant 0 : i32
    %broadcast_in_dim3A_1572 = vector.broadcast %jit3A_1571 : i32 to vector<16xi32>
    %select_n3A_1573 = arith.select %eq3A_1570, %get3A_1567, %broadcast_in_dim3A_1572 : vector<16xi1>, vector<16xi32>
    %reduce_sum3A_1574 = arith.constant true
    %reduce_sum3A_1575 = vector.broadcast %reduce_sum3A_1574 : i1 to vector<16xi1>
    %reduce_sum3A_1576 = tpu.scan <sum>, %select_n3A_1573 masked %reduce_sum3A_1575 : vector<16xi32>, vector<16xi1> -> vector<16xi32>
    %reduce_sum3A_1577 = vector.extract %reduce_sum3A_1576[15] : i32 from vector<16xi32>
    %add3A_1578 = arith.constant 4 : i32
    %add3A_1579 = arith.addi %add3A_1331, %add3A_1578 : i32
    %dma_start3A_1580 = arith.constant 16 : i32
    %dma_start3A_1581 = arith.constant 0 : i32
    %dma_start3A_1582 = tpu.memref_slice %arg9[%add3A_1579, %dma_start3A_1580, %dma_start3A_1581] : memref<1024x32x512xf32, #tpu.memory_space<hbm>> -> memref<1x8x512xf32, #tpu.memory_space<hbm>>
    %dma_start3A_1583 = tpu.memref_squeeze %dma_start3A_1582 : memref<1x8x512xf32, #tpu.memory_space<hbm>> -> memref<8x512xf32, #tpu.memory_space<hbm>>
    %dma_start3A_1584 = arith.constant 0 : i32
    %dma_start3A_1585 = arith.constant 0 : i32
    %dma_start3A_1586 = tpu.memref_slice %arg11[%reduce_sum3A_1577, %dma_start3A_1584, %dma_start3A_1585] : memref<20x8x512xf32, #tpu.memory_space<vmem_shared>> -> memref<1x8x512xf32, #tpu.memory_space<vmem_shared>>
    %dma_start3A_1587 = tpu.memref_squeeze %dma_start3A_1586 : memref<1x8x512xf32, #tpu.memory_space<vmem_shared>> -> memref<8x512xf32, #tpu.memory_space<vmem_shared>>
    tpu.enqueue_dma source(%dma_start3A_1587 : memref<8x512xf32, #tpu.memory_space<vmem_shared>>) target(%dma_start3A_1583 : memref<8x512xf32, #tpu.memory_space<hbm>>) target_semaphore(%arg18 : memref<!tpu.dma_semaphore, #tpu.memory_space<semaphore_mem>>)
    %get3A_1588 = arith.constant 16 : index
    %get3A_1589 = tpu.vector_load %arg14[%get3A_1588] {strides = array<i32>} : memref<32xi32, #tpu.memory_space<vmem>>, vector<16xi32>,
    %eq3A_1590 = arith.constant 4 : i32
    %eq3A_1591 = vector.broadcast %eq3A_1590 : i32 to vector<16xi32>
    %eq3A_1592 = arith.cmpi eq, %iota3A, %eq3A_1591 : vector<16xi32>
    %jit3A_1593 = arith.constant 0 : i32
    %broadcast_in_dim3A_1594 = vector.broadcast %jit3A_1593 : i32 to vector<16xi32>
    %select_n3A_1595 = arith.select %eq3A_1592, %get3A_1589, %broadcast_in_dim3A_1594 : vector<16xi1>, vector<16xi32>
    %reduce_sum3A_1596 = arith.constant true
    %reduce_sum3A_1597 = vector.broadcast %reduce_sum3A_1596 : i1 to vector<16xi1>
    %reduce_sum3A_1598 = tpu.scan <sum>, %select_n3A_1595 masked %reduce_sum3A_1597 : vector<16xi32>, vector<16xi1> -> vector<16xi32>
    %reduce_sum3A_1599 = vector.extract %reduce_sum3A_1598[15] : i32 from vector<16xi32>
    %add3A_1600 = arith.constant 4 : i32
    %add3A_1601 = arith.addi %add3A_1331, %add3A_1600 : i32
    %dma_start3A_1602 = arith.constant 0 : i32
    %dma_start3A_1603 = arith.constant 0 : i32
    %dma_start3A_1604 = tpu.memref_slice %arg15[%reduce_sum3A_1599, %dma_start3A_1602, %dma_start3A_1603] : memref<9x4x512xf32, #tpu.memory_space<vmem>> -> memref<1x4x512xf32, #tpu.memory_space<vmem>>
    %dma_start3A_1605 = tpu.memref_squeeze %dma_start3A_1604 : memref<1x4x512xf32, #tpu.memory_space<vmem>> -> memref<4x512xf32, #tpu.memory_space<vmem>>
    %dma_start3A_1606 = arith.constant 24 : i32
    %dma_start3A_1607 = arith.constant 0 : i32
    %dma_start3A_1608 = tpu.memref_slice %arg9[%add3A_1601, %dma_start3A_1606, %dma_start3A_1607] : memref<1024x32x512xf32, #tpu.memory_space<hbm>> -> memref<1x4x512xf32, #tpu.memory_space<hbm>>
    %dma_start3A_1609 = tpu.memref_squeeze %dma_start3A_1608 : memref<1x4x512xf32, #tpu.memory_space<hbm>> -> memref<4x512xf32, #tpu.memory_space<hbm>>
    %dma_start3A_1610 = arith.constant 24 : i32
    %dma_start3A_1611 = arith.constant 0 : i32
    %dma_start3A_1612 = tpu.memref_slice %arg9[%add3A_1601, %dma_start3A_1610, %dma_start3A_1611] : memref<1024x32x512xf32, #tpu.memory_space<hbm>> -> memref<1x4x512xf32, #tpu.memory_space<hbm>>
    %dma_start3A_1613 = tpu.memref_squeeze %dma_start3A_1612 : memref<1x4x512xf32, #tpu.memory_space<hbm>> -> memref<4x512xf32, #tpu.memory_space<hbm>>
    %dma_start3A_1614 = arith.constant 0 : i32
    %dma_start3A_1615 = arith.constant 0 : i32
    %dma_start3A_1616 = tpu.memref_slice %arg15[%reduce_sum3A_1599, %dma_start3A_1614, %dma_start3A_1615] : memref<9x4x512xf32, #tpu.memory_space<vmem>> -> memref<1x4x512xf32, #tpu.memory_space<vmem>>
    %dma_start3A_1617 = tpu.memref_squeeze %dma_start3A_1616 : memref<1x4x512xf32, #tpu.memory_space<vmem>> -> memref<4x512xf32, #tpu.memory_space<vmem>>
    tpu.enqueue_dma source(%dma_start3A_1617 : memref<4x512xf32, #tpu.memory_space<vmem>>) target(%dma_start3A_1613 : memref<4x512xf32, #tpu.memory_space<hbm>>) target_semaphore(%arg19 : memref<!tpu.dma_semaphore, #tpu.memory_space<semaphore_mem>>)
    %get3A_1618 = arith.constant 16 : index
    %get3A_1619 = tpu.vector_load %arg13[%get3A_1618] {strides = array<i32>} : memref<32xi32, #tpu.memory_space<vmem>>, vector<16xi32>,
    %eq3A_1620 = arith.constant 5 : i32
    %eq3A_1621 = vector.broadcast %eq3A_1620 : i32 to vector<16xi32>
    %eq3A_1622 = arith.cmpi eq, %iota3A, %eq3A_1621 : vector<16xi32>
    %jit3A_1623 = arith.constant 0 : i32
    %broadcast_in_dim3A_1624 = vector.broadcast %jit3A_1623 : i32 to vector<16xi32>
    %select_n3A_1625 = arith.select %eq3A_1622, %get3A_1619, %broadcast_in_dim3A_1624 : vector<16xi1>, vector<16xi32>
    %reduce_sum3A_1626 = arith.constant true
    %reduce_sum3A_1627 = vector.broadcast %reduce_sum3A_1626 : i1 to vector<16xi1>
    %reduce_sum3A_1628 = tpu.scan <sum>, %select_n3A_1625 masked %reduce_sum3A_1627 : vector<16xi32>, vector<16xi1> -> vector<16xi32>
    %reduce_sum3A_1629 = vector.extract %reduce_sum3A_1628[15] : i32 from vector<16xi32>
    %add3A_1630 = arith.constant 5 : i32
    %add3A_1631 = arith.addi %add3A_1331, %add3A_1630 : i32
    %dma_start3A_1632 = arith.constant 16 : i32
    %dma_start3A_1633 = arith.constant 0 : i32
    %dma_start3A_1634 = tpu.memref_slice %arg9[%add3A_1631, %dma_start3A_1632, %dma_start3A_1633] : memref<1024x32x512xf32, #tpu.memory_space<hbm>> -> memref<1x8x512xf32, #tpu.memory_space<hbm>>
    %dma_start3A_1635 = tpu.memref_squeeze %dma_start3A_1634 : memref<1x8x512xf32, #tpu.memory_space<hbm>> -> memref<8x512xf32, #tpu.memory_space<hbm>>
    %dma_start3A_1636 = arith.constant 0 : i32
    %dma_start3A_1637 = arith.constant 0 : i32
    %dma_start3A_1638 = tpu.memref_slice %arg11[%reduce_sum3A_1629, %dma_start3A_1636, %dma_start3A_1637] : memref<20x8x512xf32, #tpu.memory_space<vmem_shared>> -> memref<1x8x512xf32, #tpu.memory_space<vmem_shared>>
    %dma_start3A_1639 = tpu.memref_squeeze %dma_start3A_1638 : memref<1x8x512xf32, #tpu.memory_space<vmem_shared>> -> memref<8x512xf32, #tpu.memory_space<vmem_shared>>
    tpu.enqueue_dma source(%dma_start3A_1639 : memref<8x512xf32, #tpu.memory_space<vmem_shared>>) target(%dma_start3A_1635 : memref<8x512xf32, #tpu.memory_space<hbm>>) target_semaphore(%arg18 : memref<!tpu.dma_semaphore, #tpu.memory_space<semaphore_mem>>)
    %get3A_1640 = arith.constant 16 : index
    %get3A_1641 = tpu.vector_load %arg14[%get3A_1640] {strides = array<i32>} : memref<32xi32, #tpu.memory_space<vmem>>, vector<16xi32>,
    %eq3A_1642 = arith.constant 5 : i32
    %eq3A_1643 = vector.broadcast %eq3A_1642 : i32 to vector<16xi32>
    %eq3A_1644 = arith.cmpi eq, %iota3A, %eq3A_1643 : vector<16xi32>
    %jit3A_1645 = arith.constant 0 : i32
    %broadcast_in_dim3A_1646 = vector.broadcast %jit3A_1645 : i32 to vector<16xi32>
    %select_n3A_1647 = arith.select %eq3A_1644, %get3A_1641, %broadcast_in_dim3A_1646 : vector<16xi1>, vector<16xi32>
    %reduce_sum3A_1648 = arith.constant true
    %reduce_sum3A_1649 = vector.broadcast %reduce_sum3A_1648 : i1 to vector<16xi1>
    %reduce_sum3A_1650 = tpu.scan <sum>, %select_n3A_1647 masked %reduce_sum3A_1649 : vector<16xi32>, vector<16xi1> -> vector<16xi32>
    %reduce_sum3A_1651 = vector.extract %reduce_sum3A_1650[15] : i32 from vector<16xi32>
    %add3A_1652 = arith.constant 5 : i32
    %add3A_1653 = arith.addi %add3A_1331, %add3A_1652 : i32
    %dma_start3A_1654 = arith.constant 0 : i32
    %dma_start3A_1655 = arith.constant 0 : i32
    %dma_start3A_1656 = tpu.memref_slice %arg15[%reduce_sum3A_1651, %dma_start3A_1654, %dma_start3A_1655] : memref<9x4x512xf32, #tpu.memory_space<vmem>> -> memref<1x4x512xf32, #tpu.memory_space<vmem>>
    %dma_start3A_1657 = tpu.memref_squeeze %dma_start3A_1656 : memref<1x4x512xf32, #tpu.memory_space<vmem>> -> memref<4x512xf32, #tpu.memory_space<vmem>>
    %dma_start3A_1658 = arith.constant 24 : i32
    %dma_start3A_1659 = arith.constant 0 : i32
    %dma_start3A_1660 = tpu.memref_slice %arg9[%add3A_1653, %dma_start3A_1658, %dma_start3A_1659] : memref<1024x32x512xf32, #tpu.memory_space<hbm>> -> memref<1x4x512xf32, #tpu.memory_space<hbm>>
    %dma_start3A_1661 = tpu.memref_squeeze %dma_start3A_1660 : memref<1x4x512xf32, #tpu.memory_space<hbm>> -> memref<4x512xf32, #tpu.memory_space<hbm>>
    %dma_start3A_1662 = arith.constant 24 : i32
    %dma_start3A_1663 = arith.constant 0 : i32
    %dma_start3A_1664 = tpu.memref_slice %arg9[%add3A_1653, %dma_start3A_1662, %dma_start3A_1663] : memref<1024x32x512xf32, #tpu.memory_space<hbm>> -> memref<1x4x512xf32, #tpu.memory_space<hbm>>
    %dma_start3A_1665 = tpu.memref_squeeze %dma_start3A_1664 : memref<1x4x512xf32, #tpu.memory_space<hbm>> -> memref<4x512xf32, #tpu.memory_space<hbm>>
    %dma_start3A_1666 = arith.constant 0 : i32
    %dma_start3A_1667 = arith.constant 0 : i32
    %dma_start3A_1668 = tpu.memref_slice %arg15[%reduce_sum3A_1651, %dma_start3A_1666, %dma_start3A_1667] : memref<9x4x512xf32, #tpu.memory_space<vmem>> -> memref<1x4x512xf32, #tpu.memory_space<vmem>>
    %dma_start3A_1669 = tpu.memref_squeeze %dma_start3A_1668 : memref<1x4x512xf32, #tpu.memory_space<vmem>> -> memref<4x512xf32, #tpu.memory_space<vmem>>
    tpu.enqueue_dma source(%dma_start3A_1669 : memref<4x512xf32, #tpu.memory_space<vmem>>) target(%dma_start3A_1665 : memref<4x512xf32, #tpu.memory_space<hbm>>) target_semaphore(%arg19 : memref<!tpu.dma_semaphore, #tpu.memory_space<semaphore_mem>>)
    %get3A_1670 = arith.constant 16 : index
    %get3A_1671 = tpu.vector_load %arg13[%get3A_1670] {strides = array<i32>} : memref<32xi32, #tpu.memory_space<vmem>>, vector<16xi32>,
    %eq3A_1672 = arith.constant 6 : i32
    %eq3A_1673 = vector.broadcast %eq3A_1672 : i32 to vector<16xi32>
    %eq3A_1674 = arith.cmpi eq, %iota3A, %eq3A_1673 : vector<16xi32>
    %jit3A_1675 = arith.constant 0 : i32
    %broadcast_in_dim3A_1676 = vector.broadcast %jit3A_1675 : i32 to vector<16xi32>
    %select_n3A_1677 = arith.select %eq3A_1674, %get3A_1671, %broadcast_in_dim3A_1676 : vector<16xi1>, vector<16xi32>
    %reduce_sum3A_1678 = arith.constant true
    %reduce_sum3A_1679 = vector.broadcast %reduce_sum3A_1678 : i1 to vector<16xi1>
    %reduce_sum3A_1680 = tpu.scan <sum>, %select_n3A_1677 masked %reduce_sum3A_1679 : vector<16xi32>, vector<16xi1> -> vector<16xi32>
    %reduce_sum3A_1681 = vector.extract %reduce_sum3A_1680[15] : i32 from vector<16xi32>
    %add3A_1682 = arith.constant 6 : i32
    %add3A_1683 = arith.addi %add3A_1331, %add3A_1682 : i32
    %dma_start3A_1684 = arith.constant 16 : i32
    %dma_start3A_1685 = arith.constant 0 : i32
    %dma_start3A_1686 = tpu.memref_slice %arg9[%add3A_1683, %dma_start3A_1684, %dma_start3A_1685] : memref<1024x32x512xf32, #tpu.memory_space<hbm>> -> memref<1x8x512xf32, #tpu.memory_space<hbm>>
    %dma_start3A_1687 = tpu.memref_squeeze %dma_start3A_1686 : memref<1x8x512xf32, #tpu.memory_space<hbm>> -> memref<8x512xf32, #tpu.memory_space<hbm>>
    %dma_start3A_1688 = arith.constant 0 : i32
    %dma_start3A_1689 = arith.constant 0 : i32
    %dma_start3A_1690 = tpu.memref_slice %arg11[%reduce_sum3A_1681, %dma_start3A_1688, %dma_start3A_1689] : memref<20x8x512xf32, #tpu.memory_space<vmem_shared>> -> memref<1x8x512xf32, #tpu.memory_space<vmem_shared>>
    %dma_start3A_1691 = tpu.memref_squeeze %dma_start3A_1690 : memref<1x8x512xf32, #tpu.memory_space<vmem_shared>> -> memref<8x512xf32, #tpu.memory_space<vmem_shared>>
    tpu.enqueue_dma source(%dma_start3A_1691 : memref<8x512xf32, #tpu.memory_space<vmem_shared>>) target(%dma_start3A_1687 : memref<8x512xf32, #tpu.memory_space<hbm>>) target_semaphore(%arg18 : memref<!tpu.dma_semaphore, #tpu.memory_space<semaphore_mem>>)
    %get3A_1692 = arith.constant 16 : index
    %get3A_1693 = tpu.vector_load %arg14[%get3A_1692] {strides = array<i32>} : memref<32xi32, #tpu.memory_space<vmem>>, vector<16xi32>,
    %eq3A_1694 = arith.constant 6 : i32
    %eq3A_1695 = vector.broadcast %eq3A_1694 : i32 to vector<16xi32>
    %eq3A_1696 = arith.cmpi eq, %iota3A, %eq3A_1695 : vector<16xi32>
    %jit3A_1697 = arith.constant 0 : i32
    %broadcast_in_dim3A_1698 = vector.broadcast %jit3A_1697 : i32 to vector<16xi32>
    %select_n3A_1699 = arith.select %eq3A_1696, %get3A_1693, %broadcast_in_dim3A_1698 : vector<16xi1>, vector<16xi32>
    %reduce_sum3A_1700 = arith.constant true
    %reduce_sum3A_1701 = vector.broadcast %reduce_sum3A_1700 : i1 to vector<16xi1>
    %reduce_sum3A_1702 = tpu.scan <sum>, %select_n3A_1699 masked %reduce_sum3A_1701 : vector<16xi32>, vector<16xi1> -> vector<16xi32>
    %reduce_sum3A_1703 = vector.extract %reduce_sum3A_1702[15] : i32 from vector<16xi32>
    %add3A_1704 = arith.constant 6 : i32
    %add3A_1705 = arith.addi %add3A_1331, %add3A_1704 : i32
    %dma_start3A_1706 = arith.constant 0 : i32
    %dma_start3A_1707 = arith.constant 0 : i32
    %dma_start3A_1708 = tpu.memref_slice %arg15[%reduce_sum3A_1703, %dma_start3A_1706, %dma_start3A_1707] : memref<9x4x512xf32, #tpu.memory_space<vmem>> -> memref<1x4x512xf32, #tpu.memory_space<vmem>>
    %dma_start3A_1709 = tpu.memref_squeeze %dma_start3A_1708 : memref<1x4x512xf32, #tpu.memory_space<vmem>> -> memref<4x512xf32, #tpu.memory_space<vmem>>
    %dma_start3A_1710 = arith.constant 24 : i32
    %dma_start3A_1711 = arith.constant 0 : i32
    %dma_start3A_1712 = tpu.memref_slice %arg9[%add3A_1705, %dma_start3A_1710, %dma_start3A_1711] : memref<1024x32x512xf32, #tpu.memory_space<hbm>> -> memref<1x4x512xf32, #tpu.memory_space<hbm>>
    %dma_start3A_1713 = tpu.memref_squeeze %dma_start3A_1712 : memref<1x4x512xf32, #tpu.memory_space<hbm>> -> memref<4x512xf32, #tpu.memory_space<hbm>>
    %dma_start3A_1714 = arith.constant 24 : i32
    %dma_start3A_1715 = arith.constant 0 : i32
    %dma_start3A_1716 = tpu.memref_slice %arg9[%add3A_1705, %dma_start3A_1714, %dma_start3A_1715] : memref<1024x32x512xf32, #tpu.memory_space<hbm>> -> memref<1x4x512xf32, #tpu.memory_space<hbm>>
    %dma_start3A_1717 = tpu.memref_squeeze %dma_start3A_1716 : memref<1x4x512xf32, #tpu.memory_space<hbm>> -> memref<4x512xf32, #tpu.memory_space<hbm>>
    %dma_start3A_1718 = arith.constant 0 : i32
    %dma_start3A_1719 = arith.constant 0 : i32
    %dma_start3A_1720 = tpu.memref_slice %arg15[%reduce_sum3A_1703, %dma_start3A_1718, %dma_start3A_1719] : memref<9x4x512xf32, #tpu.memory_space<vmem>> -> memref<1x4x512xf32, #tpu.memory_space<vmem>>
    %dma_start3A_1721 = tpu.memref_squeeze %dma_start3A_1720 : memref<1x4x512xf32, #tpu.memory_space<vmem>> -> memref<4x512xf32, #tpu.memory_space<vmem>>
    tpu.enqueue_dma source(%dma_start3A_1721 : memref<4x512xf32, #tpu.memory_space<vmem>>) target(%dma_start3A_1717 : memref<4x512xf32, #tpu.memory_space<hbm>>) target_semaphore(%arg19 : memref<!tpu.dma_semaphore, #tpu.memory_space<semaphore_mem>>)
    %get3A_1722 = arith.constant 16 : index
    %get3A_1723 = tpu.vector_load %arg13[%get3A_1722] {strides = array<i32>} : memref<32xi32, #tpu.memory_space<vmem>>, vector<16xi32>,
    %eq3A_1724 = arith.constant 7 : i32
    %eq3A_1725 = vector.broadcast %eq3A_1724 : i32 to vector<16xi32>
    %eq3A_1726 = arith.cmpi eq, %iota3A, %eq3A_1725 : vector<16xi32>
    %jit3A_1727 = arith.constant 0 : i32
    %broadcast_in_dim3A_1728 = vector.broadcast %jit3A_1727 : i32 to vector<16xi32>
    %select_n3A_1729 = arith.select %eq3A_1726, %get3A_1723, %broadcast_in_dim3A_1728 : vector<16xi1>, vector<16xi32>
    %reduce_sum3A_1730 = arith.constant true
    %reduce_sum3A_1731 = vector.broadcast %reduce_sum3A_1730 : i1 to vector<16xi1>
    %reduce_sum3A_1732 = tpu.scan <sum>, %select_n3A_1729 masked %reduce_sum3A_1731 : vector<16xi32>, vector<16xi1> -> vector<16xi32>
    %reduce_sum3A_1733 = vector.extract %reduce_sum3A_1732[15] : i32 from vector<16xi32>
    %add3A_1734 = arith.constant 7 : i32
    %add3A_1735 = arith.addi %add3A_1331, %add3A_1734 : i32
    %dma_start3A_1736 = arith.constant 16 : i32
    %dma_start3A_1737 = arith.constant 0 : i32
    %dma_start3A_1738 = tpu.memref_slice %arg9[%add3A_1735, %dma_start3A_1736, %dma_start3A_1737] : memref<1024x32x512xf32, #tpu.memory_space<hbm>> -> memref<1x8x512xf32, #tpu.memory_space<hbm>>
    %dma_start3A_1739 = tpu.memref_squeeze %dma_start3A_1738 : memref<1x8x512xf32, #tpu.memory_space<hbm>> -> memref<8x512xf32, #tpu.memory_space<hbm>>
    %dma_start3A_1740 = arith.constant 0 : i32
    %dma_start3A_1741 = arith.constant 0 : i32
    %dma_start3A_1742 = tpu.memref_slice %arg11[%reduce_sum3A_1733, %dma_start3A_1740, %dma_start3A_1741] : memref<20x8x512xf32, #tpu.memory_space<vmem_shared>> -> memref<1x8x512xf32, #tpu.memory_space<vmem_shared>>
    %dma_start3A_1743 = tpu.memref_squeeze %dma_start3A_1742 : memref<1x8x512xf32, #tpu.memory_space<vmem_shared>> -> memref<8x512xf32, #tpu.memory_space<vmem_shared>>
    tpu.enqueue_dma source(%dma_start3A_1743 : memref<8x512xf32, #tpu.memory_space<vmem_shared>>) target(%dma_start3A_1739 : memref<8x512xf32, #tpu.memory_space<hbm>>) target_semaphore(%arg18 : memref<!tpu.dma_semaphore, #tpu.memory_space<semaphore_mem>>)
    %get3A_1744 = arith.constant 16 : index
    %get3A_1745 = tpu.vector_load %arg14[%get3A_1744] {strides = array<i32>} : memref<32xi32, #tpu.memory_space<vmem>>, vector<16xi32>,
    %eq3A_1746 = arith.constant 7 : i32
    %eq3A_1747 = vector.broadcast %eq3A_1746 : i32 to vector<16xi32>
    %eq3A_1748 = arith.cmpi eq, %iota3A, %eq3A_1747 : vector<16xi32>
    %jit3A_1749 = arith.constant 0 : i32
    %broadcast_in_dim3A_1750 = vector.broadcast %jit3A_1749 : i32 to vector<16xi32>
    %select_n3A_1751 = arith.select %eq3A_1748, %get3A_1745, %broadcast_in_dim3A_1750 : vector<16xi1>, vector<16xi32>
    %reduce_sum3A_1752 = arith.constant true
    %reduce_sum3A_1753 = vector.broadcast %reduce_sum3A_1752 : i1 to vector<16xi1>
    %reduce_sum3A_1754 = tpu.scan <sum>, %select_n3A_1751 masked %reduce_sum3A_1753 : vector<16xi32>, vector<16xi1> -> vector<16xi32>
    %reduce_sum3A_1755 = vector.extract %reduce_sum3A_1754[15] : i32 from vector<16xi32>
    %add3A_1756 = arith.constant 7 : i32
    %add3A_1757 = arith.addi %add3A_1331, %add3A_1756 : i32
    %dma_start3A_1758 = arith.constant 0 : i32
    %dma_start3A_1759 = arith.constant 0 : i32
    %dma_start3A_1760 = tpu.memref_slice %arg15[%reduce_sum3A_1755, %dma_start3A_1758, %dma_start3A_1759] : memref<9x4x512xf32, #tpu.memory_space<vmem>> -> memref<1x4x512xf32, #tpu.memory_space<vmem>>
    %dma_start3A_1761 = tpu.memref_squeeze %dma_start3A_1760 : memref<1x4x512xf32, #tpu.memory_space<vmem>> -> memref<4x512xf32, #tpu.memory_space<vmem>>
    %dma_start3A_1762 = arith.constant 24 : i32
    %dma_start3A_1763 = arith.constant 0 : i32
    %dma_start3A_1764 = tpu.memref_slice %arg9[%add3A_1757, %dma_start3A_1762, %dma_start3A_1763] : memref<1024x32x512xf32, #tpu.memory_space<hbm>> -> memref<1x4x512xf32, #tpu.memory_space<hbm>>
    %dma_start3A_1765 = tpu.memref_squeeze %dma_start3A_1764 : memref<1x4x512xf32, #tpu.memory_space<hbm>> -> memref<4x512xf32, #tpu.memory_space<hbm>>
    %dma_start3A_1766 = arith.constant 24 : i32
    %dma_start3A_1767 = arith.constant 0 : i32
    %dma_start3A_1768 = tpu.memref_slice %arg9[%add3A_1757, %dma_start3A_1766, %dma_start3A_1767] : memref<1024x32x512xf32, #tpu.memory_space<hbm>> -> memref<1x4x512xf32, #tpu.memory_space<hbm>>
    %dma_start3A_1769 = tpu.memref_squeeze %dma_start3A_1768 : memref<1x4x512xf32, #tpu.memory_space<hbm>> -> memref<4x512xf32, #tpu.memory_space<hbm>>
    %dma_start3A_1770 = arith.constant 0 : i32
    %dma_start3A_1771 = arith.constant 0 : i32
    %dma_start3A_1772 = tpu.memref_slice %arg15[%reduce_sum3A_1755, %dma_start3A_1770, %dma_start3A_1771] : memref<9x4x512xf32, #tpu.memory_space<vmem>> -> memref<1x4x512xf32, #tpu.memory_space<vmem>>
    %dma_start3A_1773 = tpu.memref_squeeze %dma_start3A_1772 : memref<1x4x512xf32, #tpu.memory_space<vmem>> -> memref<4x512xf32, #tpu.memory_space<vmem>>
    tpu.enqueue_dma source(%dma_start3A_1773 : memref<4x512xf32, #tpu.memory_space<vmem>>) target(%dma_start3A_1769 : memref<4x512xf32, #tpu.memory_space<hbm>>) target_semaphore(%arg19 : memref<!tpu.dma_semaphore, #tpu.memory_space<semaphore_mem>>)
    %dma_wait3A_1774 = arith.constant 16 : i32
    %dma_wait3A_1775 = tpu.memref_slice %arg12[%dma_wait3A_1774] : memref<32xi32, #tpu.memory_space<vmem>> -> memref<8xi32, #tpu.memory_space<vmem>>
    %dma_wait3A_1776 = arith.constant 0 : i32
    %dma_wait3A_1777 = arith.constant 0 : i32
    %dma_wait3A_1778 = arith.constant 0 : i32
    %dma_wait3A_1779 = tpu.memref_slice %arg5[%dma_wait3A_1776, %dma_wait3A_1777, %dma_wait3A_1778] : memref<100000x4x512xf32, #tpu.memory_space<hbm>> -> memref<100000x4x512xf32, #tpu.memory_space<hbm>>
    tpu.wait_indirect_dma semaphore(%arg17 : memref<!tpu.dma_semaphore, #tpu.memory_space<semaphore_mem>>) src(%dma_wait3A_1779 : memref<100000x4x512xf32, #tpu.memory_space<hbm>>) dst(%arg16 : memref<8x4x512xf32, #tpu.memory_space<vmem>>)
    %dma_start3A_1780 = arith.constant 28 : i32
    %dma_start3A_1781 = arith.constant 0 : i32
    %dma_start3A_1782 = tpu.memref_slice %arg9[%add3A_1331, %dma_start3A_1780, %dma_start3A_1781] : memref<1024x32x512xf32, #tpu.memory_space<hbm>> -> memref<8x4x512xf32, #tpu.memory_space<hbm>>
    %dma_start3A_1783 = arith.constant 28 : i32
    %dma_start3A_1784 = arith.constant 0 : i32
    %dma_start3A_1785 = tpu.memref_slice %arg9[%add3A_1331, %dma_start3A_1783, %dma_start3A_1784] : memref<1024x32x512xf32, #tpu.memory_space<hbm>> -> memref<8x4x512xf32, #tpu.memory_space<hbm>>
    tpu.enqueue_dma source(%arg16 : memref<8x4x512xf32, #tpu.memory_space<vmem>>) target(%dma_start3A_1785 : memref<8x4x512xf32, #tpu.memory_space<hbm>>) target_semaphore(%arg18 : memref<!tpu.dma_semaphore, #tpu.memory_space<semaphore_mem>>)
    %dma_wait3A_1786 = arith.constant 0 : i32
    %dma_wait3A_1787 = arith.constant 0 : i32
    %dma_wait3A_1788 = tpu.memref_slice %arg9[%add3A_1339, %dma_wait3A_1786, %dma_wait3A_1787] : memref<1024x32x512xf32, #tpu.memory_space<hbm>> -> memref<2x16x512xf32, #tpu.memory_space<hbm>>
    tpu.wait_dma2 semaphore(%arg19 : memref<!tpu.dma_semaphore, #tpu.memory_space<semaphore_mem>>) src(%arg10 : memref<2x16x512xf32, #tpu.memory_space<vmem_shared>>) dst(%dma_wait3A_1788 : memref<2x16x512xf32, #tpu.memory_space<hbm>>)
    %dma_wait3A_1789 = arith.constant 0 : i32
    %dma_wait3A_1790 = arith.constant 0 : i32
    %dma_wait3A_1791 = tpu.memref_slice %arg9[%add3A_1344, %dma_wait3A_1789, %dma_wait3A_1790] : memref<1024x32x512xf32, #tpu.memory_space<hbm>> -> memref<2x16x512xf32, #tpu.memory_space<hbm>>
    tpu.wait_dma2 semaphore(%arg19 : memref<!tpu.dma_semaphore, #tpu.memory_space<semaphore_mem>>) src(%arg10 : memref<2x16x512xf32, #tpu.memory_space<vmem_shared>>) dst(%dma_wait3A_1791 : memref<2x16x512xf32, #tpu.memory_space<hbm>>)
    %dma_wait3A_1792 = arith.constant 0 : i32
    %dma_wait3A_1793 = arith.constant 0 : i32
    %dma_wait3A_1794 = tpu.memref_slice %arg9[%add3A_1349, %dma_wait3A_1792, %dma_wait3A_1793] : memref<1024x32x512xf32, #tpu.memory_space<hbm>> -> memref<2x16x512xf32, #tpu.memory_space<hbm>>
    tpu.wait_dma2 semaphore(%arg19 : memref<!tpu.dma_semaphore, #tpu.memory_space<semaphore_mem>>) src(%arg10 : memref<2x16x512xf32, #tpu.memory_space<vmem_shared>>) dst(%dma_wait3A_1794 : memref<2x16x512xf32, #tpu.memory_space<hbm>>)
    %dma_wait3A_1795 = arith.constant 0 : i32
    %dma_wait3A_1796 = arith.constant 0 : i32
    %dma_wait3A_1797 = tpu.memref_slice %arg9[%add3A_1354, %dma_wait3A_1795, %dma_wait3A_1796] : memref<1024x32x512xf32, #tpu.memory_space<hbm>> -> memref<2x16x512xf32, #tpu.memory_space<hbm>>
    tpu.wait_dma2 semaphore(%arg19 : memref<!tpu.dma_semaphore, #tpu.memory_space<semaphore_mem>>) src(%arg10 : memref<2x16x512xf32, #tpu.memory_space<vmem_shared>>) dst(%dma_wait3A_1797 : memref<2x16x512xf32, #tpu.memory_space<hbm>>)
    %dma_wait3A_1798 = arith.constant 16 : i32
    %dma_wait3A_1799 = arith.constant 0 : i32
    %dma_wait3A_1800 = tpu.memref_slice %arg9[%add3A_1371, %dma_wait3A_1798, %dma_wait3A_1799] : memref<1024x32x512xf32, #tpu.memory_space<hbm>> -> memref<1x8x512xf32, #tpu.memory_space<hbm>>
    %dma_wait3A_1801 = tpu.memref_squeeze %dma_wait3A_1800 : memref<1x8x512xf32, #tpu.memory_space<hbm>> -> memref<8x512xf32, #tpu.memory_space<hbm>>
    %dma_wait3A_1802 = arith.constant 0 : i32
    %dma_wait3A_1803 = arith.constant 0 : i32
    %dma_wait3A_1804 = tpu.memref_slice %arg11[%reduce_sum3A_1369, %dma_wait3A_1802, %dma_wait3A_1803] : memref<20x8x512xf32, #tpu.memory_space<vmem_shared>> -> memref<1x8x512xf32, #tpu.memory_space<vmem_shared>>
    %dma_wait3A_1805 = tpu.memref_squeeze %dma_wait3A_1804 : memref<1x8x512xf32, #tpu.memory_space<vmem_shared>> -> memref<8x512xf32, #tpu.memory_space<vmem_shared>>
    tpu.wait_dma2 semaphore(%arg18 : memref<!tpu.dma_semaphore, #tpu.memory_space<semaphore_mem>>) src(%dma_wait3A_1805 : memref<8x512xf32, #tpu.memory_space<vmem_shared>>) dst(%dma_wait3A_1801 : memref<8x512xf32, #tpu.memory_space<hbm>>)
    %dma_wait3A_1806 = arith.constant 0 : i32
    %dma_wait3A_1807 = arith.constant 0 : i32
    %dma_wait3A_1808 = tpu.memref_slice %arg15[%reduce_sum3A_1391, %dma_wait3A_1806, %dma_wait3A_1807] : memref<9x4x512xf32, #tpu.memory_space<vmem>> -> memref<1x4x512xf32, #tpu.memory_space<vmem>>
    %dma_wait3A_1809 = tpu.memref_squeeze %dma_wait3A_1808 : memref<1x4x512xf32, #tpu.memory_space<vmem>> -> memref<4x512xf32, #tpu.memory_space<vmem>>
    %dma_wait3A_1810 = arith.constant 24 : i32
    %dma_wait3A_1811 = arith.constant 0 : i32
    %dma_wait3A_1812 = tpu.memref_slice %arg9[%add3A_1393, %dma_wait3A_1810, %dma_wait3A_1811] : memref<1024x32x512xf32, #tpu.memory_space<hbm>> -> memref<1x4x512xf32, #tpu.memory_space<hbm>>
    %dma_wait3A_1813 = tpu.memref_squeeze %dma_wait3A_1812 : memref<1x4x512xf32, #tpu.memory_space<hbm>> -> memref<4x512xf32, #tpu.memory_space<hbm>>
    %dma_wait3A_1814 = arith.constant 24 : i32
    %dma_wait3A_1815 = arith.constant 0 : i32
    %dma_wait3A_1816 = tpu.memref_slice %arg9[%add3A_1393, %dma_wait3A_1814, %dma_wait3A_1815] : memref<1024x32x512xf32, #tpu.memory_space<hbm>> -> memref<1x4x512xf32, #tpu.memory_space<hbm>>
    %dma_wait3A_1817 = tpu.memref_squeeze %dma_wait3A_1816 : memref<1x4x512xf32, #tpu.memory_space<hbm>> -> memref<4x512xf32, #tpu.memory_space<hbm>>
    %dma_wait3A_1818 = arith.constant 0 : i32
    %dma_wait3A_1819 = arith.constant 0 : i32
    %dma_wait3A_1820 = tpu.memref_slice %arg15[%reduce_sum3A_1391, %dma_wait3A_1818, %dma_wait3A_1819] : memref<9x4x512xf32, #tpu.memory_space<vmem>> -> memref<1x4x512xf32, #tpu.memory_space<vmem>>
    %dma_wait3A_1821 = tpu.memref_squeeze %dma_wait3A_1820 : memref<1x4x512xf32, #tpu.memory_space<vmem>> -> memref<4x512xf32, #tpu.memory_space<vmem>>
    tpu.wait_dma2 semaphore(%arg19 : memref<!tpu.dma_semaphore, #tpu.memory_space<semaphore_mem>>) src(%dma_wait3A_1821 : memref<4x512xf32, #tpu.memory_space<vmem>>) dst(%dma_wait3A_1817 : memref<4x512xf32, #tpu.memory_space<hbm>>)
    %dma_wait3A_1822 = arith.constant 16 : i32
    %dma_wait3A_1823 = arith.constant 0 : i32
    %dma_wait3A_1824 = tpu.memref_slice %arg9[%add3A_1423, %dma_wait3A_1822, %dma_wait3A_1823] : memref<1024x32x512xf32, #tpu.memory_space<hbm>> -> memref<1x8x512xf32, #tpu.memory_space<hbm>>
    %dma_wait3A_1825 = tpu.memref_squeeze %dma_wait3A_1824 : memref<1x8x512xf32, #tpu.memory_space<hbm>> -> memref<8x512xf32, #tpu.memory_space<hbm>>
    %dma_wait3A_1826 = arith.constant 0 : i32
    %dma_wait3A_1827 = arith.constant 0 : i32
    %dma_wait3A_1828 = tpu.memref_slice %arg11[%reduce_sum3A_1421, %dma_wait3A_1826, %dma_wait3A_1827] : memref<20x8x512xf32, #tpu.memory_space<vmem_shared>> -> memref<1x8x512xf32, #tpu.memory_space<vmem_shared>>
    %dma_wait3A_1829 = tpu.memref_squeeze %dma_wait3A_1828 : memref<1x8x512xf32, #tpu.memory_space<vmem_shared>> -> memref<8x512xf32, #tpu.memory_space<vmem_shared>>
    tpu.wait_dma2 semaphore(%arg18 : memref<!tpu.dma_semaphore, #tpu.memory_space<semaphore_mem>>) src(%dma_wait3A_1829 : memref<8x512xf32, #tpu.memory_space<vmem_shared>>) dst(%dma_wait3A_1825 : memref<8x512xf32, #tpu.memory_space<hbm>>)
    %dma_wait3A_1830 = arith.constant 0 : i32
    %dma_wait3A_1831 = arith.constant 0 : i32
    %dma_wait3A_1832 = tpu.memref_slice %arg15[%reduce_sum3A_1443, %dma_wait3A_1830, %dma_wait3A_1831] : memref<9x4x512xf32, #tpu.memory_space<vmem>> -> memref<1x4x512xf32, #tpu.memory_space<vmem>>
    %dma_wait3A_1833 = tpu.memref_squeeze %dma_wait3A_1832 : memref<1x4x512xf32, #tpu.memory_space<vmem>> -> memref<4x512xf32, #tpu.memory_space<vmem>>
    %dma_wait3A_1834 = arith.constant 24 : i32
    %dma_wait3A_1835 = arith.constant 0 : i32
    %dma_wait3A_1836 = tpu.memref_slice %arg9[%add3A_1445, %dma_wait3A_1834, %dma_wait3A_1835] : memref<1024x32x512xf32, #tpu.memory_space<hbm>> -> memref<1x4x512xf32, #tpu.memory_space<hbm>>
    %dma_wait3A_1837 = tpu.memref_squeeze %dma_wait3A_1836 : memref<1x4x512xf32, #tpu.memory_space<hbm>> -> memref<4x512xf32, #tpu.memory_space<hbm>>
    %dma_wait3A_1838 = arith.constant 24 : i32
    %dma_wait3A_1839 = arith.constant 0 : i32
    %dma_wait3A_1840 = tpu.memref_slice %arg9[%add3A_1445, %dma_wait3A_1838, %dma_wait3A_1839] : memref<1024x32x512xf32, #tpu.memory_space<hbm>> -> memref<1x4x512xf32, #tpu.memory_space<hbm>>
    %dma_wait3A_1841 = tpu.memref_squeeze %dma_wait3A_1840 : memref<1x4x512xf32, #tpu.memory_space<hbm>> -> memref<4x512xf32, #tpu.memory_space<hbm>>
    %dma_wait3A_1842 = arith.constant 0 : i32
    %dma_wait3A_1843 = arith.constant 0 : i32
    %dma_wait3A_1844 = tpu.memref_slice %arg15[%reduce_sum3A_1443, %dma_wait3A_1842, %dma_wait3A_1843] : memref<9x4x512xf32, #tpu.memory_space<vmem>> -> memref<1x4x512xf32, #tpu.memory_space<vmem>>
    %dma_wait3A_1845 = tpu.memref_squeeze %dma_wait3A_1844 : memref<1x4x512xf32, #tpu.memory_space<vmem>> -> memref<4x512xf32, #tpu.memory_space<vmem>>
    tpu.wait_dma2 semaphore(%arg19 : memref<!tpu.dma_semaphore, #tpu.memory_space<semaphore_mem>>) src(%dma_wait3A_1845 : memref<4x512xf32, #tpu.memory_space<vmem>>) dst(%dma_wait3A_1841 : memref<4x512xf32, #tpu.memory_space<hbm>>)
    %dma_wait3A_1846 = arith.constant 16 : i32
    %dma_wait3A_1847 = arith.constant 0 : i32
    %dma_wait3A_1848 = tpu.memref_slice %arg9[%add3A_1475, %dma_wait3A_1846, %dma_wait3A_1847] : memref<1024x32x512xf32, #tpu.memory_space<hbm>> -> memref<1x8x512xf32, #tpu.memory_space<hbm>>
    %dma_wait3A_1849 = tpu.memref_squeeze %dma_wait3A_1848 : memref<1x8x512xf32, #tpu.memory_space<hbm>> -> memref<8x512xf32, #tpu.memory_space<hbm>>
    %dma_wait3A_1850 = arith.constant 0 : i32
    %dma_wait3A_1851 = arith.constant 0 : i32
    %dma_wait3A_1852 = tpu.memref_slice %arg11[%reduce_sum3A_1473, %dma_wait3A_1850, %dma_wait3A_1851] : memref<20x8x512xf32, #tpu.memory_space<vmem_shared>> -> memref<1x8x512xf32, #tpu.memory_space<vmem_shared>>
    %dma_wait3A_1853 = tpu.memref_squeeze %dma_wait3A_1852 : memref<1x8x512xf32, #tpu.memory_space<vmem_shared>> -> memref<8x512xf32, #tpu.memory_space<vmem_shared>>
    tpu.wait_dma2 semaphore(%arg18 : memref<!tpu.dma_semaphore, #tpu.memory_space<semaphore_mem>>) src(%dma_wait3A_1853 : memref<8x512xf32, #tpu.memory_space<vmem_shared>>) dst(%dma_wait3A_1849 : memref<8x512xf32, #tpu.memory_space<hbm>>)
    %dma_wait3A_1854 = arith.constant 0 : i32
    %dma_wait3A_1855 = arith.constant 0 : i32
    %dma_wait3A_1856 = tpu.memref_slice %arg15[%reduce_sum3A_1495, %dma_wait3A_1854, %dma_wait3A_1855] : memref<9x4x512xf32, #tpu.memory_space<vmem>> -> memref<1x4x512xf32, #tpu.memory_space<vmem>>
    %dma_wait3A_1857 = tpu.memref_squeeze %dma_wait3A_1856 : memref<1x4x512xf32, #tpu.memory_space<vmem>> -> memref<4x512xf32, #tpu.memory_space<vmem>>
    %dma_wait3A_1858 = arith.constant 24 : i32
    %dma_wait3A_1859 = arith.constant 0 : i32
    %dma_wait3A_1860 = tpu.memref_slice %arg9[%add3A_1497, %dma_wait3A_1858, %dma_wait3A_1859] : memref<1024x32x512xf32, #tpu.memory_space<hbm>> -> memref<1x4x512xf32, #tpu.memory_space<hbm>>
    %dma_wait3A_1861 = tpu.memref_squeeze %dma_wait3A_1860 : memref<1x4x512xf32, #tpu.memory_space<hbm>> -> memref<4x512xf32, #tpu.memory_space<hbm>>
    %dma_wait3A_1862 = arith.constant 24 : i32
    %dma_wait3A_1863 = arith.constant 0 : i32
    %dma_wait3A_1864 = tpu.memref_slice %arg9[%add3A_1497, %dma_wait3A_1862, %dma_wait3A_1863] : memref<1024x32x512xf32, #tpu.memory_space<hbm>> -> memref<1x4x512xf32, #tpu.memory_space<hbm>>
    %dma_wait3A_1865 = tpu.memref_squeeze %dma_wait3A_1864 : memref<1x4x512xf32, #tpu.memory_space<hbm>> -> memref<4x512xf32, #tpu.memory_space<hbm>>
    %dma_wait3A_1866 = arith.constant 0 : i32
    %dma_wait3A_1867 = arith.constant 0 : i32
    %dma_wait3A_1868 = tpu.memref_slice %arg15[%reduce_sum3A_1495, %dma_wait3A_1866, %dma_wait3A_1867] : memref<9x4x512xf32, #tpu.memory_space<vmem>> -> memref<1x4x512xf32, #tpu.memory_space<vmem>>
    %dma_wait3A_1869 = tpu.memref_squeeze %dma_wait3A_1868 : memref<1x4x512xf32, #tpu.memory_space<vmem>> -> memref<4x512xf32, #tpu.memory_space<vmem>>
    tpu.wait_dma2 semaphore(%arg19 : memref<!tpu.dma_semaphore, #tpu.memory_space<semaphore_mem>>) src(%dma_wait3A_1869 : memref<4x512xf32, #tpu.memory_space<vmem>>) dst(%dma_wait3A_1865 : memref<4x512xf32, #tpu.memory_space<hbm>>)
    %dma_wait3A_1870 = arith.constant 16 : i32
    %dma_wait3A_1871 = arith.constant 0 : i32
    %dma_wait3A_1872 = tpu.memref_slice %arg9[%add3A_1527, %dma_wait3A_1870, %dma_wait3A_1871] : memref<1024x32x512xf32, #tpu.memory_space<hbm>> -> memref<1x8x512xf32, #tpu.memory_space<hbm>>
    %dma_wait3A_1873 = tpu.memref_squeeze %dma_wait3A_1872 : memref<1x8x512xf32, #tpu.memory_space<hbm>> -> memref<8x512xf32, #tpu.memory_space<hbm>>
    %dma_wait3A_1874 = arith.constant 0 : i32
    %dma_wait3A_1875 = arith.constant 0 : i32
    %dma_wait3A_1876 = tpu.memref_slice %arg11[%reduce_sum3A_1525, %dma_wait3A_1874, %dma_wait3A_1875] : memref<20x8x512xf32, #tpu.memory_space<vmem_shared>> -> memref<1x8x512xf32, #tpu.memory_space<vmem_shared>>
    %dma_wait3A_1877 = tpu.memref_squeeze %dma_wait3A_1876 : memref<1x8x512xf32, #tpu.memory_space<vmem_shared>> -> memref<8x512xf32, #tpu.memory_space<vmem_shared>>
    tpu.wait_dma2 semaphore(%arg18 : memref<!tpu.dma_semaphore, #tpu.memory_space<semaphore_mem>>) src(%dma_wait3A_1877 : memref<8x512xf32, #tpu.memory_space<vmem_shared>>) dst(%dma_wait3A_1873 : memref<8x512xf32, #tpu.memory_space<hbm>>)
    %dma_wait3A_1878 = arith.constant 0 : i32
    %dma_wait3A_1879 = arith.constant 0 : i32
    %dma_wait3A_1880 = tpu.memref_slice %arg15[%reduce_sum3A_1547, %dma_wait3A_1878, %dma_wait3A_1879] : memref<9x4x512xf32, #tpu.memory_space<vmem>> -> memref<1x4x512xf32, #tpu.memory_space<vmem>>
    %dma_wait3A_1881 = tpu.memref_squeeze %dma_wait3A_1880 : memref<1x4x512xf32, #tpu.memory_space<vmem>> -> memref<4x512xf32, #tpu.memory_space<vmem>>
    %dma_wait3A_1882 = arith.constant 24 : i32
    %dma_wait3A_1883 = arith.constant 0 : i32
    %dma_wait3A_1884 = tpu.memref_slice %arg9[%add3A_1549, %dma_wait3A_1882, %dma_wait3A_1883] : memref<1024x32x512xf32, #tpu.memory_space<hbm>> -> memref<1x4x512xf32, #tpu.memory_space<hbm>>
    %dma_wait3A_1885 = tpu.memref_squeeze %dma_wait3A_1884 : memref<1x4x512xf32, #tpu.memory_space<hbm>> -> memref<4x512xf32, #tpu.memory_space<hbm>>
    %dma_wait3A_1886 = arith.constant 24 : i32
    %dma_wait3A_1887 = arith.constant 0 : i32
    %dma_wait3A_1888 = tpu.memref_slice %arg9[%add3A_1549, %dma_wait3A_1886, %dma_wait3A_1887] : memref<1024x32x512xf32, #tpu.memory_space<hbm>> -> memref<1x4x512xf32, #tpu.memory_space<hbm>>
    %dma_wait3A_1889 = tpu.memref_squeeze %dma_wait3A_1888 : memref<1x4x512xf32, #tpu.memory_space<hbm>> -> memref<4x512xf32, #tpu.memory_space<hbm>>
    %dma_wait3A_1890 = arith.constant 0 : i32
    %dma_wait3A_1891 = arith.constant 0 : i32
    %dma_wait3A_1892 = tpu.memref_slice %arg15[%reduce_sum3A_1547, %dma_wait3A_1890, %dma_wait3A_1891] : memref<9x4x512xf32, #tpu.memory_space<vmem>> -> memref<1x4x512xf32, #tpu.memory_space<vmem>>
    %dma_wait3A_1893 = tpu.memref_squeeze %dma_wait3A_1892 : memref<1x4x512xf32, #tpu.memory_space<vmem>> -> memref<4x512xf32, #tpu.memory_space<vmem>>
    tpu.wait_dma2 semaphore(%arg19 : memref<!tpu.dma_semaphore, #tpu.memory_space<semaphore_mem>>) src(%dma_wait3A_1893 : memref<4x512xf32, #tpu.memory_space<vmem>>) dst(%dma_wait3A_1889 : memref<4x512xf32, #tpu.memory_space<hbm>>)
    %dma_wait3A_1894 = arith.constant 16 : i32
    %dma_wait3A_1895 = arith.constant 0 : i32
    %dma_wait3A_1896 = tpu.memref_slice %arg9[%add3A_1579, %dma_wait3A_1894, %dma_wait3A_1895] : memref<1024x32x512xf32, #tpu.memory_space<hbm>> -> memref<1x8x512xf32, #tpu.memory_space<hbm>>
    %dma_wait3A_1897 = tpu.memref_squeeze %dma_wait3A_1896 : memref<1x8x512xf32, #tpu.memory_space<hbm>> -> memref<8x512xf32, #tpu.memory_space<hbm>>
    %dma_wait3A_1898 = arith.constant 0 : i32
    %dma_wait3A_1899 = arith.constant 0 : i32
    %dma_wait3A_1900 = tpu.memref_slice %arg11[%reduce_sum3A_1577, %dma_wait3A_1898, %dma_wait3A_1899] : memref<20x8x512xf32, #tpu.memory_space<vmem_shared>> -> memref<1x8x512xf32, #tpu.memory_space<vmem_shared>>
    %dma_wait3A_1901 = tpu.memref_squeeze %dma_wait3A_1900 : memref<1x8x512xf32, #tpu.memory_space<vmem_shared>> -> memref<8x512xf32, #tpu.memory_space<vmem_shared>>
    tpu.wait_dma2 semaphore(%arg18 : memref<!tpu.dma_semaphore, #tpu.memory_space<semaphore_mem>>) src(%dma_wait3A_1901 : memref<8x512xf32, #tpu.memory_space<vmem_shared>>) dst(%dma_wait3A_1897 : memref<8x512xf32, #tpu.memory_space<hbm>>)
    %dma_wait3A_1902 = arith.constant 0 : i32
    %dma_wait3A_1903 = arith.constant 0 : i32
    %dma_wait3A_1904 = tpu.memref_slice %arg15[%reduce_sum3A_1599, %dma_wait3A_1902, %dma_wait3A_1903] : memref<9x4x512xf32, #tpu.memory_space<vmem>> -> memref<1x4x512xf32, #tpu.memory_space<vmem>>
    %dma_wait3A_1905 = tpu.memref_squeeze %dma_wait3A_1904 : memref<1x4x512xf32, #tpu.memory_space<vmem>> -> memref<4x512xf32, #tpu.memory_space<vmem>>
    %dma_wait3A_1906 = arith.constant 24 : i32
    %dma_wait3A_1907 = arith.constant 0 : i32
    %dma_wait3A_1908 = tpu.memref_slice %arg9[%add3A_1601, %dma_wait3A_1906, %dma_wait3A_1907] : memref<1024x32x512xf32, #tpu.memory_space<hbm>> -> memref<1x4x512xf32, #tpu.memory_space<hbm>>
    %dma_wait3A_1909 = tpu.memref_squeeze %dma_wait3A_1908 : memref<1x4x512xf32, #tpu.memory_space<hbm>> -> memref<4x512xf32, #tpu.memory_space<hbm>>
    %dma_wait3A_1910 = arith.constant 24 : i32
    %dma_wait3A_1911 = arith.constant 0 : i32
    %dma_wait3A_1912 = tpu.memref_slice %arg9[%add3A_1601, %dma_wait3A_1910, %dma_wait3A_1911] : memref<1024x32x512xf32, #tpu.memory_space<hbm>> -> memref<1x4x512xf32, #tpu.memory_space<hbm>>
    %dma_wait3A_1913 = tpu.memref_squeeze %dma_wait3A_1912 : memref<1x4x512xf32, #tpu.memory_space<hbm>> -> memref<4x512xf32, #tpu.memory_space<hbm>>
    %dma_wait3A_1914 = arith.constant 0 : i32
    %dma_wait3A_1915 = arith.constant 0 : i32
    %dma_wait3A_1916 = tpu.memref_slice %arg15[%reduce_sum3A_1599, %dma_wait3A_1914, %dma_wait3A_1915] : memref<9x4x512xf32, #tpu.memory_space<vmem>> -> memref<1x4x512xf32, #tpu.memory_space<vmem>>
    %dma_wait3A_1917 = tpu.memref_squeeze %dma_wait3A_1916 : memref<1x4x512xf32, #tpu.memory_space<vmem>> -> memref<4x512xf32, #tpu.memory_space<vmem>>
    tpu.wait_dma2 semaphore(%arg19 : memref<!tpu.dma_semaphore, #tpu.memory_space<semaphore_mem>>) src(%dma_wait3A_1917 : memref<4x512xf32, #tpu.memory_space<vmem>>) dst(%dma_wait3A_1913 : memref<4x512xf32, #tpu.memory_space<hbm>>)
    %dma_wait3A_1918 = arith.constant 16 : i32
    %dma_wait3A_1919 = arith.constant 0 : i32
    %dma_wait3A_1920 = tpu.memref_slice %arg9[%add3A_1631, %dma_wait3A_1918, %dma_wait3A_1919] : memref<1024x32x512xf32, #tpu.memory_space<hbm>> -> memref<1x8x512xf32, #tpu.memory_space<hbm>>
    %dma_wait3A_1921 = tpu.memref_squeeze %dma_wait3A_1920 : memref<1x8x512xf32, #tpu.memory_space<hbm>> -> memref<8x512xf32, #tpu.memory_space<hbm>>
    %dma_wait3A_1922 = arith.constant 0 : i32
    %dma_wait3A_1923 = arith.constant 0 : i32
    %dma_wait3A_1924 = tpu.memref_slice %arg11[%reduce_sum3A_1629, %dma_wait3A_1922, %dma_wait3A_1923] : memref<20x8x512xf32, #tpu.memory_space<vmem_shared>> -> memref<1x8x512xf32, #tpu.memory_space<vmem_shared>>
    %dma_wait3A_1925 = tpu.memref_squeeze %dma_wait3A_1924 : memref<1x8x512xf32, #tpu.memory_space<vmem_shared>> -> memref<8x512xf32, #tpu.memory_space<vmem_shared>>
    tpu.wait_dma2 semaphore(%arg18 : memref<!tpu.dma_semaphore, #tpu.memory_space<semaphore_mem>>) src(%dma_wait3A_1925 : memref<8x512xf32, #tpu.memory_space<vmem_shared>>) dst(%dma_wait3A_1921 : memref<8x512xf32, #tpu.memory_space<hbm>>)
    %dma_wait3A_1926 = arith.constant 0 : i32
    %dma_wait3A_1927 = arith.constant 0 : i32
    %dma_wait3A_1928 = tpu.memref_slice %arg15[%reduce_sum3A_1651, %dma_wait3A_1926, %dma_wait3A_1927] : memref<9x4x512xf32, #tpu.memory_space<vmem>> -> memref<1x4x512xf32, #tpu.memory_space<vmem>>
    %dma_wait3A_1929 = tpu.memref_squeeze %dma_wait3A_1928 : memref<1x4x512xf32, #tpu.memory_space<vmem>> -> memref<4x512xf32, #tpu.memory_space<vmem>>
    %dma_wait3A_1930 = arith.constant 24 : i32
    %dma_wait3A_1931 = arith.constant 0 : i32
    %dma_wait3A_1932 = tpu.memref_slice %arg9[%add3A_1653, %dma_wait3A_1930, %dma_wait3A_1931] : memref<1024x32x512xf32, #tpu.memory_space<hbm>> -> memref<1x4x512xf32, #tpu.memory_space<hbm>>
    %dma_wait3A_1933 = tpu.memref_squeeze %dma_wait3A_1932 : memref<1x4x512xf32, #tpu.memory_space<hbm>> -> memref<4x512xf32, #tpu.memory_space<hbm>>
    %dma_wait3A_1934 = arith.constant 24 : i32
    %dma_wait3A_1935 = arith.constant 0 : i32
    %dma_wait3A_1936 = tpu.memref_slice %arg9[%add3A_1653, %dma_wait3A_1934, %dma_wait3A_1935] : memref<1024x32x512xf32, #tpu.memory_space<hbm>> -> memref<1x4x512xf32, #tpu.memory_space<hbm>>
    %dma_wait3A_1937 = tpu.memref_squeeze %dma_wait3A_1936 : memref<1x4x512xf32, #tpu.memory_space<hbm>> -> memref<4x512xf32, #tpu.memory_space<hbm>>
    %dma_wait3A_1938 = arith.constant 0 : i32
    %dma_wait3A_1939 = arith.constant 0 : i32
    %dma_wait3A_1940 = tpu.memref_slice %arg15[%reduce_sum3A_1651, %dma_wait3A_1938, %dma_wait3A_1939] : memref<9x4x512xf32, #tpu.memory_space<vmem>> -> memref<1x4x512xf32, #tpu.memory_space<vmem>>
    %dma_wait3A_1941 = tpu.memref_squeeze %dma_wait3A_1940 : memref<1x4x512xf32, #tpu.memory_space<vmem>> -> memref<4x512xf32, #tpu.memory_space<vmem>>
    tpu.wait_dma2 semaphore(%arg19 : memref<!tpu.dma_semaphore, #tpu.memory_space<semaphore_mem>>) src(%dma_wait3A_1941 : memref<4x512xf32, #tpu.memory_space<vmem>>) dst(%dma_wait3A_1937 : memref<4x512xf32, #tpu.memory_space<hbm>>)
    %dma_wait3A_1942 = arith.constant 16 : i32
    %dma_wait3A_1943 = arith.constant 0 : i32
    %dma_wait3A_1944 = tpu.memref_slice %arg9[%add3A_1683, %dma_wait3A_1942, %dma_wait3A_1943] : memref<1024x32x512xf32, #tpu.memory_space<hbm>> -> memref<1x8x512xf32, #tpu.memory_space<hbm>>
    %dma_wait3A_1945 = tpu.memref_squeeze %dma_wait3A_1944 : memref<1x8x512xf32, #tpu.memory_space<hbm>> -> memref<8x512xf32, #tpu.memory_space<hbm>>
    %dma_wait3A_1946 = arith.constant 0 : i32
    %dma_wait3A_1947 = arith.constant 0 : i32
    %dma_wait3A_1948 = tpu.memref_slice %arg11[%reduce_sum3A_1681, %dma_wait3A_1946, %dma_wait3A_1947] : memref<20x8x512xf32, #tpu.memory_space<vmem_shared>> -> memref<1x8x512xf32, #tpu.memory_space<vmem_shared>>
    %dma_wait3A_1949 = tpu.memref_squeeze %dma_wait3A_1948 : memref<1x8x512xf32, #tpu.memory_space<vmem_shared>> -> memref<8x512xf32, #tpu.memory_space<vmem_shared>>
    tpu.wait_dma2 semaphore(%arg18 : memref<!tpu.dma_semaphore, #tpu.memory_space<semaphore_mem>>) src(%dma_wait3A_1949 : memref<8x512xf32, #tpu.memory_space<vmem_shared>>) dst(%dma_wait3A_1945 : memref<8x512xf32, #tpu.memory_space<hbm>>)
    %dma_wait3A_1950 = arith.constant 0 : i32
    %dma_wait3A_1951 = arith.constant 0 : i32
    %dma_wait3A_1952 = tpu.memref_slice %arg15[%reduce_sum3A_1703, %dma_wait3A_1950, %dma_wait3A_1951] : memref<9x4x512xf32, #tpu.memory_space<vmem>> -> memref<1x4x512xf32, #tpu.memory_space<vmem>>
    %dma_wait3A_1953 = tpu.memref_squeeze %dma_wait3A_1952 : memref<1x4x512xf32, #tpu.memory_space<vmem>> -> memref<4x512xf32, #tpu.memory_space<vmem>>
    %dma_wait3A_1954 = arith.constant 24 : i32
    %dma_wait3A_1955 = arith.constant 0 : i32
    %dma_wait3A_1956 = tpu.memref_slice %arg9[%add3A_1705, %dma_wait3A_1954, %dma_wait3A_1955] : memref<1024x32x512xf32, #tpu.memory_space<hbm>> -> memref<1x4x512xf32, #tpu.memory_space<hbm>>
    %dma_wait3A_1957 = tpu.memref_squeeze %dma_wait3A_1956 : memref<1x4x512xf32, #tpu.memory_space<hbm>> -> memref<4x512xf32, #tpu.memory_space<hbm>>
    %dma_wait3A_1958 = arith.constant 24 : i32
    %dma_wait3A_1959 = arith.constant 0 : i32
    %dma_wait3A_1960 = tpu.memref_slice %arg9[%add3A_1705, %dma_wait3A_1958, %dma_wait3A_1959] : memref<1024x32x512xf32, #tpu.memory_space<hbm>> -> memref<1x4x512xf32, #tpu.memory_space<hbm>>
    %dma_wait3A_1961 = tpu.memref_squeeze %dma_wait3A_1960 : memref<1x4x512xf32, #tpu.memory_space<hbm>> -> memref<4x512xf32, #tpu.memory_space<hbm>>
    %dma_wait3A_1962 = arith.constant 0 : i32
    %dma_wait3A_1963 = arith.constant 0 : i32
    %dma_wait3A_1964 = tpu.memref_slice %arg15[%reduce_sum3A_1703, %dma_wait3A_1962, %dma_wait3A_1963] : memref<9x4x512xf32, #tpu.memory_space<vmem>> -> memref<1x4x512xf32, #tpu.memory_space<vmem>>
    %dma_wait3A_1965 = tpu.memref_squeeze %dma_wait3A_1964 : memref<1x4x512xf32, #tpu.memory_space<vmem>> -> memref<4x512xf32, #tpu.memory_space<vmem>>
    tpu.wait_dma2 semaphore(%arg19 : memref<!tpu.dma_semaphore, #tpu.memory_space<semaphore_mem>>) src(%dma_wait3A_1965 : memref<4x512xf32, #tpu.memory_space<vmem>>) dst(%dma_wait3A_1961 : memref<4x512xf32, #tpu.memory_space<hbm>>)
    %dma_wait3A_1966 = arith.constant 16 : i32
    %dma_wait3A_1967 = arith.constant 0 : i32
    %dma_wait3A_1968 = tpu.memref_slice %arg9[%add3A_1735, %dma_wait3A_1966, %dma_wait3A_1967] : memref<1024x32x512xf32, #tpu.memory_space<hbm>> -> memref<1x8x512xf32, #tpu.memory_space<hbm>>
    %dma_wait3A_1969 = tpu.memref_squeeze %dma_wait3A_1968 : memref<1x8x512xf32, #tpu.memory_space<hbm>> -> memref<8x512xf32, #tpu.memory_space<hbm>>
    %dma_wait3A_1970 = arith.constant 0 : i32
    %dma_wait3A_1971 = arith.constant 0 : i32
    %dma_wait3A_1972 = tpu.memref_slice %arg11[%reduce_sum3A_1733, %dma_wait3A_1970, %dma_wait3A_1971] : memref<20x8x512xf32, #tpu.memory_space<vmem_shared>> -> memref<1x8x512xf32, #tpu.memory_space<vmem_shared>>
    %dma_wait3A_1973 = tpu.memref_squeeze %dma_wait3A_1972 : memref<1x8x512xf32, #tpu.memory_space<vmem_shared>> -> memref<8x512xf32, #tpu.memory_space<vmem_shared>>
    tpu.wait_dma2 semaphore(%arg18 : memref<!tpu.dma_semaphore, #tpu.memory_space<semaphore_mem>>) src(%dma_wait3A_1973 : memref<8x512xf32, #tpu.memory_space<vmem_shared>>) dst(%dma_wait3A_1969 : memref<8x512xf32, #tpu.memory_space<hbm>>)
    %dma_wait3A_1974 = arith.constant 0 : i32
    %dma_wait3A_1975 = arith.constant 0 : i32
    %dma_wait3A_1976 = tpu.memref_slice %arg15[%reduce_sum3A_1755, %dma_wait3A_1974, %dma_wait3A_1975] : memref<9x4x512xf32, #tpu.memory_space<vmem>> -> memref<1x4x512xf32, #tpu.memory_space<vmem>>
    %dma_wait3A_1977 = tpu.memref_squeeze %dma_wait3A_1976 : memref<1x4x512xf32, #tpu.memory_space<vmem>> -> memref<4x512xf32, #tpu.memory_space<vmem>>
    %dma_wait3A_1978 = arith.constant 24 : i32
    %dma_wait3A_1979 = arith.constant 0 : i32
    %dma_wait3A_1980 = tpu.memref_slice %arg9[%add3A_1757, %dma_wait3A_1978, %dma_wait3A_1979] : memref<1024x32x512xf32, #tpu.memory_space<hbm>> -> memref<1x4x512xf32, #tpu.memory_space<hbm>>
    %dma_wait3A_1981 = tpu.memref_squeeze %dma_wait3A_1980 : memref<1x4x512xf32, #tpu.memory_space<hbm>> -> memref<4x512xf32, #tpu.memory_space<hbm>>
    %dma_wait3A_1982 = arith.constant 24 : i32
    %dma_wait3A_1983 = arith.constant 0 : i32
    %dma_wait3A_1984 = tpu.memref_slice %arg9[%add3A_1757, %dma_wait3A_1982, %dma_wait3A_1983] : memref<1024x32x512xf32, #tpu.memory_space<hbm>> -> memref<1x4x512xf32, #tpu.memory_space<hbm>>
    %dma_wait3A_1985 = tpu.memref_squeeze %dma_wait3A_1984 : memref<1x4x512xf32, #tpu.memory_space<hbm>> -> memref<4x512xf32, #tpu.memory_space<hbm>>
    %dma_wait3A_1986 = arith.constant 0 : i32
    %dma_wait3A_1987 = arith.constant 0 : i32
    %dma_wait3A_1988 = tpu.memref_slice %arg15[%reduce_sum3A_1755, %dma_wait3A_1986, %dma_wait3A_1987] : memref<9x4x512xf32, #tpu.memory_space<vmem>> -> memref<1x4x512xf32, #tpu.memory_space<vmem>>
    %dma_wait3A_1989 = tpu.memref_squeeze %dma_wait3A_1988 : memref<1x4x512xf32, #tpu.memory_space<vmem>> -> memref<4x512xf32, #tpu.memory_space<vmem>>
    tpu.wait_dma2 semaphore(%arg19 : memref<!tpu.dma_semaphore, #tpu.memory_space<semaphore_mem>>) src(%dma_wait3A_1989 : memref<4x512xf32, #tpu.memory_space<vmem>>) dst(%dma_wait3A_1985 : memref<4x512xf32, #tpu.memory_space<hbm>>)
    %dma_wait3A_1990 = arith.constant 28 : i32
    %dma_wait3A_1991 = arith.constant 0 : i32
    %dma_wait3A_1992 = tpu.memref_slice %arg9[%add3A_1331, %dma_wait3A_1990, %dma_wait3A_1991] : memref<1024x32x512xf32, #tpu.memory_space<hbm>> -> memref<8x4x512xf32, #tpu.memory_space<hbm>>
    %dma_wait3A_1993 = arith.constant 28 : i32
    %dma_wait3A_1994 = arith.constant 0 : i32
    %dma_wait3A_1995 = tpu.memref_slice %arg9[%add3A_1331, %dma_wait3A_1993, %dma_wait3A_1994] : memref<1024x32x512xf32, #tpu.memory_space<hbm>> -> memref<8x4x512xf32, #tpu.memory_space<hbm>>
    tpu.wait_dma2 semaphore(%arg18 : memref<!tpu.dma_semaphore, #tpu.memory_space<semaphore_mem>>) src(%arg16 : memref<8x4x512xf32, #tpu.memory_space<vmem>>) dst(%dma_wait3A_1995 : memref<8x4x512xf32, #tpu.memory_space<hbm>>)
    %add3A_1996 = arith.constant 24 : i32
    %add3A_1997 = arith.addi %mul3A_2, %add3A_1996 : i32
    %dma_start3A_1998 = arith.constant 24 : i32
    %dma_start3A_1999 = tpu.memref_slice %arg12[%dma_start3A_1998] : memref<32xi32, #tpu.memory_space<vmem>> -> memref<8xi32, #tpu.memory_space<vmem>>
    %dma_start3A_2000 = arith.constant 0 : i32
    %dma_start3A_2001 = arith.constant 0 : i32
    %dma_start3A_2002 = arith.constant 0 : i32
    %dma_start3A_2003 = tpu.memref_slice %arg5[%dma_start3A_2000, %dma_start3A_2001, %dma_start3A_2002] : memref<100000x4x512xf32, #tpu.memory_space<hbm>> -> memref<100000x4x512xf32, #tpu.memory_space<hbm>>
    tpu.enqueue_indirect_dma source(%dma_start3A_2003 : memref<100000x4x512xf32, #tpu.memory_space<hbm>>) target(%arg16 : memref<8x4x512xf32, #tpu.memory_space<vmem>>) offsets(%dma_start3A_1999 : memref<8xi32, #tpu.memory_space<vmem>>) semaphore(%arg17 : memref<!tpu.dma_semaphore, #tpu.memory_space<semaphore_mem>>)
    %add3A_2004 = arith.constant 0 : i32
    %add3A_2005 = arith.addi %add3A_1997, %add3A_2004 : i32
    %dma_start3A_2006 = arith.constant 0 : i32
    %dma_start3A_2007 = arith.constant 0 : i32
    %dma_start3A_2008 = tpu.memref_slice %arg9[%add3A_2005, %dma_start3A_2006, %dma_start3A_2007] : memref<1024x32x512xf32, #tpu.memory_space<hbm>> -> memref<2x16x512xf32, #tpu.memory_space<hbm>>
    tpu.enqueue_dma source(%arg10 : memref<2x16x512xf32, #tpu.memory_space<vmem_shared>>) target(%dma_start3A_2008 : memref<2x16x512xf32, #tpu.memory_space<hbm>>) target_semaphore(%arg19 : memref<!tpu.dma_semaphore, #tpu.memory_space<semaphore_mem>>)
    %add3A_2009 = arith.constant 2 : i32
    %add3A_2010 = arith.addi %add3A_1997, %add3A_2009 : i32
    %dma_start3A_2011 = arith.constant 0 : i32
    %dma_start3A_2012 = arith.constant 0 : i32
    %dma_start3A_2013 = tpu.memref_slice %arg9[%add3A_2010, %dma_start3A_2011, %dma_start3A_2012] : memref<1024x32x512xf32, #tpu.memory_space<hbm>> -> memref<2x16x512xf32, #tpu.memory_space<hbm>>
    tpu.enqueue_dma source(%arg10 : memref<2x16x512xf32, #tpu.memory_space<vmem_shared>>) target(%dma_start3A_2013 : memref<2x16x512xf32, #tpu.memory_space<hbm>>) target_semaphore(%arg19 : memref<!tpu.dma_semaphore, #tpu.memory_space<semaphore_mem>>)
    %add3A_2014 = arith.constant 4 : i32
    %add3A_2015 = arith.addi %add3A_1997, %add3A_2014 : i32
    %dma_start3A_2016 = arith.constant 0 : i32
    %dma_start3A_2017 = arith.constant 0 : i32
    %dma_start3A_2018 = tpu.memref_slice %arg9[%add3A_2015, %dma_start3A_2016, %dma_start3A_2017] : memref<1024x32x512xf32, #tpu.memory_space<hbm>> -> memref<2x16x512xf32, #tpu.memory_space<hbm>>
    tpu.enqueue_dma source(%arg10 : memref<2x16x512xf32, #tpu.memory_space<vmem_shared>>) target(%dma_start3A_2018 : memref<2x16x512xf32, #tpu.memory_space<hbm>>) target_semaphore(%arg19 : memref<!tpu.dma_semaphore, #tpu.memory_space<semaphore_mem>>)
    %add3A_2019 = arith.constant 6 : i32
    %add3A_2020 = arith.addi %add3A_1997, %add3A_2019 : i32
    %dma_start3A_2021 = arith.constant 0 : i32
    %dma_start3A_2022 = arith.constant 0 : i32
    %dma_start3A_2023 = tpu.memref_slice %arg9[%add3A_2020, %dma_start3A_2021, %dma_start3A_2022] : memref<1024x32x512xf32, #tpu.memory_space<hbm>> -> memref<2x16x512xf32, #tpu.memory_space<hbm>>
    tpu.enqueue_dma source(%arg10 : memref<2x16x512xf32, #tpu.memory_space<vmem_shared>>) target(%dma_start3A_2023 : memref<2x16x512xf32, #tpu.memory_space<hbm>>) target_semaphore(%arg19 : memref<!tpu.dma_semaphore, #tpu.memory_space<semaphore_mem>>)
    %get3A_2024 = arith.constant 16 : index
    %get3A_2025 = tpu.vector_load %arg13[%get3A_2024] {strides = array<i32>} : memref<32xi32, #tpu.memory_space<vmem>>, vector<16xi32>,
    %eq3A_2026 = arith.constant 8 : i32
    %eq3A_2027 = vector.broadcast %eq3A_2026 : i32 to vector<16xi32>
    %eq3A_2028 = arith.cmpi eq, %iota3A, %eq3A_2027 : vector<16xi32>
    %jit3A_2029 = arith.constant 0 : i32
    %broadcast_in_dim3A_2030 = vector.broadcast %jit3A_2029 : i32 to vector<16xi32>
    %select_n3A_2031 = arith.select %eq3A_2028, %get3A_2025, %broadcast_in_dim3A_2030 : vector<16xi1>, vector<16xi32>
    %reduce_sum3A_2032 = arith.constant true
    %reduce_sum3A_2033 = vector.broadcast %reduce_sum3A_2032 : i1 to vector<16xi1>
    %reduce_sum3A_2034 = tpu.scan <sum>, %select_n3A_2031 masked %reduce_sum3A_2033 : vector<16xi32>, vector<16xi1> -> vector<16xi32>
    %reduce_sum3A_2035 = vector.extract %reduce_sum3A_2034[15] : i32 from vector<16xi32>
    %add3A_2036 = arith.constant 0 : i32
    %add3A_2037 = arith.addi %add3A_1997, %add3A_2036 : i32
    %dma_start3A_2038 = arith.constant 16 : i32
    %dma_start3A_2039 = arith.constant 0 : i32
    %dma_start3A_2040 = tpu.memref_slice %arg9[%add3A_2037, %dma_start3A_2038, %dma_start3A_2039] : memref<1024x32x512xf32, #tpu.memory_space<hbm>> -> memref<1x8x512xf32, #tpu.memory_space<hbm>>
    %dma_start3A_2041 = tpu.memref_squeeze %dma_start3A_2040 : memref<1x8x512xf32, #tpu.memory_space<hbm>> -> memref<8x512xf32, #tpu.memory_space<hbm>>
    %dma_start3A_2042 = arith.constant 0 : i32
    %dma_start3A_2043 = arith.constant 0 : i32
    %dma_start3A_2044 = tpu.memref_slice %arg11[%reduce_sum3A_2035, %dma_start3A_2042, %dma_start3A_2043] : memref<20x8x512xf32, #tpu.memory_space<vmem_shared>> -> memref<1x8x512xf32, #tpu.memory_space<vmem_shared>>
    %dma_start3A_2045 = tpu.memref_squeeze %dma_start3A_2044 : memref<1x8x512xf32, #tpu.memory_space<vmem_shared>> -> memref<8x512xf32, #tpu.memory_space<vmem_shared>>
    tpu.enqueue_dma source(%dma_start3A_2045 : memref<8x512xf32, #tpu.memory_space<vmem_shared>>) target(%dma_start3A_2041 : memref<8x512xf32, #tpu.memory_space<hbm>>) target_semaphore(%arg18 : memref<!tpu.dma_semaphore, #tpu.memory_space<semaphore_mem>>)
    %get3A_2046 = arith.constant 16 : index
    %get3A_2047 = tpu.vector_load %arg14[%get3A_2046] {strides = array<i32>} : memref<32xi32, #tpu.memory_space<vmem>>, vector<16xi32>,
    %eq3A_2048 = arith.constant 8 : i32
    %eq3A_2049 = vector.broadcast %eq3A_2048 : i32 to vector<16xi32>
    %eq3A_2050 = arith.cmpi eq, %iota3A, %eq3A_2049 : vector<16xi32>
    %jit3A_2051 = arith.constant 0 : i32
    %broadcast_in_dim3A_2052 = vector.broadcast %jit3A_2051 : i32 to vector<16xi32>
    %select_n3A_2053 = arith.select %eq3A_2050, %get3A_2047, %broadcast_in_dim3A_2052 : vector<16xi1>, vector<16xi32>
    %reduce_sum3A_2054 = arith.constant true
    %reduce_sum3A_2055 = vector.broadcast %reduce_sum3A_2054 : i1 to vector<16xi1>
    %reduce_sum3A_2056 = tpu.scan <sum>, %select_n3A_2053 masked %reduce_sum3A_2055 : vector<16xi32>, vector<16xi1> -> vector<16xi32>
    %reduce_sum3A_2057 = vector.extract %reduce_sum3A_2056[15] : i32 from vector<16xi32>
    %add3A_2058 = arith.constant 0 : i32
    %add3A_2059 = arith.addi %add3A_1997, %add3A_2058 : i32
    %dma_start3A_2060 = arith.constant 0 : i32
    %dma_start3A_2061 = arith.constant 0 : i32
    %dma_start3A_2062 = tpu.memref_slice %arg15[%reduce_sum3A_2057, %dma_start3A_2060, %dma_start3A_2061] : memref<9x4x512xf32, #tpu.memory_space<vmem>> -> memref<1x4x512xf32, #tpu.memory_space<vmem>>
    %dma_start3A_2063 = tpu.memref_squeeze %dma_start3A_2062 : memref<1x4x512xf32, #tpu.memory_space<vmem>> -> memref<4x512xf32, #tpu.memory_space<vmem>>
    %dma_start3A_2064 = arith.constant 24 : i32
    %dma_start3A_2065 = arith.constant 0 : i32
    %dma_start3A_2066 = tpu.memref_slice %arg9[%add3A_2059, %dma_start3A_2064, %dma_start3A_2065] : memref<1024x32x512xf32, #tpu.memory_space<hbm>> -> memref<1x4x512xf32, #tpu.memory_space<hbm>>
    %dma_start3A_2067 = tpu.memref_squeeze %dma_start3A_2066 : memref<1x4x512xf32, #tpu.memory_space<hbm>> -> memref<4x512xf32, #tpu.memory_space<hbm>>
    %dma_start3A_2068 = arith.constant 24 : i32
    %dma_start3A_2069 = arith.constant 0 : i32
    %dma_start3A_2070 = tpu.memref_slice %arg9[%add3A_2059, %dma_start3A_2068, %dma_start3A_2069] : memref<1024x32x512xf32, #tpu.memory_space<hbm>> -> memref<1x4x512xf32, #tpu.memory_space<hbm>>
    %dma_start3A_2071 = tpu.memref_squeeze %dma_start3A_2070 : memref<1x4x512xf32, #tpu.memory_space<hbm>> -> memref<4x512xf32, #tpu.memory_space<hbm>>
    %dma_start3A_2072 = arith.constant 0 : i32
    %dma_start3A_2073 = arith.constant 0 : i32
    %dma_start3A_2074 = tpu.memref_slice %arg15[%reduce_sum3A_2057, %dma_start3A_2072, %dma_start3A_2073] : memref<9x4x512xf32, #tpu.memory_space<vmem>> -> memref<1x4x512xf32, #tpu.memory_space<vmem>>
    %dma_start3A_2075 = tpu.memref_squeeze %dma_start3A_2074 : memref<1x4x512xf32, #tpu.memory_space<vmem>> -> memref<4x512xf32, #tpu.memory_space<vmem>>
    tpu.enqueue_dma source(%dma_start3A_2075 : memref<4x512xf32, #tpu.memory_space<vmem>>) target(%dma_start3A_2071 : memref<4x512xf32, #tpu.memory_space<hbm>>) target_semaphore(%arg19 : memref<!tpu.dma_semaphore, #tpu.memory_space<semaphore_mem>>)
    %get3A_2076 = arith.constant 16 : index
    %get3A_2077 = tpu.vector_load %arg13[%get3A_2076] {strides = array<i32>} : memref<32xi32, #tpu.memory_space<vmem>>, vector<16xi32>,
    %eq3A_2078 = arith.constant 9 : i32
    %eq3A_2079 = vector.broadcast %eq3A_2078 : i32 to vector<16xi32>
    %eq3A_2080 = arith.cmpi eq, %iota3A, %eq3A_2079 : vector<16xi32>
    %jit3A_2081 = arith.constant 0 : i32
    %broadcast_in_dim3A_2082 = vector.broadcast %jit3A_2081 : i32 to vector<16xi32>
    %select_n3A_2083 = arith.select %eq3A_2080, %get3A_2077, %broadcast_in_dim3A_2082 : vector<16xi1>, vector<16xi32>
    %reduce_sum3A_2084 = arith.constant true
    %reduce_sum3A_2085 = vector.broadcast %reduce_sum3A_2084 : i1 to vector<16xi1>
    %reduce_sum3A_2086 = tpu.scan <sum>, %select_n3A_2083 masked %reduce_sum3A_2085 : vector<16xi32>, vector<16xi1> -> vector<16xi32>
    %reduce_sum3A_2087 = vector.extract %reduce_sum3A_2086[15] : i32 from vector<16xi32>
    %add3A_2088 = arith.constant 1 : i32
    %add3A_2089 = arith.addi %add3A_1997, %add3A_2088 : i32
    %dma_start3A_2090 = arith.constant 16 : i32
    %dma_start3A_2091 = arith.constant 0 : i32
    %dma_start3A_2092 = tpu.memref_slice %arg9[%add3A_2089, %dma_start3A_2090, %dma_start3A_2091] : memref<1024x32x512xf32, #tpu.memory_space<hbm>> -> memref<1x8x512xf32, #tpu.memory_space<hbm>>
    %dma_start3A_2093 = tpu.memref_squeeze %dma_start3A_2092 : memref<1x8x512xf32, #tpu.memory_space<hbm>> -> memref<8x512xf32, #tpu.memory_space<hbm>>
    %dma_start3A_2094 = arith.constant 0 : i32
    %dma_start3A_2095 = arith.constant 0 : i32
    %dma_start3A_2096 = tpu.memref_slice %arg11[%reduce_sum3A_2087, %dma_start3A_2094, %dma_start3A_2095] : memref<20x8x512xf32, #tpu.memory_space<vmem_shared>> -> memref<1x8x512xf32, #tpu.memory_space<vmem_shared>>
    %dma_start3A_2097 = tpu.memref_squeeze %dma_start3A_2096 : memref<1x8x512xf32, #tpu.memory_space<vmem_shared>> -> memref<8x512xf32, #tpu.memory_space<vmem_shared>>
    tpu.enqueue_dma source(%dma_start3A_2097 : memref<8x512xf32, #tpu.memory_space<vmem_shared>>) target(%dma_start3A_2093 : memref<8x512xf32, #tpu.memory_space<hbm>>) target_semaphore(%arg18 : memref<!tpu.dma_semaphore, #tpu.memory_space<semaphore_mem>>)
    %get3A_2098 = arith.constant 16 : index
    %get3A_2099 = tpu.vector_load %arg14[%get3A_2098] {strides = array<i32>} : memref<32xi32, #tpu.memory_space<vmem>>, vector<16xi32>,
    %eq3A_2100 = arith.constant 9 : i32
    %eq3A_2101 = vector.broadcast %eq3A_2100 : i32 to vector<16xi32>
    %eq3A_2102 = arith.cmpi eq, %iota3A, %eq3A_2101 : vector<16xi32>
    %jit3A_2103 = arith.constant 0 : i32
    %broadcast_in_dim3A_2104 = vector.broadcast %jit3A_2103 : i32 to vector<16xi32>
    %select_n3A_2105 = arith.select %eq3A_2102, %get3A_2099, %broadcast_in_dim3A_2104 : vector<16xi1>, vector<16xi32>
    %reduce_sum3A_2106 = arith.constant true
    %reduce_sum3A_2107 = vector.broadcast %reduce_sum3A_2106 : i1 to vector<16xi1>
    %reduce_sum3A_2108 = tpu.scan <sum>, %select_n3A_2105 masked %reduce_sum3A_2107 : vector<16xi32>, vector<16xi1> -> vector<16xi32>
    %reduce_sum3A_2109 = vector.extract %reduce_sum3A_2108[15] : i32 from vector<16xi32>
    %add3A_2110 = arith.constant 1 : i32
    %add3A_2111 = arith.addi %add3A_1997, %add3A_2110 : i32
    %dma_start3A_2112 = arith.constant 0 : i32
    %dma_start3A_2113 = arith.constant 0 : i32
    %dma_start3A_2114 = tpu.memref_slice %arg15[%reduce_sum3A_2109, %dma_start3A_2112, %dma_start3A_2113] : memref<9x4x512xf32, #tpu.memory_space<vmem>> -> memref<1x4x512xf32, #tpu.memory_space<vmem>>
    %dma_start3A_2115 = tpu.memref_squeeze %dma_start3A_2114 : memref<1x4x512xf32, #tpu.memory_space<vmem>> -> memref<4x512xf32, #tpu.memory_space<vmem>>
    %dma_start3A_2116 = arith.constant 24 : i32
    %dma_start3A_2117 = arith.constant 0 : i32
    %dma_start3A_2118 = tpu.memref_slice %arg9[%add3A_2111, %dma_start3A_2116, %dma_start3A_2117] : memref<1024x32x512xf32, #tpu.memory_space<hbm>> -> memref<1x4x512xf32, #tpu.memory_space<hbm>>
    %dma_start3A_2119 = tpu.memref_squeeze %dma_start3A_2118 : memref<1x4x512xf32, #tpu.memory_space<hbm>> -> memref<4x512xf32, #tpu.memory_space<hbm>>
    %dma_start3A_2120 = arith.constant 24 : i32
    %dma_start3A_2121 = arith.constant 0 : i32
    %dma_start3A_2122 = tpu.memref_slice %arg9[%add3A_2111, %dma_start3A_2120, %dma_start3A_2121] : memref<1024x32x512xf32, #tpu.memory_space<hbm>> -> memref<1x4x512xf32, #tpu.memory_space<hbm>>
    %dma_start3A_2123 = tpu.memref_squeeze %dma_start3A_2122 : memref<1x4x512xf32, #tpu.memory_space<hbm>> -> memref<4x512xf32, #tpu.memory_space<hbm>>
    %dma_start3A_2124 = arith.constant 0 : i32
    %dma_start3A_2125 = arith.constant 0 : i32
    %dma_start3A_2126 = tpu.memref_slice %arg15[%reduce_sum3A_2109, %dma_start3A_2124, %dma_start3A_2125] : memref<9x4x512xf32, #tpu.memory_space<vmem>> -> memref<1x4x512xf32, #tpu.memory_space<vmem>>
    %dma_start3A_2127 = tpu.memref_squeeze %dma_start3A_2126 : memref<1x4x512xf32, #tpu.memory_space<vmem>> -> memref<4x512xf32, #tpu.memory_space<vmem>>
    tpu.enqueue_dma source(%dma_start3A_2127 : memref<4x512xf32, #tpu.memory_space<vmem>>) target(%dma_start3A_2123 : memref<4x512xf32, #tpu.memory_space<hbm>>) target_semaphore(%arg19 : memref<!tpu.dma_semaphore, #tpu.memory_space<semaphore_mem>>)
    %get3A_2128 = arith.constant 16 : index
    %get3A_2129 = tpu.vector_load %arg13[%get3A_2128] {strides = array<i32>} : memref<32xi32, #tpu.memory_space<vmem>>, vector<16xi32>,
    %eq3A_2130 = arith.constant 10 : i32
    %eq3A_2131 = vector.broadcast %eq3A_2130 : i32 to vector<16xi32>
    %eq3A_2132 = arith.cmpi eq, %iota3A, %eq3A_2131 : vector<16xi32>
    %jit3A_2133 = arith.constant 0 : i32
    %broadcast_in_dim3A_2134 = vector.broadcast %jit3A_2133 : i32 to vector<16xi32>
    %select_n3A_2135 = arith.select %eq3A_2132, %get3A_2129, %broadcast_in_dim3A_2134 : vector<16xi1>, vector<16xi32>
    %reduce_sum3A_2136 = arith.constant true
    %reduce_sum3A_2137 = vector.broadcast %reduce_sum3A_2136 : i1 to vector<16xi1>
    %reduce_sum3A_2138 = tpu.scan <sum>, %select_n3A_2135 masked %reduce_sum3A_2137 : vector<16xi32>, vector<16xi1> -> vector<16xi32>
    %reduce_sum3A_2139 = vector.extract %reduce_sum3A_2138[15] : i32 from vector<16xi32>
    %add3A_2140 = arith.constant 2 : i32
    %add3A_2141 = arith.addi %add3A_1997, %add3A_2140 : i32
    %dma_start3A_2142 = arith.constant 16 : i32
    %dma_start3A_2143 = arith.constant 0 : i32
    %dma_start3A_2144 = tpu.memref_slice %arg9[%add3A_2141, %dma_start3A_2142, %dma_start3A_2143] : memref<1024x32x512xf32, #tpu.memory_space<hbm>> -> memref<1x8x512xf32, #tpu.memory_space<hbm>>
    %dma_start3A_2145 = tpu.memref_squeeze %dma_start3A_2144 : memref<1x8x512xf32, #tpu.memory_space<hbm>> -> memref<8x512xf32, #tpu.memory_space<hbm>>
    %dma_start3A_2146 = arith.constant 0 : i32
    %dma_start3A_2147 = arith.constant 0 : i32
    %dma_start3A_2148 = tpu.memref_slice %arg11[%reduce_sum3A_2139, %dma_start3A_2146, %dma_start3A_2147] : memref<20x8x512xf32, #tpu.memory_space<vmem_shared>> -> memref<1x8x512xf32, #tpu.memory_space<vmem_shared>>
    %dma_start3A_2149 = tpu.memref_squeeze %dma_start3A_2148 : memref<1x8x512xf32, #tpu.memory_space<vmem_shared>> -> memref<8x512xf32, #tpu.memory_space<vmem_shared>>
    tpu.enqueue_dma source(%dma_start3A_2149 : memref<8x512xf32, #tpu.memory_space<vmem_shared>>) target(%dma_start3A_2145 : memref<8x512xf32, #tpu.memory_space<hbm>>) target_semaphore(%arg18 : memref<!tpu.dma_semaphore, #tpu.memory_space<semaphore_mem>>)
    %get3A_2150 = arith.constant 16 : index
    %get3A_2151 = tpu.vector_load %arg14[%get3A_2150] {strides = array<i32>} : memref<32xi32, #tpu.memory_space<vmem>>, vector<16xi32>,
    %eq3A_2152 = arith.constant 10 : i32
    %eq3A_2153 = vector.broadcast %eq3A_2152 : i32 to vector<16xi32>
    %eq3A_2154 = arith.cmpi eq, %iota3A, %eq3A_2153 : vector<16xi32>
    %jit3A_2155 = arith.constant 0 : i32
    %broadcast_in_dim3A_2156 = vector.broadcast %jit3A_2155 : i32 to vector<16xi32>
    %select_n3A_2157 = arith.select %eq3A_2154, %get3A_2151, %broadcast_in_dim3A_2156 : vector<16xi1>, vector<16xi32>
    %reduce_sum3A_2158 = arith.constant true
    %reduce_sum3A_2159 = vector.broadcast %reduce_sum3A_2158 : i1 to vector<16xi1>
    %reduce_sum3A_2160 = tpu.scan <sum>, %select_n3A_2157 masked %reduce_sum3A_2159 : vector<16xi32>, vector<16xi1> -> vector<16xi32>
    %reduce_sum3A_2161 = vector.extract %reduce_sum3A_2160[15] : i32 from vector<16xi32>
    %add3A_2162 = arith.constant 2 : i32
    %add3A_2163 = arith.addi %add3A_1997, %add3A_2162 : i32
    %dma_start3A_2164 = arith.constant 0 : i32
    %dma_start3A_2165 = arith.constant 0 : i32
    %dma_start3A_2166 = tpu.memref_slice %arg15[%reduce_sum3A_2161, %dma_start3A_2164, %dma_start3A_2165] : memref<9x4x512xf32, #tpu.memory_space<vmem>> -> memref<1x4x512xf32, #tpu.memory_space<vmem>>
    %dma_start3A_2167 = tpu.memref_squeeze %dma_start3A_2166 : memref<1x4x512xf32, #tpu.memory_space<vmem>> -> memref<4x512xf32, #tpu.memory_space<vmem>>
    %dma_start3A_2168 = arith.constant 24 : i32
    %dma_start3A_2169 = arith.constant 0 : i32
    %dma_start3A_2170 = tpu.memref_slice %arg9[%add3A_2163, %dma_start3A_2168, %dma_start3A_2169] : memref<1024x32x512xf32, #tpu.memory_space<hbm>> -> memref<1x4x512xf32, #tpu.memory_space<hbm>>
    %dma_start3A_2171 = tpu.memref_squeeze %dma_start3A_2170 : memref<1x4x512xf32, #tpu.memory_space<hbm>> -> memref<4x512xf32, #tpu.memory_space<hbm>>
    %dma_start3A_2172 = arith.constant 24 : i32
    %dma_start3A_2173 = arith.constant 0 : i32
    %dma_start3A_2174 = tpu.memref_slice %arg9[%add3A_2163, %dma_start3A_2172, %dma_start3A_2173] : memref<1024x32x512xf32, #tpu.memory_space<hbm>> -> memref<1x4x512xf32, #tpu.memory_space<hbm>>
    %dma_start3A_2175 = tpu.memref_squeeze %dma_start3A_2174 : memref<1x4x512xf32, #tpu.memory_space<hbm>> -> memref<4x512xf32, #tpu.memory_space<hbm>>
    %dma_start3A_2176 = arith.constant 0 : i32
    %dma_start3A_2177 = arith.constant 0 : i32
    %dma_start3A_2178 = tpu.memref_slice %arg15[%reduce_sum3A_2161, %dma_start3A_2176, %dma_start3A_2177] : memref<9x4x512xf32, #tpu.memory_space<vmem>> -> memref<1x4x512xf32, #tpu.memory_space<vmem>>
    %dma_start3A_2179 = tpu.memref_squeeze %dma_start3A_2178 : memref<1x4x512xf32, #tpu.memory_space<vmem>> -> memref<4x512xf32, #tpu.memory_space<vmem>>
    tpu.enqueue_dma source(%dma_start3A_2179 : memref<4x512xf32, #tpu.memory_space<vmem>>) target(%dma_start3A_2175 : memref<4x512xf32, #tpu.memory_space<hbm>>) target_semaphore(%arg19 : memref<!tpu.dma_semaphore, #tpu.memory_space<semaphore_mem>>)
    %get3A_2180 = arith.constant 16 : index
    %get3A_2181 = tpu.vector_load %arg13[%get3A_2180] {strides = array<i32>} : memref<32xi32, #tpu.memory_space<vmem>>, vector<16xi32>,
    %eq3A_2182 = arith.constant 11 : i32
    %eq3A_2183 = vector.broadcast %eq3A_2182 : i32 to vector<16xi32>
    %eq3A_2184 = arith.cmpi eq, %iota3A, %eq3A_2183 : vector<16xi32>
    %jit3A_2185 = arith.constant 0 : i32
    %broadcast_in_dim3A_2186 = vector.broadcast %jit3A_2185 : i32 to vector<16xi32>
    %select_n3A_2187 = arith.select %eq3A_2184, %get3A_2181, %broadcast_in_dim3A_2186 : vector<16xi1>, vector<16xi32>
    %reduce_sum3A_2188 = arith.constant true
    %reduce_sum3A_2189 = vector.broadcast %reduce_sum3A_2188 : i1 to vector<16xi1>
    %reduce_sum3A_2190 = tpu.scan <sum>, %select_n3A_2187 masked %reduce_sum3A_2189 : vector<16xi32>, vector<16xi1> -> vector<16xi32>
    %reduce_sum3A_2191 = vector.extract %reduce_sum3A_2190[15] : i32 from vector<16xi32>
    %add3A_2192 = arith.constant 3 : i32
    %add3A_2193 = arith.addi %add3A_1997, %add3A_2192 : i32
    %dma_start3A_2194 = arith.constant 16 : i32
    %dma_start3A_2195 = arith.constant 0 : i32
    %dma_start3A_2196 = tpu.memref_slice %arg9[%add3A_2193, %dma_start3A_2194, %dma_start3A_2195] : memref<1024x32x512xf32, #tpu.memory_space<hbm>> -> memref<1x8x512xf32, #tpu.memory_space<hbm>>
    %dma_start3A_2197 = tpu.memref_squeeze %dma_start3A_2196 : memref<1x8x512xf32, #tpu.memory_space<hbm>> -> memref<8x512xf32, #tpu.memory_space<hbm>>
    %dma_start3A_2198 = arith.constant 0 : i32
    %dma_start3A_2199 = arith.constant 0 : i32
    %dma_start3A_2200 = tpu.memref_slice %arg11[%reduce_sum3A_2191, %dma_start3A_2198, %dma_start3A_2199] : memref<20x8x512xf32, #tpu.memory_space<vmem_shared>> -> memref<1x8x512xf32, #tpu.memory_space<vmem_shared>>
    %dma_start3A_2201 = tpu.memref_squeeze %dma_start3A_2200 : memref<1x8x512xf32, #tpu.memory_space<vmem_shared>> -> memref<8x512xf32, #tpu.memory_space<vmem_shared>>
    tpu.enqueue_dma source(%dma_start3A_2201 : memref<8x512xf32, #tpu.memory_space<vmem_shared>>) target(%dma_start3A_2197 : memref<8x512xf32, #tpu.memory_space<hbm>>) target_semaphore(%arg18 : memref<!tpu.dma_semaphore, #tpu.memory_space<semaphore_mem>>)
    %get3A_2202 = arith.constant 16 : index
    %get3A_2203 = tpu.vector_load %arg14[%get3A_2202] {strides = array<i32>} : memref<32xi32, #tpu.memory_space<vmem>>, vector<16xi32>,
    %eq3A_2204 = arith.constant 11 : i32
    %eq3A_2205 = vector.broadcast %eq3A_2204 : i32 to vector<16xi32>
    %eq3A_2206 = arith.cmpi eq, %iota3A, %eq3A_2205 : vector<16xi32>
    %jit3A_2207 = arith.constant 0 : i32
    %broadcast_in_dim3A_2208 = vector.broadcast %jit3A_2207 : i32 to vector<16xi32>
    %select_n3A_2209 = arith.select %eq3A_2206, %get3A_2203, %broadcast_in_dim3A_2208 : vector<16xi1>, vector<16xi32>
    %reduce_sum3A_2210 = arith.constant true
    %reduce_sum3A_2211 = vector.broadcast %reduce_sum3A_2210 : i1 to vector<16xi1>
    %reduce_sum3A_2212 = tpu.scan <sum>, %select_n3A_2209 masked %reduce_sum3A_2211 : vector<16xi32>, vector<16xi1> -> vector<16xi32>
    %reduce_sum3A_2213 = vector.extract %reduce_sum3A_2212[15] : i32 from vector<16xi32>
    %add3A_2214 = arith.constant 3 : i32
    %add3A_2215 = arith.addi %add3A_1997, %add3A_2214 : i32
    %dma_start3A_2216 = arith.constant 0 : i32
    %dma_start3A_2217 = arith.constant 0 : i32
    %dma_start3A_2218 = tpu.memref_slice %arg15[%reduce_sum3A_2213, %dma_start3A_2216, %dma_start3A_2217] : memref<9x4x512xf32, #tpu.memory_space<vmem>> -> memref<1x4x512xf32, #tpu.memory_space<vmem>>
    %dma_start3A_2219 = tpu.memref_squeeze %dma_start3A_2218 : memref<1x4x512xf32, #tpu.memory_space<vmem>> -> memref<4x512xf32, #tpu.memory_space<vmem>>
    %dma_start3A_2220 = arith.constant 24 : i32
    %dma_start3A_2221 = arith.constant 0 : i32
    %dma_start3A_2222 = tpu.memref_slice %arg9[%add3A_2215, %dma_start3A_2220, %dma_start3A_2221] : memref<1024x32x512xf32, #tpu.memory_space<hbm>> -> memref<1x4x512xf32, #tpu.memory_space<hbm>>
    %dma_start3A_2223 = tpu.memref_squeeze %dma_start3A_2222 : memref<1x4x512xf32, #tpu.memory_space<hbm>> -> memref<4x512xf32, #tpu.memory_space<hbm>>
    %dma_start3A_2224 = arith.constant 24 : i32
    %dma_start3A_2225 = arith.constant 0 : i32
    %dma_start3A_2226 = tpu.memref_slice %arg9[%add3A_2215, %dma_start3A_2224, %dma_start3A_2225] : memref<1024x32x512xf32, #tpu.memory_space<hbm>> -> memref<1x4x512xf32, #tpu.memory_space<hbm>>
    %dma_start3A_2227 = tpu.memref_squeeze %dma_start3A_2226 : memref<1x4x512xf32, #tpu.memory_space<hbm>> -> memref<4x512xf32, #tpu.memory_space<hbm>>
    %dma_start3A_2228 = arith.constant 0 : i32
    %dma_start3A_2229 = arith.constant 0 : i32
    %dma_start3A_2230 = tpu.memref_slice %arg15[%reduce_sum3A_2213, %dma_start3A_2228, %dma_start3A_2229] : memref<9x4x512xf32, #tpu.memory_space<vmem>> -> memref<1x4x512xf32, #tpu.memory_space<vmem>>
    %dma_start3A_2231 = tpu.memref_squeeze %dma_start3A_2230 : memref<1x4x512xf32, #tpu.memory_space<vmem>> -> memref<4x512xf32, #tpu.memory_space<vmem>>
    tpu.enqueue_dma source(%dma_start3A_2231 : memref<4x512xf32, #tpu.memory_space<vmem>>) target(%dma_start3A_2227 : memref<4x512xf32, #tpu.memory_space<hbm>>) target_semaphore(%arg19 : memref<!tpu.dma_semaphore, #tpu.memory_space<semaphore_mem>>)
    %get3A_2232 = arith.constant 16 : index
    %get3A_2233 = tpu.vector_load %arg13[%get3A_2232] {strides = array<i32>} : memref<32xi32, #tpu.memory_space<vmem>>, vector<16xi32>,
    %eq3A_2234 = arith.constant 12 : i32
    %eq3A_2235 = vector.broadcast %eq3A_2234 : i32 to vector<16xi32>
    %eq3A_2236 = arith.cmpi eq, %iota3A, %eq3A_2235 : vector<16xi32>
    %jit3A_2237 = arith.constant 0 : i32
    %broadcast_in_dim3A_2238 = vector.broadcast %jit3A_2237 : i32 to vector<16xi32>
    %select_n3A_2239 = arith.select %eq3A_2236, %get3A_2233, %broadcast_in_dim3A_2238 : vector<16xi1>, vector<16xi32>
    %reduce_sum3A_2240 = arith.constant true
    %reduce_sum3A_2241 = vector.broadcast %reduce_sum3A_2240 : i1 to vector<16xi1>
    %reduce_sum3A_2242 = tpu.scan <sum>, %select_n3A_2239 masked %reduce_sum3A_2241 : vector<16xi32>, vector<16xi1> -> vector<16xi32>
    %reduce_sum3A_2243 = vector.extract %reduce_sum3A_2242[15] : i32 from vector<16xi32>
    %add3A_2244 = arith.constant 4 : i32
    %add3A_2245 = arith.addi %add3A_1997, %add3A_2244 : i32
    %dma_start3A_2246 = arith.constant 16 : i32
    %dma_start3A_2247 = arith.constant 0 : i32
    %dma_start3A_2248 = tpu.memref_slice %arg9[%add3A_2245, %dma_start3A_2246, %dma_start3A_2247] : memref<1024x32x512xf32, #tpu.memory_space<hbm>> -> memref<1x8x512xf32, #tpu.memory_space<hbm>>
    %dma_start3A_2249 = tpu.memref_squeeze %dma_start3A_2248 : memref<1x8x512xf32, #tpu.memory_space<hbm>> -> memref<8x512xf32, #tpu.memory_space<hbm>>
    %dma_start3A_2250 = arith.constant 0 : i32
    %dma_start3A_2251 = arith.constant 0 : i32
    %dma_start3A_2252 = tpu.memref_slice %arg11[%reduce_sum3A_2243, %dma_start3A_2250, %dma_start3A_2251] : memref<20x8x512xf32, #tpu.memory_space<vmem_shared>> -> memref<1x8x512xf32, #tpu.memory_space<vmem_shared>>
    %dma_start3A_2253 = tpu.memref_squeeze %dma_start3A_2252 : memref<1x8x512xf32, #tpu.memory_space<vmem_shared>> -> memref<8x512xf32, #tpu.memory_space<vmem_shared>>
    tpu.enqueue_dma source(%dma_start3A_2253 : memref<8x512xf32, #tpu.memory_space<vmem_shared>>) target(%dma_start3A_2249 : memref<8x512xf32, #tpu.memory_space<hbm>>) target_semaphore(%arg18 : memref<!tpu.dma_semaphore, #tpu.memory_space<semaphore_mem>>)
    %get3A_2254 = arith.constant 16 : index
    %get3A_2255 = tpu.vector_load %arg14[%get3A_2254] {strides = array<i32>} : memref<32xi32, #tpu.memory_space<vmem>>, vector<16xi32>,
    %eq3A_2256 = arith.constant 12 : i32
    %eq3A_2257 = vector.broadcast %eq3A_2256 : i32 to vector<16xi32>
    %eq3A_2258 = arith.cmpi eq, %iota3A, %eq3A_2257 : vector<16xi32>
    %jit3A_2259 = arith.constant 0 : i32
    %broadcast_in_dim3A_2260 = vector.broadcast %jit3A_2259 : i32 to vector<16xi32>
    %select_n3A_2261 = arith.select %eq3A_2258, %get3A_2255, %broadcast_in_dim3A_2260 : vector<16xi1>, vector<16xi32>
    %reduce_sum3A_2262 = arith.constant true
    %reduce_sum3A_2263 = vector.broadcast %reduce_sum3A_2262 : i1 to vector<16xi1>
    %reduce_sum3A_2264 = tpu.scan <sum>, %select_n3A_2261 masked %reduce_sum3A_2263 : vector<16xi32>, vector<16xi1> -> vector<16xi32>
    %reduce_sum3A_2265 = vector.extract %reduce_sum3A_2264[15] : i32 from vector<16xi32>
    %add3A_2266 = arith.constant 4 : i32
    %add3A_2267 = arith.addi %add3A_1997, %add3A_2266 : i32
    %dma_start3A_2268 = arith.constant 0 : i32
    %dma_start3A_2269 = arith.constant 0 : i32
    %dma_start3A_2270 = tpu.memref_slice %arg15[%reduce_sum3A_2265, %dma_start3A_2268, %dma_start3A_2269] : memref<9x4x512xf32, #tpu.memory_space<vmem>> -> memref<1x4x512xf32, #tpu.memory_space<vmem>>
    %dma_start3A_2271 = tpu.memref_squeeze %dma_start3A_2270 : memref<1x4x512xf32, #tpu.memory_space<vmem>> -> memref<4x512xf32, #tpu.memory_space<vmem>>
    %dma_start3A_2272 = arith.constant 24 : i32
    %dma_start3A_2273 = arith.constant 0 : i32
    %dma_start3A_2274 = tpu.memref_slice %arg9[%add3A_2267, %dma_start3A_2272, %dma_start3A_2273] : memref<1024x32x512xf32, #tpu.memory_space<hbm>> -> memref<1x4x512xf32, #tpu.memory_space<hbm>>
    %dma_start3A_2275 = tpu.memref_squeeze %dma_start3A_2274 : memref<1x4x512xf32, #tpu.memory_space<hbm>> -> memref<4x512xf32, #tpu.memory_space<hbm>>
    %dma_start3A_2276 = arith.constant 24 : i32
    %dma_start3A_2277 = arith.constant 0 : i32
    %dma_start3A_2278 = tpu.memref_slice %arg9[%add3A_2267, %dma_start3A_2276, %dma_start3A_2277] : memref<1024x32x512xf32, #tpu.memory_space<hbm>> -> memref<1x4x512xf32, #tpu.memory_space<hbm>>
    %dma_start3A_2279 = tpu.memref_squeeze %dma_start3A_2278 : memref<1x4x512xf32, #tpu.memory_space<hbm>> -> memref<4x512xf32, #tpu.memory_space<hbm>>
    %dma_start3A_2280 = arith.constant 0 : i32
    %dma_start3A_2281 = arith.constant 0 : i32
    %dma_start3A_2282 = tpu.memref_slice %arg15[%reduce_sum3A_2265, %dma_start3A_2280, %dma_start3A_2281] : memref<9x4x512xf32, #tpu.memory_space<vmem>> -> memref<1x4x512xf32, #tpu.memory_space<vmem>>
    %dma_start3A_2283 = tpu.memref_squeeze %dma_start3A_2282 : memref<1x4x512xf32, #tpu.memory_space<vmem>> -> memref<4x512xf32, #tpu.memory_space<vmem>>
    tpu.enqueue_dma source(%dma_start3A_2283 : memref<4x512xf32, #tpu.memory_space<vmem>>) target(%dma_start3A_2279 : memref<4x512xf32, #tpu.memory_space<hbm>>) target_semaphore(%arg19 : memref<!tpu.dma_semaphore, #tpu.memory_space<semaphore_mem>>)
    %get3A_2284 = arith.constant 16 : index
    %get3A_2285 = tpu.vector_load %arg13[%get3A_2284] {strides = array<i32>} : memref<32xi32, #tpu.memory_space<vmem>>, vector<16xi32>,
    %eq3A_2286 = arith.constant 13 : i32
    %eq3A_2287 = vector.broadcast %eq3A_2286 : i32 to vector<16xi32>
    %eq3A_2288 = arith.cmpi eq, %iota3A, %eq3A_2287 : vector<16xi32>
    %jit3A_2289 = arith.constant 0 : i32
    %broadcast_in_dim3A_2290 = vector.broadcast %jit3A_2289 : i32 to vector<16xi32>
    %select_n3A_2291 = arith.select %eq3A_2288, %get3A_2285, %broadcast_in_dim3A_2290 : vector<16xi1>, vector<16xi32>
    %reduce_sum3A_2292 = arith.constant true
    %reduce_sum3A_2293 = vector.broadcast %reduce_sum3A_2292 : i1 to vector<16xi1>
    %reduce_sum3A_2294 = tpu.scan <sum>, %select_n3A_2291 masked %reduce_sum3A_2293 : vector<16xi32>, vector<16xi1> -> vector<16xi32>
    %reduce_sum3A_2295 = vector.extract %reduce_sum3A_2294[15] : i32 from vector<16xi32>
    %add3A_2296 = arith.constant 5 : i32
    %add3A_2297 = arith.addi %add3A_1997, %add3A_2296 : i32
    %dma_start3A_2298 = arith.constant 16 : i32
    %dma_start3A_2299 = arith.constant 0 : i32
    %dma_start3A_2300 = tpu.memref_slice %arg9[%add3A_2297, %dma_start3A_2298, %dma_start3A_2299] : memref<1024x32x512xf32, #tpu.memory_space<hbm>> -> memref<1x8x512xf32, #tpu.memory_space<hbm>>
    %dma_start3A_2301 = tpu.memref_squeeze %dma_start3A_2300 : memref<1x8x512xf32, #tpu.memory_space<hbm>> -> memref<8x512xf32, #tpu.memory_space<hbm>>
    %dma_start3A_2302 = arith.constant 0 : i32
    %dma_start3A_2303 = arith.constant 0 : i32
    %dma_start3A_2304 = tpu.memref_slice %arg11[%reduce_sum3A_2295, %dma_start3A_2302, %dma_start3A_2303] : memref<20x8x512xf32, #tpu.memory_space<vmem_shared>> -> memref<1x8x512xf32, #tpu.memory_space<vmem_shared>>
    %dma_start3A_2305 = tpu.memref_squeeze %dma_start3A_2304 : memref<1x8x512xf32, #tpu.memory_space<vmem_shared>> -> memref<8x512xf32, #tpu.memory_space<vmem_shared>>
    tpu.enqueue_dma source(%dma_start3A_2305 : memref<8x512xf32, #tpu.memory_space<vmem_shared>>) target(%dma_start3A_2301 : memref<8x512xf32, #tpu.memory_space<hbm>>) target_semaphore(%arg18 : memref<!tpu.dma_semaphore, #tpu.memory_space<semaphore_mem>>)
    %get3A_2306 = arith.constant 16 : index
    %get3A_2307 = tpu.vector_load %arg14[%get3A_2306] {strides = array<i32>} : memref<32xi32, #tpu.memory_space<vmem>>, vector<16xi32>,
    %eq3A_2308 = arith.constant 13 : i32
    %eq3A_2309 = vector.broadcast %eq3A_2308 : i32 to vector<16xi32>
    %eq3A_2310 = arith.cmpi eq, %iota3A, %eq3A_2309 : vector<16xi32>
    %jit3A_2311 = arith.constant 0 : i32
    %broadcast_in_dim3A_2312 = vector.broadcast %jit3A_2311 : i32 to vector<16xi32>
    %select_n3A_2313 = arith.select %eq3A_2310, %get3A_2307, %broadcast_in_dim3A_2312 : vector<16xi1>, vector<16xi32>
    %reduce_sum3A_2314 = arith.constant true
    %reduce_sum3A_2315 = vector.broadcast %reduce_sum3A_2314 : i1 to vector<16xi1>
    %reduce_sum3A_2316 = tpu.scan <sum>, %select_n3A_2313 masked %reduce_sum3A_2315 : vector<16xi32>, vector<16xi1> -> vector<16xi32>
    %reduce_sum3A_2317 = vector.extract %reduce_sum3A_2316[15] : i32 from vector<16xi32>
    %add3A_2318 = arith.constant 5 : i32
    %add3A_2319 = arith.addi %add3A_1997, %add3A_2318 : i32
    %dma_start3A_2320 = arith.constant 0 : i32
    %dma_start3A_2321 = arith.constant 0 : i32
    %dma_start3A_2322 = tpu.memref_slice %arg15[%reduce_sum3A_2317, %dma_start3A_2320, %dma_start3A_2321] : memref<9x4x512xf32, #tpu.memory_space<vmem>> -> memref<1x4x512xf32, #tpu.memory_space<vmem>>
    %dma_start3A_2323 = tpu.memref_squeeze %dma_start3A_2322 : memref<1x4x512xf32, #tpu.memory_space<vmem>> -> memref<4x512xf32, #tpu.memory_space<vmem>>
    %dma_start3A_2324 = arith.constant 24 : i32
    %dma_start3A_2325 = arith.constant 0 : i32
    %dma_start3A_2326 = tpu.memref_slice %arg9[%add3A_2319, %dma_start3A_2324, %dma_start3A_2325] : memref<1024x32x512xf32, #tpu.memory_space<hbm>> -> memref<1x4x512xf32, #tpu.memory_space<hbm>>
    %dma_start3A_2327 = tpu.memref_squeeze %dma_start3A_2326 : memref<1x4x512xf32, #tpu.memory_space<hbm>> -> memref<4x512xf32, #tpu.memory_space<hbm>>
    %dma_start3A_2328 = arith.constant 24 : i32
    %dma_start3A_2329 = arith.constant 0 : i32
    %dma_start3A_2330 = tpu.memref_slice %arg9[%add3A_2319, %dma_start3A_2328, %dma_start3A_2329] : memref<1024x32x512xf32, #tpu.memory_space<hbm>> -> memref<1x4x512xf32, #tpu.memory_space<hbm>>
    %dma_start3A_2331 = tpu.memref_squeeze %dma_start3A_2330 : memref<1x4x512xf32, #tpu.memory_space<hbm>> -> memref<4x512xf32, #tpu.memory_space<hbm>>
    %dma_start3A_2332 = arith.constant 0 : i32
    %dma_start3A_2333 = arith.constant 0 : i32
    %dma_start3A_2334 = tpu.memref_slice %arg15[%reduce_sum3A_2317, %dma_start3A_2332, %dma_start3A_2333] : memref<9x4x512xf32, #tpu.memory_space<vmem>> -> memref<1x4x512xf32, #tpu.memory_space<vmem>>
    %dma_start3A_2335 = tpu.memref_squeeze %dma_start3A_2334 : memref<1x4x512xf32, #tpu.memory_space<vmem>> -> memref<4x512xf32, #tpu.memory_space<vmem>>
    tpu.enqueue_dma source(%dma_start3A_2335 : memref<4x512xf32, #tpu.memory_space<vmem>>) target(%dma_start3A_2331 : memref<4x512xf32, #tpu.memory_space<hbm>>) target_semaphore(%arg19 : memref<!tpu.dma_semaphore, #tpu.memory_space<semaphore_mem>>)
    %get3A_2336 = arith.constant 16 : index
    %get3A_2337 = tpu.vector_load %arg13[%get3A_2336] {strides = array<i32>} : memref<32xi32, #tpu.memory_space<vmem>>, vector<16xi32>,
    %eq3A_2338 = arith.constant 14 : i32
    %eq3A_2339 = vector.broadcast %eq3A_2338 : i32 to vector<16xi32>
    %eq3A_2340 = arith.cmpi eq, %iota3A, %eq3A_2339 : vector<16xi32>
    %jit3A_2341 = arith.constant 0 : i32
    %broadcast_in_dim3A_2342 = vector.broadcast %jit3A_2341 : i32 to vector<16xi32>
    %select_n3A_2343 = arith.select %eq3A_2340, %get3A_2337, %broadcast_in_dim3A_2342 : vector<16xi1>, vector<16xi32>
    %reduce_sum3A_2344 = arith.constant true
    %reduce_sum3A_2345 = vector.broadcast %reduce_sum3A_2344 : i1 to vector<16xi1>
    %reduce_sum3A_2346 = tpu.scan <sum>, %select_n3A_2343 masked %reduce_sum3A_2345 : vector<16xi32>, vector<16xi1> -> vector<16xi32>
    %reduce_sum3A_2347 = vector.extract %reduce_sum3A_2346[15] : i32 from vector<16xi32>
    %add3A_2348 = arith.constant 6 : i32
    %add3A_2349 = arith.addi %add3A_1997, %add3A_2348 : i32
    %dma_start3A_2350 = arith.constant 16 : i32
    %dma_start3A_2351 = arith.constant 0 : i32
    %dma_start3A_2352 = tpu.memref_slice %arg9[%add3A_2349, %dma_start3A_2350, %dma_start3A_2351] : memref<1024x32x512xf32, #tpu.memory_space<hbm>> -> memref<1x8x512xf32, #tpu.memory_space<hbm>>
    %dma_start3A_2353 = tpu.memref_squeeze %dma_start3A_2352 : memref<1x8x512xf32, #tpu.memory_space<hbm>> -> memref<8x512xf32, #tpu.memory_space<hbm>>
    %dma_start3A_2354 = arith.constant 0 : i32
    %dma_start3A_2355 = arith.constant 0 : i32
    %dma_start3A_2356 = tpu.memref_slice %arg11[%reduce_sum3A_2347, %dma_start3A_2354, %dma_start3A_2355] : memref<20x8x512xf32, #tpu.memory_space<vmem_shared>> -> memref<1x8x512xf32, #tpu.memory_space<vmem_shared>>
    %dma_start3A_2357 = tpu.memref_squeeze %dma_start3A_2356 : memref<1x8x512xf32, #tpu.memory_space<vmem_shared>> -> memref<8x512xf32, #tpu.memory_space<vmem_shared>>
    tpu.enqueue_dma source(%dma_start3A_2357 : memref<8x512xf32, #tpu.memory_space<vmem_shared>>) target(%dma_start3A_2353 : memref<8x512xf32, #tpu.memory_space<hbm>>) target_semaphore(%arg18 : memref<!tpu.dma_semaphore, #tpu.memory_space<semaphore_mem>>)
    %get3A_2358 = arith.constant 16 : index
    %get3A_2359 = tpu.vector_load %arg14[%get3A_2358] {strides = array<i32>} : memref<32xi32, #tpu.memory_space<vmem>>, vector<16xi32>,
    %eq3A_2360 = arith.constant 14 : i32
    %eq3A_2361 = vector.broadcast %eq3A_2360 : i32 to vector<16xi32>
    %eq3A_2362 = arith.cmpi eq, %iota3A, %eq3A_2361 : vector<16xi32>
    %jit3A_2363 = arith.constant 0 : i32
    %broadcast_in_dim3A_2364 = vector.broadcast %jit3A_2363 : i32 to vector<16xi32>
    %select_n3A_2365 = arith.select %eq3A_2362, %get3A_2359, %broadcast_in_dim3A_2364 : vector<16xi1>, vector<16xi32>
    %reduce_sum3A_2366 = arith.constant true
    %reduce_sum3A_2367 = vector.broadcast %reduce_sum3A_2366 : i1 to vector<16xi1>
    %reduce_sum3A_2368 = tpu.scan <sum>, %select_n3A_2365 masked %reduce_sum3A_2367 : vector<16xi32>, vector<16xi1> -> vector<16xi32>
    %reduce_sum3A_2369 = vector.extract %reduce_sum3A_2368[15] : i32 from vector<16xi32>
    %add3A_2370 = arith.constant 6 : i32
    %add3A_2371 = arith.addi %add3A_1997, %add3A_2370 : i32
    %dma_start3A_2372 = arith.constant 0 : i32
    %dma_start3A_2373 = arith.constant 0 : i32
    %dma_start3A_2374 = tpu.memref_slice %arg15[%reduce_sum3A_2369, %dma_start3A_2372, %dma_start3A_2373] : memref<9x4x512xf32, #tpu.memory_space<vmem>> -> memref<1x4x512xf32, #tpu.memory_space<vmem>>
    %dma_start3A_2375 = tpu.memref_squeeze %dma_start3A_2374 : memref<1x4x512xf32, #tpu.memory_space<vmem>> -> memref<4x512xf32, #tpu.memory_space<vmem>>
    %dma_start3A_2376 = arith.constant 24 : i32
    %dma_start3A_2377 = arith.constant 0 : i32
    %dma_start3A_2378 = tpu.memref_slice %arg9[%add3A_2371, %dma_start3A_2376, %dma_start3A_2377] : memref<1024x32x512xf32, #tpu.memory_space<hbm>> -> memref<1x4x512xf32, #tpu.memory_space<hbm>>
    %dma_start3A_2379 = tpu.memref_squeeze %dma_start3A_2378 : memref<1x4x512xf32, #tpu.memory_space<hbm>> -> memref<4x512xf32, #tpu.memory_space<hbm>>
    %dma_start3A_2380 = arith.constant 24 : i32
    %dma_start3A_2381 = arith.constant 0 : i32
    %dma_start3A_2382 = tpu.memref_slice %arg9[%add3A_2371, %dma_start3A_2380, %dma_start3A_2381] : memref<1024x32x512xf32, #tpu.memory_space<hbm>> -> memref<1x4x512xf32, #tpu.memory_space<hbm>>
    %dma_start3A_2383 = tpu.memref_squeeze %dma_start3A_2382 : memref<1x4x512xf32, #tpu.memory_space<hbm>> -> memref<4x512xf32, #tpu.memory_space<hbm>>
    %dma_start3A_2384 = arith.constant 0 : i32
    %dma_start3A_2385 = arith.constant 0 : i32
    %dma_start3A_2386 = tpu.memref_slice %arg15[%reduce_sum3A_2369, %dma_start3A_2384, %dma_start3A_2385] : memref<9x4x512xf32, #tpu.memory_space<vmem>> -> memref<1x4x512xf32, #tpu.memory_space<vmem>>
    %dma_start3A_2387 = tpu.memref_squeeze %dma_start3A_2386 : memref<1x4x512xf32, #tpu.memory_space<vmem>> -> memref<4x512xf32, #tpu.memory_space<vmem>>
    tpu.enqueue_dma source(%dma_start3A_2387 : memref<4x512xf32, #tpu.memory_space<vmem>>) target(%dma_start3A_2383 : memref<4x512xf32, #tpu.memory_space<hbm>>) target_semaphore(%arg19 : memref<!tpu.dma_semaphore, #tpu.memory_space<semaphore_mem>>)
    %get3A_2388 = arith.constant 16 : index
    %get3A_2389 = tpu.vector_load %arg13[%get3A_2388] {strides = array<i32>} : memref<32xi32, #tpu.memory_space<vmem>>, vector<16xi32>,
    %eq3A_2390 = arith.constant 15 : i32
    %eq3A_2391 = vector.broadcast %eq3A_2390 : i32 to vector<16xi32>
    %eq3A_2392 = arith.cmpi eq, %iota3A, %eq3A_2391 : vector<16xi32>
    %jit3A_2393 = arith.constant 0 : i32
    %broadcast_in_dim3A_2394 = vector.broadcast %jit3A_2393 : i32 to vector<16xi32>
    %select_n3A_2395 = arith.select %eq3A_2392, %get3A_2389, %broadcast_in_dim3A_2394 : vector<16xi1>, vector<16xi32>
    %reduce_sum3A_2396 = arith.constant true
    %reduce_sum3A_2397 = vector.broadcast %reduce_sum3A_2396 : i1 to vector<16xi1>
    %reduce_sum3A_2398 = tpu.scan <sum>, %select_n3A_2395 masked %reduce_sum3A_2397 : vector<16xi32>, vector<16xi1> -> vector<16xi32>
    %reduce_sum3A_2399 = vector.extract %reduce_sum3A_2398[15] : i32 from vector<16xi32>
    %add3A_2400 = arith.constant 7 : i32
    %add3A_2401 = arith.addi %add3A_1997, %add3A_2400 : i32
    %dma_start3A_2402 = arith.constant 16 : i32
    %dma_start3A_2403 = arith.constant 0 : i32
    %dma_start3A_2404 = tpu.memref_slice %arg9[%add3A_2401, %dma_start3A_2402, %dma_start3A_2403] : memref<1024x32x512xf32, #tpu.memory_space<hbm>> -> memref<1x8x512xf32, #tpu.memory_space<hbm>>
    %dma_start3A_2405 = tpu.memref_squeeze %dma_start3A_2404 : memref<1x8x512xf32, #tpu.memory_space<hbm>> -> memref<8x512xf32, #tpu.memory_space<hbm>>
    %dma_start3A_2406 = arith.constant 0 : i32
    %dma_start3A_2407 = arith.constant 0 : i32
    %dma_start3A_2408 = tpu.memref_slice %arg11[%reduce_sum3A_2399, %dma_start3A_2406, %dma_start3A_2407] : memref<20x8x512xf32, #tpu.memory_space<vmem_shared>> -> memref<1x8x512xf32, #tpu.memory_space<vmem_shared>>
    %dma_start3A_2409 = tpu.memref_squeeze %dma_start3A_2408 : memref<1x8x512xf32, #tpu.memory_space<vmem_shared>> -> memref<8x512xf32, #tpu.memory_space<vmem_shared>>
    tpu.enqueue_dma source(%dma_start3A_2409 : memref<8x512xf32, #tpu.memory_space<vmem_shared>>) target(%dma_start3A_2405 : memref<8x512xf32, #tpu.memory_space<hbm>>) target_semaphore(%arg18 : memref<!tpu.dma_semaphore, #tpu.memory_space<semaphore_mem>>)
    %get3A_2410 = arith.constant 16 : index
    %get3A_2411 = tpu.vector_load %arg14[%get3A_2410] {strides = array<i32>} : memref<32xi32, #tpu.memory_space<vmem>>, vector<16xi32>,
    %eq3A_2412 = arith.constant 15 : i32
    %eq3A_2413 = vector.broadcast %eq3A_2412 : i32 to vector<16xi32>
    %eq3A_2414 = arith.cmpi eq, %iota3A, %eq3A_2413 : vector<16xi32>
    %jit3A_2415 = arith.constant 0 : i32
    %broadcast_in_dim3A_2416 = vector.broadcast %jit3A_2415 : i32 to vector<16xi32>
    %select_n3A_2417 = arith.select %eq3A_2414, %get3A_2411, %broadcast_in_dim3A_2416 : vector<16xi1>, vector<16xi32>
    %reduce_sum3A_2418 = arith.constant true
    %reduce_sum3A_2419 = vector.broadcast %reduce_sum3A_2418 : i1 to vector<16xi1>
    %reduce_sum3A_2420 = tpu.scan <sum>, %select_n3A_2417 masked %reduce_sum3A_2419 : vector<16xi32>, vector<16xi1> -> vector<16xi32>
    %reduce_sum3A_2421 = vector.extract %reduce_sum3A_2420[15] : i32 from vector<16xi32>
    %add3A_2422 = arith.constant 7 : i32
    %add3A_2423 = arith.addi %add3A_1997, %add3A_2422 : i32
    %dma_start3A_2424 = arith.constant 0 : i32
    %dma_start3A_2425 = arith.constant 0 : i32
    %dma_start3A_2426 = tpu.memref_slice %arg15[%reduce_sum3A_2421, %dma_start3A_2424, %dma_start3A_2425] : memref<9x4x512xf32, #tpu.memory_space<vmem>> -> memref<1x4x512xf32, #tpu.memory_space<vmem>>
    %dma_start3A_2427 = tpu.memref_squeeze %dma_start3A_2426 : memref<1x4x512xf32, #tpu.memory_space<vmem>> -> memref<4x512xf32, #tpu.memory_space<vmem>>
    %dma_start3A_2428 = arith.constant 24 : i32
    %dma_start3A_2429 = arith.constant 0 : i32
    %dma_start3A_2430 = tpu.memref_slice %arg9[%add3A_2423, %dma_start3A_2428, %dma_start3A_2429] : memref<1024x32x512xf32, #tpu.memory_space<hbm>> -> memref<1x4x512xf32, #tpu.memory_space<hbm>>
    %dma_start3A_2431 = tpu.memref_squeeze %dma_start3A_2430 : memref<1x4x512xf32, #tpu.memory_space<hbm>> -> memref<4x512xf32, #tpu.memory_space<hbm>>
    %dma_start3A_2432 = arith.constant 24 : i32
    %dma_start3A_2433 = arith.constant 0 : i32
    %dma_start3A_2434 = tpu.memref_slice %arg9[%add3A_2423, %dma_start3A_2432, %dma_start3A_2433] : memref<1024x32x512xf32, #tpu.memory_space<hbm>> -> memref<1x4x512xf32, #tpu.memory_space<hbm>>
    %dma_start3A_2435 = tpu.memref_squeeze %dma_start3A_2434 : memref<1x4x512xf32, #tpu.memory_space<hbm>> -> memref<4x512xf32, #tpu.memory_space<hbm>>
    %dma_start3A_2436 = arith.constant 0 : i32
    %dma_start3A_2437 = arith.constant 0 : i32
    %dma_start3A_2438 = tpu.memref_slice %arg15[%reduce_sum3A_2421, %dma_start3A_2436, %dma_start3A_2437] : memref<9x4x512xf32, #tpu.memory_space<vmem>> -> memref<1x4x512xf32, #tpu.memory_space<vmem>>
    %dma_start3A_2439 = tpu.memref_squeeze %dma_start3A_2438 : memref<1x4x512xf32, #tpu.memory_space<vmem>> -> memref<4x512xf32, #tpu.memory_space<vmem>>
    tpu.enqueue_dma source(%dma_start3A_2439 : memref<4x512xf32, #tpu.memory_space<vmem>>) target(%dma_start3A_2435 : memref<4x512xf32, #tpu.memory_space<hbm>>) target_semaphore(%arg19 : memref<!tpu.dma_semaphore, #tpu.memory_space<semaphore_mem>>)
    %dma_wait3A_2440 = arith.constant 24 : i32
    %dma_wait3A_2441 = tpu.memref_slice %arg12[%dma_wait3A_2440] : memref<32xi32, #tpu.memory_space<vmem>> -> memref<8xi32, #tpu.memory_space<vmem>>
    %dma_wait3A_2442 = arith.constant 0 : i32
    %dma_wait3A_2443 = arith.constant 0 : i32
    %dma_wait3A_2444 = arith.constant 0 : i32
    %dma_wait3A_2445 = tpu.memref_slice %arg5[%dma_wait3A_2442, %dma_wait3A_2443, %dma_wait3A_2444] : memref<100000x4x512xf32, #tpu.memory_space<hbm>> -> memref<100000x4x512xf32, #tpu.memory_space<hbm>>
    tpu.wait_indirect_dma semaphore(%arg17 : memref<!tpu.dma_semaphore, #tpu.memory_space<semaphore_mem>>) src(%dma_wait3A_2445 : memref<100000x4x512xf32, #tpu.memory_space<hbm>>) dst(%arg16 : memref<8x4x512xf32, #tpu.memory_space<vmem>>)
    %dma_start3A_2446 = arith.constant 28 : i32
    %dma_start3A_2447 = arith.constant 0 : i32
    %dma_start3A_2448 = tpu.memref_slice %arg9[%add3A_1997, %dma_start3A_2446, %dma_start3A_2447] : memref<1024x32x512xf32, #tpu.memory_space<hbm>> -> memref<8x4x512xf32, #tpu.memory_space<hbm>>
    %dma_start3A_2449 = arith.constant 28 : i32
    %dma_start3A_2450 = arith.constant 0 : i32
    %dma_start3A_2451 = tpu.memref_slice %arg9[%add3A_1997, %dma_start3A_2449, %dma_start3A_2450] : memref<1024x32x512xf32, #tpu.memory_space<hbm>> -> memref<8x4x512xf32, #tpu.memory_space<hbm>>
    tpu.enqueue_dma source(%arg16 : memref<8x4x512xf32, #tpu.memory_space<vmem>>) target(%dma_start3A_2451 : memref<8x4x512xf32, #tpu.memory_space<hbm>>) target_semaphore(%arg18 : memref<!tpu.dma_semaphore, #tpu.memory_space<semaphore_mem>>)
    %dma_wait3A_2452 = arith.constant 0 : i32
    %dma_wait3A_2453 = arith.constant 0 : i32
    %dma_wait3A_2454 = tpu.memref_slice %arg9[%add3A_2005, %dma_wait3A_2452, %dma_wait3A_2453] : memref<1024x32x512xf32, #tpu.memory_space<hbm>> -> memref<2x16x512xf32, #tpu.memory_space<hbm>>
    tpu.wait_dma2 semaphore(%arg19 : memref<!tpu.dma_semaphore, #tpu.memory_space<semaphore_mem>>) src(%arg10 : memref<2x16x512xf32, #tpu.memory_space<vmem_shared>>) dst(%dma_wait3A_2454 : memref<2x16x512xf32, #tpu.memory_space<hbm>>)
    %dma_wait3A_2455 = arith.constant 0 : i32
    %dma_wait3A_2456 = arith.constant 0 : i32
    %dma_wait3A_2457 = tpu.memref_slice %arg9[%add3A_2010, %dma_wait3A_2455, %dma_wait3A_2456] : memref<1024x32x512xf32, #tpu.memory_space<hbm>> -> memref<2x16x512xf32, #tpu.memory_space<hbm>>
    tpu.wait_dma2 semaphore(%arg19 : memref<!tpu.dma_semaphore, #tpu.memory_space<semaphore_mem>>) src(%arg10 : memref<2x16x512xf32, #tpu.memory_space<vmem_shared>>) dst(%dma_wait3A_2457 : memref<2x16x512xf32, #tpu.memory_space<hbm>>)
    %dma_wait3A_2458 = arith.constant 0 : i32
    %dma_wait3A_2459 = arith.constant 0 : i32
    %dma_wait3A_2460 = tpu.memref_slice %arg9[%add3A_2015, %dma_wait3A_2458, %dma_wait3A_2459] : memref<1024x32x512xf32, #tpu.memory_space<hbm>> -> memref<2x16x512xf32, #tpu.memory_space<hbm>>
    tpu.wait_dma2 semaphore(%arg19 : memref<!tpu.dma_semaphore, #tpu.memory_space<semaphore_mem>>) src(%arg10 : memref<2x16x512xf32, #tpu.memory_space<vmem_shared>>) dst(%dma_wait3A_2460 : memref<2x16x512xf32, #tpu.memory_space<hbm>>)
    %dma_wait3A_2461 = arith.constant 0 : i32
    %dma_wait3A_2462 = arith.constant 0 : i32
    %dma_wait3A_2463 = tpu.memref_slice %arg9[%add3A_2020, %dma_wait3A_2461, %dma_wait3A_2462] : memref<1024x32x512xf32, #tpu.memory_space<hbm>> -> memref<2x16x512xf32, #tpu.memory_space<hbm>>
    tpu.wait_dma2 semaphore(%arg19 : memref<!tpu.dma_semaphore, #tpu.memory_space<semaphore_mem>>) src(%arg10 : memref<2x16x512xf32, #tpu.memory_space<vmem_shared>>) dst(%dma_wait3A_2463 : memref<2x16x512xf32, #tpu.memory_space<hbm>>)
    %dma_wait3A_2464 = arith.constant 16 : i32
    %dma_wait3A_2465 = arith.constant 0 : i32
    %dma_wait3A_2466 = tpu.memref_slice %arg9[%add3A_2037, %dma_wait3A_2464, %dma_wait3A_2465] : memref<1024x32x512xf32, #tpu.memory_space<hbm>> -> memref<1x8x512xf32, #tpu.memory_space<hbm>>
    %dma_wait3A_2467 = tpu.memref_squeeze %dma_wait3A_2466 : memref<1x8x512xf32, #tpu.memory_space<hbm>> -> memref<8x512xf32, #tpu.memory_space<hbm>>
    %dma_wait3A_2468 = arith.constant 0 : i32
    %dma_wait3A_2469 = arith.constant 0 : i32
    %dma_wait3A_2470 = tpu.memref_slice %arg11[%reduce_sum3A_2035, %dma_wait3A_2468, %dma_wait3A_2469] : memref<20x8x512xf32, #tpu.memory_space<vmem_shared>> -> memref<1x8x512xf32, #tpu.memory_space<vmem_shared>>
    %dma_wait3A_2471 = tpu.memref_squeeze %dma_wait3A_2470 : memref<1x8x512xf32, #tpu.memory_space<vmem_shared>> -> memref<8x512xf32, #tpu.memory_space<vmem_shared>>
    tpu.wait_dma2 semaphore(%arg18 : memref<!tpu.dma_semaphore, #tpu.memory_space<semaphore_mem>>) src(%dma_wait3A_2471 : memref<8x512xf32, #tpu.memory_space<vmem_shared>>) dst(%dma_wait3A_2467 : memref<8x512xf32, #tpu.memory_space<hbm>>)
    %dma_wait3A_2472 = arith.constant 0 : i32
    %dma_wait3A_2473 = arith.constant 0 : i32
    %dma_wait3A_2474 = tpu.memref_slice %arg15[%reduce_sum3A_2057, %dma_wait3A_2472, %dma_wait3A_2473] : memref<9x4x512xf32, #tpu.memory_space<vmem>> -> memref<1x4x512xf32, #tpu.memory_space<vmem>>
    %dma_wait3A_2475 = tpu.memref_squeeze %dma_wait3A_2474 : memref<1x4x512xf32, #tpu.memory_space<vmem>> -> memref<4x512xf32, #tpu.memory_space<vmem>>
    %dma_wait3A_2476 = arith.constant 24 : i32
    %dma_wait3A_2477 = arith.constant 0 : i32
    %dma_wait3A_2478 = tpu.memref_slice %arg9[%add3A_2059, %dma_wait3A_2476, %dma_wait3A_2477] : memref<1024x32x512xf32, #tpu.memory_space<hbm>> -> memref<1x4x512xf32, #tpu.memory_space<hbm>>
    %dma_wait3A_2479 = tpu.memref_squeeze %dma_wait3A_2478 : memref<1x4x512xf32, #tpu.memory_space<hbm>> -> memref<4x512xf32, #tpu.memory_space<hbm>>
    %dma_wait3A_2480 = arith.constant 24 : i32
    %dma_wait3A_2481 = arith.constant 0 : i32
    %dma_wait3A_2482 = tpu.memref_slice %arg9[%add3A_2059, %dma_wait3A_2480, %dma_wait3A_2481] : memref<1024x32x512xf32, #tpu.memory_space<hbm>> -> memref<1x4x512xf32, #tpu.memory_space<hbm>>
    %dma_wait3A_2483 = tpu.memref_squeeze %dma_wait3A_2482 : memref<1x4x512xf32, #tpu.memory_space<hbm>> -> memref<4x512xf32, #tpu.memory_space<hbm>>
    %dma_wait3A_2484 = arith.constant 0 : i32
    %dma_wait3A_2485 = arith.constant 0 : i32
    %dma_wait3A_2486 = tpu.memref_slice %arg15[%reduce_sum3A_2057, %dma_wait3A_2484, %dma_wait3A_2485] : memref<9x4x512xf32, #tpu.memory_space<vmem>> -> memref<1x4x512xf32, #tpu.memory_space<vmem>>
    %dma_wait3A_2487 = tpu.memref_squeeze %dma_wait3A_2486 : memref<1x4x512xf32, #tpu.memory_space<vmem>> -> memref<4x512xf32, #tpu.memory_space<vmem>>
    tpu.wait_dma2 semaphore(%arg19 : memref<!tpu.dma_semaphore, #tpu.memory_space<semaphore_mem>>) src(%dma_wait3A_2487 : memref<4x512xf32, #tpu.memory_space<vmem>>) dst(%dma_wait3A_2483 : memref<4x512xf32, #tpu.memory_space<hbm>>)
    %dma_wait3A_2488 = arith.constant 16 : i32
    %dma_wait3A_2489 = arith.constant 0 : i32
    %dma_wait3A_2490 = tpu.memref_slice %arg9[%add3A_2089, %dma_wait3A_2488, %dma_wait3A_2489] : memref<1024x32x512xf32, #tpu.memory_space<hbm>> -> memref<1x8x512xf32, #tpu.memory_space<hbm>>
    %dma_wait3A_2491 = tpu.memref_squeeze %dma_wait3A_2490 : memref<1x8x512xf32, #tpu.memory_space<hbm>> -> memref<8x512xf32, #tpu.memory_space<hbm>>
    %dma_wait3A_2492 = arith.constant 0 : i32
    %dma_wait3A_2493 = arith.constant 0 : i32
    %dma_wait3A_2494 = tpu.memref_slice %arg11[%reduce_sum3A_2087, %dma_wait3A_2492, %dma_wait3A_2493] : memref<20x8x512xf32, #tpu.memory_space<vmem_shared>> -> memref<1x8x512xf32, #tpu.memory_space<vmem_shared>>
    %dma_wait3A_2495 = tpu.memref_squeeze %dma_wait3A_2494 : memref<1x8x512xf32, #tpu.memory_space<vmem_shared>> -> memref<8x512xf32, #tpu.memory_space<vmem_shared>>
    tpu.wait_dma2 semaphore(%arg18 : memref<!tpu.dma_semaphore, #tpu.memory_space<semaphore_mem>>) src(%dma_wait3A_2495 : memref<8x512xf32, #tpu.memory_space<vmem_shared>>) dst(%dma_wait3A_2491 : memref<8x512xf32, #tpu.memory_space<hbm>>)
    %dma_wait3A_2496 = arith.constant 0 : i32
    %dma_wait3A_2497 = arith.constant 0 : i32
    %dma_wait3A_2498 = tpu.memref_slice %arg15[%reduce_sum3A_2109, %dma_wait3A_2496, %dma_wait3A_2497] : memref<9x4x512xf32, #tpu.memory_space<vmem>> -> memref<1x4x512xf32, #tpu.memory_space<vmem>>
    %dma_wait3A_2499 = tpu.memref_squeeze %dma_wait3A_2498 : memref<1x4x512xf32, #tpu.memory_space<vmem>> -> memref<4x512xf32, #tpu.memory_space<vmem>>
    %dma_wait3A_2500 = arith.constant 24 : i32
    %dma_wait3A_2501 = arith.constant 0 : i32
    %dma_wait3A_2502 = tpu.memref_slice %arg9[%add3A_2111, %dma_wait3A_2500, %dma_wait3A_2501] : memref<1024x32x512xf32, #tpu.memory_space<hbm>> -> memref<1x4x512xf32, #tpu.memory_space<hbm>>
    %dma_wait3A_2503 = tpu.memref_squeeze %dma_wait3A_2502 : memref<1x4x512xf32, #tpu.memory_space<hbm>> -> memref<4x512xf32, #tpu.memory_space<hbm>>
    %dma_wait3A_2504 = arith.constant 24 : i32
    %dma_wait3A_2505 = arith.constant 0 : i32
    %dma_wait3A_2506 = tpu.memref_slice %arg9[%add3A_2111, %dma_wait3A_2504, %dma_wait3A_2505] : memref<1024x32x512xf32, #tpu.memory_space<hbm>> -> memref<1x4x512xf32, #tpu.memory_space<hbm>>
    %dma_wait3A_2507 = tpu.memref_squeeze %dma_wait3A_2506 : memref<1x4x512xf32, #tpu.memory_space<hbm>> -> memref<4x512xf32, #tpu.memory_space<hbm>>
    %dma_wait3A_2508 = arith.constant 0 : i32
    %dma_wait3A_2509 = arith.constant 0 : i32
    %dma_wait3A_2510 = tpu.memref_slice %arg15[%reduce_sum3A_2109, %dma_wait3A_2508, %dma_wait3A_2509] : memref<9x4x512xf32, #tpu.memory_space<vmem>> -> memref<1x4x512xf32, #tpu.memory_space<vmem>>
    %dma_wait3A_2511 = tpu.memref_squeeze %dma_wait3A_2510 : memref<1x4x512xf32, #tpu.memory_space<vmem>> -> memref<4x512xf32, #tpu.memory_space<vmem>>
    tpu.wait_dma2 semaphore(%arg19 : memref<!tpu.dma_semaphore, #tpu.memory_space<semaphore_mem>>) src(%dma_wait3A_2511 : memref<4x512xf32, #tpu.memory_space<vmem>>) dst(%dma_wait3A_2507 : memref<4x512xf32, #tpu.memory_space<hbm>>)
    %dma_wait3A_2512 = arith.constant 16 : i32
    %dma_wait3A_2513 = arith.constant 0 : i32
    %dma_wait3A_2514 = tpu.memref_slice %arg9[%add3A_2141, %dma_wait3A_2512, %dma_wait3A_2513] : memref<1024x32x512xf32, #tpu.memory_space<hbm>> -> memref<1x8x512xf32, #tpu.memory_space<hbm>>
    %dma_wait3A_2515 = tpu.memref_squeeze %dma_wait3A_2514 : memref<1x8x512xf32, #tpu.memory_space<hbm>> -> memref<8x512xf32, #tpu.memory_space<hbm>>
    %dma_wait3A_2516 = arith.constant 0 : i32
    %dma_wait3A_2517 = arith.constant 0 : i32
    %dma_wait3A_2518 = tpu.memref_slice %arg11[%reduce_sum3A_2139, %dma_wait3A_2516, %dma_wait3A_2517] : memref<20x8x512xf32, #tpu.memory_space<vmem_shared>> -> memref<1x8x512xf32, #tpu.memory_space<vmem_shared>>
    %dma_wait3A_2519 = tpu.memref_squeeze %dma_wait3A_2518 : memref<1x8x512xf32, #tpu.memory_space<vmem_shared>> -> memref<8x512xf32, #tpu.memory_space<vmem_shared>>
    tpu.wait_dma2 semaphore(%arg18 : memref<!tpu.dma_semaphore, #tpu.memory_space<semaphore_mem>>) src(%dma_wait3A_2519 : memref<8x512xf32, #tpu.memory_space<vmem_shared>>) dst(%dma_wait3A_2515 : memref<8x512xf32, #tpu.memory_space<hbm>>)
    %dma_wait3A_2520 = arith.constant 0 : i32
    %dma_wait3A_2521 = arith.constant 0 : i32
    %dma_wait3A_2522 = tpu.memref_slice %arg15[%reduce_sum3A_2161, %dma_wait3A_2520, %dma_wait3A_2521] : memref<9x4x512xf32, #tpu.memory_space<vmem>> -> memref<1x4x512xf32, #tpu.memory_space<vmem>>
    %dma_wait3A_2523 = tpu.memref_squeeze %dma_wait3A_2522 : memref<1x4x512xf32, #tpu.memory_space<vmem>> -> memref<4x512xf32, #tpu.memory_space<vmem>>
    %dma_wait3A_2524 = arith.constant 24 : i32
    %dma_wait3A_2525 = arith.constant 0 : i32
    %dma_wait3A_2526 = tpu.memref_slice %arg9[%add3A_2163, %dma_wait3A_2524, %dma_wait3A_2525] : memref<1024x32x512xf32, #tpu.memory_space<hbm>> -> memref<1x4x512xf32, #tpu.memory_space<hbm>>
    %dma_wait3A_2527 = tpu.memref_squeeze %dma_wait3A_2526 : memref<1x4x512xf32, #tpu.memory_space<hbm>> -> memref<4x512xf32, #tpu.memory_space<hbm>>
    %dma_wait3A_2528 = arith.constant 24 : i32
    %dma_wait3A_2529 = arith.constant 0 : i32
    %dma_wait3A_2530 = tpu.memref_slice %arg9[%add3A_2163, %dma_wait3A_2528, %dma_wait3A_2529] : memref<1024x32x512xf32, #tpu.memory_space<hbm>> -> memref<1x4x512xf32, #tpu.memory_space<hbm>>
    %dma_wait3A_2531 = tpu.memref_squeeze %dma_wait3A_2530 : memref<1x4x512xf32, #tpu.memory_space<hbm>> -> memref<4x512xf32, #tpu.memory_space<hbm>>
    %dma_wait3A_2532 = arith.constant 0 : i32
    %dma_wait3A_2533 = arith.constant 0 : i32
    %dma_wait3A_2534 = tpu.memref_slice %arg15[%reduce_sum3A_2161, %dma_wait3A_2532, %dma_wait3A_2533] : memref<9x4x512xf32, #tpu.memory_space<vmem>> -> memref<1x4x512xf32, #tpu.memory_space<vmem>>
    %dma_wait3A_2535 = tpu.memref_squeeze %dma_wait3A_2534 : memref<1x4x512xf32, #tpu.memory_space<vmem>> -> memref<4x512xf32, #tpu.memory_space<vmem>>
    tpu.wait_dma2 semaphore(%arg19 : memref<!tpu.dma_semaphore, #tpu.memory_space<semaphore_mem>>) src(%dma_wait3A_2535 : memref<4x512xf32, #tpu.memory_space<vmem>>) dst(%dma_wait3A_2531 : memref<4x512xf32, #tpu.memory_space<hbm>>)
    %dma_wait3A_2536 = arith.constant 16 : i32
    %dma_wait3A_2537 = arith.constant 0 : i32
    %dma_wait3A_2538 = tpu.memref_slice %arg9[%add3A_2193, %dma_wait3A_2536, %dma_wait3A_2537] : memref<1024x32x512xf32, #tpu.memory_space<hbm>> -> memref<1x8x512xf32, #tpu.memory_space<hbm>>
    %dma_wait3A_2539 = tpu.memref_squeeze %dma_wait3A_2538 : memref<1x8x512xf32, #tpu.memory_space<hbm>> -> memref<8x512xf32, #tpu.memory_space<hbm>>
    %dma_wait3A_2540 = arith.constant 0 : i32
    %dma_wait3A_2541 = arith.constant 0 : i32
    %dma_wait3A_2542 = tpu.memref_slice %arg11[%reduce_sum3A_2191, %dma_wait3A_2540, %dma_wait3A_2541] : memref<20x8x512xf32, #tpu.memory_space<vmem_shared>> -> memref<1x8x512xf32, #tpu.memory_space<vmem_shared>>
    %dma_wait3A_2543 = tpu.memref_squeeze %dma_wait3A_2542 : memref<1x8x512xf32, #tpu.memory_space<vmem_shared>> -> memref<8x512xf32, #tpu.memory_space<vmem_shared>>
    tpu.wait_dma2 semaphore(%arg18 : memref<!tpu.dma_semaphore, #tpu.memory_space<semaphore_mem>>) src(%dma_wait3A_2543 : memref<8x512xf32, #tpu.memory_space<vmem_shared>>) dst(%dma_wait3A_2539 : memref<8x512xf32, #tpu.memory_space<hbm>>)
    %dma_wait3A_2544 = arith.constant 0 : i32
    %dma_wait3A_2545 = arith.constant 0 : i32
    %dma_wait3A_2546 = tpu.memref_slice %arg15[%reduce_sum3A_2213, %dma_wait3A_2544, %dma_wait3A_2545] : memref<9x4x512xf32, #tpu.memory_space<vmem>> -> memref<1x4x512xf32, #tpu.memory_space<vmem>>
    %dma_wait3A_2547 = tpu.memref_squeeze %dma_wait3A_2546 : memref<1x4x512xf32, #tpu.memory_space<vmem>> -> memref<4x512xf32, #tpu.memory_space<vmem>>
    %dma_wait3A_2548 = arith.constant 24 : i32
    %dma_wait3A_2549 = arith.constant 0 : i32
    %dma_wait3A_2550 = tpu.memref_slice %arg9[%add3A_2215, %dma_wait3A_2548, %dma_wait3A_2549] : memref<1024x32x512xf32, #tpu.memory_space<hbm>> -> memref<1x4x512xf32, #tpu.memory_space<hbm>>
    %dma_wait3A_2551 = tpu.memref_squeeze %dma_wait3A_2550 : memref<1x4x512xf32, #tpu.memory_space<hbm>> -> memref<4x512xf32, #tpu.memory_space<hbm>>
    %dma_wait3A_2552 = arith.constant 24 : i32
    %dma_wait3A_2553 = arith.constant 0 : i32
    %dma_wait3A_2554 = tpu.memref_slice %arg9[%add3A_2215, %dma_wait3A_2552, %dma_wait3A_2553] : memref<1024x32x512xf32, #tpu.memory_space<hbm>> -> memref<1x4x512xf32, #tpu.memory_space<hbm>>
    %dma_wait3A_2555 = tpu.memref_squeeze %dma_wait3A_2554 : memref<1x4x512xf32, #tpu.memory_space<hbm>> -> memref<4x512xf32, #tpu.memory_space<hbm>>
    %dma_wait3A_2556 = arith.constant 0 : i32
    %dma_wait3A_2557 = arith.constant 0 : i32
    %dma_wait3A_2558 = tpu.memref_slice %arg15[%reduce_sum3A_2213, %dma_wait3A_2556, %dma_wait3A_2557] : memref<9x4x512xf32, #tpu.memory_space<vmem>> -> memref<1x4x512xf32, #tpu.memory_space<vmem>>
    %dma_wait3A_2559 = tpu.memref_squeeze %dma_wait3A_2558 : memref<1x4x512xf32, #tpu.memory_space<vmem>> -> memref<4x512xf32, #tpu.memory_space<vmem>>
    tpu.wait_dma2 semaphore(%arg19 : memref<!tpu.dma_semaphore, #tpu.memory_space<semaphore_mem>>) src(%dma_wait3A_2559 : memref<4x512xf32, #tpu.memory_space<vmem>>) dst(%dma_wait3A_2555 : memref<4x512xf32, #tpu.memory_space<hbm>>)
    %dma_wait3A_2560 = arith.constant 16 : i32
    %dma_wait3A_2561 = arith.constant 0 : i32
    %dma_wait3A_2562 = tpu.memref_slice %arg9[%add3A_2245, %dma_wait3A_2560, %dma_wait3A_2561] : memref<1024x32x512xf32, #tpu.memory_space<hbm>> -> memref<1x8x512xf32, #tpu.memory_space<hbm>>
    %dma_wait3A_2563 = tpu.memref_squeeze %dma_wait3A_2562 : memref<1x8x512xf32, #tpu.memory_space<hbm>> -> memref<8x512xf32, #tpu.memory_space<hbm>>
    %dma_wait3A_2564 = arith.constant 0 : i32
    %dma_wait3A_2565 = arith.constant 0 : i32
    %dma_wait3A_2566 = tpu.memref_slice %arg11[%reduce_sum3A_2243, %dma_wait3A_2564, %dma_wait3A_2565] : memref<20x8x512xf32, #tpu.memory_space<vmem_shared>> -> memref<1x8x512xf32, #tpu.memory_space<vmem_shared>>
    %dma_wait3A_2567 = tpu.memref_squeeze %dma_wait3A_2566 : memref<1x8x512xf32, #tpu.memory_space<vmem_shared>> -> memref<8x512xf32, #tpu.memory_space<vmem_shared>>
    tpu.wait_dma2 semaphore(%arg18 : memref<!tpu.dma_semaphore, #tpu.memory_space<semaphore_mem>>) src(%dma_wait3A_2567 : memref<8x512xf32, #tpu.memory_space<vmem_shared>>) dst(%dma_wait3A_2563 : memref<8x512xf32, #tpu.memory_space<hbm>>)
    %dma_wait3A_2568 = arith.constant 0 : i32
    %dma_wait3A_2569 = arith.constant 0 : i32
    %dma_wait3A_2570 = tpu.memref_slice %arg15[%reduce_sum3A_2265, %dma_wait3A_2568, %dma_wait3A_2569] : memref<9x4x512xf32, #tpu.memory_space<vmem>> -> memref<1x4x512xf32, #tpu.memory_space<vmem>>
    %dma_wait3A_2571 = tpu.memref_squeeze %dma_wait3A_2570 : memref<1x4x512xf32, #tpu.memory_space<vmem>> -> memref<4x512xf32, #tpu.memory_space<vmem>>
    %dma_wait3A_2572 = arith.constant 24 : i32
    %dma_wait3A_2573 = arith.constant 0 : i32
    %dma_wait3A_2574 = tpu.memref_slice %arg9[%add3A_2267, %dma_wait3A_2572, %dma_wait3A_2573] : memref<1024x32x512xf32, #tpu.memory_space<hbm>> -> memref<1x4x512xf32, #tpu.memory_space<hbm>>
    %dma_wait3A_2575 = tpu.memref_squeeze %dma_wait3A_2574 : memref<1x4x512xf32, #tpu.memory_space<hbm>> -> memref<4x512xf32, #tpu.memory_space<hbm>>
    %dma_wait3A_2576 = arith.constant 24 : i32
    %dma_wait3A_2577 = arith.constant 0 : i32
    %dma_wait3A_2578 = tpu.memref_slice %arg9[%add3A_2267, %dma_wait3A_2576, %dma_wait3A_2577] : memref<1024x32x512xf32, #tpu.memory_space<hbm>> -> memref<1x4x512xf32, #tpu.memory_space<hbm>>
    %dma_wait3A_2579 = tpu.memref_squeeze %dma_wait3A_2578 : memref<1x4x512xf32, #tpu.memory_space<hbm>> -> memref<4x512xf32, #tpu.memory_space<hbm>>
    %dma_wait3A_2580 = arith.constant 0 : i32
    %dma_wait3A_2581 = arith.constant 0 : i32
    %dma_wait3A_2582 = tpu.memref_slice %arg15[%reduce_sum3A_2265, %dma_wait3A_2580, %dma_wait3A_2581] : memref<9x4x512xf32, #tpu.memory_space<vmem>> -> memref<1x4x512xf32, #tpu.memory_space<vmem>>
    %dma_wait3A_2583 = tpu.memref_squeeze %dma_wait3A_2582 : memref<1x4x512xf32, #tpu.memory_space<vmem>> -> memref<4x512xf32, #tpu.memory_space<vmem>>
    tpu.wait_dma2 semaphore(%arg19 : memref<!tpu.dma_semaphore, #tpu.memory_space<semaphore_mem>>) src(%dma_wait3A_2583 : memref<4x512xf32, #tpu.memory_space<vmem>>) dst(%dma_wait3A_2579 : memref<4x512xf32, #tpu.memory_space<hbm>>)
    %dma_wait3A_2584 = arith.constant 16 : i32
    %dma_wait3A_2585 = arith.constant 0 : i32
    %dma_wait3A_2586 = tpu.memref_slice %arg9[%add3A_2297, %dma_wait3A_2584, %dma_wait3A_2585] : memref<1024x32x512xf32, #tpu.memory_space<hbm>> -> memref<1x8x512xf32, #tpu.memory_space<hbm>>
    %dma_wait3A_2587 = tpu.memref_squeeze %dma_wait3A_2586 : memref<1x8x512xf32, #tpu.memory_space<hbm>> -> memref<8x512xf32, #tpu.memory_space<hbm>>
    %dma_wait3A_2588 = arith.constant 0 : i32
    %dma_wait3A_2589 = arith.constant 0 : i32
    %dma_wait3A_2590 = tpu.memref_slice %arg11[%reduce_sum3A_2295, %dma_wait3A_2588, %dma_wait3A_2589] : memref<20x8x512xf32, #tpu.memory_space<vmem_shared>> -> memref<1x8x512xf32, #tpu.memory_space<vmem_shared>>
    %dma_wait3A_2591 = tpu.memref_squeeze %dma_wait3A_2590 : memref<1x8x512xf32, #tpu.memory_space<vmem_shared>> -> memref<8x512xf32, #tpu.memory_space<vmem_shared>>
    tpu.wait_dma2 semaphore(%arg18 : memref<!tpu.dma_semaphore, #tpu.memory_space<semaphore_mem>>) src(%dma_wait3A_2591 : memref<8x512xf32, #tpu.memory_space<vmem_shared>>) dst(%dma_wait3A_2587 : memref<8x512xf32, #tpu.memory_space<hbm>>)
    %dma_wait3A_2592 = arith.constant 0 : i32
    %dma_wait3A_2593 = arith.constant 0 : i32
    %dma_wait3A_2594 = tpu.memref_slice %arg15[%reduce_sum3A_2317, %dma_wait3A_2592, %dma_wait3A_2593] : memref<9x4x512xf32, #tpu.memory_space<vmem>> -> memref<1x4x512xf32, #tpu.memory_space<vmem>>
    %dma_wait3A_2595 = tpu.memref_squeeze %dma_wait3A_2594 : memref<1x4x512xf32, #tpu.memory_space<vmem>> -> memref<4x512xf32, #tpu.memory_space<vmem>>
    %dma_wait3A_2596 = arith.constant 24 : i32
    %dma_wait3A_2597 = arith.constant 0 : i32
    %dma_wait3A_2598 = tpu.memref_slice %arg9[%add3A_2319, %dma_wait3A_2596, %dma_wait3A_2597] : memref<1024x32x512xf32, #tpu.memory_space<hbm>> -> memref<1x4x512xf32, #tpu.memory_space<hbm>>
    %dma_wait3A_2599 = tpu.memref_squeeze %dma_wait3A_2598 : memref<1x4x512xf32, #tpu.memory_space<hbm>> -> memref<4x512xf32, #tpu.memory_space<hbm>>
    %dma_wait3A_2600 = arith.constant 24 : i32
    %dma_wait3A_2601 = arith.constant 0 : i32
    %dma_wait3A_2602 = tpu.memref_slice %arg9[%add3A_2319, %dma_wait3A_2600, %dma_wait3A_2601] : memref<1024x32x512xf32, #tpu.memory_space<hbm>> -> memref<1x4x512xf32, #tpu.memory_space<hbm>>
    %dma_wait3A_2603 = tpu.memref_squeeze %dma_wait3A_2602 : memref<1x4x512xf32, #tpu.memory_space<hbm>> -> memref<4x512xf32, #tpu.memory_space<hbm>>
    %dma_wait3A_2604 = arith.constant 0 : i32
    %dma_wait3A_2605 = arith.constant 0 : i32
    %dma_wait3A_2606 = tpu.memref_slice %arg15[%reduce_sum3A_2317, %dma_wait3A_2604, %dma_wait3A_2605] : memref<9x4x512xf32, #tpu.memory_space<vmem>> -> memref<1x4x512xf32, #tpu.memory_space<vmem>>
    %dma_wait3A_2607 = tpu.memref_squeeze %dma_wait3A_2606 : memref<1x4x512xf32, #tpu.memory_space<vmem>> -> memref<4x512xf32, #tpu.memory_space<vmem>>
    tpu.wait_dma2 semaphore(%arg19 : memref<!tpu.dma_semaphore, #tpu.memory_space<semaphore_mem>>) src(%dma_wait3A_2607 : memref<4x512xf32, #tpu.memory_space<vmem>>) dst(%dma_wait3A_2603 : memref<4x512xf32, #tpu.memory_space<hbm>>)
    %dma_wait3A_2608 = arith.constant 16 : i32
    %dma_wait3A_2609 = arith.constant 0 : i32
    %dma_wait3A_2610 = tpu.memref_slice %arg9[%add3A_2349, %dma_wait3A_2608, %dma_wait3A_2609] : memref<1024x32x512xf32, #tpu.memory_space<hbm>> -> memref<1x8x512xf32, #tpu.memory_space<hbm>>
    %dma_wait3A_2611 = tpu.memref_squeeze %dma_wait3A_2610 : memref<1x8x512xf32, #tpu.memory_space<hbm>> -> memref<8x512xf32, #tpu.memory_space<hbm>>
    %dma_wait3A_2612 = arith.constant 0 : i32
    %dma_wait3A_2613 = arith.constant 0 : i32
    %dma_wait3A_2614 = tpu.memref_slice %arg11[%reduce_sum3A_2347, %dma_wait3A_2612, %dma_wait3A_2613] : memref<20x8x512xf32, #tpu.memory_space<vmem_shared>> -> memref<1x8x512xf32, #tpu.memory_space<vmem_shared>>
    %dma_wait3A_2615 = tpu.memref_squeeze %dma_wait3A_2614 : memref<1x8x512xf32, #tpu.memory_space<vmem_shared>> -> memref<8x512xf32, #tpu.memory_space<vmem_shared>>
    tpu.wait_dma2 semaphore(%arg18 : memref<!tpu.dma_semaphore, #tpu.memory_space<semaphore_mem>>) src(%dma_wait3A_2615 : memref<8x512xf32, #tpu.memory_space<vmem_shared>>) dst(%dma_wait3A_2611 : memref<8x512xf32, #tpu.memory_space<hbm>>)
    %dma_wait3A_2616 = arith.constant 0 : i32
    %dma_wait3A_2617 = arith.constant 0 : i32
    %dma_wait3A_2618 = tpu.memref_slice %arg15[%reduce_sum3A_2369, %dma_wait3A_2616, %dma_wait3A_2617] : memref<9x4x512xf32, #tpu.memory_space<vmem>> -> memref<1x4x512xf32, #tpu.memory_space<vmem>>
    %dma_wait3A_2619 = tpu.memref_squeeze %dma_wait3A_2618 : memref<1x4x512xf32, #tpu.memory_space<vmem>> -> memref<4x512xf32, #tpu.memory_space<vmem>>
    %dma_wait3A_2620 = arith.constant 24 : i32
    %dma_wait3A_2621 = arith.constant 0 : i32
    %dma_wait3A_2622 = tpu.memref_slice %arg9[%add3A_2371, %dma_wait3A_2620, %dma_wait3A_2621] : memref<1024x32x512xf32, #tpu.memory_space<hbm>> -> memref<1x4x512xf32, #tpu.memory_space<hbm>>
    %dma_wait3A_2623 = tpu.memref_squeeze %dma_wait3A_2622 : memref<1x4x512xf32, #tpu.memory_space<hbm>> -> memref<4x512xf32, #tpu.memory_space<hbm>>
    %dma_wait3A_2624 = arith.constant 24 : i32
    %dma_wait3A_2625 = arith.constant 0 : i32
    %dma_wait3A_2626 = tpu.memref_slice %arg9[%add3A_2371, %dma_wait3A_2624, %dma_wait3A_2625] : memref<1024x32x512xf32, #tpu.memory_space<hbm>> -> memref<1x4x512xf32, #tpu.memory_space<hbm>>
    %dma_wait3A_2627 = tpu.memref_squeeze %dma_wait3A_2626 : memref<1x4x512xf32, #tpu.memory_space<hbm>> -> memref<4x512xf32, #tpu.memory_space<hbm>>
    %dma_wait3A_2628 = arith.constant 0 : i32
    %dma_wait3A_2629 = arith.constant 0 : i32
    %dma_wait3A_2630 = tpu.memref_slice %arg15[%reduce_sum3A_2369, %dma_wait3A_2628, %dma_wait3A_2629] : memref<9x4x512xf32, #tpu.memory_space<vmem>> -> memref<1x4x512xf32, #tpu.memory_space<vmem>>
    %dma_wait3A_2631 = tpu.memref_squeeze %dma_wait3A_2630 : memref<1x4x512xf32, #tpu.memory_space<vmem>> -> memref<4x512xf32, #tpu.memory_space<vmem>>
    tpu.wait_dma2 semaphore(%arg19 : memref<!tpu.dma_semaphore, #tpu.memory_space<semaphore_mem>>) src(%dma_wait3A_2631 : memref<4x512xf32, #tpu.memory_space<vmem>>) dst(%dma_wait3A_2627 : memref<4x512xf32, #tpu.memory_space<hbm>>)
    %dma_wait3A_2632 = arith.constant 16 : i32
    %dma_wait3A_2633 = arith.constant 0 : i32
    %dma_wait3A_2634 = tpu.memref_slice %arg9[%add3A_2401, %dma_wait3A_2632, %dma_wait3A_2633] : memref<1024x32x512xf32, #tpu.memory_space<hbm>> -> memref<1x8x512xf32, #tpu.memory_space<hbm>>
    %dma_wait3A_2635 = tpu.memref_squeeze %dma_wait3A_2634 : memref<1x8x512xf32, #tpu.memory_space<hbm>> -> memref<8x512xf32, #tpu.memory_space<hbm>>
    %dma_wait3A_2636 = arith.constant 0 : i32
    %dma_wait3A_2637 = arith.constant 0 : i32
    %dma_wait3A_2638 = tpu.memref_slice %arg11[%reduce_sum3A_2399, %dma_wait3A_2636, %dma_wait3A_2637] : memref<20x8x512xf32, #tpu.memory_space<vmem_shared>> -> memref<1x8x512xf32, #tpu.memory_space<vmem_shared>>
    %dma_wait3A_2639 = tpu.memref_squeeze %dma_wait3A_2638 : memref<1x8x512xf32, #tpu.memory_space<vmem_shared>> -> memref<8x512xf32, #tpu.memory_space<vmem_shared>>
    tpu.wait_dma2 semaphore(%arg18 : memref<!tpu.dma_semaphore, #tpu.memory_space<semaphore_mem>>) src(%dma_wait3A_2639 : memref<8x512xf32, #tpu.memory_space<vmem_shared>>) dst(%dma_wait3A_2635 : memref<8x512xf32, #tpu.memory_space<hbm>>)
    %dma_wait3A_2640 = arith.constant 0 : i32
    %dma_wait3A_2641 = arith.constant 0 : i32
    %dma_wait3A_2642 = tpu.memref_slice %arg15[%reduce_sum3A_2421, %dma_wait3A_2640, %dma_wait3A_2641] : memref<9x4x512xf32, #tpu.memory_space<vmem>> -> memref<1x4x512xf32, #tpu.memory_space<vmem>>
    %dma_wait3A_2643 = tpu.memref_squeeze %dma_wait3A_2642 : memref<1x4x512xf32, #tpu.memory_space<vmem>> -> memref<4x512xf32, #tpu.memory_space<vmem>>
    %dma_wait3A_2644 = arith.constant 24 : i32
    %dma_wait3A_2645 = arith.constant 0 : i32
    %dma_wait3A_2646 = tpu.memref_slice %arg9[%add3A_2423, %dma_wait3A_2644, %dma_wait3A_2645] : memref<1024x32x512xf32, #tpu.memory_space<hbm>> -> memref<1x4x512xf32, #tpu.memory_space<hbm>>
    %dma_wait3A_2647 = tpu.memref_squeeze %dma_wait3A_2646 : memref<1x4x512xf32, #tpu.memory_space<hbm>> -> memref<4x512xf32, #tpu.memory_space<hbm>>
    %dma_wait3A_2648 = arith.constant 24 : i32
    %dma_wait3A_2649 = arith.constant 0 : i32
    %dma_wait3A_2650 = tpu.memref_slice %arg9[%add3A_2423, %dma_wait3A_2648, %dma_wait3A_2649] : memref<1024x32x512xf32, #tpu.memory_space<hbm>> -> memref<1x4x512xf32, #tpu.memory_space<hbm>>
    %dma_wait3A_2651 = tpu.memref_squeeze %dma_wait3A_2650 : memref<1x4x512xf32, #tpu.memory_space<hbm>> -> memref<4x512xf32, #tpu.memory_space<hbm>>
    %dma_wait3A_2652 = arith.constant 0 : i32
    %dma_wait3A_2653 = arith.constant 0 : i32
    %dma_wait3A_2654 = tpu.memref_slice %arg15[%reduce_sum3A_2421, %dma_wait3A_2652, %dma_wait3A_2653] : memref<9x4x512xf32, #tpu.memory_space<vmem>> -> memref<1x4x512xf32, #tpu.memory_space<vmem>>
    %dma_wait3A_2655 = tpu.memref_squeeze %dma_wait3A_2654 : memref<1x4x512xf32, #tpu.memory_space<vmem>> -> memref<4x512xf32, #tpu.memory_space<vmem>>
    tpu.wait_dma2 semaphore(%arg19 : memref<!tpu.dma_semaphore, #tpu.memory_space<semaphore_mem>>) src(%dma_wait3A_2655 : memref<4x512xf32, #tpu.memory_space<vmem>>) dst(%dma_wait3A_2651 : memref<4x512xf32, #tpu.memory_space<hbm>>)
    %dma_wait3A_2656 = arith.constant 28 : i32
    %dma_wait3A_2657 = arith.constant 0 : i32
    %dma_wait3A_2658 = tpu.memref_slice %arg9[%add3A_1997, %dma_wait3A_2656, %dma_wait3A_2657] : memref<1024x32x512xf32, #tpu.memory_space<hbm>> -> memref<8x4x512xf32, #tpu.memory_space<hbm>>
    %dma_wait3A_2659 = arith.constant 28 : i32
    %dma_wait3A_2660 = arith.constant 0 : i32
    %dma_wait3A_2661 = tpu.memref_slice %arg9[%add3A_1997, %dma_wait3A_2659, %dma_wait3A_2660] : memref<1024x32x512xf32, #tpu.memory_space<hbm>> -> memref<8x4x512xf32, #tpu.memory_space<hbm>>
    tpu.wait_dma2 semaphore(%arg18 : memref<!tpu.dma_semaphore, #tpu.memory_space<semaphore_mem>>) src(%arg16 : memref<8x4x512xf32, #tpu.memory_space<vmem>>) dst(%dma_wait3A_2661 : memref<8x4x512xf32, #tpu.memory_space<hbm>>)
    return
  }
}

</mosaic_0001>

<sc_bundles>
// kernel: kernel.3.cloned.1.call-start
scs
__scs_entry_jumppad:
0x0: {  	(pc) =	sbr.rel $0x88, $3  }
0x1: {  	(tag) =	ssettag $0x0;
	lr =	simm.s32 $0x1  }
0x2: {  	[smem:$0x3F9A] =	sst lr;
	_ =	strace $0xD0000000  }
0x3: {  	_ = 	snop  }
0x4: {  	_ = 	snop  }
0x5: {  	_ = 	snop  }
0x6: {  	_ = 	snop  }
0x7: {  	_ = 	snop  }
__scs_overlays_trampoline_lowered:
0x8: {  	[smem:$0x3FA9] =	sst s0  }
0x9: {  	[smem:$0x3FAA] =	sst s1  }
0xa: {  	[smem:$0x3FAB] =	sst s2  }
0xb: {  	[smem:$0x3FAC] =	sst s3  }
0xc: {  	[smem:$0x3FAD] =	sst s4  }
0xd: {  	[smem:$0x3FAE] =	sst s5  }
0xe: {  	[smem:$0x3FAF] =	sst s6  }
0xf: {  	[smem:$0x3FB0] =	sst s7  }
0x10: {  	[smem:$0x3FB1] =	sst s8  }
0x11: {  	[smem:$0x3FB2] =	sst s9;
	s0 =	simm.s32 @!p0 $0x0  }
0x12: {  	s1 =	sld [smem:$0x3F98];
	s0 =	simm.s32 @p0 $0x1  }
0x13: {  	[smem:$0x3FB3] =	sst s0;
	s0 =	simm.s32 @!p1 $0x0  }
0x14: {  	s2 =	sld [smem:$0x3F97];
	s0 =	simm.s32 @p1 $0x1  }
0x15: {  	[smem:$0x3FB4] =	sst s0;
	s0 =	simm.s32 @!p2 $0x0  }
0x16: {  	s3 =	sld [smem:$0x3FDB];
	s0 =	simm.s32 @p2 $0x1  }
0x17: {  	s4 =	simm.s32 $0x1BF5;
	[smem:$0x3FB6] =	sst s0  }
0x18: {  	s0 =	sld [smem:$0x3F99];
	_ =	swait.ge [sflag:s4], $0x0  }
0x19: {  	s7 =	sld [smem:$0x3F9A]  }
0x1a: {  	s8 =	sadd.s32 $0xFFFFE003, lr  }
0x1b: {  	s9 =	sadd.s32 $0xFFFFFEF7, lr;
	s5 =	simm.s32 $0xFFFFFFFF;
	p2 =	slt.u32 s8, $0xFFFFF086  }
0x1c: {  	p1 =	slt.u32 s9, $0xF7A;
	s5 =	simm.s32 @!p2 $0x0  }
0x1d: {  	s5 =	simm.s32 @p1 $0x1;
	p0 =	seq.s32 s7, s2  }
0x1e: {  	s7 =	smul.u32 @!p0 $0xF7A, s2;
	p2 =	seq.s32 @!p0 s5, $0x0  }
0x1f: {  	s9 =	smul.u32 $0xF7A, s1;
	s8 =	simm.s32 @!p0 $0x1BF5;
	p2 =	por !p2, p0  }
0x20: {  	[sflag:s8] =	ssyncset.s32 @!p0 $0xFFFFF086;
	s6 =	sadd.s32 @!p0 s3, s7;
	s7 =	simm.s32 @!p0 $0x108  }
0x21: {  	s3 =	sadd.s32 s3, s9;
	s6 =	sadd.s32 @!p0 $0x88, s6;
	s7 =	simm.s32 @p2 $0x1082  }
0x22: {  	[simem:s7], [sflag:s8] =	dma.local @!p0 [hbm:s6], $0xF7A  }
0x23: {  	s9 =	sor.u32 $0xD0000000, s2;
	s6 =	simm.s32 $0x108;
	_ =	swait.ge @!p0 [sflag:s8], $0x0  }
0x24: {  	s3 =	sadd.s32 $0x88, s3;
	s6 =	simm.s32 @!p1 $0x1082;
	[sflag:s4] =	ssyncset.s32 $0xFFFFF086  }
0x25: {  	[simem:s6], [sflag:s4] =	dma.local [hbm:s3], $0xF7A  }
0x26: {  	[smem:$0x3F9A] =	sst s1;
	(tag) =	ssettag s2;
	_ =	strace s9  }
0x27: {  	s1 =	sld [smem:$0x3FAA]  }
0x28: {  	s2 =	sld [smem:$0x3FAB]  }
0x29: {  	s4 =	sld [smem:$0x3FAD]  }
0x2a: {  	p0 =	seq.s32 s5, $0x0;
	s5 =	sld [smem:$0x3FAE]  }
0x2b: {  	s6 =	sld [smem:$0x3FAF]  }
0x2c: {  	s7 =	sld [smem:$0x3FB0]  }
0x2d: {  	s3 =	simm.s32 $0x108;
	s8 =	sld [smem:$0x3FB1]  }
0x2e: {  	s3 =	simm.s32 @!p0 $0x1082;
	s9 =	sld [smem:$0x3FB2]  }
0x2f: {  	lr =	sadd.s32 s0, s3;
	s0 =	sld [smem:$0x3FA9]  }
0x30: {  	s3 =	sld [smem:$0x3FAC]  }
0x31: {  	[smem:$0x3FB5] =	sst s10  }
0x32: {  	s10 =	sld [smem:$0x3FB3];
	_ =	sdelay $0x3  }
0x33: {  	p0 =	seq.s32 s10, $0x1;
	s10 =	sld [smem:$0x3FB5];
	_ =	sdelay $0x3  }
0x34: {  	[smem:$0x3FB5] =	sst s10  }
0x35: {  	s10 =	sld [smem:$0x3FB4];
	_ =	sdelay $0x3  }
0x36: {  	p1 =	seq.s32 s10, $0x1;
	s10 =	sld [smem:$0x3FB5];
	_ =	sdelay $0x3  }
0x37: {  	[smem:$0x3FB5] =	sst s10  }
0x38: {  	s10 =	sld [smem:$0x3FB6]  }
0x39: {  	_ = 	snop;
	(pc) =	sbr.ind lr, $3  }
0x3a: {  	_ = 	snop  }
0x3b: {  	_ = 	snop  }
0x3c: {  	p2 =	seq.s32 s10, $0x1;
	s10 =	sld [smem:$0x3FB5]  }
0x3d: {  	_ =	shalt  }
0x3e: {  	_ =	shalt  }
0x3f: {  	_ =	shalt  }
0x40: {  	_ =	shalt  }
0x41: {  	_ =	shalt  }
0x42: {  	_ =	shalt  }
0x43: {  	_ =	shalt  }
0x44: {  	_ =	shalt  }
0x45: {  	_ =	shalt  }
0x46: {  	_ =	shalt  }
0x47: {  	_ =	shalt  }
0x48: {  	_ =	shalt  }
0x49: {  	_ =	shalt  }
0x4a: {  	_ =	shalt  }
0x4b: {  	_ =	shalt  }
0x4c: {  	_ =	shalt  }
0x4d: {  	_ =	shalt  }
0x4e: {  	_ =	shalt  }
0x4f: {  	_ =	shalt  }
0x50: {  	_ =	shalt  }
0x51: {  	_ =	shalt  }
0x52: {  	_ =	shalt  }
0x53: {  	_ =	shalt  }
0x54: {  	_ =	shalt  }
0x55: {  	_ =	shalt  }
0x56: {  	_ =	shalt  }
0x57: {  	_ =	shalt  }
0x58: {  	_ =	shalt  }
0x59: {  	_ =	shalt  }
0x5a: {  	_ =	shalt  }
0x5b: {  	_ =	shalt  }
0x5c: {  	_ =	shalt  }
0x5d: {  	_ =	shalt  }
0x5e: {  	_ =	shalt  }
0x5f: {  	_ =	shalt  }
0x60: {  	_ =	shalt  }
0x61: {  	_ =	shalt  }
0x62: {  	_ =	shalt  }
0x63: {  	_ =	shalt  }
0x64: {  	_ =	shalt  }
0x65: {  	_ =	shalt  }
0x66: {  	_ =	shalt  }
0x67: {  	_ =	shalt  }
0x68: {  	_ =	shalt  }
0x69: {  	_ =	shalt  }
0x6a: {  	_ =	shalt  }
0x6b: {  	_ =	shalt  }
0x6c: {  	_ =	shalt  }
0x6d: {  	_ =	shalt  }
0x6e: {  	_ =	shalt  }
0x6f: {  	_ =	shalt  }
0x70: {  	_ =	shalt  }
0x71: {  	_ =	shalt  }
0x72: {  	_ =	shalt  }
0x73: {  	_ =	shalt  }
0x74: {  	_ =	shalt  }
0x75: {  	_ =	shalt  }
0x76: {  	_ =	shalt  }
0x77: {  	_ =	shalt  }
0x78: {  	_ =	shalt  }
0x79: {  	_ =	shalt  }
0x7a: {  	_ =	shalt  }
0x7b: {  	_ =	shalt  }
0x7c: {  	_ =	shalt  }
0x7d: {  	_ =	shalt  }
0x7e: {  	_ =	shalt  }
0x7f: {  	_ =	shalt  }
0x80: {  	_ =	shalt  }
0x81: {  	_ =	shalt  }
0x82: {  	_ =	shalt  }
0x83: {  	_ =	shalt  }
0x84: {  	_ =	shalt  }
0x85: {  	_ =	shalt  }
0x86: {  	_ =	shalt  }
0x87: {  	_ =	shalt  }
.Lfunc_end0:
.L_simem_size_0:
called_computation_lowered:
.L_overlay_start_0:
0x88: {  	s2 =	sld [smem:$0x3FD9]  }
0x89: {  	s3 =	sld [smem:$0x3FFE];
	_ =	sdelay $0x1  }
0x8a: {  	s1 =	srdreg.scid  }
0x8b: {  	s0 =	sand.u32 $0x1, s1  }
0x8c: {  	s18 =	sshll.u32 s0, $0xA;
	s2 =	sadd.s32 s3, s2  }
0x8d: {  	s2 =	sadd.s32 s2, s18  }
0x8e: {  	[smem:$0x3FC1] =	sst s2  }
0x8f: {  	_ = 	snop  }
0x90: {  	s2 =	sld [smem:$0x3FC9]  }
0x91: {  	s19 =	sld [smem:$0x3FC8]  }
0x92: {  	s4 =	sld [smem:$0x3FC7]  }
0x93: {  	s5 =	sld [smem:$0x3FC6]  }
0x94: {  	s6 =	sld [smem:$0x3FC5]  }
0x95: {  	s7 =	sld [smem:$0x3FC4]  }
0x96: {  	s8 =	sld [smem:$0x3FC3]  }
0x97: {  	s9 =	sld [smem:$0x3FD0];
	(tm) =	ssettm $0x1  }
0x98: {  	s10 =	sld [smem:$0x3FFB];
	_ =	sdelay $0x3  }
0x99: {  	_ =	strace s10  }
0x9a: {  	s10 =	sld [smem:$0x3FFC];
	_ =	sdelay $0x3  }
0x9b: {  	_ =	strace s10  }
0x9c: {  	s10 =	sld [smem:$0x3FFD];
	_ =	sdelay $0x3  }
0x9d: {  	_ =	strace s10  }
0x9e: {  	_ =	strace $0x8FFFFFFF  }
0x9f: {  	s20 =	sld [smem:$0x3FDB];
	_ =	sdelay $0x1  }
0xa0: {  	s11 =	simm.s32 $_scs_section_size  }
0xa1: {  	s12 =	simm.s32 $_size__tile_overlayer_lowered;
	s13 =	simm.s32 $_tile_overlayer_lowered  }
0xa2: {  	s23 =	simm.s32 $0x1BFF;
	s22 =	sshll.u32 s13, $0x1;
	s10 =	sadd.s32 s11, s20  }
0xa3: {  	s14 =	simm.s32 $0x0;
	s21 =	sshll.u32 s12, $0x1;
	s12 =	sadd.s32 s22, s10  }
0xa4: {  	[timem:s14], [sflag:s23] =	dma.local [hbm:s12], s21  }
0xa5: {  	_ =	swait.ge [sflag:s23], s21  }
0xa6: {  	s11 =	ssub.s32 $0x0, s21;
	[sflag:s23] =	ssyncset.done $0x0  }
0xa7: {  	[sflag:s23] =	ssyncadd.s32 s11;
	_ =	sdelay $0x1  }
0xa8: {  	s24 =	simm.s32 $0x1B8B  }
0xa9: {  	_ =	swait.ge [sflag:s24], $0x1  }
0xaa: {  	[sflag:s24] =	ssyncset.done $0x0  }
0xab: {  	s25 =	simm.s32 $0x1B8E;
	[sflag:s24] =	ssyncadd.s32 $0xFFFFFFFF  }
0xac: {  	s26 =	simm.s32 $execute0_lowered;
	[smem:$0x3FD2] =	sst s25  }
0xad: {  	s11 =	sshll.u32 s26, $0x1;
	_ =	strace $0x80000046;
	[dreg:$0x1] =	wrdreg $0xFFFFFFFF  }
0xae: {  	s28 =	simm.s32 $_size_execute0_lowered;
	s10 =	sadd.s32 s10, s11;
	[dreg:$0x0] =	wrdreg $0x0  }
0xaf: {  	s11 =	sshll.u32 s28, $0x1;
	[dreg:$0x2] =	wrdreg s10  }
0xb0: {  	[dreg:$0x3] =	wrdreg s11  }
0xb1: {  	[dreg:$0x4] =	wrdreg $0xC0  }
0xb2: {  	_ =	task [dreg:s14], $0x5FFFF  }
0xb3: {  	[dreg:$0x1] =	wrdreg $0xFFFFFFFF  }
0xb4: {  	[dreg:$0x0] =	wrdreg $0x60  }
0xb5: {  	[dreg:$0x2] =	wrdreg s2  }
0xb6: {  	[dreg:$0x3] =	wrdreg s19  }
0xb7: {  	[dreg:$0x4] =	wrdreg s4  }
0xb8: {  	[dreg:$0x5] =	wrdreg s5  }
0xb9: {  	[dreg:$0x6] =	wrdreg s6  }
0xba: {  	[dreg:$0x7] =	wrdreg s7  }
0xbb: {  	[dreg:$0x8] =	wrdreg s8  }
0xbc: {  	[dreg:$0x9] =	wrdreg s9  }
0xbd: {  	[dreg:$0xa] =	wrdreg $0x0  }
0xbe: {  	[dreg:$0xb] =	wrdreg $0x4000  }
0xbf: {  	[dreg:$0xc] =	wrdreg $0x9  }
0xc0: {  	_ =	task.clear_ibuf [dreg:s14], $0xDFFFF;
	_ =	strace $0x90000046  }
0xc1: {  	s29 =	simm.s32 $0x9;
	_ =	strace $0x80000048  }
0xc2: {  	_ =	swait.ge [sflag:s29], $0x1  }
0xc3: {  	[sflag:s29] =	ssyncadd.s32 $0xFFFFFFFF  }
0xc4: {  	_ =	strace $0x90000048  }
0xc5: {  	_ =	sfence  }
0xc6: {  	s30 =	sld [smem:$0x0];
	_ =	sdelay $0x2  }
0xc7: {  	s31 =	sshll.u32 s1, $0xD;
	s1 =	sshrl.u32 s1, $0x2  }
0xc8: {  	s3 =	sand.u32 $0x4000, s31;
	s1 =	sadd.s32 s1, s30  }
0xc9: {  	s0 =	sor.u32 s3, s0;
	s1 =	sshll.u32 s1, $0x11  }
0xca: {  	s0 =	sor.u32 s1, s0  }
0xcb: {  	s0 =	sadd.s32 $0x8F2B, s0  }
0xcc: {  	[sflag:s0] =	ssyncadd.remote.s32 $0x1  }
0xcd: {  	_ =	sfence.sel $0xFFFF  }
0xce: {  	[dreg:$0x0] =	wrdreg $0xFFFFFFFF;
	(pc) =	sbr.abs _section_cstart, $3  }
0xcf: {  	[dreg:$0x1] =	wrdreg $0xFFFFFFFF  }
0xd0: {  	_ =	task.clear_ibuf [dreg:s14], $0x2FFFF;
	_ =	strace $0x9FFFFFFF  }
0xd1: {  	(tm) =	ssettm $0x7FFFFFFF  }
tec
execute0_lowered:
.L_overlay_start_1:
0x0: {  	(tag) =	ssettag $0x1  }
0x1: {  	s7 =	rddreg [dreg:$0x0]  }
0x2: {  	s8 =	rddreg [dreg:$0x1]  }
0x3: {  	s9 =	rddreg [dreg:$0x2]  }
0x4: {  	s0 =	rddreg [dreg:$0x3]  }
0x5: {  	s2 =	rddreg [dreg:$0x5]  }
0x6: {  	s30 =	rddreg [dreg:$0x6]  }
0x7: {  	s10 =	rddreg [dreg:$0x7];
	s3 =	srdreg.scid  }
0x8: {  	[dreg:$0xb] =	wrdreg s2;
	s2 =	stileid.u32  }
0x9: {  	s1 =	rddreg [dreg:$0x8];
	s3 =	sand.u32 $0x1, s3;
	s11 =	sshll.u32 s2, $0x1  }
0xa: {  	s6 =	simm.s32 $0x0;
	[dreg:$0xc] =	wrdreg s30;
	s11 =	sor.u32 s3, s11  }
0xb: {  	[smem:$0x7FF] =	sst s6;
	s12 =	sshll.u32 s11, $0x2  }
0xc: {  	s5 =	rddreg [dreg:$0x9];
	_ =	strace $0x80000047;
	s7 =	sadd.s32 s7, s12  }
0xd: {  	s4 =	sshll.u32 s11, $0x10;
	s31 =	sadd.s32 s8, s12;
	[dreg:$0xd] =	wrdreg s7  }
0xe: {  	s9 =	sadd.s32 s9, s12;
	[dreg:$0xe] =	wrdreg s31;
	s7 =	sadd.s32 s10, s4  }
0xf: {  	[dreg:$0xf] =	wrdreg s9;
	s8 =	sadd.s32 $0x1000, s7  }
0x10: {  	s10 =	sadd.s32 $0x2000, s7;
	[dreg:$0x10] =	wrdreg s8  }
0x11: {  	s11 =	sadd.s32 $0x3000, s7;
	[dreg:$0x11] =	wrdreg s10  }
0x12: {  	s12 =	sadd.s32 $0x400, s7;
	[dreg:$0x12] =	wrdreg s11  }
0x13: {  	s13 =	sadd.s32 $0x600, s7;
	[dreg:$0x13] =	wrdreg s12  }
0x14: {  	s14 =	sadd.s32 $0xC00, s7;
	[dreg:$0x14] =	wrdreg s13  }
0x15: {  	s15 =	sadd.s32 $0xE00, s7;
	[dreg:$0x15] =	wrdreg s14  }
0x16: {  	s16 =	sadd.s32 $0x1400, s7;
	[dreg:$0x16] =	wrdreg s15  }
0x17: {  	s17 =	sadd.s32 $0x1600, s7;
	[dreg:$0x17] =	wrdreg s16  }
0x18: {  	s18 =	sadd.s32 $0x1C00, s7;
	[dreg:$0x18] =	wrdreg s17  }
0x19: {  	s19 =	sadd.s32 $0x1E00, s7;
	[dreg:$0x19] =	wrdreg s18  }
0x1a: {  	s20 =	sadd.s32 $0x2400, s7;
	[dreg:$0x1a] =	wrdreg s19  }
0x1b: {  	s21 =	sadd.s32 $0x2600, s7;
	[dreg:$0x1b] =	wrdreg s20  }
0x1c: {  	s22 =	sadd.s32 $0x2C00, s7;
	[dreg:$0x1c] =	wrdreg s21  }
0x1d: {  	s23 =	sadd.s32 $0x2E00, s7;
	[dreg:$0x1d] =	wrdreg s22  }
0x1e: {  	s24 =	sadd.s32 $0x3400, s7;
	[dreg:$0x1e] =	wrdreg s23  }
0x1f: {  	s25 =	sadd.s32 $0x3600, s7;
	[dreg:$0x1f] =	wrdreg s24  }
0x20: {  	s26 =	sadd.s32 $0x3C00, s7;
	[smem:$0x7BA] =	sst s25  }
0x21: {  	s30 =	sadd.s32 $0x3E00, s7;
	[smem:$0x7BB] =	sst s26  }
0x22: {  	s31 =	sadd.s32 $0x4000, s7;
	[smem:$0x7BC] =	sst s30  }
0x23: {  	s4 =	sadd.s32 $0x5000, s7;
	[smem:$0x7BD] =	sst s31  }
0x24: {  	s9 =	sadd.s32 $0x6000, s7;
	[smem:$0x7BE] =	sst s4  }
0x25: {  	[smem:$0x7BF] =	sst s9;
	s10 =	sadd.s32 $0x7000, s7  }
0x26: {  	s11 =	sadd.s32 $0x4400, s7;
	[smem:$0x7C0] =	sst s10  }
0x27: {  	s12 =	sadd.s32 $0x4600, s7;
	[smem:$0x7C1] =	sst s11  }
0x28: {  	s13 =	sadd.s32 $0x4C00, s7;
	[smem:$0x7C2] =	sst s12  }
0x29: {  	s14 =	sadd.s32 $0x4E00, s7;
	[smem:$0x7C3] =	sst s13  }
0x2a: {  	s15 =	sadd.s32 $0x5400, s7;
	[smem:$0x7C4] =	sst s14  }
0x2b: {  	s16 =	sadd.s32 $0x5600, s7;
	[smem:$0x7C5] =	sst s15  }
0x2c: {  	s17 =	sadd.s32 $0x5C00, s7;
	[smem:$0x7C6] =	sst s16  }
0x2d: {  	s18 =	sadd.s32 $0x5E00, s7;
	[smem:$0x7C7] =	sst s17  }
0x2e: {  	s19 =	sadd.s32 $0x6400, s7;
	[smem:$0x7C8] =	sst s18  }
0x2f: {  	s20 =	sadd.s32 $0x6600, s7;
	[smem:$0x7C9] =	sst s19  }
0x30: {  	s21 =	sadd.s32 $0x6C00, s7;
	[smem:$0x7CA] =	sst s20  }
0x31: {  	s22 =	sadd.s32 $0x6E00, s7;
	[smem:$0x7CB] =	sst s21  }
0x32: {  	s23 =	sadd.s32 $0x7400, s7;
	[smem:$0x7CC] =	sst s22  }
0x33: {  	s24 =	sadd.s32 $0x7600, s7;
	[smem:$0x7CD] =	sst s23  }
0x34: {  	s25 =	sadd.s32 $0x7C00, s7;
	[smem:$0x7CE] =	sst s24  }
0x35: {  	s26 =	sadd.s32 $0x7E00, s7;
	[smem:$0x7CF] =	sst s25  }
0x36: {  	s30 =	sadd.s32 $0x8000, s7;
	[smem:$0x7D0] =	sst s26  }
0x37: {  	s31 =	sadd.s32 $0x9000, s7;
	[smem:$0x7D1] =	sst s30  }
0x38: {  	s4 =	sadd.s32 $0xA000, s7;
	[smem:$0x7D2] =	sst s31  }
0x39: {  	s9 =	sadd.s32 $0xB000, s7;
	[smem:$0x7D3] =	sst s4  }
0x3a: {  	[smem:$0x7D4] =	sst s9;
	s10 =	sadd.s32 $0x8400, s7  }
0x3b: {  	s11 =	sadd.s32 $0x8600, s7;
	[smem:$0x7D5] =	sst s10  }
0x3c: {  	s12 =	sadd.s32 $0x8C00, s7;
	[smem:$0x7D6] =	sst s11  }
0x3d: {  	s13 =	sadd.s32 $0x8E00, s7;
	[smem:$0x7D7] =	sst s12  }
0x3e: {  	s14 =	sadd.s32 $0x9400, s7;
	[smem:$0x7D8] =	sst s13  }
0x3f: {  	s15 =	sadd.s32 $0x9600, s7;
	[smem:$0x7D9] =	sst s14  }
0x40: {  	s16 =	sadd.s32 $0x9C00, s7;
	[smem:$0x7DA] =	sst s15  }
0x41: {  	s17 =	sadd.s32 $0x9E00, s7;
	[smem:$0x7DB] =	sst s16  }
0x42: {  	s18 =	sadd.s32 $0xA400, s7;
	[smem:$0x7DC] =	sst s17  }
0x43: {  	s19 =	sadd.s32 $0xA600, s7;
	[smem:$0x7DD] =	sst s18  }
0x44: {  	s20 =	sadd.s32 $0xAC00, s7;
	[smem:$0x7DE] =	sst s19  }
0x45: {  	s21 =	sadd.s32 $0xAE00, s7;
	[smem:$0x7DF] =	sst s20  }
0x46: {  	s22 =	sadd.s32 $0xB400, s7;
	[smem:$0x7E0] =	sst s21  }
0x47: {  	s23 =	sadd.s32 $0xB600, s7;
	[smem:$0x7E1] =	sst s22  }
0x48: {  	s24 =	sadd.s32 $0xBC00, s7;
	[smem:$0x7E2] =	sst s23  }
0x49: {  	s25 =	sadd.s32 $0xBE00, s7;
	[smem:$0x7E3] =	sst s24  }
0x4a: {  	s26 =	sadd.s32 $0xC000, s7;
	[smem:$0x7E4] =	sst s25  }
0x4b: {  	s30 =	sadd.s32 $0xD000, s7;
	[smem:$0x7E5] =	sst s26  }
0x4c: {  	s31 =	sadd.s32 $0xE000, s7;
	[smem:$0x7E6] =	sst s30  }
0x4d: {  	s4 =	sadd.s32 $0xF000, s7;
	[smem:$0x7E7] =	sst s31  }
0x4e: {  	s9 =	sadd.s32 $0xC400, s7;
	[smem:$0x7E8] =	sst s4  }
0x4f: {  	[smem:$0x7E9] =	sst s9;
	s10 =	sadd.s32 $0xC600, s7  }
0x50: {  	s11 =	sadd.s32 $0xCC00, s7;
	[smem:$0x7EA] =	sst s10  }
0x51: {  	s12 =	sadd.s32 $0xCE00, s7;
	[smem:$0x7EB] =	sst s11  }
0x52: {  	s13 =	sadd.s32 $0xD400, s7;
	[smem:$0x7EC] =	sst s12  }
0x53: {  	s14 =	sadd.s32 $0xD600, s7;
	[smem:$0x7ED] =	sst s13  }
0x54: {  	s15 =	sadd.s32 $0xDC00, s7;
	[smem:$0x7EE] =	sst s14  }
0x55: {  	s16 =	sadd.s32 $0xDE00, s7;
	[smem:$0x7EF] =	sst s15  }
0x56: {  	s17 =	sadd.s32 $0xE400, s7;
	[smem:$0x7F0] =	sst s16  }
0x57: {  	s18 =	sadd.s32 $0xE600, s7;
	[smem:$0x7F1] =	sst s17  }
0x58: {  	s19 =	sadd.s32 $0xEC00, s7;
	[smem:$0x7F2] =	sst s18  }
0x59: {  	s20 =	sadd.s32 $0xEE00, s7;
	[smem:$0x7F3] =	sst s19  }
0x5a: {  	s28 =	simm.s32 $0x3;
	s21 =	sadd.s32 $0xF400, s7;
	[smem:$0x7F4] =	sst s20  }
0x5b: {  	s29 =	simm.s32 $0x2;
	s23 =	sadd.s32 $0xF600, s7;
	[smem:$0x7F5] =	sst s21  }
0x5c: {  	p0 =	sne.s32 s2, $0x0;
	s24 =	sadd.s32 $0xFC00, s7;
	[smem:$0x7F6] =	sst s23  }
0x5d: {  	s3 =	ssub.s32 $0x2, s3;
	s25 =	sadd.s32 $0xFE00, s7;
	[smem:$0x7F7] =	sst s24  }
0x5e: {  	s8 =	sadd.s32 $0x640, s7;
	s26 =	simm.s32 $0x1980;
	[smem:$0x7F8] =	sst s25  }
0x5f: {  	s22 =	sshrl.u32 s3, $0x1;
	s30 =	simm.s32 $0x1800;
	[smem:$0x7FA] =	sst s26  }
0x60: {  	s31 =	simm.s32 $0x1880;
	s10 =	sadd.s32 $0x2000, s1;
	[smem:$0x7FB] =	sst s30  }
0x61: {  	vm0 =	vmmov $0xff;
	v0 =	vimm.s32 $0x0;
	s3 =	ssub.s32 s3, s22;
	s11 =	sadd.s32 $0xC640, s7;
	[smem:$0x7FC] =	sst s31  }
0x62: {  	v1 =	vimm.s32 $0x0;
	vm3 =	vcmask $0x308;
	vm4 =	vcmask $0x70C;
	s14 =	simm.s32 $0x1900;
	s13 =	simm.s32 $0x4;
	s15 =	simm.s32 $0x40  }
0x63: {  	vm5 =	vcmask $0xB10;
	vm6 =	vcmask $0xF14;
	vm7 =	vcmask $0x1318;
	s16 =	simm.s32 $0x800;
	s17 =	simm.s32 $0x400;
	s18 =	simm.s32 $0x200  }
0x64: {  	vm8 =	vcmask $0x171C;
	v0 =	vsel vm0, $0xFFFFFFFF, v0;
	vm0 =	vmmov $0x1;
	s19 =	simm.s32 $0x1;
	s20 =	simm.s32 $0x6980;
	s21 =	simm.s32 $0x7180  }
0x65: {  	vm9 =	vcmask $0x1B20;
	vm10 =	vcmask $0x1F24;
	v1 =	vsel vm0, $0xFFFFFFFF, v1;
	s22 =	simm.s32 $0x7980;
	s23 =	simm.s32 $0x8180;
	s24 =	simm.s32 $0x8980  }
0x66: {  	vm11 =	vcmask $0x2328;
	vm0 =	vmmov $0x7fff;
	[tilespmem:$0x1FFE0] =	vst v1;
	v1 =	vimm.s32 $0x0;
	s25 =	simm.s32 $0x9180;
	s26 =	simm.s32 $0x9980;
	s9 =	sshrl.u32 @!p0 s10, $0x3  }
0x67: {  	vm12 =	vcmask $0x272C;
	vm13 =	vcmask $0x2B30;
	[tilespmem:$0x1FFD0] =	vst v0;
	v1 =	vsel vm0, $0xFFFFFFFF, v1;
	s10 =	sadd.s32 $0x8640, s7;
	s12 =	smax.u32 s3, $0x1;
	[smem:$0x7FD] =	sst s14  }
0x68: {  	vm14 =	vcmask $0x2F34;
	vm15 =	vcmask $0x3338;
	v0 =	vlaneseq.u32;
	[tilespmem:$0x1FFF0] =	vst v1;
	s14 =	simm.s32 $0x6180;
	[smem:$0x7F9] =	sst s9;
	s9 =	sadd.s32 $0x4640, s7  }
.LBB2_1:
0x69: {  	s2 =	rddreg [dreg:$0x8]  }
0x6a: {  	s30 =	simm.s32 @!p0 $0x1C04;
	s1 =	rddreg [dreg:$0x4];
	s3 =	sshrl.u32 @!p0 s2, $0x3  }
0x6b: {  	[spmem:s3], [sflag:s30] =	dma.local @!p0 [hbm:s1], $0x400  }
0x6c: {  	s3 =	simm.s32 @!p0 $0x4  }
0x6d: {  	_ =	swait.ge @!p0 [sflag:s3], $0x400  }
0x6e: {  	s31 =	sld [smem:$0x7F9]  }
0x6f: {  	[sflag:s3] =	ssyncset.done @!p0 $0x0  }
0x70: {  	[sflag:s3] =	ssyncadd.s32 @!p0 $0xFFFFFC00  }
0x71: {  	[spmem:s31], [sflag:s30] =	dma.local @!p0 [hbm:s1], $0x400  }
0x72: {  	_ =	swait.ge @!p0 [sflag:s3], $0x400  }
0x73: {  	[sflag:s3] =	ssyncset.done @!p0 $0x0  }
0x74: {  	s4 =	sshrl.u32 @!p0 s5, $0x3;
	s31 =	rddreg [dreg:$0xb];
	[sflag:s3] =	ssyncadd.s32 @!p0 $0xFFFFFC00  }
0x75: {  	[spmem:s4], [sflag:s30] =	dma.local @!p0 [hbm:s31], $0x2800  }
0x76: {  	_ =	swait.ge @!p0 [sflag:s3], $0x2800  }
0x77: {  	s1 =	sld [smem:$0x7FA]  }
0x78: {  	[sflag:s3] =	ssyncset.done @!p0 $0x0  }
0x79: {  	s31 =	rddreg [dreg:$0xc];
	[sflag:s3] =	ssyncadd.s32 @!p0 $0xFFFFD800  }
0x7a: {  	[tilespmem:s1], [sflag:$0x4] =	stream.linear.gather [hbm4b:s31+s6], $0x4800, $0x38;
	[tilespmem:$0xA180] =	vst v63  }
0x7b: {  	_ =	swait.ge [sflag:s13], $0x4800  }
0x7c: {  	s30 =	sld [smem:$0x7FB]  }
0x7d: {  	[sflag:s13] =	ssyncset.done $0x0  }
0x7e: {  	s4 =	rddreg [dreg:$0xd];
	[sflag:s13] =	ssyncadd.s32 $0xFFFFB800  }
0x7f: {  	[tilespmem:s30], [sflag:$0x4] =	stream.linear.gather [hbm4b:s4+s6], $0x20, $0x38;
	[tilespmem:$0xA180] =	vst v63  }
0x80: {  	_ =	swait.ge [sflag:s13], $0x20  }
0x81: {  	s1 =	sld [smem:$0x7FC]  }
0x82: {  	[sflag:s13] =	ssyncset.done $0x0  }
0x83: {  	s31 =	rddreg [dreg:$0xe];
	[sflag:s13] =	ssyncadd.s32 $0xFFFFFFE0  }
0x84: {  	[tilespmem:s1], [sflag:$0x4] =	stream.linear.gather [hbm4b:s31+s6], $0x20, $0x38;
	[tilespmem:$0xA180] =	vst v63  }
0x85: {  	_ =	swait.ge [sflag:s13], $0x20  }
0x86: {  	s30 =	sld [smem:$0x7FD]  }
0x87: {  	[sflag:s13] =	ssyncset.done $0x0  }
0x88: {  	s4 =	rddreg [dreg:$0xf];
	[sflag:s13] =	ssyncadd.s32 $0xFFFFFFE0  }
0x89: {  	[tilespmem:s30], [sflag:$0x4] =	stream.linear.gather [hbm4b:s4+s6], $0x20, $0x38;
	[tilespmem:$0xA180] =	vst v63  }
0x8a: {  	_ =	swait.ge [sflag:s13], $0x20  }
0x8b: {  	[sflag:s13] =	ssyncset.done $0x0  }
0x8c: {  	[sflag:s13] =	ssyncadd.s32 $0xFFFFFFE0  }
0x8d: {  	[bflag:$0x0] =	sbarrier.arrive $0xFFFF  }
0x8e: {  	v1 =	vld.msk [tilespmem:$0x1800], $0xff;
	_ =	sdelay $0x4  }
0x8f: {  	v1 =	vshll.u32 v1, $0xB  }
0x90: {  	v2 =	vld [tilespmem:$0x1FFD0];
	v1 =	vperm.xlane v1, v0;
	_ =	sdelay $0x2  }
0x91: {  	s31 =	stileid.u32  }
0x92: {  	s4 =	sshll.u32 s31, $0x6  }
0x93: {  	s3 =	sshrl.u32 s2, $0x3;
	s31 =	sor.u32 $0x1C03, s4;
	vm1 =	vnez.u8 v2  }
0x94: {  	[tilespmem:s14], [sflag:$0x1] =	stream.indirect_vreg.gather [hbm4b:s0+s6], $0x800, v1, vm1, $0x38;
	[tilespmem:$0xA180] =	vst v63  }
0x95: {  	[hbm:s7@s16], [sflag:s31] =	dma.strided [spmem:s3@s17], $0x800, s15, $0x10   }
0x96: {  	s1 =	rddreg [dreg:$0x10]  }
0x97: {  	[hbm:s1@s16], [sflag:s31] =	dma.strided [spmem:s3@s17], $0x800, s15, $0x10   }
0x98: {  	s30 =	rddreg [dreg:$0x11]  }
0x99: {  	[hbm:s30@s16], [sflag:s31] =	dma.strided [spmem:s3@s17], $0x800, s15, $0x10   }
0x9a: {  	s30 =	rddreg [dreg:$0x12]  }
0x9b: {  	[hbm:s30@s16], [sflag:s31] =	dma.strided [spmem:s3@s17], $0x800, s15, $0x10   }
0x9c: {  	v2 =	vld [tilespmem:$0x1FFE0]  }
0x9d: {  	v1 =	vld [tilespmem:$0x1880];
	_ =	sdelay $0x3  }
0x9e: {  	vm2 =	vnez.u8 v2  }
0x9f: {  	v1 =	vnsel vm2, $0x0, v1  }
0xa0: {  	(xrf0) =	vadd.scan.msk.s32 $0xffff, v1;
	_ =	sdelay $0x5  }
0xa1: {  	v1, _, _ =	vpop (xrf0)  }
0xa2: {  	(v2sf) =	vpush v1, $0xF;
	_ =	sdelay $0xe  }
0xa3: {  	s30 =	spop (v2sf)  }
0xa4: {  	s30 =	sshll.u32 s30, $0xE  }
0xa5: {  	s30 =	sshra.s32 s30, $0x2  }
0xa6: {  	s2 =	sadd.s32 s30, s5  }
0xa7: {  	s1 =	rddreg [dreg:$0x13];
	s30 =	sor.u32 $0x1C02, s4;
	s2 =	sshrl.u32 s2, $0x3  }
0xa8: {  	[hbm:s1], [sflag:s30] =	dma.local [spmem:s2], $0x200  }
0xa9: {  	v1 =	vld [tilespmem:$0x1900];
	_ =	sdelay $0x4  }
0xaa: {  	v1 =	vnsel vm2, $0x0, v1  }
0xab: {  	(xrf0) =	vadd.scan.msk.s32 $0xffff, v1;
	_ =	sdelay $0x5  }
0xac: {  	v1, _, _ =	vpop (xrf0)  }
0xad: {  	(v2sf) =	vpush v1, $0xF;
	_ =	sdelay $0xe  }
0xae: {  	s1 =	spop (v2sf)  }
0xaf: {  	s1 =	sshll.u32 s1, $0xD  }
0xb0: {  	s1 =	sshra.s32 s1, $0x2  }
0xb1: {  	s2 =	rddreg [dreg:$0x14];
	s1 =	sadd.s32 $0x1980, s1  }
0xb2: {  	[hbm4b:s2+s18] =	stream.strided.scatter [tilespmem:s1], [sflag:$0x3], $0x800, s17, s18, $0x38;
	[tilespmem:$0xA180] =	vst v63  }
0xb3: {  	v1 =	vld [tilespmem:$0x1880];
	_ =	sdelay $0x4  }
0xb4: {  	v1 =	vsel vm3, $0x0, v1  }
0xb5: {  	(xrf0) =	vadd.scan.msk.s32 $0xffff, v1;
	_ =	sdelay $0x5  }
0xb6: {  	v1, _, _ =	vpop (xrf0)  }
0xb7: {  	(v2sf) =	vpush v1, $0xF;
	_ =	sdelay $0xe  }
0xb8: {  	s2 =	spop (v2sf)  }
0xb9: {  	s1 =	sshll.u32 s2, $0xE  }
0xba: {  	s1 =	sshra.s32 s1, $0x2  }
0xbb: {  	s1 =	sadd.s32 s1, s5  }
0xbc: {  	s4 =	rddreg [dreg:$0x15];
	s1 =	sshrl.u32 s1, $0x3  }
0xbd: {  	[hbm:s4], [sflag:s30] =	dma.local [spmem:s1], $0x200  }
0xbe: {  	v1 =	vld [tilespmem:$0x1900];
	_ =	sdelay $0x4  }
0xbf: {  	v1 =	vsel vm3, $0x0, v1  }
0xc0: {  	(xrf0) =	vadd.scan.msk.s32 $0xffff, v1;
	_ =	sdelay $0x5  }
0xc1: {  	v1, _, _ =	vpop (xrf0)  }
0xc2: {  	(v2sf) =	vpush v1, $0xF;
	_ =	sdelay $0xe  }
0xc3: {  	s1 =	spop (v2sf)  }
0xc4: {  	s1 =	sshll.u32 s1, $0xD  }
0xc5: {  	s1 =	sshra.s32 s1, $0x2  }
0xc6: {  	s2 =	rddreg [dreg:$0x16];
	s1 =	sadd.s32 $0x1980, s1  }
0xc7: {  	[hbm4b:s2+s18] =	stream.strided.scatter [tilespmem:s1], [sflag:$0x3], $0x800, s17, s18, $0x38;
	[tilespmem:$0xA180] =	vst v63  }
0xc8: {  	v1 =	vld [tilespmem:$0x1880];
	_ =	sdelay $0x4  }
0xc9: {  	v1 =	vsel vm4, $0x0, v1  }
0xca: {  	(xrf0) =	vadd.scan.msk.s32 $0xffff, v1;
	_ =	sdelay $0x5  }
0xcb: {  	v1, _, _ =	vpop (xrf0)  }
0xcc: {  	(v2sf) =	vpush v1, $0xF;
	_ =	sdelay $0xe  }
0xcd: {  	s2 =	spop (v2sf)  }
0xce: {  	s1 =	sshll.u32 s2, $0xE  }
0xcf: {  	s1 =	sshra.s32 s1, $0x2  }
0xd0: {  	s1 =	sadd.s32 s1, s5  }
0xd1: {  	s4 =	rddreg [dreg:$0x17];
	s1 =	sshrl.u32 s1, $0x3  }
0xd2: {  	[hbm:s4], [sflag:s30] =	dma.local [spmem:s1], $0x200  }
0xd3: {  	v1 =	vld [tilespmem:$0x1900];
	_ =	sdelay $0x4  }
0xd4: {  	v1 =	vsel vm4, $0x0, v1  }
0xd5: {  	(xrf0) =	vadd.scan.msk.s32 $0xffff, v1;
	_ =	sdelay $0x5  }
0xd6: {  	v1, _, _ =	vpop (xrf0)  }
0xd7: {  	(v2sf) =	vpush v1, $0xF;
	_ =	sdelay $0xe  }
0xd8: {  	s1 =	spop (v2sf)  }
0xd9: {  	s1 =	sshll.u32 s1, $0xD  }
0xda: {  	s1 =	sshra.s32 s1, $0x2  }
0xdb: {  	s2 =	rddreg [dreg:$0x18];
	s1 =	sadd.s32 $0x1980, s1  }
0xdc: {  	[hbm4b:s2+s18] =	stream.strided.scatter [tilespmem:s1], [sflag:$0x3], $0x800, s17, s18, $0x38;
	[tilespmem:$0xA180] =	vst v63  }
0xdd: {  	v1 =	vld [tilespmem:$0x1880];
	_ =	sdelay $0x4  }
0xde: {  	v1 =	vsel vm5, $0x0, v1  }
0xdf: {  	(xrf0) =	vadd.scan.msk.s32 $0xffff, v1;
	_ =	sdelay $0x5  }
0xe0: {  	v1, _, _ =	vpop (xrf0)  }
0xe1: {  	(v2sf) =	vpush v1, $0xF;
	_ =	sdelay $0xe  }
0xe2: {  	s2 =	spop (v2sf)  }
0xe3: {  	s1 =	sshll.u32 s2, $0xE  }
0xe4: {  	s1 =	sshra.s32 s1, $0x2  }
0xe5: {  	s1 =	sadd.s32 s1, s5  }
0xe6: {  	s4 =	rddreg [dreg:$0x19];
	s1 =	sshrl.u32 s1, $0x3  }
0xe7: {  	[hbm:s4], [sflag:s30] =	dma.local [spmem:s1], $0x200  }
0xe8: {  	v1 =	vld [tilespmem:$0x1900];
	_ =	sdelay $0x4  }
0xe9: {  	v1 =	vsel vm5, $0x0, v1  }
0xea: {  	(xrf0) =	vadd.scan.msk.s32 $0xffff, v1;
	_ =	sdelay $0x5  }
0xeb: {  	v1, _, _ =	vpop (xrf0)  }
0xec: {  	(v2sf) =	vpush v1, $0xF;
	_ =	sdelay $0xe  }
0xed: {  	s1 =	spop (v2sf)  }
0xee: {  	s1 =	sshll.u32 s1, $0xD  }
0xef: {  	s1 =	sshra.s32 s1, $0x2  }
0xf0: {  	s2 =	rddreg [dreg:$0x1a];
	s1 =	sadd.s32 $0x1980, s1  }
0xf1: {  	[hbm4b:s2+s18] =	stream.strided.scatter [tilespmem:s1], [sflag:$0x3], $0x800, s17, s18, $0x38;
	[tilespmem:$0xA180] =	vst v63  }
0xf2: {  	v1 =	vld [tilespmem:$0x1880];
	_ =	sdelay $0x4  }
0xf3: {  	v1 =	vsel vm6, $0x0, v1  }
0xf4: {  	(xrf0) =	vadd.scan.msk.s32 $0xffff, v1;
	_ =	sdelay $0x5  }
0xf5: {  	v1, _, _ =	vpop (xrf0)  }
0xf6: {  	(v2sf) =	vpush v1, $0xF;
	_ =	sdelay $0xe  }
0xf7: {  	s2 =	spop (v2sf)  }
0xf8: {  	s1 =	sshll.u32 s2, $0xE  }
0xf9: {  	s1 =	sshra.s32 s1, $0x2  }
0xfa: {  	s1 =	sadd.s32 s1, s5  }
0xfb: {  	s4 =	rddreg [dreg:$0x1b];
	s1 =	sshrl.u32 s1, $0x3  }
0xfc: {  	[hbm:s4], [sflag:s30] =	dma.local [spmem:s1], $0x200  }
0xfd: {  	v1 =	vld [tilespmem:$0x1900];
	_ =	sdelay $0x4  }
0xfe: {  	v1 =	vsel vm6, $0x0, v1  }
0xff: {  	(xrf0) =	vadd.scan.msk.s32 $0xffff, v1;
	_ =	sdelay $0x5  }
0x100: {  	v1, _, _ =	vpop (xrf0)  }
0x101: {  	(v2sf) =	vpush v1, $0xF;
	_ =	sdelay $0xe  }
0x102: {  	s1 =	spop (v2sf)  }
0x103: {  	s1 =	sshll.u32 s1, $0xD  }
0x104: {  	s1 =	sshra.s32 s1, $0x2  }
0x105: {  	s2 =	rddreg [dreg:$0x1c];
	s1 =	sadd.s32 $0x1980, s1  }
0x106: {  	[hbm4b:s2+s18] =	stream.strided.scatter [tilespmem:s1], [sflag:$0x3], $0x800, s17, s18, $0x38;
	[tilespmem:$0xA180] =	vst v63  }
0x107: {  	v1 =	vld [tilespmem:$0x1880];
	_ =	sdelay $0x4  }
0x108: {  	v1 =	vsel vm7, $0x0, v1  }
0x109: {  	(xrf0) =	vadd.scan.msk.s32 $0xffff, v1;
	_ =	sdelay $0x5  }
0x10a: {  	v1, _, _ =	vpop (xrf0)  }
0x10b: {  	(v2sf) =	vpush v1, $0xF;
	_ =	sdelay $0xe  }
0x10c: {  	s2 =	spop (v2sf)  }
0x10d: {  	s1 =	sshll.u32 s2, $0xE  }
0x10e: {  	s1 =	sshra.s32 s1, $0x2  }
0x10f: {  	s1 =	sadd.s32 s1, s5  }
0x110: {  	s4 =	rddreg [dreg:$0x1d];
	s1 =	sshrl.u32 s1, $0x3  }
0x111: {  	[hbm:s4], [sflag:s30] =	dma.local [spmem:s1], $0x200  }
0x112: {  	v1 =	vld [tilespmem:$0x1900];
	_ =	sdelay $0x4  }
0x113: {  	v1 =	vsel vm7, $0x0, v1  }
0x114: {  	(xrf0) =	vadd.scan.msk.s32 $0xffff, v1;
	_ =	sdelay $0x5  }
0x115: {  	v1, _, _ =	vpop (xrf0)  }
0x116: {  	(v2sf) =	vpush v1, $0xF;
	_ =	sdelay $0xe  }
0x117: {  	s1 =	spop (v2sf)  }
0x118: {  	s1 =	sshll.u32 s1, $0xD  }
0x119: {  	s1 =	sshra.s32 s1, $0x2  }
0x11a: {  	s2 =	rddreg [dreg:$0x1e];
	s1 =	sadd.s32 $0x1980, s1  }
0x11b: {  	[hbm4b:s2+s18] =	stream.strided.scatter [tilespmem:s1], [sflag:$0x3], $0x800, s17, s18, $0x38;
	[tilespmem:$0xA180] =	vst v63  }
0x11c: {  	v1 =	vld [tilespmem:$0x1880];
	_ =	sdelay $0x4  }
0x11d: {  	v1 =	vsel vm8, $0x0, v1  }
0x11e: {  	(xrf0) =	vadd.scan.msk.s32 $0xffff, v1;
	_ =	sdelay $0x5  }
0x11f: {  	v1, _, _ =	vpop (xrf0)  }
0x120: {  	(v2sf) =	vpush v1, $0xF;
	_ =	sdelay $0xe  }
0x121: {  	s2 =	spop (v2sf)  }
0x122: {  	s1 =	sshll.u32 s2, $0xE  }
0x123: {  	s1 =	sshra.s32 s1, $0x2  }
0x124: {  	s1 =	sadd.s32 s1, s5  }
0x125: {  	s4 =	rddreg [dreg:$0x1f];
	s1 =	sshrl.u32 s1, $0x3  }
0x126: {  	[hbm:s4], [sflag:s30] =	dma.local [spmem:s1], $0x200  }
0x127: {  	v1 =	vld [tilespmem:$0x1900];
	_ =	sdelay $0x4  }
0x128: {  	v1 =	vsel vm8, $0x0, v1  }
0x129: {  	(xrf0) =	vadd.scan.msk.s32 $0xffff, v1;
	_ =	sdelay $0x5  }
0x12a: {  	v1, _, _ =	vpop (xrf0)  }
0x12b: {  	(v2sf) =	vpush v1, $0xF;
	_ =	sdelay $0xe  }
0x12c: {  	s1 =	spop (v2sf)  }
0x12d: {  	s2 =	sld [smem:$0x7BA];
	s1 =	sshll.u32 s1, $0xD  }
0x12e: {  	s1 =	sshra.s32 s1, $0x2  }
0x12f: {  	s1 =	sadd.s32 $0x1980, s1  }
0x130: {  	[hbm4b:s2+s18] =	stream.strided.scatter [tilespmem:s1], [sflag:$0x3], $0x800, s17, s18, $0x38;
	[tilespmem:$0xA180] =	vst v63  }
0x131: {  	v1 =	vld [tilespmem:$0x1880];
	_ =	sdelay $0x4  }
0x132: {  	v1 =	vsel vm9, $0x0, v1  }
0x133: {  	(xrf0) =	vadd.scan.msk.s32 $0xffff, v1;
	_ =	sdelay $0x5  }
0x134: {  	v1, _, _ =	vpop (xrf0)  }
0x135: {  	(v2sf) =	vpush v1, $0xF;
	_ =	sdelay $0xe  }
0x136: {  	s2 =	spop (v2sf)  }
0x137: {  	s1 =	sshll.u32 s2, $0xE  }
0x138: {  	s4 =	sld [smem:$0x7BB];
	s1 =	sshra.s32 s1, $0x2  }
0x139: {  	s1 =	sadd.s32 s1, s5  }
0x13a: {  	s1 =	sshrl.u32 s1, $0x3  }
0x13b: {  	[hbm:s4], [sflag:s30] =	dma.local [spmem:s1], $0x200  }
0x13c: {  	v1 =	vld [tilespmem:$0x1900];
	_ =	sdelay $0x4  }
0x13d: {  	v1 =	vsel vm9, $0x0, v1  }
0x13e: {  	(xrf0) =	vadd.scan.msk.s32 $0xffff, v1;
	_ =	sdelay $0x5  }
0x13f: {  	v1, _, _ =	vpop (xrf0)  }
0x140: {  	(v2sf) =	vpush v1, $0xF;
	_ =	sdelay $0xe  }
0x141: {  	s1 =	spop (v2sf)  }
0x142: {  	s2 =	sld [smem:$0x7BC];
	s1 =	sshll.u32 s1, $0xD  }
0x143: {  	s1 =	sshra.s32 s1, $0x2  }
0x144: {  	s1 =	sadd.s32 $0x1980, s1  }
0x145: {  	[hbm4b:s2+s18] =	stream.strided.scatter [tilespmem:s1], [sflag:$0x3], $0x800, s17, s18, $0x38;
	[tilespmem:$0xA180] =	vst v63  }
0x146: {  	_ =	swait.ge [sflag:s19], $0x4000  }
0x147: {  	[sflag:s19] =	ssyncset.done $0x0  }
0x148: {  	[sflag:s19] =	ssyncadd.s32 $0xFFFFC000  }
0x149: {  	[hbm4b:s8+s18] =	stream.strided.scatter [tilespmem:s14], [sflag:$0x2], $0x800, s17, s18, $0x38;
	[tilespmem:$0xA180] =	vst v63  }
0x14a: {  	s4 =	sadd.s32 $0x800, s8  }
0x14b: {  	[hbm4b:s4+s18] =	stream.strided.scatter [tilespmem:s20], [sflag:$0x2], $0x800, s17, s18, $0x38;
	[tilespmem:$0xA180] =	vst v63  }
0x14c: {  	s2 =	sadd.s32 $0x1000, s8  }
0x14d: {  	[hbm4b:s2+s18] =	stream.strided.scatter [tilespmem:s21], [sflag:$0x2], $0x800, s17, s18, $0x38;
	[tilespmem:$0xA180] =	vst v63  }
0x14e: {  	s4 =	sadd.s32 $0x1800, s8  }
0x14f: {  	[hbm4b:s4+s18] =	stream.strided.scatter [tilespmem:s22], [sflag:$0x2], $0x800, s17, s18, $0x38;
	[tilespmem:$0xA180] =	vst v63  }
0x150: {  	s2 =	sadd.s32 $0x2000, s8  }
0x151: {  	[hbm4b:s2+s18] =	stream.strided.scatter [tilespmem:s23], [sflag:$0x2], $0x800, s17, s18, $0x38;
	[tilespmem:$0xA180] =	vst v63  }
0x152: {  	s4 =	sadd.s32 $0x2800, s8  }
0x153: {  	[hbm4b:s4+s18] =	stream.strided.scatter [tilespmem:s24], [sflag:$0x2], $0x800, s17, s18, $0x38;
	[tilespmem:$0xA180] =	vst v63  }
0x154: {  	s2 =	sadd.s32 $0x3000, s8  }
0x155: {  	[hbm4b:s2+s18] =	stream.strided.scatter [tilespmem:s25], [sflag:$0x2], $0x800, s17, s18, $0x38;
	[tilespmem:$0xA180] =	vst v63  }
0x156: {  	s4 =	sadd.s32 $0x3800, s8  }
0x157: {  	[hbm4b:s4+s18] =	stream.strided.scatter [tilespmem:s26], [sflag:$0x2], $0x800, s17, s18, $0x38;
	[tilespmem:$0xA180] =	vst v63  }
0x158: {  	_ =	swait.ge [sflag:s28], $0x800  }
0x159: {  	[sflag:s28] =	ssyncset.done $0x0  }
0x15a: {  	[sflag:s28] =	ssyncadd.s32 $0xFFFFF800  }
0x15b: {  	_ =	swait.ge [sflag:s28], $0x800  }
0x15c: {  	[sflag:s28] =	ssyncset.done $0x0  }
0x15d: {  	[sflag:s28] =	ssyncadd.s32 $0xFFFFF800  }
0x15e: {  	_ =	swait.ge [sflag:s28], $0x800  }
0x15f: {  	[sflag:s28] =	ssyncset.done $0x0  }
0x160: {  	[sflag:s28] =	ssyncadd.s32 $0xFFFFF800  }
0x161: {  	_ =	swait.ge [sflag:s28], $0x800  }
0x162: {  	[sflag:s28] =	ssyncset.done $0x0  }
0x163: {  	[sflag:s28] =	ssyncadd.s32 $0xFFFFF800  }
0x164: {  	_ =	swait.ge [sflag:s29], $0x200  }
0x165: {  	[sflag:s29] =	ssyncset.done $0x0  }
0x166: {  	[sflag:s29] =	ssyncadd.s32 $0xFFFFFE00  }
0x167: {  	_ =	swait.ge [sflag:s28], $0x800  }
0x168: {  	[sflag:s28] =	ssyncset.done $0x0  }
0x169: {  	[sflag:s28] =	ssyncadd.s32 $0xFFFFF800  }
0x16a: {  	_ =	swait.ge [sflag:s29], $0x200  }
0x16b: {  	[sflag:s29] =	ssyncset.done $0x0  }
0x16c: {  	[sflag:s29] =	ssyncadd.s32 $0xFFFFFE00  }
0x16d: {  	_ =	swait.ge [sflag:s28], $0x800  }
0x16e: {  	[sflag:s28] =	ssyncset.done $0x0  }
0x16f: {  	[sflag:s28] =	ssyncadd.s32 $0xFFFFF800  }
0x170: {  	_ =	swait.ge [sflag:s29], $0x200  }
0x171: {  	[sflag:s29] =	ssyncset.done $0x0  }
0x172: {  	[sflag:s29] =	ssyncadd.s32 $0xFFFFFE00  }
0x173: {  	_ =	swait.ge [sflag:s28], $0x800  }
0x174: {  	[sflag:s28] =	ssyncset.done $0x0  }
0x175: {  	[sflag:s28] =	ssyncadd.s32 $0xFFFFF800  }
0x176: {  	_ =	swait.ge [sflag:s29], $0x200  }
0x177: {  	[sflag:s29] =	ssyncset.done $0x0  }
0x178: {  	[sflag:s29] =	ssyncadd.s32 $0xFFFFFE00  }
0x179: {  	_ =	swait.ge [sflag:s28], $0x800  }
0x17a: {  	[sflag:s28] =	ssyncset.done $0x0  }
0x17b: {  	[sflag:s28] =	ssyncadd.s32 $0xFFFFF800  }
0x17c: {  	_ =	swait.ge [sflag:s29], $0x200  }
0x17d: {  	[sflag:s29] =	ssyncset.done $0x0  }
0x17e: {  	[sflag:s29] =	ssyncadd.s32 $0xFFFFFE00  }
0x17f: {  	_ =	swait.ge [sflag:s28], $0x800  }
0x180: {  	[sflag:s28] =	ssyncset.done $0x0  }
0x181: {  	[sflag:s28] =	ssyncadd.s32 $0xFFFFF800  }
0x182: {  	_ =	swait.ge [sflag:s29], $0x200  }
0x183: {  	[sflag:s29] =	ssyncset.done $0x0  }
0x184: {  	[sflag:s29] =	ssyncadd.s32 $0xFFFFFE00  }
0x185: {  	_ =	swait.ge [sflag:s28], $0x800  }
0x186: {  	[sflag:s28] =	ssyncset.done $0x0  }
0x187: {  	[sflag:s28] =	ssyncadd.s32 $0xFFFFF800  }
0x188: {  	_ =	swait.ge [sflag:s29], $0x200  }
0x189: {  	[sflag:s29] =	ssyncset.done $0x0  }
0x18a: {  	[sflag:s29] =	ssyncadd.s32 $0xFFFFFE00  }
0x18b: {  	_ =	swait.ge [sflag:s28], $0x800  }
0x18c: {  	[sflag:s28] =	ssyncset.done $0x0  }
0x18d: {  	[sflag:s28] =	ssyncadd.s32 $0xFFFFF800  }
0x18e: {  	_ =	swait.ge [sflag:s29], $0x200  }
0x18f: {  	[sflag:s29] =	ssyncset.done $0x0  }
0x190: {  	[sflag:s29] =	ssyncadd.s32 $0xFFFFFE00  }
0x191: {  	_ =	swait.ge [sflag:s28], $0x800  }
0x192: {  	[sflag:s28] =	ssyncset.done $0x0  }
0x193: {  	[sflag:s28] =	ssyncadd.s32 $0xFFFFF800  }
0x194: {  	_ =	swait.ge [sflag:s29], $0x4000  }
0x195: {  	[sflag:s29] =	ssyncset.done $0x0  }
0x196: {  	[sflag:s29] =	ssyncadd.s32 $0xFFFFC000  }
0x197: {  	v1 =	vld.msk [tilespmem:$0x1808], $0xff;
	_ =	sdelay $0x4  }
0x198: {  	v1 =	vshll.u32 v1, $0xB  }
0x199: {  	v1 =	vperm.xlane v1, v0;
	_ =	sdelay $0x3  }
0x19a: {  	s2 =	sld [smem:$0x7BD];
	_ =	sdelay $0x1  }
0x19b: {  	[tilespmem:s14], [sflag:$0x1] =	stream.indirect_vreg.gather [hbm4b:s0+s6], $0x800, v1, vm1, $0x38;
	[tilespmem:$0xA180] =	vst v63  }
0x19c: {  	[hbm:s2@s16], [sflag:s31] =	dma.strided [spmem:s3@s17], $0x800, s15, $0x10   }
0x19d: {  	s1 =	sld [smem:$0x7BE];
	_ =	sdelay $0x2  }
0x19e: {  	[hbm:s1@s16], [sflag:s31] =	dma.strided [spmem:s3@s17], $0x800, s15, $0x10   }
0x19f: {  	s1 =	sld [smem:$0x7BF];
	_ =	sdelay $0x2  }
0x1a0: {  	[hbm:s1@s16], [sflag:s31] =	dma.strided [spmem:s3@s17], $0x800, s15, $0x10   }
0x1a1: {  	s1 =	sld [smem:$0x7C0];
	_ =	sdelay $0x2  }
0x1a2: {  	[hbm:s1@s16], [sflag:s31] =	dma.strided [spmem:s3@s17], $0x800, s15, $0x10   }
0x1a3: {  	v1 =	vld [tilespmem:$0x1880];
	_ =	sdelay $0x4  }
0x1a4: {  	v1 =	vsel vm10, $0x0, v1  }
0x1a5: {  	(xrf0) =	vadd.scan.msk.s32 $0xffff, v1;
	_ =	sdelay $0x5  }
0x1a6: {  	v1, _, _ =	vpop (xrf0)  }
0x1a7: {  	(v2sf) =	vpush v1, $0xF;
	_ =	sdelay $0xe  }
0x1a8: {  	s1 =	spop (v2sf)  }
0x1a9: {  	s1 =	sshll.u32 s1, $0xE  }
0x1aa: {  	s4 =	sld [smem:$0x7C1];
	s1 =	sshra.s32 s1, $0x2  }
0x1ab: {  	s1 =	sadd.s32 s1, s5  }
0x1ac: {  	s1 =	sshrl.u32 s1, $0x3  }
0x1ad: {  	[hbm:s4], [sflag:s30] =	dma.local [spmem:s1], $0x200  }
0x1ae: {  	v1 =	vld [tilespmem:$0x1900];
	_ =	sdelay $0x4  }
0x1af: {  	v1 =	vsel vm10, $0x0, v1  }
0x1b0: {  	(xrf0) =	vadd.scan.msk.s32 $0xffff, v1;
	_ =	sdelay $0x5  }
0x1b1: {  	v1, _, _ =	vpop (xrf0)  }
0x1b2: {  	(v2sf) =	vpush v1, $0xF;
	_ =	sdelay $0xe  }
0x1b3: {  	s1 =	spop (v2sf)  }
0x1b4: {  	s2 =	sld [smem:$0x7C2];
	s1 =	sshll.u32 s1, $0xD  }
0x1b5: {  	s1 =	sshra.s32 s1, $0x2  }
0x1b6: {  	s1 =	sadd.s32 $0x1980, s1  }
0x1b7: {  	[hbm4b:s2+s18] =	stream.strided.scatter [tilespmem:s1], [sflag:$0x3], $0x800, s17, s18, $0x38;
	[tilespmem:$0xA180] =	vst v63  }
0x1b8: {  	v1 =	vld [tilespmem:$0x1880];
	_ =	sdelay $0x4  }
0x1b9: {  	v1 =	vsel vm11, $0x0, v1  }
0x1ba: {  	(xrf0) =	vadd.scan.msk.s32 $0xffff, v1;
	_ =	sdelay $0x5  }
0x1bb: {  	v1, _, _ =	vpop (xrf0)  }
0x1bc: {  	(v2sf) =	vpush v1, $0xF;
	_ =	sdelay $0xe  }
0x1bd: {  	s2 =	spop (v2sf)  }
0x1be: {  	s1 =	sshll.u32 s2, $0xE  }
0x1bf: {  	s4 =	sld [smem:$0x7C3];
	s1 =	sshra.s32 s1, $0x2  }
0x1c0: {  	s1 =	sadd.s32 s1, s5  }
0x1c1: {  	s1 =	sshrl.u32 s1, $0x3  }
0x1c2: {  	[hbm:s4], [sflag:s30] =	dma.local [spmem:s1], $0x200  }
0x1c3: {  	v1 =	vld [tilespmem:$0x1900];
	_ =	sdelay $0x4  }
0x1c4: {  	v1 =	vsel vm11, $0x0, v1  }
0x1c5: {  	(xrf0) =	vadd.scan.msk.s32 $0xffff, v1;
	_ =	sdelay $0x5  }
0x1c6: {  	v1, _, _ =	vpop (xrf0)  }
0x1c7: {  	(v2sf) =	vpush v1, $0xF;
	_ =	sdelay $0xe  }
0x1c8: {  	s1 =	spop (v2sf)  }
0x1c9: {  	s2 =	sld [smem:$0x7C4];
	s1 =	sshll.u32 s1, $0xD  }
0x1ca: {  	s1 =	sshra.s32 s1, $0x2  }
0x1cb: {  	s1 =	sadd.s32 $0x1980, s1  }
0x1cc: {  	[hbm4b:s2+s18] =	stream.strided.scatter [tilespmem:s1], [sflag:$0x3], $0x800, s17, s18, $0x38;
	[tilespmem:$0xA180] =	vst v63  }
0x1cd: {  	v1 =	vld [tilespmem:$0x1880];
	_ =	sdelay $0x4  }
0x1ce: {  	v1 =	vsel vm12, $0x0, v1  }
0x1cf: {  	(xrf0) =	vadd.scan.msk.s32 $0xffff, v1;
	_ =	sdelay $0x5  }
0x1d0: {  	v1, _, _ =	vpop (xrf0)  }
0x1d1: {  	(v2sf) =	vpush v1, $0xF;
	_ =	sdelay $0xe  }
0x1d2: {  	s2 =	spop (v2sf)  }
0x1d3: {  	s1 =	sshll.u32 s2, $0xE  }
0x1d4: {  	s4 =	sld [smem:$0x7C5];
	s1 =	sshra.s32 s1, $0x2  }
0x1d5: {  	s1 =	sadd.s32 s1, s5  }
0x1d6: {  	s1 =	sshrl.u32 s1, $0x3  }
0x1d7: {  	[hbm:s4], [sflag:s30] =	dma.local [spmem:s1], $0x200  }
0x1d8: {  	v1 =	vld [tilespmem:$0x1900];
	_ =	sdelay $0x4  }
0x1d9: {  	v1 =	vsel vm12, $0x0, v1  }
0x1da: {  	(xrf0) =	vadd.scan.msk.s32 $0xffff, v1;
	_ =	sdelay $0x5  }
0x1db: {  	v1, _, _ =	vpop (xrf0)  }
0x1dc: {  	(v2sf) =	vpush v1, $0xF;
	_ =	sdelay $0xe  }
0x1dd: {  	s1 =	spop (v2sf)  }
0x1de: {  	s2 =	sld [smem:$0x7C6];
	s1 =	sshll.u32 s1, $0xD  }
0x1df: {  	s1 =	sshra.s32 s1, $0x2  }
0x1e0: {  	s1 =	sadd.s32 $0x1980, s1  }
0x1e1: {  	[hbm4b:s2+s18] =	stream.strided.scatter [tilespmem:s1], [sflag:$0x3], $0x800, s17, s18, $0x38;
	[tilespmem:$0xA180] =	vst v63  }
0x1e2: {  	v1 =	vld [tilespmem:$0x1880];
	_ =	sdelay $0x4  }
0x1e3: {  	v1 =	vsel vm13, $0x0, v1  }
0x1e4: {  	(xrf0) =	vadd.scan.msk.s32 $0xffff, v1;
	_ =	sdelay $0x5  }
0x1e5: {  	v1, _, _ =	vpop (xrf0)  }
0x1e6: {  	(v2sf) =	vpush v1, $0xF;
	_ =	sdelay $0xe  }
0x1e7: {  	s2 =	spop (v2sf)  }
0x1e8: {  	s1 =	sshll.u32 s2, $0xE  }
0x1e9: {  	s4 =	sld [smem:$0x7C7];
	s1 =	sshra.s32 s1, $0x2  }
0x1ea: {  	s1 =	sadd.s32 s1, s5  }
0x1eb: {  	s1 =	sshrl.u32 s1, $0x3  }
0x1ec: {  	[hbm:s4], [sflag:s30] =	dma.local [spmem:s1], $0x200  }
0x1ed: {  	v1 =	vld [tilespmem:$0x1900];
	_ =	sdelay $0x4  }
0x1ee: {  	v1 =	vsel vm13, $0x0, v1  }
0x1ef: {  	(xrf0) =	vadd.scan.msk.s32 $0xffff, v1;
	_ =	sdelay $0x5  }
0x1f0: {  	v1, _, _ =	vpop (xrf0)  }
0x1f1: {  	(v2sf) =	vpush v1, $0xF;
	_ =	sdelay $0xe  }
0x1f2: {  	s1 =	spop (v2sf)  }
0x1f3: {  	s2 =	sld [smem:$0x7C8];
	s1 =	sshll.u32 s1, $0xD  }
0x1f4: {  	s1 =	sshra.s32 s1, $0x2  }
0x1f5: {  	s1 =	sadd.s32 $0x1980, s1  }
0x1f6: {  	[hbm4b:s2+s18] =	stream.strided.scatter [tilespmem:s1], [sflag:$0x3], $0x800, s17, s18, $0x38;
	[tilespmem:$0xA180] =	vst v63  }
0x1f7: {  	v1 =	vld [tilespmem:$0x1880];
	_ =	sdelay $0x4  }
0x1f8: {  	v1 =	vsel vm14, $0x0, v1  }
0x1f9: {  	(xrf0) =	vadd.scan.msk.s32 $0xffff, v1;
	_ =	sdelay $0x5  }
0x1fa: {  	v1, _, _ =	vpop (xrf0)  }
0x1fb: {  	(v2sf) =	vpush v1, $0xF;
	_ =	sdelay $0xe  }
0x1fc: {  	s2 =	spop (v2sf)  }
0x1fd: {  	s1 =	sshll.u32 s2, $0xE  }
0x1fe: {  	s4 =	sld [smem:$0x7C9];
	s1 =	sshra.s32 s1, $0x2  }
0x1ff: {  	s1 =	sadd.s32 s1, s5  }
0x200: {  	s1 =	sshrl.u32 s1, $0x3  }
0x201: {  	[hbm:s4], [sflag:s30] =	dma.local [spmem:s1], $0x200  }
0x202: {  	v1 =	vld [tilespmem:$0x1900];
	_ =	sdelay $0x4  }
0x203: {  	v1 =	vsel vm14, $0x0, v1  }
0x204: {  	(xrf0) =	vadd.scan.msk.s32 $0xffff, v1;
	_ =	sdelay $0x5  }
0x205: {  	v1, _, _ =	vpop (xrf0)  }
0x206: {  	(v2sf) =	vpush v1, $0xF;
	_ =	sdelay $0xe  }
0x207: {  	s1 =	spop (v2sf)  }
0x208: {  	s2 =	sld [smem:$0x7CA];
	s1 =	sshll.u32 s1, $0xD  }
0x209: {  	s1 =	sshra.s32 s1, $0x2  }
0x20a: {  	s1 =	sadd.s32 $0x1980, s1  }
0x20b: {  	[hbm4b:s2+s18] =	stream.strided.scatter [tilespmem:s1], [sflag:$0x3], $0x800, s17, s18, $0x38;
	[tilespmem:$0xA180] =	vst v63  }
0x20c: {  	v1 =	vld [tilespmem:$0x1880];
	_ =	sdelay $0x4  }
0x20d: {  	v1 =	vsel vm15, $0x0, v1  }
0x20e: {  	(xrf0) =	vadd.scan.msk.s32 $0xffff, v1;
	_ =	sdelay $0x5  }
0x20f: {  	v1, _, _ =	vpop (xrf0)  }
0x210: {  	(v2sf) =	vpush v1, $0xF;
	_ =	sdelay $0xe  }
0x211: {  	s2 =	spop (v2sf)  }
0x212: {  	s1 =	sshll.u32 s2, $0xE  }
0x213: {  	s4 =	sld [smem:$0x7CB];
	s1 =	sshra.s32 s1, $0x2  }
0x214: {  	s1 =	sadd.s32 s1, s5  }
0x215: {  	s1 =	sshrl.u32 s1, $0x3  }
0x216: {  	[hbm:s4], [sflag:s30] =	dma.local [spmem:s1], $0x200  }
0x217: {  	v1 =	vld [tilespmem:$0x1900];
	_ =	sdelay $0x4  }
0x218: {  	v1 =	vsel vm15, $0x0, v1  }
0x219: {  	(xrf0) =	vadd.scan.msk.s32 $0xffff, v1;
	_ =	sdelay $0x5  }
0x21a: {  	v1, _, _ =	vpop (xrf0)  }
0x21b: {  	(v2sf) =	vpush v1, $0xF;
	_ =	sdelay $0xe  }
0x21c: {  	s1 =	spop (v2sf)  }
0x21d: {  	s2 =	sld [smem:$0x7CC];
	s1 =	sshll.u32 s1, $0xD  }
0x21e: {  	s1 =	sshra.s32 s1, $0x2  }
0x21f: {  	s1 =	sadd.s32 $0x1980, s1  }
0x220: {  	[hbm4b:s2+s18] =	stream.strided.scatter [tilespmem:s1], [sflag:$0x3], $0x800, s17, s18, $0x38;
	[tilespmem:$0xA180] =	vst v63  }
0x221: {  	v1 =	vld [tilespmem:$0x1880];
	_ =	sdelay $0x3  }
0x222: {  	vm0 =	vcmask $0x373C  }
0x223: {  	v1 =	vsel vm0, $0x0, v1  }
0x224: {  	(xrf0) =	vadd.scan.msk.s32 $0xffff, v1;
	_ =	sdelay $0x5  }
0x225: {  	v1, _, _ =	vpop (xrf0)  }
0x226: {  	(v2sf) =	vpush v1, $0xF;
	_ =	sdelay $0xe  }
0x227: {  	s2 =	spop (v2sf)  }
0x228: {  	s1 =	sshll.u32 s2, $0xE  }
0x229: {  	s4 =	sld [smem:$0x7CD];
	s1 =	sshra.s32 s1, $0x2  }
0x22a: {  	s1 =	sadd.s32 s1, s5  }
0x22b: {  	s1 =	sshrl.u32 s1, $0x3  }
0x22c: {  	[hbm:s4], [sflag:s30] =	dma.local [spmem:s1], $0x200  }
0x22d: {  	v1 =	vld [tilespmem:$0x1900];
	_ =	sdelay $0x4  }
0x22e: {  	v1 =	vsel vm0, $0x0, v1  }
0x22f: {  	(xrf0) =	vadd.scan.msk.s32 $0xffff, v1;
	_ =	sdelay $0x5  }
0x230: {  	v1, _, _ =	vpop (xrf0)  }
0x231: {  	(v2sf) =	vpush v1, $0xF;
	_ =	sdelay $0xe  }
0x232: {  	s1 =	spop (v2sf)  }
0x233: {  	s2 =	sld [smem:$0x7CE];
	s1 =	sshll.u32 s1, $0xD  }
0x234: {  	s1 =	sshra.s32 s1, $0x2  }
0x235: {  	s1 =	sadd.s32 $0x1980, s1  }
0x236: {  	v2 =	vld [tilespmem:$0x1FFF0];
	[hbm4b:s2+s18] =	stream.strided.scatter [tilespmem:s1], [sflag:$0x3], $0x800, s17, s18, $0x38  }
0x237: {  	v1 =	vld [tilespmem:$0x1880];
	_ =	sdelay $0x3  }
0x238: {  	vm0 =	vnez.u8 v2  }
0x239: {  	v1 =	vsel vm0, $0x0, v1  }
0x23a: {  	(xrf0) =	vadd.scan.msk.s32 $0xffff, v1;
	_ =	sdelay $0x5  }
0x23b: {  	v1, _, _ =	vpop (xrf0)  }
0x23c: {  	(v2sf) =	vpush v1, $0xF;
	_ =	sdelay $0xe  }
0x23d: {  	s2 =	spop (v2sf)  }
0x23e: {  	s1 =	sshll.u32 s2, $0xE  }
0x23f: {  	s4 =	sld [smem:$0x7CF];
	s1 =	sshra.s32 s1, $0x2  }
0x240: {  	s1 =	sadd.s32 s1, s5  }
0x241: {  	s1 =	sshrl.u32 s1, $0x3  }
0x242: {  	[hbm:s4], [sflag:s30] =	dma.local [spmem:s1], $0x200  }
0x243: {  	v1 =	vld [tilespmem:$0x1900];
	_ =	sdelay $0x4  }
0x244: {  	v1 =	vsel vm0, $0x0, v1  }
0x245: {  	(xrf0) =	vadd.scan.msk.s32 $0xffff, v1;
	_ =	sdelay $0x5  }
0x246: {  	v1, _, _ =	vpop (xrf0)  }
0x247: {  	(v2sf) =	vpush v1, $0xF;
	_ =	sdelay $0xe  }
0x248: {  	s1 =	spop (v2sf)  }
0x249: {  	s2 =	sld [smem:$0x7D0];
	s1 =	sshll.u32 s1, $0xD  }
0x24a: {  	s1 =	sshra.s32 s1, $0x2  }
0x24b: {  	s1 =	sadd.s32 $0x1980, s1  }
0x24c: {  	[hbm4b:s2+s18] =	stream.strided.scatter [tilespmem:s1], [sflag:$0x3], $0x800, s17, s18, $0x38;
	[tilespmem:$0xA180] =	vst v63  }
0x24d: {  	_ =	swait.ge [sflag:s19], $0x4000  }
0x24e: {  	[sflag:s19] =	ssyncset.done $0x0  }
0x24f: {  	[sflag:s19] =	ssyncadd.s32 $0xFFFFC000  }
0x250: {  	[hbm4b:s9+s18] =	stream.strided.scatter [tilespmem:s14], [sflag:$0x2], $0x800, s17, s18, $0x38;
	[tilespmem:$0xA180] =	vst v63  }
0x251: {  	s4 =	sadd.s32 $0x800, s9  }
0x252: {  	[hbm4b:s4+s18] =	stream.strided.scatter [tilespmem:s20], [sflag:$0x2], $0x800, s17, s18, $0x38;
	[tilespmem:$0xA180] =	vst v63  }
0x253: {  	s2 =	sadd.s32 $0x1000, s9  }
0x254: {  	[hbm4b:s2+s18] =	stream.strided.scatter [tilespmem:s21], [sflag:$0x2], $0x800, s17, s18, $0x38;
	[tilespmem:$0xA180] =	vst v63  }
0x255: {  	s4 =	sadd.s32 $0x1800, s9  }
0x256: {  	[hbm4b:s4+s18] =	stream.strided.scatter [tilespmem:s22], [sflag:$0x2], $0x800, s17, s18, $0x38;
	[tilespmem:$0xA180] =	vst v63  }
0x257: {  	s2 =	sadd.s32 $0x2000, s9  }
0x258: {  	[hbm4b:s2+s18] =	stream.strided.scatter [tilespmem:s23], [sflag:$0x2], $0x800, s17, s18, $0x38;
	[tilespmem:$0xA180] =	vst v63  }
0x259: {  	s4 =	sadd.s32 $0x2800, s9  }
0x25a: {  	[hbm4b:s4+s18] =	stream.strided.scatter [tilespmem:s24], [sflag:$0x2], $0x800, s17, s18, $0x38;
	[tilespmem:$0xA180] =	vst v63  }
0x25b: {  	s2 =	sadd.s32 $0x3000, s9  }
0x25c: {  	[hbm4b:s2+s18] =	stream.strided.scatter [tilespmem:s25], [sflag:$0x2], $0x800, s17, s18, $0x38;
	[tilespmem:$0xA180] =	vst v63  }
0x25d: {  	s4 =	sadd.s32 $0x3800, s9  }
0x25e: {  	[hbm4b:s4+s18] =	stream.strided.scatter [tilespmem:s26], [sflag:$0x2], $0x800, s17, s18, $0x38;
	[tilespmem:$0xA180] =	vst v63  }
0x25f: {  	_ =	swait.ge [sflag:s28], $0x800  }
0x260: {  	[sflag:s28] =	ssyncset.done $0x0  }
0x261: {  	[sflag:s28] =	ssyncadd.s32 $0xFFFFF800  }
0x262: {  	_ =	swait.ge [sflag:s28], $0x800  }
0x263: {  	[sflag:s28] =	ssyncset.done $0x0  }
0x264: {  	[sflag:s28] =	ssyncadd.s32 $0xFFFFF800  }
0x265: {  	_ =	swait.ge [sflag:s28], $0x800  }
0x266: {  	[sflag:s28] =	ssyncset.done $0x0  }
0x267: {  	[sflag:s28] =	ssyncadd.s32 $0xFFFFF800  }
0x268: {  	_ =	swait.ge [sflag:s28], $0x800  }
0x269: {  	[sflag:s28] =	ssyncset.done $0x0  }
0x26a: {  	[sflag:s28] =	ssyncadd.s32 $0xFFFFF800  }
0x26b: {  	_ =	swait.ge [sflag:s29], $0x200  }
0x26c: {  	[sflag:s29] =	ssyncset.done $0x0  }
0x26d: {  	[sflag:s29] =	ssyncadd.s32 $0xFFFFFE00  }
0x26e: {  	_ =	swait.ge [sflag:s28], $0x800  }
0x26f: {  	[sflag:s28] =	ssyncset.done $0x0  }
0x270: {  	[sflag:s28] =	ssyncadd.s32 $0xFFFFF800  }
0x271: {  	_ =	swait.ge [sflag:s29], $0x200  }
0x272: {  	[sflag:s29] =	ssyncset.done $0x0  }
0x273: {  	[sflag:s29] =	ssyncadd.s32 $0xFFFFFE00  }
0x274: {  	_ =	swait.ge [sflag:s28], $0x800  }
0x275: {  	[sflag:s28] =	ssyncset.done $0x0  }
0x276: {  	[sflag:s28] =	ssyncadd.s32 $0xFFFFF800  }
0x277: {  	_ =	swait.ge [sflag:s29], $0x200  }
0x278: {  	[sflag:s29] =	ssyncset.done $0x0  }
0x279: {  	[sflag:s29] =	ssyncadd.s32 $0xFFFFFE00  }
0x27a: {  	_ =	swait.ge [sflag:s28], $0x800  }
0x27b: {  	[sflag:s28] =	ssyncset.done $0x0  }
0x27c: {  	[sflag:s28] =	ssyncadd.s32 $0xFFFFF800  }
0x27d: {  	_ =	swait.ge [sflag:s29], $0x200  }
0x27e: {  	[sflag:s29] =	ssyncset.done $0x0  }
0x27f: {  	[sflag:s29] =	ssyncadd.s32 $0xFFFFFE00  }
0x280: {  	_ =	swait.ge [sflag:s28], $0x800  }
0x281: {  	[sflag:s28] =	ssyncset.done $0x0  }
0x282: {  	[sflag:s28] =	ssyncadd.s32 $0xFFFFF800  }
0x283: {  	_ =	swait.ge [sflag:s29], $0x200  }
0x284: {  	[sflag:s29] =	ssyncset.done $0x0  }
0x285: {  	[sflag:s29] =	ssyncadd.s32 $0xFFFFFE00  }
0x286: {  	_ =	swait.ge [sflag:s28], $0x800  }
0x287: {  	[sflag:s28] =	ssyncset.done $0x0  }
0x288: {  	[sflag:s28] =	ssyncadd.s32 $0xFFFFF800  }
0x289: {  	_ =	swait.ge [sflag:s29], $0x200  }
0x28a: {  	[sflag:s29] =	ssyncset.done $0x0  }
0x28b: {  	[sflag:s29] =	ssyncadd.s32 $0xFFFFFE00  }
0x28c: {  	_ =	swait.ge [sflag:s28], $0x800  }
0x28d: {  	[sflag:s28] =	ssyncset.done $0x0  }
0x28e: {  	[sflag:s28] =	ssyncadd.s32 $0xFFFFF800  }
0x28f: {  	_ =	swait.ge [sflag:s29], $0x200  }
0x290: {  	[sflag:s29] =	ssyncset.done $0x0  }
0x291: {  	[sflag:s29] =	ssyncadd.s32 $0xFFFFFE00  }
0x292: {  	_ =	swait.ge [sflag:s28], $0x800  }
0x293: {  	[sflag:s28] =	ssyncset.done $0x0  }
0x294: {  	[sflag:s28] =	ssyncadd.s32 $0xFFFFF800  }
0x295: {  	_ =	swait.ge [sflag:s29], $0x200  }
0x296: {  	[sflag:s29] =	ssyncset.done $0x0  }
0x297: {  	[sflag:s29] =	ssyncadd.s32 $0xFFFFFE00  }
0x298: {  	_ =	swait.ge [sflag:s28], $0x800  }
0x299: {  	[sflag:s28] =	ssyncset.done $0x0  }
0x29a: {  	[sflag:s28] =	ssyncadd.s32 $0xFFFFF800  }
0x29b: {  	_ =	swait.ge [sflag:s29], $0x4000  }
0x29c: {  	[sflag:s29] =	ssyncset.done $0x0  }
0x29d: {  	[sflag:s29] =	ssyncadd.s32 $0xFFFFC000  }
0x29e: {  	v1 =	vld.msk [tilespmem:$0x1810], $0xff;
	_ =	sdelay $0x4  }
0x29f: {  	v1 =	vshll.u32 v1, $0xB  }
0x2a0: {  	v1 =	vperm.xlane v1, v0;
	_ =	sdelay $0x3  }
0x2a1: {  	s2 =	sld [smem:$0x7D1];
	_ =	sdelay $0x1  }
0x2a2: {  	[tilespmem:s14], [sflag:$0x1] =	stream.indirect_vreg.gather [hbm4b:s0+s6], $0x800, v1, vm1, $0x38;
	[tilespmem:$0xA180] =	vst v63  }
0x2a3: {  	[hbm:s2@s16], [sflag:s31] =	dma.strided [spmem:s3@s17], $0x800, s15, $0x10   }
0x2a4: {  	s1 =	sld [smem:$0x7D2];
	_ =	sdelay $0x2  }
0x2a5: {  	[hbm:s1@s16], [sflag:s31] =	dma.strided [spmem:s3@s17], $0x800, s15, $0x10   }
0x2a6: {  	s1 =	sld [smem:$0x7D3];
	_ =	sdelay $0x2  }
0x2a7: {  	[hbm:s1@s16], [sflag:s31] =	dma.strided [spmem:s3@s17], $0x800, s15, $0x10   }
0x2a8: {  	s1 =	sld [smem:$0x7D4];
	_ =	sdelay $0x2  }
0x2a9: {  	[hbm:s1@s16], [sflag:s31] =	dma.strided [spmem:s3@s17], $0x800, s15, $0x10   }
0x2aa: {  	v1 =	vld [tilespmem:$0x1890];
	_ =	sdelay $0x4  }
0x2ab: {  	v1 =	vnsel vm2, $0x0, v1  }
0x2ac: {  	(xrf0) =	vadd.scan.msk.s32 $0xffff, v1;
	_ =	sdelay $0x5  }
0x2ad: {  	v1, _, _ =	vpop (xrf0)  }
0x2ae: {  	(v2sf) =	vpush v1, $0xF;
	_ =	sdelay $0xe  }
0x2af: {  	s1 =	spop (v2sf)  }
0x2b0: {  	s1 =	sshll.u32 s1, $0xE  }
0x2b1: {  	s4 =	sld [smem:$0x7D5];
	s1 =	sshra.s32 s1, $0x2  }
0x2b2: {  	s1 =	sadd.s32 s1, s5  }
0x2b3: {  	s1 =	sshrl.u32 s1, $0x3  }
0x2b4: {  	[hbm:s4], [sflag:s30] =	dma.local [spmem:s1], $0x200  }
0x2b5: {  	v1 =	vld [tilespmem:$0x1910];
	_ =	sdelay $0x4  }
0x2b6: {  	v1 =	vnsel vm2, $0x0, v1  }
0x2b7: {  	(xrf0) =	vadd.scan.msk.s32 $0xffff, v1;
	_ =	sdelay $0x5  }
0x2b8: {  	v1, _, _ =	vpop (xrf0)  }
0x2b9: {  	(v2sf) =	vpush v1, $0xF;
	_ =	sdelay $0xe  }
0x2ba: {  	s1 =	spop (v2sf)  }
0x2bb: {  	s2 =	sld [smem:$0x7D6];
	s1 =	sshll.u32 s1, $0xD  }
0x2bc: {  	s1 =	sshra.s32 s1, $0x2  }
0x2bd: {  	s1 =	sadd.s32 $0x1980, s1  }
0x2be: {  	[hbm4b:s2+s18] =	stream.strided.scatter [tilespmem:s1], [sflag:$0x3], $0x800, s17, s18, $0x38;
	[tilespmem:$0xA180] =	vst v63  }
0x2bf: {  	v1 =	vld [tilespmem:$0x1890];
	_ =	sdelay $0x4  }
0x2c0: {  	v1 =	vsel vm3, $0x0, v1  }
0x2c1: {  	(xrf0) =	vadd.scan.msk.s32 $0xffff, v1;
	_ =	sdelay $0x5  }
0x2c2: {  	v1, _, _ =	vpop (xrf0)  }
0x2c3: {  	(v2sf) =	vpush v1, $0xF;
	_ =	sdelay $0xe  }
0x2c4: {  	s2 =	spop (v2sf)  }
0x2c5: {  	s1 =	sshll.u32 s2, $0xE  }
0x2c6: {  	s4 =	sld [smem:$0x7D7];
	s1 =	sshra.s32 s1, $0x2  }
0x2c7: {  	s1 =	sadd.s32 s1, s5  }
0x2c8: {  	s1 =	sshrl.u32 s1, $0x3  }
0x2c9: {  	[hbm:s4], [sflag:s30] =	dma.local [spmem:s1], $0x200  }
0x2ca: {  	v1 =	vld [tilespmem:$0x1910];
	_ =	sdelay $0x4  }
0x2cb: {  	v1 =	vsel vm3, $0x0, v1  }
0x2cc: {  	(xrf0) =	vadd.scan.msk.s32 $0xffff, v1;
	_ =	sdelay $0x5  }
0x2cd: {  	v1, _, _ =	vpop (xrf0)  }
0x2ce: {  	(v2sf) =	vpush v1, $0xF;
	_ =	sdelay $0xe  }
0x2cf: {  	s1 =	spop (v2sf)  }
0x2d0: {  	s2 =	sld [smem:$0x7D8];
	s1 =	sshll.u32 s1, $0xD  }
0x2d1: {  	s1 =	sshra.s32 s1, $0x2  }
0x2d2: {  	s1 =	sadd.s32 $0x1980, s1  }
0x2d3: {  	[hbm4b:s2+s18] =	stream.strided.scatter [tilespmem:s1], [sflag:$0x3], $0x800, s17, s18, $0x38;
	[tilespmem:$0xA180] =	vst v63  }
0x2d4: {  	v1 =	vld [tilespmem:$0x1890];
	_ =	sdelay $0x4  }
0x2d5: {  	v1 =	vsel vm4, $0x0, v1  }
0x2d6: {  	(xrf0) =	vadd.scan.msk.s32 $0xffff, v1;
	_ =	sdelay $0x5  }
0x2d7: {  	v1, _, _ =	vpop (xrf0)  }
0x2d8: {  	(v2sf) =	vpush v1, $0xF;
	_ =	sdelay $0xe  }
0x2d9: {  	s2 =	spop (v2sf)  }
0x2da: {  	s1 =	sshll.u32 s2, $0xE  }
0x2db: {  	s4 =	sld [smem:$0x7D9];
	s1 =	sshra.s32 s1, $0x2  }
0x2dc: {  	s1 =	sadd.s32 s1, s5  }
0x2dd: {  	s1 =	sshrl.u32 s1, $0x3  }
0x2de: {  	[hbm:s4], [sflag:s30] =	dma.local [spmem:s1], $0x200  }
0x2df: {  	v1 =	vld [tilespmem:$0x1910];
	_ =	sdelay $0x4  }
0x2e0: {  	v1 =	vsel vm4, $0x0, v1  }
0x2e1: {  	(xrf0) =	vadd.scan.msk.s32 $0xffff, v1;
	_ =	sdelay $0x5  }
0x2e2: {  	v1, _, _ =	vpop (xrf0)  }
0x2e3: {  	(v2sf) =	vpush v1, $0xF;
	_ =	sdelay $0xe  }
0x2e4: {  	s1 =	spop (v2sf)  }
0x2e5: {  	s2 =	sld [smem:$0x7DA];
	s1 =	sshll.u32 s1, $0xD  }
0x2e6: {  	s1 =	sshra.s32 s1, $0x2  }
0x2e7: {  	s1 =	sadd.s32 $0x1980, s1  }
0x2e8: {  	[hbm4b:s2+s18] =	stream.strided.scatter [tilespmem:s1], [sflag:$0x3], $0x800, s17, s18, $0x38;
	[tilespmem:$0xA180] =	vst v63  }
0x2e9: {  	v1 =	vld [tilespmem:$0x1890];
	_ =	sdelay $0x4  }
0x2ea: {  	v1 =	vsel vm5, $0x0, v1  }
0x2eb: {  	(xrf0) =	vadd.scan.msk.s32 $0xffff, v1;
	_ =	sdelay $0x5  }
0x2ec: {  	v1, _, _ =	vpop (xrf0)  }
0x2ed: {  	(v2sf) =	vpush v1, $0xF;
	_ =	sdelay $0xe  }
0x2ee: {  	s2 =	spop (v2sf)  }
0x2ef: {  	s1 =	sshll.u32 s2, $0xE  }
0x2f0: {  	s4 =	sld [smem:$0x7DB];
	s1 =	sshra.s32 s1, $0x2  }
0x2f1: {  	s1 =	sadd.s32 s1, s5  }
0x2f2: {  	s1 =	sshrl.u32 s1, $0x3  }
0x2f3: {  	[hbm:s4], [sflag:s30] =	dma.local [spmem:s1], $0x200  }
0x2f4: {  	v1 =	vld [tilespmem:$0x1910];
	_ =	sdelay $0x4  }
0x2f5: {  	v1 =	vsel vm5, $0x0, v1  }
0x2f6: {  	(xrf0) =	vadd.scan.msk.s32 $0xffff, v1;
	_ =	sdelay $0x5  }
0x2f7: {  	v1, _, _ =	vpop (xrf0)  }
0x2f8: {  	(v2sf) =	vpush v1, $0xF;
	_ =	sdelay $0xe  }
0x2f9: {  	s1 =	spop (v2sf)  }
0x2fa: {  	s2 =	sld [smem:$0x7DC];
	s1 =	sshll.u32 s1, $0xD  }
0x2fb: {  	s1 =	sshra.s32 s1, $0x2  }
0x2fc: {  	s1 =	sadd.s32 $0x1980, s1  }
0x2fd: {  	[hbm4b:s2+s18] =	stream.strided.scatter [tilespmem:s1], [sflag:$0x3], $0x800, s17, s18, $0x38;
	[tilespmem:$0xA180] =	vst v63  }
0x2fe: {  	v1 =	vld [tilespmem:$0x1890];
	_ =	sdelay $0x4  }
0x2ff: {  	v1 =	vsel vm6, $0x0, v1  }
0x300: {  	(xrf0) =	vadd.scan.msk.s32 $0xffff, v1;
	_ =	sdelay $0x5  }
0x301: {  	v1, _, _ =	vpop (xrf0)  }
0x302: {  	(v2sf) =	vpush v1, $0xF;
	_ =	sdelay $0xe  }
0x303: {  	s2 =	spop (v2sf)  }
0x304: {  	s1 =	sshll.u32 s2, $0xE  }
0x305: {  	s4 =	sld [smem:$0x7DD];
	s1 =	sshra.s32 s1, $0x2  }
0x306: {  	s1 =	sadd.s32 s1, s5  }
0x307: {  	s1 =	sshrl.u32 s1, $0x3  }
0x308: {  	[hbm:s4], [sflag:s30] =	dma.local [spmem:s1], $0x200  }
0x309: {  	v1 =	vld [tilespmem:$0x1910];
	_ =	sdelay $0x4  }
0x30a: {  	v1 =	vsel vm6, $0x0, v1  }
0x30b: {  	(xrf0) =	vadd.scan.msk.s32 $0xffff, v1;
	_ =	sdelay $0x5  }
0x30c: {  	v1, _, _ =	vpop (xrf0)  }
0x30d: {  	(v2sf) =	vpush v1, $0xF;
	_ =	sdelay $0xe  }
0x30e: {  	s1 =	spop (v2sf)  }
0x30f: {  	s2 =	sld [smem:$0x7DE];
	s1 =	sshll.u32 s1, $0xD  }
0x310: {  	s1 =	sshra.s32 s1, $0x2  }
0x311: {  	s1 =	sadd.s32 $0x1980, s1  }
0x312: {  	[hbm4b:s2+s18] =	stream.strided.scatter [tilespmem:s1], [sflag:$0x3], $0x800, s17, s18, $0x38;
	[tilespmem:$0xA180] =	vst v63  }
0x313: {  	v1 =	vld [tilespmem:$0x1890];
	_ =	sdelay $0x4  }
0x314: {  	v1 =	vsel vm7, $0x0, v1  }
0x315: {  	(xrf0) =	vadd.scan.msk.s32 $0xffff, v1;
	_ =	sdelay $0x5  }
0x316: {  	v1, _, _ =	vpop (xrf0)  }
0x317: {  	(v2sf) =	vpush v1, $0xF;
	_ =	sdelay $0xe  }
0x318: {  	s2 =	spop (v2sf)  }
0x319: {  	s1 =	sshll.u32 s2, $0xE  }
0x31a: {  	s4 =	sld [smem:$0x7DF];
	s1 =	sshra.s32 s1, $0x2  }
0x31b: {  	s1 =	sadd.s32 s1, s5  }
0x31c: {  	s1 =	sshrl.u32 s1, $0x3  }
0x31d: {  	[hbm:s4], [sflag:s30] =	dma.local [spmem:s1], $0x200  }
0x31e: {  	v1 =	vld [tilespmem:$0x1910];
	_ =	sdelay $0x4  }
0x31f: {  	v1 =	vsel vm7, $0x0, v1  }
0x320: {  	(xrf0) =	vadd.scan.msk.s32 $0xffff, v1;
	_ =	sdelay $0x5  }
0x321: {  	v1, _, _ =	vpop (xrf0)  }
0x322: {  	(v2sf) =	vpush v1, $0xF;
	_ =	sdelay $0xe  }
0x323: {  	s1 =	spop (v2sf)  }
0x324: {  	s2 =	sld [smem:$0x7E0];
	s1 =	sshll.u32 s1, $0xD  }
0x325: {  	s1 =	sshra.s32 s1, $0x2  }
0x326: {  	s1 =	sadd.s32 $0x1980, s1  }
0x327: {  	[hbm4b:s2+s18] =	stream.strided.scatter [tilespmem:s1], [sflag:$0x3], $0x800, s17, s18, $0x38;
	[tilespmem:$0xA180] =	vst v63  }
0x328: {  	v1 =	vld [tilespmem:$0x1890];
	_ =	sdelay $0x4  }
0x329: {  	v1 =	vsel vm8, $0x0, v1  }
0x32a: {  	(xrf0) =	vadd.scan.msk.s32 $0xffff, v1;
	_ =	sdelay $0x5  }
0x32b: {  	v1, _, _ =	vpop (xrf0)  }
0x32c: {  	(v2sf) =	vpush v1, $0xF;
	_ =	sdelay $0xe  }
0x32d: {  	s2 =	spop (v2sf)  }
0x32e: {  	s1 =	sshll.u32 s2, $0xE  }
0x32f: {  	s4 =	sld [smem:$0x7E1];
	s1 =	sshra.s32 s1, $0x2  }
0x330: {  	s1 =	sadd.s32 s1, s5  }
0x331: {  	s1 =	sshrl.u32 s1, $0x3  }
0x332: {  	[hbm:s4], [sflag:s30] =	dma.local [spmem:s1], $0x200  }
0x333: {  	v1 =	vld [tilespmem:$0x1910];
	_ =	sdelay $0x4  }
0x334: {  	v1 =	vsel vm8, $0x0, v1  }
0x335: {  	(xrf0) =	vadd.scan.msk.s32 $0xffff, v1;
	_ =	sdelay $0x5  }
0x336: {  	v1, _, _ =	vpop (xrf0)  }
0x337: {  	(v2sf) =	vpush v1, $0xF;
	_ =	sdelay $0xe  }
0x338: {  	s1 =	spop (v2sf)  }
0x339: {  	s2 =	sld [smem:$0x7E2];
	s1 =	sshll.u32 s1, $0xD  }
0x33a: {  	s1 =	sshra.s32 s1, $0x2  }
0x33b: {  	s1 =	sadd.s32 $0x1980, s1  }
0x33c: {  	[hbm4b:s2+s18] =	stream.strided.scatter [tilespmem:s1], [sflag:$0x3], $0x800, s17, s18, $0x38;
	[tilespmem:$0xA180] =	vst v63  }
0x33d: {  	v1 =	vld [tilespmem:$0x1890];
	_ =	sdelay $0x4  }
0x33e: {  	v1 =	vsel vm9, $0x0, v1  }
0x33f: {  	(xrf0) =	vadd.scan.msk.s32 $0xffff, v1;
	_ =	sdelay $0x5  }
0x340: {  	v1, _, _ =	vpop (xrf0)  }
0x341: {  	(v2sf) =	vpush v1, $0xF;
	_ =	sdelay $0xe  }
0x342: {  	s2 =	spop (v2sf)  }
0x343: {  	s1 =	sshll.u32 s2, $0xE  }
0x344: {  	s4 =	sld [smem:$0x7E3];
	s1 =	sshra.s32 s1, $0x2  }
0x345: {  	s1 =	sadd.s32 s1, s5  }
0x346: {  	s1 =	sshrl.u32 s1, $0x3  }
0x347: {  	[hbm:s4], [sflag:s30] =	dma.local [spmem:s1], $0x200  }
0x348: {  	v1 =	vld [tilespmem:$0x1910];
	_ =	sdelay $0x4  }
0x349: {  	v1 =	vsel vm9, $0x0, v1  }
0x34a: {  	(xrf0) =	vadd.scan.msk.s32 $0xffff, v1;
	_ =	sdelay $0x5  }
0x34b: {  	v1, _, _ =	vpop (xrf0)  }
0x34c: {  	(v2sf) =	vpush v1, $0xF;
	_ =	sdelay $0xe  }
0x34d: {  	s1 =	spop (v2sf)  }
0x34e: {  	s2 =	sld [smem:$0x7E4];
	s1 =	sshll.u32 s1, $0xD  }
0x34f: {  	s1 =	sshra.s32 s1, $0x2  }
0x350: {  	s1 =	sadd.s32 $0x1980, s1  }
0x351: {  	[hbm4b:s2+s18] =	stream.strided.scatter [tilespmem:s1], [sflag:$0x3], $0x800, s17, s18, $0x38;
	[tilespmem:$0xA180] =	vst v63  }
0x352: {  	_ =	swait.ge [sflag:s19], $0x4000  }
0x353: {  	[sflag:s19] =	ssyncset.done $0x0  }
0x354: {  	[sflag:s19] =	ssyncadd.s32 $0xFFFFC000  }
0x355: {  	[hbm4b:s10+s18] =	stream.strided.scatter [tilespmem:s14], [sflag:$0x2], $0x800, s17, s18, $0x38;
	[tilespmem:$0xA180] =	vst v63  }
0x356: {  	s2 =	sadd.s32 $0x800, s10  }
0x357: {  	[hbm4b:s2+s18] =	stream.strided.scatter [tilespmem:s20], [sflag:$0x2], $0x800, s17, s18, $0x38;
	[tilespmem:$0xA180] =	vst v63  }
0x358: {  	s4 =	sadd.s32 $0x1000, s10  }
0x359: {  	[hbm4b:s4+s18] =	stream.strided.scatter [tilespmem:s21], [sflag:$0x2], $0x800, s17, s18, $0x38;
	[tilespmem:$0xA180] =	vst v63  }
0x35a: {  	s2 =	sadd.s32 $0x1800, s10  }
0x35b: {  	[hbm4b:s2+s18] =	stream.strided.scatter [tilespmem:s22], [sflag:$0x2], $0x800, s17, s18, $0x38;
	[tilespmem:$0xA180] =	vst v63  }
0x35c: {  	s4 =	sadd.s32 $0x2000, s10  }
0x35d: {  	[hbm4b:s4+s18] =	stream.strided.scatter [tilespmem:s23], [sflag:$0x2], $0x800, s17, s18, $0x38;
	[tilespmem:$0xA180] =	vst v63  }
0x35e: {  	s2 =	sadd.s32 $0x2800, s10  }
0x35f: {  	[hbm4b:s2+s18] =	stream.strided.scatter [tilespmem:s24], [sflag:$0x2], $0x800, s17, s18, $0x38;
	[tilespmem:$0xA180] =	vst v63  }
0x360: {  	s4 =	sadd.s32 $0x3000, s10  }
0x361: {  	[hbm4b:s4+s18] =	stream.strided.scatter [tilespmem:s25], [sflag:$0x2], $0x800, s17, s18, $0x38;
	[tilespmem:$0xA180] =	vst v63  }
0x362: {  	s2 =	sadd.s32 $0x3800, s10  }
0x363: {  	[hbm4b:s2+s18] =	stream.strided.scatter [tilespmem:s26], [sflag:$0x2], $0x800, s17, s18, $0x38;
	[tilespmem:$0xA180] =	vst v63  }
0x364: {  	_ =	swait.ge [sflag:s28], $0x800  }
0x365: {  	[sflag:s28] =	ssyncset.done $0x0  }
0x366: {  	[sflag:s28] =	ssyncadd.s32 $0xFFFFF800  }
0x367: {  	_ =	swait.ge [sflag:s28], $0x800  }
0x368: {  	[sflag:s28] =	ssyncset.done $0x0  }
0x369: {  	[sflag:s28] =	ssyncadd.s32 $0xFFFFF800  }
0x36a: {  	_ =	swait.ge [sflag:s28], $0x800  }
0x36b: {  	[sflag:s28] =	ssyncset.done $0x0  }
0x36c: {  	[sflag:s28] =	ssyncadd.s32 $0xFFFFF800  }
0x36d: {  	_ =	swait.ge [sflag:s28], $0x800  }
0x36e: {  	[sflag:s28] =	ssyncset.done $0x0  }
0x36f: {  	[sflag:s28] =	ssyncadd.s32 $0xFFFFF800  }
0x370: {  	_ =	swait.ge [sflag:s29], $0x200  }
0x371: {  	[sflag:s29] =	ssyncset.done $0x0  }
0x372: {  	[sflag:s29] =	ssyncadd.s32 $0xFFFFFE00  }
0x373: {  	_ =	swait.ge [sflag:s28], $0x800  }
0x374: {  	[sflag:s28] =	ssyncset.done $0x0  }
0x375: {  	[sflag:s28] =	ssyncadd.s32 $0xFFFFF800  }
0x376: {  	_ =	swait.ge [sflag:s29], $0x200  }
0x377: {  	[sflag:s29] =	ssyncset.done $0x0  }
0x378: {  	[sflag:s29] =	ssyncadd.s32 $0xFFFFFE00  }
0x379: {  	_ =	swait.ge [sflag:s28], $0x800  }
0x37a: {  	[sflag:s28] =	ssyncset.done $0x0  }
0x37b: {  	[sflag:s28] =	ssyncadd.s32 $0xFFFFF800  }
0x37c: {  	_ =	swait.ge [sflag:s29], $0x200  }
0x37d: {  	[sflag:s29] =	ssyncset.done $0x0  }
0x37e: {  	[sflag:s29] =	ssyncadd.s32 $0xFFFFFE00  }
0x37f: {  	_ =	swait.ge [sflag:s28], $0x800  }
0x380: {  	[sflag:s28] =	ssyncset.done $0x0  }
0x381: {  	[sflag:s28] =	ssyncadd.s32 $0xFFFFF800  }
0x382: {  	_ =	swait.ge [sflag:s29], $0x200  }
0x383: {  	[sflag:s29] =	ssyncset.done $0x0  }
0x384: {  	[sflag:s29] =	ssyncadd.s32 $0xFFFFFE00  }
0x385: {  	_ =	swait.ge [sflag:s28], $0x800  }
0x386: {  	[sflag:s28] =	ssyncset.done $0x0  }
0x387: {  	[sflag:s28] =	ssyncadd.s32 $0xFFFFF800  }
0x388: {  	_ =	swait.ge [sflag:s29], $0x200  }
0x389: {  	[sflag:s29] =	ssyncset.done $0x0  }
0x38a: {  	[sflag:s29] =	ssyncadd.s32 $0xFFFFFE00  }
0x38b: {  	_ =	swait.ge [sflag:s28], $0x800  }
0x38c: {  	[sflag:s28] =	ssyncset.done $0x0  }
0x38d: {  	[sflag:s28] =	ssyncadd.s32 $0xFFFFF800  }
0x38e: {  	_ =	swait.ge [sflag:s29], $0x200  }
0x38f: {  	[sflag:s29] =	ssyncset.done $0x0  }
0x390: {  	[sflag:s29] =	ssyncadd.s32 $0xFFFFFE00  }
0x391: {  	_ =	swait.ge [sflag:s28], $0x800  }
0x392: {  	[sflag:s28] =	ssyncset.done $0x0  }
0x393: {  	[sflag:s28] =	ssyncadd.s32 $0xFFFFF800  }
0x394: {  	_ =	swait.ge [sflag:s29], $0x200  }
0x395: {  	[sflag:s29] =	ssyncset.done $0x0  }
0x396: {  	[sflag:s29] =	ssyncadd.s32 $0xFFFFFE00  }
0x397: {  	_ =	swait.ge [sflag:s28], $0x800  }
0x398: {  	[sflag:s28] =	ssyncset.done $0x0  }
0x399: {  	[sflag:s28] =	ssyncadd.s32 $0xFFFFF800  }
0x39a: {  	_ =	swait.ge [sflag:s29], $0x200  }
0x39b: {  	[sflag:s29] =	ssyncset.done $0x0  }
0x39c: {  	[sflag:s29] =	ssyncadd.s32 $0xFFFFFE00  }
0x39d: {  	_ =	swait.ge [sflag:s28], $0x800  }
0x39e: {  	[sflag:s28] =	ssyncset.done $0x0  }
0x39f: {  	[sflag:s28] =	ssyncadd.s32 $0xFFFFF800  }
0x3a0: {  	_ =	swait.ge [sflag:s29], $0x4000  }
0x3a1: {  	[sflag:s29] =	ssyncset.done $0x0  }
0x3a2: {  	[sflag:s29] =	ssyncadd.s32 $0xFFFFC000  }
0x3a3: {  	v1 =	vld.msk [tilespmem:$0x1818], $0xff;
	_ =	sdelay $0x4  }
0x3a4: {  	v1 =	vshll.u32 v1, $0xB  }
0x3a5: {  	v1 =	vperm.xlane v1, v0;
	_ =	sdelay $0x3  }
0x3a6: {  	s4 =	sld [smem:$0x7E5];
	_ =	sdelay $0x1  }
0x3a7: {  	[tilespmem:s14], [sflag:$0x1] =	stream.indirect_vreg.gather [hbm4b:s0+s6], $0x800, v1, vm1, $0x38;
	[tilespmem:$0xA180] =	vst v63  }
0x3a8: {  	[hbm:s4@s16], [sflag:s31] =	dma.strided [spmem:s3@s17], $0x800, s15, $0x10   }
0x3a9: {  	s1 =	sld [smem:$0x7E6];
	_ =	sdelay $0x2  }
0x3aa: {  	[hbm:s1@s16], [sflag:s31] =	dma.strided [spmem:s3@s17], $0x800, s15, $0x10   }
0x3ab: {  	s1 =	sld [smem:$0x7E7];
	_ =	sdelay $0x2  }
0x3ac: {  	[hbm:s1@s16], [sflag:s31] =	dma.strided [spmem:s3@s17], $0x800, s15, $0x10   }
0x3ad: {  	s1 =	sld [smem:$0x7E8];
	_ =	sdelay $0x2  }
0x3ae: {  	[hbm:s1@s16], [sflag:s31] =	dma.strided [spmem:s3@s17], $0x800, s15, $0x10   }
0x3af: {  	v1 =	vld [tilespmem:$0x1890];
	_ =	sdelay $0x4  }
0x3b0: {  	v1 =	vsel vm10, $0x0, v1  }
0x3b1: {  	(xrf0) =	vadd.scan.msk.s32 $0xffff, v1;
	_ =	sdelay $0x5  }
0x3b2: {  	v1, _, _ =	vpop (xrf0)  }
0x3b3: {  	(v2sf) =	vpush v1, $0xF;
	_ =	sdelay $0xe  }
0x3b4: {  	s1 =	spop (v2sf)  }
0x3b5: {  	s1 =	sshll.u32 s1, $0xE  }
0x3b6: {  	s31 =	sld [smem:$0x7E9];
	s1 =	sshra.s32 s1, $0x2  }
0x3b7: {  	s1 =	sadd.s32 s1, s5  }
0x3b8: {  	s1 =	sshrl.u32 s1, $0x3  }
0x3b9: {  	[hbm:s31], [sflag:s30] =	dma.local [spmem:s1], $0x200  }
0x3ba: {  	v1 =	vld [tilespmem:$0x1910];
	_ =	sdelay $0x4  }
0x3bb: {  	v1 =	vsel vm10, $0x0, v1  }
0x3bc: {  	(xrf0) =	vadd.scan.msk.s32 $0xffff, v1;
	_ =	sdelay $0x5  }
0x3bd: {  	v1, _, _ =	vpop (xrf0)  }
0x3be: {  	(v2sf) =	vpush v1, $0xF;
	_ =	sdelay $0xe  }
0x3bf: {  	s1 =	spop (v2sf)  }
0x3c0: {  	s2 =	sld [smem:$0x7EA];
	s1 =	sshll.u32 s1, $0xD  }
0x3c1: {  	s1 =	sshra.s32 s1, $0x2  }
0x3c2: {  	s1 =	sadd.s32 $0x1980, s1  }
0x3c3: {  	[hbm4b:s2+s18] =	stream.strided.scatter [tilespmem:s1], [sflag:$0x3], $0x800, s17, s18, $0x38;
	[tilespmem:$0xA180] =	vst v63  }
0x3c4: {  	v1 =	vld [tilespmem:$0x1890];
	_ =	sdelay $0x4  }
0x3c5: {  	v1 =	vsel vm11, $0x0, v1  }
0x3c6: {  	(xrf0) =	vadd.scan.msk.s32 $0xffff, v1;
	_ =	sdelay $0x5  }
0x3c7: {  	v1, _, _ =	vpop (xrf0)  }
0x3c8: {  	(v2sf) =	vpush v1, $0xF;
	_ =	sdelay $0xe  }
0x3c9: {  	s2 =	spop (v2sf)  }
0x3ca: {  	s1 =	sshll.u32 s2, $0xE  }
0x3cb: {  	s3 =	sld [smem:$0x7EB];
	s1 =	sshra.s32 s1, $0x2  }
0x3cc: {  	s1 =	sadd.s32 s1, s5  }
0x3cd: {  	s1 =	sshrl.u32 s1, $0x3  }
0x3ce: {  	[hbm:s3], [sflag:s30] =	dma.local [spmem:s1], $0x200  }
0x3cf: {  	v1 =	vld [tilespmem:$0x1910];
	_ =	sdelay $0x4  }
0x3d0: {  	v1 =	vsel vm11, $0x0, v1  }
0x3d1: {  	(xrf0) =	vadd.scan.msk.s32 $0xffff, v1;
	_ =	sdelay $0x5  }
0x3d2: {  	v1, _, _ =	vpop (xrf0)  }
0x3d3: {  	(v2sf) =	vpush v1, $0xF;
	_ =	sdelay $0xe  }
0x3d4: {  	s1 =	spop (v2sf)  }
0x3d5: {  	s2 =	sld [smem:$0x7EC];
	s1 =	sshll.u32 s1, $0xD  }
0x3d6: {  	s1 =	sshra.s32 s1, $0x2  }
0x3d7: {  	s1 =	sadd.s32 $0x1980, s1  }
0x3d8: {  	[hbm4b:s2+s18] =	stream.strided.scatter [tilespmem:s1], [sflag:$0x3], $0x800, s17, s18, $0x38;
	[tilespmem:$0xA180] =	vst v63  }
0x3d9: {  	v1 =	vld [tilespmem:$0x1890];
	_ =	sdelay $0x4  }
0x3da: {  	v1 =	vsel vm12, $0x0, v1  }
0x3db: {  	(xrf0) =	vadd.scan.msk.s32 $0xffff, v1;
	_ =	sdelay $0x5  }
0x3dc: {  	v1, _, _ =	vpop (xrf0)  }
0x3dd: {  	(v2sf) =	vpush v1, $0xF;
	_ =	sdelay $0xe  }
0x3de: {  	s4 =	spop (v2sf)  }
0x3df: {  	s1 =	sshll.u32 s4, $0xE  }
0x3e0: {  	s31 =	sld [smem:$0x7ED];
	s1 =	sshra.s32 s1, $0x2  }
0x3e1: {  	s1 =	sadd.s32 s1, s5  }
0x3e2: {  	s1 =	sshrl.u32 s1, $0x3  }
0x3e3: {  	[hbm:s31], [sflag:s30] =	dma.local [spmem:s1], $0x200  }
0x3e4: {  	v1 =	vld [tilespmem:$0x1910];
	_ =	sdelay $0x4  }
0x3e5: {  	v1 =	vsel vm12, $0x0, v1  }
0x3e6: {  	(xrf0) =	vadd.scan.msk.s32 $0xffff, v1;
	_ =	sdelay $0x5  }
0x3e7: {  	v1, _, _ =	vpop (xrf0)  }
0x3e8: {  	(v2sf) =	vpush v1, $0xF;
	_ =	sdelay $0xe  }
0x3e9: {  	s1 =	spop (v2sf)  }
0x3ea: {  	s2 =	sld [smem:$0x7EE];
	s1 =	sshll.u32 s1, $0xD  }
0x3eb: {  	s1 =	sshra.s32 s1, $0x2  }
0x3ec: {  	s1 =	sadd.s32 $0x1980, s1  }
0x3ed: {  	[hbm4b:s2+s18] =	stream.strided.scatter [tilespmem:s1], [sflag:$0x3], $0x800, s17, s18, $0x38;
	[tilespmem:$0xA180] =	vst v63  }
0x3ee: {  	v1 =	vld [tilespmem:$0x1890];
	_ =	sdelay $0x4  }
0x3ef: {  	v1 =	vsel vm13, $0x0, v1  }
0x3f0: {  	(xrf0) =	vadd.scan.msk.s32 $0xffff, v1;
	_ =	sdelay $0x5  }
0x3f1: {  	v1, _, _ =	vpop (xrf0)  }
0x3f2: {  	(v2sf) =	vpush v1, $0xF;
	_ =	sdelay $0xe  }
0x3f3: {  	s2 =	spop (v2sf)  }
0x3f4: {  	s1 =	sshll.u32 s2, $0xE  }
0x3f5: {  	s3 =	sld [smem:$0x7EF];
	s1 =	sshra.s32 s1, $0x2  }
0x3f6: {  	s1 =	sadd.s32 s1, s5  }
0x3f7: {  	s1 =	sshrl.u32 s1, $0x3  }
0x3f8: {  	[hbm:s3], [sflag:s30] =	dma.local [spmem:s1], $0x200  }
0x3f9: {  	v1 =	vld [tilespmem:$0x1910];
	_ =	sdelay $0x4  }
0x3fa: {  	v1 =	vsel vm13, $0x0, v1  }
0x3fb: {  	(xrf0) =	vadd.scan.msk.s32 $0xffff, v1;
	_ =	sdelay $0x5  }
0x3fc: {  	v1, _, _ =	vpop (xrf0)  }
0x3fd: {  	(v2sf) =	vpush v1, $0xF;
	_ =	sdelay $0xe  }
0x3fe: {  	s1 =	spop (v2sf)  }
0x3ff: {  	s2 =	sld [smem:$0x7F0];
	s1 =	sshll.u32 s1, $0xD  }
0x400: {  	s1 =	sshra.s32 s1, $0x2  }
0x401: {  	s1 =	sadd.s32 $0x1980, s1  }
0x402: {  	[hbm4b:s2+s18] =	stream.strided.scatter [tilespmem:s1], [sflag:$0x3], $0x800, s17, s18, $0x38;
	[tilespmem:$0xA180] =	vst v63  }
0x403: {  	v1 =	vld [tilespmem:$0x1890];
	_ =	sdelay $0x4  }
0x404: {  	v1 =	vsel vm14, $0x0, v1  }
0x405: {  	(xrf0) =	vadd.scan.msk.s32 $0xffff, v1;
	_ =	sdelay $0x5  }
0x406: {  	v1, _, _ =	vpop (xrf0)  }
0x407: {  	(v2sf) =	vpush v1, $0xF;
	_ =	sdelay $0xe  }
0x408: {  	s4 =	spop (v2sf)  }
0x409: {  	s1 =	sshll.u32 s4, $0xE  }
0x40a: {  	s31 =	sld [smem:$0x7F1];
	s1 =	sshra.s32 s1, $0x2  }
0x40b: {  	s1 =	sadd.s32 s1, s5  }
0x40c: {  	s1 =	sshrl.u32 s1, $0x3  }
0x40d: {  	[hbm:s31], [sflag:s30] =	dma.local [spmem:s1], $0x200  }
0x40e: {  	v1 =	vld [tilespmem:$0x1910];
	_ =	sdelay $0x4  }
0x40f: {  	v1 =	vsel vm14, $0x0, v1  }
0x410: {  	(xrf0) =	vadd.scan.msk.s32 $0xffff, v1;
	_ =	sdelay $0x5  }
0x411: {  	v1, _, _ =	vpop (xrf0)  }
0x412: {  	(v2sf) =	vpush v1, $0xF;
	_ =	sdelay $0xe  }
0x413: {  	s1 =	spop (v2sf)  }
0x414: {  	s2 =	sld [smem:$0x7F2];
	s1 =	sshll.u32 s1, $0xD  }
0x415: {  	s1 =	sshra.s32 s1, $0x2  }
0x416: {  	s1 =	sadd.s32 $0x1980, s1  }
0x417: {  	[hbm4b:s2+s18] =	stream.strided.scatter [tilespmem:s1], [sflag:$0x3], $0x800, s17, s18, $0x38;
	[tilespmem:$0xA180] =	vst v63  }
0x418: {  	v1 =	vld [tilespmem:$0x1890];
	_ =	sdelay $0x4  }
0x419: {  	v1 =	vsel vm15, $0x0, v1  }
0x41a: {  	(xrf0) =	vadd.scan.msk.s32 $0xffff, v1;
	_ =	sdelay $0x5  }
0x41b: {  	v1, _, _ =	vpop (xrf0)  }
0x41c: {  	(v2sf) =	vpush v1, $0xF;
	_ =	sdelay $0xe  }
0x41d: {  	s2 =	spop (v2sf)  }
0x41e: {  	s1 =	sshll.u32 s2, $0xE  }
0x41f: {  	s3 =	sld [smem:$0x7F3];
	s1 =	sshra.s32 s1, $0x2  }
0x420: {  	s1 =	sadd.s32 s1, s5  }
0x421: {  	s1 =	sshrl.u32 s1, $0x3  }
0x422: {  	[hbm:s3], [sflag:s30] =	dma.local [spmem:s1], $0x200  }
0x423: {  	v1 =	vld [tilespmem:$0x1910];
	_ =	sdelay $0x4  }
0x424: {  	v1 =	vsel vm15, $0x0, v1  }
0x425: {  	(xrf0) =	vadd.scan.msk.s32 $0xffff, v1;
	_ =	sdelay $0x5  }
0x426: {  	v1, _, _ =	vpop (xrf0)  }
0x427: {  	(v2sf) =	vpush v1, $0xF;
	_ =	sdelay $0xe  }
0x428: {  	s1 =	spop (v2sf)  }
0x429: {  	s2 =	sld [smem:$0x7F4];
	s1 =	sshll.u32 s1, $0xD  }
0x42a: {  	s1 =	sshra.s32 s1, $0x2  }
0x42b: {  	s1 =	sadd.s32 $0x1980, s1  }
0x42c: {  	[hbm4b:s2+s18] =	stream.strided.scatter [tilespmem:s1], [sflag:$0x3], $0x800, s17, s18, $0x38;
	[tilespmem:$0xA180] =	vst v63  }
0x42d: {  	v1 =	vld [tilespmem:$0x1890];
	_ =	sdelay $0x3  }
0x42e: {  	vm1 =	vcmask $0x373C  }
0x42f: {  	v1 =	vsel vm1, $0x0, v1  }
0x430: {  	(xrf0) =	vadd.scan.msk.s32 $0xffff, v1;
	_ =	sdelay $0x5  }
0x431: {  	v1, _, _ =	vpop (xrf0)  }
0x432: {  	(v2sf) =	vpush v1, $0xF;
	_ =	sdelay $0xe  }
0x433: {  	s4 =	spop (v2sf)  }
0x434: {  	s1 =	sshll.u32 s4, $0xE  }
0x435: {  	s31 =	sld [smem:$0x7F5];
	s1 =	sshra.s32 s1, $0x2  }
0x436: {  	s1 =	sadd.s32 s1, s5  }
0x437: {  	s1 =	sshrl.u32 s1, $0x3  }
0x438: {  	[hbm:s31], [sflag:s30] =	dma.local [spmem:s1], $0x200  }
0x439: {  	v1 =	vld [tilespmem:$0x1910];
	_ =	sdelay $0x4  }
0x43a: {  	v1 =	vsel vm1, $0x0, v1  }
0x43b: {  	(xrf0) =	vadd.scan.msk.s32 $0xffff, v1;
	_ =	sdelay $0x5  }
0x43c: {  	v1, _, _ =	vpop (xrf0)  }
0x43d: {  	(v2sf) =	vpush v1, $0xF;
	_ =	sdelay $0xe  }
0x43e: {  	s1 =	spop (v2sf)  }
0x43f: {  	s2 =	sld [smem:$0x7F6];
	s1 =	sshll.u32 s1, $0xD  }
0x440: {  	s1 =	sshra.s32 s1, $0x2  }
0x441: {  	s1 =	sadd.s32 $0x1980, s1  }
0x442: {  	[hbm4b:s2+s18] =	stream.strided.scatter [tilespmem:s1], [sflag:$0x3], $0x800, s17, s18, $0x38;
	[tilespmem:$0xA180] =	vst v63  }
0x443: {  	v1 =	vld [tilespmem:$0x1890];
	_ =	sdelay $0x4  }
0x444: {  	v1 =	vsel vm0, $0x0, v1  }
0x445: {  	(xrf0) =	vadd.scan.msk.s32 $0xffff, v1;
	_ =	sdelay $0x5  }
0x446: {  	v1, _, _ =	vpop (xrf0)  }
0x447: {  	(v2sf) =	vpush v1, $0xF;
	_ =	sdelay $0xe  }
0x448: {  	s3 =	spop (v2sf)  }
0x449: {  	s1 =	sshll.u32 s3, $0xE  }
0x44a: {  	s4 =	sld [smem:$0x7F7];
	s1 =	sshra.s32 s1, $0x2  }
0x44b: {  	s1 =	sadd.s32 s1, s5  }
0x44c: {  	s1 =	sshrl.u32 s1, $0x3  }
0x44d: {  	[hbm:s4], [sflag:s30] =	dma.local [spmem:s1], $0x200  }
0x44e: {  	v1 =	vld [tilespmem:$0x1910];
	_ =	sdelay $0x4  }
0x44f: {  	v1 =	vsel vm0, $0x0, v1  }
0x450: {  	(xrf0) =	vadd.scan.msk.s32 $0xffff, v1;
	_ =	sdelay $0x5  }
0x451: {  	v1, _, _ =	vpop (xrf0)  }
0x452: {  	(v2sf) =	vpush v1, $0xF;
	_ =	sdelay $0xe  }
0x453: {  	s1 =	spop (v2sf)  }
0x454: {  	s2 =	sld [smem:$0x7F8];
	s1 =	sshll.u32 s1, $0xD  }
0x455: {  	s1 =	sshra.s32 s1, $0x2  }
0x456: {  	s1 =	sadd.s32 $0x1980, s1  }
0x457: {  	[hbm4b:s2+s18] =	stream.strided.scatter [tilespmem:s1], [sflag:$0x3], $0x800, s17, s18, $0x38;
	[tilespmem:$0xA180] =	vst v63  }
0x458: {  	_ =	swait.ge [sflag:s19], $0x4000  }
0x459: {  	[sflag:s19] =	ssyncset.done $0x0  }
0x45a: {  	[sflag:s19] =	ssyncadd.s32 $0xFFFFC000  }
0x45b: {  	[hbm4b:s11+s18] =	stream.strided.scatter [tilespmem:s14], [sflag:$0x2], $0x800, s17, s18, $0x38;
	[tilespmem:$0xA180] =	vst v63  }
0x45c: {  	s30 =	sadd.s32 $0x800, s11  }
0x45d: {  	[hbm4b:s30+s18] =	stream.strided.scatter [tilespmem:s20], [sflag:$0x2], $0x800, s17, s18, $0x38;
	[tilespmem:$0xA180] =	vst v63  }
0x45e: {  	s31 =	sadd.s32 $0x1000, s11  }
0x45f: {  	[hbm4b:s31+s18] =	stream.strided.scatter [tilespmem:s21], [sflag:$0x2], $0x800, s17, s18, $0x38;
	[tilespmem:$0xA180] =	vst v63  }
0x460: {  	s2 =	sadd.s32 $0x1800, s11  }
0x461: {  	[hbm4b:s2+s18] =	stream.strided.scatter [tilespmem:s22], [sflag:$0x2], $0x800, s17, s18, $0x38;
	[tilespmem:$0xA180] =	vst v63  }
0x462: {  	s3 =	sadd.s32 $0x2000, s11  }
0x463: {  	[hbm4b:s3+s18] =	stream.strided.scatter [tilespmem:s23], [sflag:$0x2], $0x800, s17, s18, $0x38;
	[tilespmem:$0xA180] =	vst v63  }
0x464: {  	s4 =	sadd.s32 $0x2800, s11  }
0x465: {  	[hbm4b:s4+s18] =	stream.strided.scatter [tilespmem:s24], [sflag:$0x2], $0x800, s17, s18, $0x38;
	[tilespmem:$0xA180] =	vst v63  }
0x466: {  	s30 =	sadd.s32 $0x3000, s11  }
0x467: {  	[hbm4b:s30+s18] =	stream.strided.scatter [tilespmem:s25], [sflag:$0x2], $0x800, s17, s18, $0x38;
	[tilespmem:$0xA180] =	vst v63  }
0x468: {  	s31 =	sadd.s32 $0x3800, s11  }
0x469: {  	[hbm4b:s31+s18] =	stream.strided.scatter [tilespmem:s26], [sflag:$0x2], $0x800, s17, s18, $0x38;
	[tilespmem:$0xA180] =	vst v63  }
0x46a: {  	_ =	swait.ge [sflag:s28], $0x800  }
0x46b: {  	[sflag:s28] =	ssyncset.done $0x0  }
0x46c: {  	[sflag:s28] =	ssyncadd.s32 $0xFFFFF800  }
0x46d: {  	_ =	swait.ge [sflag:s28], $0x800  }
0x46e: {  	[sflag:s28] =	ssyncset.done $0x0  }
0x46f: {  	[sflag:s28] =	ssyncadd.s32 $0xFFFFF800  }
0x470: {  	_ =	swait.ge [sflag:s28], $0x800  }
0x471: {  	[sflag:s28] =	ssyncset.done $0x0  }
0x472: {  	[sflag:s28] =	ssyncadd.s32 $0xFFFFF800  }
0x473: {  	_ =	swait.ge [sflag:s28], $0x800  }
0x474: {  	[sflag:s28] =	ssyncset.done $0x0  }
0x475: {  	[sflag:s28] =	ssyncadd.s32 $0xFFFFF800  }
0x476: {  	_ =	swait.ge [sflag:s29], $0x200  }
0x477: {  	[sflag:s29] =	ssyncset.done $0x0  }
0x478: {  	[sflag:s29] =	ssyncadd.s32 $0xFFFFFE00  }
0x479: {  	_ =	swait.ge [sflag:s28], $0x800  }
0x47a: {  	[sflag:s28] =	ssyncset.done $0x0  }
0x47b: {  	[sflag:s28] =	ssyncadd.s32 $0xFFFFF800  }
0x47c: {  	_ =	swait.ge [sflag:s29], $0x200  }
0x47d: {  	[sflag:s29] =	ssyncset.done $0x0  }
0x47e: {  	[sflag:s29] =	ssyncadd.s32 $0xFFFFFE00  }
0x47f: {  	_ =	swait.ge [sflag:s28], $0x800  }
0x480: {  	[sflag:s28] =	ssyncset.done $0x0  }
0x481: {  	[sflag:s28] =	ssyncadd.s32 $0xFFFFF800  }
0x482: {  	_ =	swait.ge [sflag:s29], $0x200  }
0x483: {  	[sflag:s29] =	ssyncset.done $0x0  }
0x484: {  	[sflag:s29] =	ssyncadd.s32 $0xFFFFFE00  }
0x485: {  	_ =	swait.ge [sflag:s28], $0x800  }
0x486: {  	[sflag:s28] =	ssyncset.done $0x0  }
0x487: {  	[sflag:s28] =	ssyncadd.s32 $0xFFFFF800  }
0x488: {  	_ =	swait.ge [sflag:s29], $0x200  }
0x489: {  	[sflag:s29] =	ssyncset.done $0x0  }
0x48a: {  	[sflag:s29] =	ssyncadd.s32 $0xFFFFFE00  }
0x48b: {  	_ =	swait.ge [sflag:s28], $0x800  }
0x48c: {  	[sflag:s28] =	ssyncset.done $0x0  }
0x48d: {  	[sflag:s28] =	ssyncadd.s32 $0xFFFFF800  }
0x48e: {  	_ =	swait.ge [sflag:s29], $0x200  }
0x48f: {  	[sflag:s29] =	ssyncset.done $0x0  }
0x490: {  	[sflag:s29] =	ssyncadd.s32 $0xFFFFFE00  }
0x491: {  	_ =	swait.ge [sflag:s28], $0x800  }
0x492: {  	[sflag:s28] =	ssyncset.done $0x0  }
0x493: {  	[sflag:s28] =	ssyncadd.s32 $0xFFFFF800  }
0x494: {  	_ =	swait.ge [sflag:s29], $0x200  }
0x495: {  	[sflag:s29] =	ssyncset.done $0x0  }
0x496: {  	[sflag:s29] =	ssyncadd.s32 $0xFFFFFE00  }
0x497: {  	_ =	swait.ge [sflag:s28], $0x800  }
0x498: {  	[sflag:s28] =	ssyncset.done $0x0  }
0x499: {  	[sflag:s28] =	ssyncadd.s32 $0xFFFFF800  }
0x49a: {  	_ =	swait.ge [sflag:s29], $0x200  }
0x49b: {  	[sflag:s29] =	ssyncset.done $0x0  }
0x49c: {  	[sflag:s29] =	ssyncadd.s32 $0xFFFFFE00  }
0x49d: {  	_ =	swait.ge [sflag:s28], $0x800  }
0x49e: {  	[sflag:s28] =	ssyncset.done $0x0  }
0x49f: {  	[sflag:s28] =	ssyncadd.s32 $0xFFFFF800  }
0x4a0: {  	_ =	swait.ge [sflag:s29], $0x200  }
0x4a1: {  	[sflag:s29] =	ssyncset.done $0x0  }
0x4a2: {  	s12 =	sadd.s32 $0xFFFFFFFF, s12;
	[sflag:s29] =	ssyncadd.s32 $0xFFFFFE00  }
0x4a3: {  	p1 =	sne.s32 s12, $0x0;
	_ =	swait.ge [sflag:s28], $0x800  }
.Ltmp0:
0x4a4: {  	[sflag:s28] =	ssyncset.done $0x0;
	(pc) =	sbr.rel @p1 .LBB2_1-.Ltmp0, $4  }
0x4a5: {  	[sflag:s28] =	ssyncadd.s32 $0xFFFFF800  }
0x4a6: {  	_ =	swait.ge [sflag:s29], $0x4000  }
0x4a7: {  	[sflag:s29] =	ssyncset.done $0x0  }
0x4a8: {  	[sflag:s29] =	ssyncadd.s32 $0xFFFFC000  }
0x4a9: {  	_ =	sfence.sel $0x180000  }
0x4aa: {  	[bflag:$0x0] =	sbarrier.arrive $0xFFFF  }
0x4ab: {  	_ =	strace $0x90000047  }
0x4ac: {  	[bflag:$0x2] =	sbarrier.arrive $0xFFFF  }
0x4ad: {  	s0 =	rddreg [dreg:$0xa]  }
0x4ae: {  	s0 =	sadd.s32 @!p0 $0x100000, s0  }
0x4af: {  	[sflag:s0] =	ssyncadd.tile.s32 @!p0 $0x1;
	_ =	shalt  }
.Lfunc_end2:
_tile_overlayer_lowered:
.L_overlay_start_2:
0x4b0: {  	(tag) =	ssettag $0x2  }
0x4b1: {  	s0 =	rddreg [dreg:$0x0];
	s2 =	stileid.u32  }
0x4b2: {  	s1 =	rddreg [dreg:$0x1];
	p0 =	sne.s32 s2, $0x0  }
0x4b3: {  	s3 =	rddreg [dreg:$0x2];
	[bflag:$0x3] =	sbarrier.arrive $0xFFFF;
	s2 =	simm.s32 @!p0 $0x1C04  }
0x4b4: {  	[timem:s3], [sflag:s2] =	dma.local @!p0 [hbm:s0], s1  }
0x4b5: {  	s0 =	simm.s32 @!p0 $0x4  }
0x4b6: {  	_ =	swait.ge @!p0 [sflag:s0], s1  }
0x4b7: {  	s1 =	ssub.s32 @!p0 $0x0, s1;
	[sflag:s0] =	ssyncset.done @!p0 $0x0  }
0x4b8: {  	[sflag:s0] =	ssyncadd.s32 @!p0 s1  }
0x4b9: {  	[bflag:$0x3] =	sbarrier.arrive $0xFFFF  }
0x4ba: {  	_ =	shalt  }

</sc_bundles>
